<compile_context>
chip_gen: v7x
topology: tpu7x:2x2x1
jax: 0.10.2.dev20260603
libtpu: 0.0.44.dev20260713+nightly
codegen_flags: <defaults>
</compile_context>

<pallas_src>
import functools

import jax
import jax.numpy as jnp
from jax import lax
from jax.experimental import pallas as pl
from jax.experimental.pallas import tpu as pltpu
from jax.experimental.pallas import tpu_sc as plsc

_BM = 5000


def _mm_relu(x, w):
    n, d = x.shape

    def body(x_ref, w_ref, o_ref):
        o_ref[...] = jnp.maximum(
            jnp.dot(x_ref[...], w_ref[...], preferred_element_type=jnp.float32), 0.0
        )

    return pl.pallas_call(
        body,
        grid=(n // _BM,),
        in_specs=[
            pl.BlockSpec((_BM, d), lambda i: (i, 0)),
            pl.BlockSpec((d, d), lambda i: (0, 0)),
        ],
        out_specs=pl.BlockSpec((_BM, d), lambda i: (i, 0)),
        out_shape=jax.ShapeDtypeStruct((n, d), jnp.float32),
    )(x, w)


def _sc_segment_sum(h, edge_flat):
    n, d = h.shape
    e = edge_flat.shape[0] // 2
    info = plsc.get_sparse_core_info()
    nc, ns = info.num_cores, info.num_subcores
    nw = nc * ns
    assert e % nw == 0
    epw = e // nw
    k = 80
    assert epw % k == 0
    ch = epw // k
    rpt = -(-n // (ns * k)) * k
    npad = ns * rpt

    mesh = plsc.VectorSubcoreMesh(core_axis_name="c", subcore_axis_name="s")
    bin_ = 25
    assert ch % bin_ == 0
    nblk = ch // bin_

    @functools.partial(
        pl.kernel,
        out_type=jax.ShapeDtypeStruct((nc * npad, d), jnp.float32),
        mesh=mesh,
    scratch_types=[
            pltpu.VMEM((epw,), jnp.int32),
            pltpu.VMEM((4, k), jnp.int32),
            pltpu.VMEM((3, k, d), jnp.float32),
            pltpu.VMEM_SHARED((npad, d), jnp.float32),
            pltpu.SemaphoreType.DMA,
            pltpu.SemaphoreType.DMA,
            pltpu.SemaphoreType.DMA,
            pltpu.SemaphoreType.DMA,
            pltpu.SemaphoreType.DMA,
            pltpu.SemaphoreType.DMA,
            pltpu.SemaphoreType.DMA,
            pltpu.SemaphoreType.DMA,
            pltpu.SemaphoreType.DMA,
        ],
    )
    def seg(ei_hbm, h_hbm, out_hbm, src_v, dbuf, rows, acc,
            isem0, isem1, isem2, isem3, gsem0, gsem1, gsem2, ssem0, ssem1):
        cid = lax.axis_index("c")
        sid = lax.axis_index("s")
        wid = sid * nc + cid
        isems = (isem0, isem1, isem2, isem3)
        gsems = (gsem0, gsem1, gsem2)
        ssems = (ssem0, ssem1)
        base = wid * epw

        ip0 = pltpu.async_copy(ei_hbm.at[pl.ds(base, epw)], src_v, gsem0)

        zv = jnp.zeros((16,), jnp.float32)

        def zrow(r, carry):
            for c in range(d // 16):
                rows[0, r, pl.ds(c * 16, 16)] = zv
            return carry

        lax.fori_loop(0, k, zrow, 0)
        zcopies = [
            pltpu.async_copy(rows.at[0], acc.at[pl.ds(sid * rpt + j * k, k)],
                             isem0)
            for j in range(rpt // k)
        ]
        ip0.wait()
        for c in zcopies:
            c.wait()
        plsc.subcore_barrier()

        def issue_dst(cj, s):
            return pltpu.async_copy(
                ei_hbm.at[pl.ds(e + base + cj * k, k)], dbuf.at[s], isems[s])

        def issue_gather(cj, b):
            return pltpu.async_copy(
                h_hbm.at[src_v.at[pl.ds(cj * k, k)]], rows.at[b], gsems[b])

        def block(blk, carry):
            cbase = blk * bin_
            di = [issue_dst(cbase + 0, 0), issue_dst(cbase + 1, 1),
                  issue_dst(cbase + 2, 2), None]
            dg = [issue_gather(cbase + 0, 0), issue_gather(cbase + 1, 1),
                  None]
            ds = [None, None]
            for j in range(bin_):
                rb = j % 3
                qb = j % 4
                sb = j % 2
                if j + 2 < bin_:
                    if ds[1 - sb] is not None:
                        ds[1 - sb].wait()
                        ds[1 - sb] = None
                    dg[(j + 2) % 3] = issue_gather(cbase + j + 2, (j + 2) % 3)
                if j + 3 < bin_:
                    di[(j + 3) % 4] = issue_dst(cbase + j + 3, (j + 3) % 4)
                dg[rb].wait()
                di[qb].wait()
                if ds[sb] is not None:
                    ds[sb].wait()
                ds[sb] = pltpu.async_copy(rows.at[rb], acc.at[dbuf.at[qb]],
                                          ssems[sb], add=True)
            for q in ds:
                if q is not None:
                    q.wait()
            return carry

        lax.fori_loop(0, nblk, block, 0)
        plsc.subcore_barrier()

        pltpu.sync_copy(
            acc.at[pl.ds(sid * rpt, rpt)],
            out_hbm.at[pl.ds(cid * npad + sid * rpt, rpt)],
        )

    return seg(edge_flat, h), npad




def _tail(x, parts, w_o1, b_o1, w_g1, b_g1, w_g2, b_g2, w_g3, b_g3):
    n, d = x.shape

    def body(x_ref, p_ref, wo_ref, wg1_ref, wg2_ref, wg3_ref,
             bo_ref, bg1_ref, bg2_ref, bg3_ref, o_ref):
        xb = x_ref[...]
        agg = p_ref[0] + p_ref[1]
        ret = jnp.dot(xb, wo_ref[...], preferred_element_type=jnp.float32) \
            + bo_ref[...] + agg
        t = jnp.maximum(
            jnp.dot(xb, wg1_ref[...], preferred_element_type=jnp.float32)
            + bg1_ref[...]
            + jnp.dot(agg, wg2_ref[...], preferred_element_type=jnp.float32)
            + bg2_ref[...],
            0.0,
        )
        g = jnp.dot(t, wg3_ref[...], preferred_element_type=jnp.float32) + bg3_ref[...]
        gate = 1.0 / (1.0 + jnp.exp(-g))
        o_ref[...] = ret * gate + xb * (1.0 - gate)

    wspec = pl.BlockSpec((d, d), lambda i: (0, 0))
    bspec = pl.BlockSpec((1, d), lambda i: (0, 0))
    return pl.pallas_call(
        body,
        grid=(n // _BM,),
        in_specs=[
            pl.BlockSpec((_BM, d), lambda i: (i, 0)),
            pl.BlockSpec((2, _BM, d), lambda i: (0, i, 0)),
            wspec, wspec, wspec, wspec,
            bspec, bspec, bspec, bspec,
        ],
        out_specs=pl.BlockSpec((_BM, d), lambda i: (i, 0)),
        out_shape=jax.ShapeDtypeStruct((n, d), jnp.float32),
    )(x, parts, w_o1, w_g1, w_g2, w_g3,
      b_o1.reshape(1, d), b_g1.reshape(1, d), b_g2.reshape(1, d), b_g3.reshape(1, d))


def kernel(x, edge_index, Wm, W_o1, b_o1, W_g1, b_g1, W_g2, b_g2, W_g3, b_g3):
    n, d = x.shape
    h = _mm_relu(x, Wm)
    parts, npad = _sc_segment_sum(h, edge_index.reshape(-1))
    return _tail(x, parts.reshape(2, npad, d), W_o1, b_o1, W_g1, b_g1,
                 W_g2, b_g2, W_g3, b_g3)

# --- scband reference (transcript-rebuilt; emitter-appended) ---
"""Pipeline reference for scband-net-5488968204310 (READ-ONLY COPY).

The authoritative reference and input builder live on the scoring server;
editing this copy changes nothing except your own understanding.
"""

import jax, jax.numpy as jnp
import numpy as np

N, E, D = 10000, 320000, 128

def setup_inputs(seed: int = 0) -> dict:
    key = jax.random.key(seed)
    ks = jax.random.split(key, 12)
    s = 1.0 / np.sqrt(D)
    x = jax.random.normal(ks[0], (N, D), dtype=jnp.float32)
    edge_index = jax.random.randint(ks[1], (2, E), 0, N, dtype=jnp.int32)
    Wm = jax.random.normal(ks[2], (D, D), dtype=jnp.float32) * s
    W_o1 = jax.random.normal(ks[3], (D, D), dtype=jnp.float32) * s
    b_o1 = jnp.zeros((D,), dtype=jnp.float32)
    W_g1 = jax.random.normal(ks[4], (D, D), dtype=jnp.float32) * s
    b_g1 = jnp.zeros((D,), dtype=jnp.float32)
    W_g2 = jax.random.normal(ks[5], (D, D), dtype=jnp.float32) * s
    b_g2 = jnp.zeros((D,), dtype=jnp.float32)
    W_g3 = jax.random.normal(ks[6], (D, D), dtype=jnp.float32) * s
    b_g3 = jnp.full((D,), -3.0, dtype=jnp.float32)
    return {"x": x, "edge_index": edge_index, "Wm": Wm, "W_o1": W_o1, "b_o1": b_o1,
            "W_g1": W_g1, "b_g1": b_g1, "W_g2": W_g2, "b_g2": b_g2, "W_g3": W_g3, "b_g3": b_g3}

def reference(x, edge_index, Wm, W_o1, b_o1, W_g1, b_g1, W_g2, b_g2, W_g3, b_g3):
    # Message passing step: gather source node features, transform, scatter-add to dst,
    # then GateNet gated residual update (o1/gate1/gate2/gate3 with bias -3 on gate3).
    src = edge_index[0]
    dst = edge_index[1]
    msg = jax.nn.relu(jnp.take(x, src, axis=0) @ Wm)
    agg = jax.ops.segment_sum(msg, dst, num_segments=x.shape[0])
    ret = (x @ W_o1 + b_o1) + agg
    gate = jax.nn.sigmoid(jax.nn.relu((x @ W_g1 + b_g1) + (agg @ W_g2 + b_g2)) @ W_g3 + b_g3)
    out = ret * gate + x * (1.0 - gate)
    return out

if __name__ == "__main__":
    import jax
    _d = setup_inputs()
    print(jax.jit(kernel)(*tuple(_d.values())))

</pallas_src>

<mosaic_0001>
#map = affine_map<(d0, d1) -> (0)>
#map1 = affine_map<(d0, d1) -> (0, 0)>
module attributes {stable_mosaic.version = 14 : i64} {
  func.func @seg(%arg0: i32, %arg1: i32, %arg2: memref<640000xi32, #tpu.memory_space<hbm>>, %arg3: memref<10000x128xf32, #tpu.memory_space<hbm>>, %arg4: memref<20480x128xf32, #tpu.memory_space<hbm>>, %arg5: memref<10000xi32, #tpu.memory_space<vmem>>, %arg6: memref<4x80xi32, #tpu.memory_space<vmem>>, %arg7: memref<3x80x128xf32, #tpu.memory_space<vmem>>, %arg8: memref<10240x128xf32, #tpu.memory_space<vmem_shared>>, %arg9: memref<!tpu.dma_semaphore, #tpu.memory_space<semaphore_mem>>, %arg10: memref<!tpu.dma_semaphore, #tpu.memory_space<semaphore_mem>>, %arg11: memref<!tpu.dma_semaphore, #tpu.memory_space<semaphore_mem>>, %arg12: memref<!tpu.dma_semaphore, #tpu.memory_space<semaphore_mem>>, %arg13: memref<!tpu.dma_semaphore, #tpu.memory_space<semaphore_mem>>, %arg14: memref<!tpu.dma_semaphore, #tpu.memory_space<semaphore_mem>>, %arg15: memref<!tpu.dma_semaphore, #tpu.memory_space<semaphore_mem>>, %arg16: memref<!tpu.dma_semaphore, #tpu.memory_space<semaphore_mem>>, %arg17: memref<!tpu.dma_semaphore, #tpu.memory_space<semaphore_mem>>) attributes {dimension_semantics = [#tpu.dimension_semantics<core_parallel>, #tpu.dimension_semantics<subcore_parallel>], iteration_bounds = array<i64: 2, 16>, scalar_prefetch = 0 : i64, scratch_operands = 13 : i64, tpu.core_type = #tpu.core_type<sc_vector_subcore>, window_params = [{transform_indices = #map}, {transform_indices = #map1}, {transform_indices = #map1}]} {
    %mul3A = arith.constant 2 : i32
    %mul3A_0 = arith.muli %arg1, %mul3A : i32
    %add3A = arith.addi %mul3A_0, %arg0 : i32
    %mul3A_1 = arith.constant 10000 : i32
    %mul3A_2 = arith.muli %add3A, %mul3A_1 : i32
    %dma_start3A = tpu.memref_slice %arg2[%mul3A_2] : memref<640000xi32, #tpu.memory_space<hbm>> -> memref<10000xi32, #tpu.memory_space<hbm>>
    %dma_start3A_3 = tpu.memref_slice %arg2[%mul3A_2] : memref<640000xi32, #tpu.memory_space<hbm>> -> memref<10000xi32, #tpu.memory_space<hbm>>
    tpu.enqueue_dma source(%dma_start3A_3 : memref<10000xi32, #tpu.memory_space<hbm>>) target(%arg5 : memref<10000xi32, #tpu.memory_space<vmem>>) target_semaphore(%arg13 : memref<!tpu.dma_semaphore, #tpu.memory_space<semaphore_mem>>)
    %broadcast_in_dim3A = arith.constant 0.000000e+00 : f32
    %broadcast_in_dim3A_4 = vector.broadcast %broadcast_in_dim3A : f32 to vector<16xf32>
    %scan3A = arith.constant 0 : i32
    %scan3A_5 = arith.constant 0 : i32
    %scan3A_6 = arith.constant 80 : i32
    %scan3A_7 = arith.addi %scan3A_5, %scan3A_6 : i32
    %scan3A_8 = arith.constant 1 : i32
    scf.for %scan3A_265 = %scan3A_5 to %scan3A_7 step %scan3A_8  : i32 {
      %swap3A = arith.constant 0 : i32
      %swap3A_266 = arith.index_cast %swap3A : i32 to index
      %swap3A_267 = arith.index_cast %scan3A_265 : i32 to index
      %swap3A_268 = arith.constant 0 : index
      %swap3A_269 = tpu.vector_load %arg7[%swap3A_266, %swap3A_267, %swap3A_268] {strides = array<i32>} : memref<3x80x128xf32, #tpu.memory_space<vmem>>, vector<1x1x16xf32>,
      %swap3A_270 = vector.shape_cast %swap3A_269 : vector<1x1x16xf32> to vector<16xf32>
      %swap3A_271 = vector.shape_cast %broadcast_in_dim3A_4 : vector<16xf32> to vector<1x1x16xf32>
      tpu.vector_store %arg7[%swap3A_266, %swap3A_267, %swap3A_268], %swap3A_271 {strides = array<i32>} : memref<3x80x128xf32, #tpu.memory_space<vmem>>, vector<1x1x16xf32>,
      %swap3A_272 = arith.constant 0 : i32
      %swap3A_273 = arith.index_cast %swap3A_272 : i32 to index
      %swap3A_274 = arith.index_cast %scan3A_265 : i32 to index
      %swap3A_275 = arith.constant 16 : index
      %swap3A_276 = tpu.vector_load %arg7[%swap3A_273, %swap3A_274, %swap3A_275] {strides = array<i32>} : memref<3x80x128xf32, #tpu.memory_space<vmem>>, vector<1x1x16xf32>,
      %swap3A_277 = vector.shape_cast %swap3A_276 : vector<1x1x16xf32> to vector<16xf32>
      %swap3A_278 = vector.shape_cast %broadcast_in_dim3A_4 : vector<16xf32> to vector<1x1x16xf32>
      tpu.vector_store %arg7[%swap3A_273, %swap3A_274, %swap3A_275], %swap3A_278 {strides = array<i32>} : memref<3x80x128xf32, #tpu.memory_space<vmem>>, vector<1x1x16xf32>,
      %swap3A_279 = arith.constant 0 : i32
      %swap3A_280 = arith.index_cast %swap3A_279 : i32 to index
      %swap3A_281 = arith.index_cast %scan3A_265 : i32 to index
      %swap3A_282 = arith.constant 32 : index
      %swap3A_283 = tpu.vector_load %arg7[%swap3A_280, %swap3A_281, %swap3A_282] {strides = array<i32>} : memref<3x80x128xf32, #tpu.memory_space<vmem>>, vector<1x1x16xf32>,
      %swap3A_284 = vector.shape_cast %swap3A_283 : vector<1x1x16xf32> to vector<16xf32>
      %swap3A_285 = vector.shape_cast %broadcast_in_dim3A_4 : vector<16xf32> to vector<1x1x16xf32>
      tpu.vector_store %arg7[%swap3A_280, %swap3A_281, %swap3A_282], %swap3A_285 {strides = array<i32>} : memref<3x80x128xf32, #tpu.memory_space<vmem>>, vector<1x1x16xf32>,
      %swap3A_286 = arith.constant 0 : i32
      %swap3A_287 = arith.index_cast %swap3A_286 : i32 to index
      %swap3A_288 = arith.index_cast %scan3A_265 : i32 to index
      %swap3A_289 = arith.constant 48 : index
      %swap3A_290 = tpu.vector_load %arg7[%swap3A_287, %swap3A_288, %swap3A_289] {strides = array<i32>} : memref<3x80x128xf32, #tpu.memory_space<vmem>>, vector<1x1x16xf32>,
      %swap3A_291 = vector.shape_cast %swap3A_290 : vector<1x1x16xf32> to vector<16xf32>
      %swap3A_292 = vector.shape_cast %broadcast_in_dim3A_4 : vector<16xf32> to vector<1x1x16xf32>
      tpu.vector_store %arg7[%swap3A_287, %swap3A_288, %swap3A_289], %swap3A_292 {strides = array<i32>} : memref<3x80x128xf32, #tpu.memory_space<vmem>>, vector<1x1x16xf32>,
      %swap3A_293 = arith.constant 0 : i32
      %swap3A_294 = arith.index_cast %swap3A_293 : i32 to index
      %swap3A_295 = arith.index_cast %scan3A_265 : i32 to index
      %swap3A_296 = arith.constant 64 : index
      %swap3A_297 = tpu.vector_load %arg7[%swap3A_294, %swap3A_295, %swap3A_296] {strides = array<i32>} : memref<3x80x128xf32, #tpu.memory_space<vmem>>, vector<1x1x16xf32>,
      %swap3A_298 = vector.shape_cast %swap3A_297 : vector<1x1x16xf32> to vector<16xf32>
      %swap3A_299 = vector.shape_cast %broadcast_in_dim3A_4 : vector<16xf32> to vector<1x1x16xf32>
      tpu.vector_store %arg7[%swap3A_294, %swap3A_295, %swap3A_296], %swap3A_299 {strides = array<i32>} : memref<3x80x128xf32, #tpu.memory_space<vmem>>, vector<1x1x16xf32>,
      %swap3A_300 = arith.constant 0 : i32
      %swap3A_301 = arith.index_cast %swap3A_300 : i32 to index
      %swap3A_302 = arith.index_cast %scan3A_265 : i32 to index
      %swap3A_303 = arith.constant 80 : index
      %swap3A_304 = tpu.vector_load %arg7[%swap3A_301, %swap3A_302, %swap3A_303] {strides = array<i32>} : memref<3x80x128xf32, #tpu.memory_space<vmem>>, vector<1x1x16xf32>,
      %swap3A_305 = vector.shape_cast %swap3A_304 : vector<1x1x16xf32> to vector<16xf32>
      %swap3A_306 = vector.shape_cast %broadcast_in_dim3A_4 : vector<16xf32> to vector<1x1x16xf32>
      tpu.vector_store %arg7[%swap3A_301, %swap3A_302, %swap3A_303], %swap3A_306 {strides = array<i32>} : memref<3x80x128xf32, #tpu.memory_space<vmem>>, vector<1x1x16xf32>,
      %swap3A_307 = arith.constant 0 : i32
      %swap3A_308 = arith.index_cast %swap3A_307 : i32 to index
      %swap3A_309 = arith.index_cast %scan3A_265 : i32 to index
      %swap3A_310 = arith.constant 96 : index
      %swap3A_311 = tpu.vector_load %arg7[%swap3A_308, %swap3A_309, %swap3A_310] {strides = array<i32>} : memref<3x80x128xf32, #tpu.memory_space<vmem>>, vector<1x1x16xf32>,
      %swap3A_312 = vector.shape_cast %swap3A_311 : vector<1x1x16xf32> to vector<16xf32>
      %swap3A_313 = vector.shape_cast %broadcast_in_dim3A_4 : vector<16xf32> to vector<1x1x16xf32>
      tpu.vector_store %arg7[%swap3A_308, %swap3A_309, %swap3A_310], %swap3A_313 {strides = array<i32>} : memref<3x80x128xf32, #tpu.memory_space<vmem>>, vector<1x1x16xf32>,
      %swap3A_314 = arith.constant 0 : i32
      %swap3A_315 = arith.index_cast %swap3A_314 : i32 to index
      %swap3A_316 = arith.index_cast %scan3A_265 : i32 to index
      %swap3A_317 = arith.constant 112 : index
      %swap3A_318 = tpu.vector_load %arg7[%swap3A_315, %swap3A_316, %swap3A_317] {strides = array<i32>} : memref<3x80x128xf32, #tpu.memory_space<vmem>>, vector<1x1x16xf32>,
      %swap3A_319 = vector.shape_cast %swap3A_318 : vector<1x1x16xf32> to vector<16xf32>
      %swap3A_320 = vector.shape_cast %broadcast_in_dim3A_4 : vector<16xf32> to vector<1x1x16xf32>
      tpu.vector_store %arg7[%swap3A_315, %swap3A_316, %swap3A_317], %swap3A_320 {strides = array<i32>} : memref<3x80x128xf32, #tpu.memory_space<vmem>>, vector<1x1x16xf32>,
    }
    %scan3A_9 = arith.constant 80 : i32
    %mul3A_10 = arith.constant 640 : i32
    %mul3A_11 = arith.muli %arg1, %mul3A_10 : i32
    %add3A_12 = arith.constant 0 : i32
    %add3A_13 = arith.addi %mul3A_11, %add3A_12 : i32
    %dma_start3A_14 = arith.constant 0 : i32
    %dma_start3A_15 = arith.constant 0 : i32
    %dma_start3A_16 = arith.constant 0 : i32
    %dma_start3A_17 = tpu.memref_slice %arg7[%dma_start3A_14, %dma_start3A_15, %dma_start3A_16] : memref<3x80x128xf32, #tpu.memory_space<vmem>> -> memref<1x80x128xf32, #tpu.memory_space<vmem>>
    %dma_start3A_18 = tpu.memref_squeeze %dma_start3A_17 : memref<1x80x128xf32, #tpu.memory_space<vmem>> -> memref<80x128xf32, #tpu.memory_space<vmem>>
    %dma_start3A_19 = arith.constant 0 : i32
    %dma_start3A_20 = tpu.memref_slice %arg8[%add3A_13, %dma_start3A_19] : memref<10240x128xf32, #tpu.memory_space<vmem_shared>> -> memref<80x128xf32, #tpu.memory_space<vmem_shared>>
    %dma_start3A_21 = arith.constant 0 : i32
    %dma_start3A_22 = tpu.memref_slice %arg8[%add3A_13, %dma_start3A_21] : memref<10240x128xf32, #tpu.memory_space<vmem_shared>> -> memref<80x128xf32, #tpu.memory_space<vmem_shared>>
    %dma_start3A_23 = arith.constant 0 : i32
    %dma_start3A_24 = arith.constant 0 : i32
    %dma_start3A_25 = tpu.memref_slice %arg7[%dma_start3A_14, %dma_start3A_23, %dma_start3A_24] : memref<3x80x128xf32, #tpu.memory_space<vmem>> -> memref<1x80x128xf32, #tpu.memory_space<vmem>>
    %dma_start3A_26 = tpu.memref_squeeze %dma_start3A_25 : memref<1x80x128xf32, #tpu.memory_space<vmem>> -> memref<80x128xf32, #tpu.memory_space<vmem>>
    tpu.enqueue_dma source(%dma_start3A_26 : memref<80x128xf32, #tpu.memory_space<vmem>>) target(%dma_start3A_22 : memref<80x128xf32, #tpu.memory_space<vmem_shared>>) target_semaphore(%arg9 : memref<!tpu.dma_semaphore, #tpu.memory_space<semaphore_mem>>)
    %mul3A_27 = arith.constant 640 : i32
    %mul3A_28 = arith.muli %arg1, %mul3A_27 : i32
    %add3A_29 = arith.constant 80 : i32
    %add3A_30 = arith.addi %mul3A_28, %add3A_29 : i32
    %dma_start3A_31 = arith.constant 0 : i32
    %dma_start3A_32 = arith.constant 0 : i32
    %dma_start3A_33 = arith.constant 0 : i32
    %dma_start3A_34 = tpu.memref_slice %arg7[%dma_start3A_31, %dma_start3A_32, %dma_start3A_33] : memref<3x80x128xf32, #tpu.memory_space<vmem>> -> memref<1x80x128xf32, #tpu.memory_space<vmem>>
    %dma_start3A_35 = tpu.memref_squeeze %dma_start3A_34 : memref<1x80x128xf32, #tpu.memory_space<vmem>> -> memref<80x128xf32, #tpu.memory_space<vmem>>
    %dma_start3A_36 = arith.constant 0 : i32
    %dma_start3A_37 = tpu.memref_slice %arg8[%add3A_30, %dma_start3A_36] : memref<10240x128xf32, #tpu.memory_space<vmem_shared>> -> memref<80x128xf32, #tpu.memory_space<vmem_shared>>
    %dma_start3A_38 = arith.constant 0 : i32
    %dma_start3A_39 = tpu.memref_slice %arg8[%add3A_30, %dma_start3A_38] : memref<10240x128xf32, #tpu.memory_space<vmem_shared>> -> memref<80x128xf32, #tpu.memory_space<vmem_shared>>
    %dma_start3A_40 = arith.constant 0 : i32
    %dma_start3A_41 = arith.constant 0 : i32
    %dma_start3A_42 = tpu.memref_slice %arg7[%dma_start3A_31, %dma_start3A_40, %dma_start3A_41] : memref<3x80x128xf32, #tpu.memory_space<vmem>> -> memref<1x80x128xf32, #tpu.memory_space<vmem>>
    %dma_start3A_43 = tpu.memref_squeeze %dma_start3A_42 : memref<1x80x128xf32, #tpu.memory_space<vmem>> -> memref<80x128xf32, #tpu.memory_space<vmem>>
    tpu.enqueue_dma source(%dma_start3A_43 : memref<80x128xf32, #tpu.memory_space<vmem>>) target(%dma_start3A_39 : memref<80x128xf32, #tpu.memory_space<vmem_shared>>) target_semaphore(%arg9 : memref<!tpu.dma_semaphore, #tpu.memory_space<semaphore_mem>>)
    %mul3A_44 = arith.constant 640 : i32
    %mul3A_45 = arith.muli %arg1, %mul3A_44 : i32
    %add3A_46 = arith.constant 160 : i32
    %add3A_47 = arith.addi %mul3A_45, %add3A_46 : i32
    %dma_start3A_48 = arith.constant 0 : i32
    %dma_start3A_49 = arith.constant 0 : i32
    %dma_start3A_50 = arith.constant 0 : i32
    %dma_start3A_51 = tpu.memref_slice %arg7[%dma_start3A_48, %dma_start3A_49, %dma_start3A_50] : memref<3x80x128xf32, #tpu.memory_space<vmem>> -> memref<1x80x128xf32, #tpu.memory_space<vmem>>
    %dma_start3A_52 = tpu.memref_squeeze %dma_start3A_51 : memref<1x80x128xf32, #tpu.memory_space<vmem>> -> memref<80x128xf32, #tpu.memory_space<vmem>>
    %dma_start3A_53 = arith.constant 0 : i32
    %dma_start3A_54 = tpu.memref_slice %arg8[%add3A_47, %dma_start3A_53] : memref<10240x128xf32, #tpu.memory_space<vmem_shared>> -> memref<80x128xf32, #tpu.memory_space<vmem_shared>>
    %dma_start3A_55 = arith.constant 0 : i32
    %dma_start3A_56 = tpu.memref_slice %arg8[%add3A_47, %dma_start3A_55] : memref<10240x128xf32, #tpu.memory_space<vmem_shared>> -> memref<80x128xf32, #tpu.memory_space<vmem_shared>>
    %dma_start3A_57 = arith.constant 0 : i32
    %dma_start3A_58 = arith.constant 0 : i32
    %dma_start3A_59 = tpu.memref_slice %arg7[%dma_start3A_48, %dma_start3A_57, %dma_start3A_58] : memref<3x80x128xf32, #tpu.memory_space<vmem>> -> memref<1x80x128xf32, #tpu.memory_space<vmem>>
    %dma_start3A_60 = tpu.memref_squeeze %dma_start3A_59 : memref<1x80x128xf32, #tpu.memory_space<vmem>> -> memref<80x128xf32, #tpu.memory_space<vmem>>
    tpu.enqueue_dma source(%dma_start3A_60 : memref<80x128xf32, #tpu.memory_space<vmem>>) target(%dma_start3A_56 : memref<80x128xf32, #tpu.memory_space<vmem_shared>>) target_semaphore(%arg9 : memref<!tpu.dma_semaphore, #tpu.memory_space<semaphore_mem>>)
    %mul3A_61 = arith.constant 640 : i32
    %mul3A_62 = arith.muli %arg1, %mul3A_61 : i32
    %add3A_63 = arith.constant 240 : i32
    %add3A_64 = arith.addi %mul3A_62, %add3A_63 : i32
    %dma_start3A_65 = arith.constant 0 : i32
    %dma_start3A_66 = arith.constant 0 : i32
    %dma_start3A_67 = arith.constant 0 : i32
    %dma_start3A_68 = tpu.memref_slice %arg7[%dma_start3A_65, %dma_start3A_66, %dma_start3A_67] : memref<3x80x128xf32, #tpu.memory_space<vmem>> -> memref<1x80x128xf32, #tpu.memory_space<vmem>>
    %dma_start3A_69 = tpu.memref_squeeze %dma_start3A_68 : memref<1x80x128xf32, #tpu.memory_space<vmem>> -> memref<80x128xf32, #tpu.memory_space<vmem>>
    %dma_start3A_70 = arith.constant 0 : i32
    %dma_start3A_71 = tpu.memref_slice %arg8[%add3A_64, %dma_start3A_70] : memref<10240x128xf32, #tpu.memory_space<vmem_shared>> -> memref<80x128xf32, #tpu.memory_space<vmem_shared>>
    %dma_start3A_72 = arith.constant 0 : i32
    %dma_start3A_73 = tpu.memref_slice %arg8[%add3A_64, %dma_start3A_72] : memref<10240x128xf32, #tpu.memory_space<vmem_shared>> -> memref<80x128xf32, #tpu.memory_space<vmem_shared>>
    %dma_start3A_74 = arith.constant 0 : i32
    %dma_start3A_75 = arith.constant 0 : i32
    %dma_start3A_76 = tpu.memref_slice %arg7[%dma_start3A_65, %dma_start3A_74, %dma_start3A_75] : memref<3x80x128xf32, #tpu.memory_space<vmem>> -> memref<1x80x128xf32, #tpu.memory_space<vmem>>
    %dma_start3A_77 = tpu.memref_squeeze %dma_start3A_76 : memref<1x80x128xf32, #tpu.memory_space<vmem>> -> memref<80x128xf32, #tpu.memory_space<vmem>>
    tpu.enqueue_dma source(%dma_start3A_77 : memref<80x128xf32, #tpu.memory_space<vmem>>) target(%dma_start3A_73 : memref<80x128xf32, #tpu.memory_space<vmem_shared>>) target_semaphore(%arg9 : memref<!tpu.dma_semaphore, #tpu.memory_space<semaphore_mem>>)
    %mul3A_78 = arith.constant 640 : i32
    %mul3A_79 = arith.muli %arg1, %mul3A_78 : i32
    %add3A_80 = arith.constant 320 : i32
    %add3A_81 = arith.addi %mul3A_79, %add3A_80 : i32
    %dma_start3A_82 = arith.constant 0 : i32
    %dma_start3A_83 = arith.constant 0 : i32
    %dma_start3A_84 = arith.constant 0 : i32
    %dma_start3A_85 = tpu.memref_slice %arg7[%dma_start3A_82, %dma_start3A_83, %dma_start3A_84] : memref<3x80x128xf32, #tpu.memory_space<vmem>> -> memref<1x80x128xf32, #tpu.memory_space<vmem>>
    %dma_start3A_86 = tpu.memref_squeeze %dma_start3A_85 : memref<1x80x128xf32, #tpu.memory_space<vmem>> -> memref<80x128xf32, #tpu.memory_space<vmem>>
    %dma_start3A_87 = arith.constant 0 : i32
    %dma_start3A_88 = tpu.memref_slice %arg8[%add3A_81, %dma_start3A_87] : memref<10240x128xf32, #tpu.memory_space<vmem_shared>> -> memref<80x128xf32, #tpu.memory_space<vmem_shared>>
    %dma_start3A_89 = arith.constant 0 : i32
    %dma_start3A_90 = tpu.memref_slice %arg8[%add3A_81, %dma_start3A_89] : memref<10240x128xf32, #tpu.memory_space<vmem_shared>> -> memref<80x128xf32, #tpu.memory_space<vmem_shared>>
    %dma_start3A_91 = arith.constant 0 : i32
    %dma_start3A_92 = arith.constant 0 : i32
    %dma_start3A_93 = tpu.memref_slice %arg7[%dma_start3A_82, %dma_start3A_91, %dma_start3A_92] : memref<3x80x128xf32, #tpu.memory_space<vmem>> -> memref<1x80x128xf32, #tpu.memory_space<vmem>>
    %dma_start3A_94 = tpu.memref_squeeze %dma_start3A_93 : memref<1x80x128xf32, #tpu.memory_space<vmem>> -> memref<80x128xf32, #tpu.memory_space<vmem>>
    tpu.enqueue_dma source(%dma_start3A_94 : memref<80x128xf32, #tpu.memory_space<vmem>>) target(%dma_start3A_90 : memref<80x128xf32, #tpu.memory_space<vmem_shared>>) target_semaphore(%arg9 : memref<!tpu.dma_semaphore, #tpu.memory_space<semaphore_mem>>)
    %mul3A_95 = arith.constant 640 : i32
    %mul3A_96 = arith.muli %arg1, %mul3A_95 : i32
    %add3A_97 = arith.constant 400 : i32
    %add3A_98 = arith.addi %mul3A_96, %add3A_97 : i32
    %dma_start3A_99 = arith.constant 0 : i32
    %dma_start3A_100 = arith.constant 0 : i32
    %dma_start3A_101 = arith.constant 0 : i32
    %dma_start3A_102 = tpu.memref_slice %arg7[%dma_start3A_99, %dma_start3A_100, %dma_start3A_101] : memref<3x80x128xf32, #tpu.memory_space<vmem>> -> memref<1x80x128xf32, #tpu.memory_space<vmem>>
    %dma_start3A_103 = tpu.memref_squeeze %dma_start3A_102 : memref<1x80x128xf32, #tpu.memory_space<vmem>> -> memref<80x128xf32, #tpu.memory_space<vmem>>
    %dma_start3A_104 = arith.constant 0 : i32
    %dma_start3A_105 = tpu.memref_slice %arg8[%add3A_98, %dma_start3A_104] : memref<10240x128xf32, #tpu.memory_space<vmem_shared>> -> memref<80x128xf32, #tpu.memory_space<vmem_shared>>
    %dma_start3A_106 = arith.constant 0 : i32
    %dma_start3A_107 = tpu.memref_slice %arg8[%add3A_98, %dma_start3A_106] : memref<10240x128xf32, #tpu.memory_space<vmem_shared>> -> memref<80x128xf32, #tpu.memory_space<vmem_shared>>
    %dma_start3A_108 = arith.constant 0 : i32
    %dma_start3A_109 = arith.constant 0 : i32
    %dma_start3A_110 = tpu.memref_slice %arg7[%dma_start3A_99, %dma_start3A_108, %dma_start3A_109] : memref<3x80x128xf32, #tpu.memory_space<vmem>> -> memref<1x80x128xf32, #tpu.memory_space<vmem>>
    %dma_start3A_111 = tpu.memref_squeeze %dma_start3A_110 : memref<1x80x128xf32, #tpu.memory_space<vmem>> -> memref<80x128xf32, #tpu.memory_space<vmem>>
    tpu.enqueue_dma source(%dma_start3A_111 : memref<80x128xf32, #tpu.memory_space<vmem>>) target(%dma_start3A_107 : memref<80x128xf32, #tpu.memory_space<vmem_shared>>) target_semaphore(%arg9 : memref<!tpu.dma_semaphore, #tpu.memory_space<semaphore_mem>>)
    %mul3A_112 = arith.constant 640 : i32
    %mul3A_113 = arith.muli %arg1, %mul3A_112 : i32
    %add3A_114 = arith.constant 480 : i32
    %add3A_115 = arith.addi %mul3A_113, %add3A_114 : i32
    %dma_start3A_116 = arith.constant 0 : i32
    %dma_start3A_117 = arith.constant 0 : i32
    %dma_start3A_118 = arith.constant 0 : i32
    %dma_start3A_119 = tpu.memref_slice %arg7[%dma_start3A_116, %dma_start3A_117, %dma_start3A_118] : memref<3x80x128xf32, #tpu.memory_space<vmem>> -> memref<1x80x128xf32, #tpu.memory_space<vmem>>
    %dma_start3A_120 = tpu.memref_squeeze %dma_start3A_119 : memref<1x80x128xf32, #tpu.memory_space<vmem>> -> memref<80x128xf32, #tpu.memory_space<vmem>>
    %dma_start3A_121 = arith.constant 0 : i32
    %dma_start3A_122 = tpu.memref_slice %arg8[%add3A_115, %dma_start3A_121] : memref<10240x128xf32, #tpu.memory_space<vmem_shared>> -> memref<80x128xf32, #tpu.memory_space<vmem_shared>>
    %dma_start3A_123 = arith.constant 0 : i32
    %dma_start3A_124 = tpu.memref_slice %arg8[%add3A_115, %dma_start3A_123] : memref<10240x128xf32, #tpu.memory_space<vmem_shared>> -> memref<80x128xf32, #tpu.memory_space<vmem_shared>>
    %dma_start3A_125 = arith.constant 0 : i32
    %dma_start3A_126 = arith.constant 0 : i32
    %dma_start3A_127 = tpu.memref_slice %arg7[%dma_start3A_116, %dma_start3A_125, %dma_start3A_126] : memref<3x80x128xf32, #tpu.memory_space<vmem>> -> memref<1x80x128xf32, #tpu.memory_space<vmem>>
    %dma_start3A_128 = tpu.memref_squeeze %dma_start3A_127 : memref<1x80x128xf32, #tpu.memory_space<vmem>> -> memref<80x128xf32, #tpu.memory_space<vmem>>
    tpu.enqueue_dma source(%dma_start3A_128 : memref<80x128xf32, #tpu.memory_space<vmem>>) target(%dma_start3A_124 : memref<80x128xf32, #tpu.memory_space<vmem_shared>>) target_semaphore(%arg9 : memref<!tpu.dma_semaphore, #tpu.memory_space<semaphore_mem>>)
    %mul3A_129 = arith.constant 640 : i32
    %mul3A_130 = arith.muli %arg1, %mul3A_129 : i32
    %add3A_131 = arith.constant 560 : i32
    %add3A_132 = arith.addi %mul3A_130, %add3A_131 : i32
    %dma_start3A_133 = arith.constant 0 : i32
    %dma_start3A_134 = arith.constant 0 : i32
    %dma_start3A_135 = arith.constant 0 : i32
    %dma_start3A_136 = tpu.memref_slice %arg7[%dma_start3A_133, %dma_start3A_134, %dma_start3A_135] : memref<3x80x128xf32, #tpu.memory_space<vmem>> -> memref<1x80x128xf32, #tpu.memory_space<vmem>>
    %dma_start3A_137 = tpu.memref_squeeze %dma_start3A_136 : memref<1x80x128xf32, #tpu.memory_space<vmem>> -> memref<80x128xf32, #tpu.memory_space<vmem>>
    %dma_start3A_138 = arith.constant 0 : i32
    %dma_start3A_139 = tpu.memref_slice %arg8[%add3A_132, %dma_start3A_138] : memref<10240x128xf32, #tpu.memory_space<vmem_shared>> -> memref<80x128xf32, #tpu.memory_space<vmem_shared>>
    %dma_start3A_140 = arith.constant 0 : i32
    %dma_start3A_141 = tpu.memref_slice %arg8[%add3A_132, %dma_start3A_140] : memref<10240x128xf32, #tpu.memory_space<vmem_shared>> -> memref<80x128xf32, #tpu.memory_space<vmem_shared>>
    %dma_start3A_142 = arith.constant 0 : i32
    %dma_start3A_143 = arith.constant 0 : i32
    %dma_start3A_144 = tpu.memref_slice %arg7[%dma_start3A_133, %dma_start3A_142, %dma_start3A_143] : memref<3x80x128xf32, #tpu.memory_space<vmem>> -> memref<1x80x128xf32, #tpu.memory_space<vmem>>
    %dma_start3A_145 = tpu.memref_squeeze %dma_start3A_144 : memref<1x80x128xf32, #tpu.memory_space<vmem>> -> memref<80x128xf32, #tpu.memory_space<vmem>>
    tpu.enqueue_dma source(%dma_start3A_145 : memref<80x128xf32, #tpu.memory_space<vmem>>) target(%dma_start3A_141 : memref<80x128xf32, #tpu.memory_space<vmem_shared>>) target_semaphore(%arg9 : memref<!tpu.dma_semaphore, #tpu.memory_space<semaphore_mem>>)
    %dma_wait3A = tpu.memref_slice %arg2[%mul3A_2] : memref<640000xi32, #tpu.memory_space<hbm>> -> memref<10000xi32, #tpu.memory_space<hbm>>
    %dma_wait3A_146 = tpu.memref_slice %arg2[%mul3A_2] : memref<640000xi32, #tpu.memory_space<hbm>> -> memref<10000xi32, #tpu.memory_space<hbm>>
    tpu.wait_dma2 semaphore(%arg13 : memref<!tpu.dma_semaphore, #tpu.memory_space<semaphore_mem>>) src(%dma_wait3A_146 : memref<10000xi32, #tpu.memory_space<hbm>>) dst(%arg5 : memref<10000xi32, #tpu.memory_space<vmem>>)
    %dma_wait3A_147 = arith.constant 0 : i32
    %dma_wait3A_148 = arith.constant 0 : i32
    %dma_wait3A_149 = arith.constant 0 : i32
    %dma_wait3A_150 = tpu.memref_slice %arg7[%dma_wait3A_147, %dma_wait3A_148, %dma_wait3A_149] : memref<3x80x128xf32, #tpu.memory_space<vmem>> -> memref<1x80x128xf32, #tpu.memory_space<vmem>>
    %dma_wait3A_151 = tpu.memref_squeeze %dma_wait3A_150 : memref<1x80x128xf32, #tpu.memory_space<vmem>> -> memref<80x128xf32, #tpu.memory_space<vmem>>
    %dma_wait3A_152 = arith.constant 0 : i32
    %dma_wait3A_153 = tpu.memref_slice %arg8[%add3A_13, %dma_wait3A_152] : memref<10240x128xf32, #tpu.memory_space<vmem_shared>> -> memref<80x128xf32, #tpu.memory_space<vmem_shared>>
    %dma_wait3A_154 = arith.constant 0 : i32
    %dma_wait3A_155 = tpu.memref_slice %arg8[%add3A_13, %dma_wait3A_154] : memref<10240x128xf32, #tpu.memory_space<vmem_shared>> -> memref<80x128xf32, #tpu.memory_space<vmem_shared>>
    %dma_wait3A_156 = arith.constant 0 : i32
    %dma_wait3A_157 = arith.constant 0 : i32
    %dma_wait3A_158 = tpu.memref_slice %arg7[%dma_wait3A_147, %dma_wait3A_156, %dma_wait3A_157] : memref<3x80x128xf32, #tpu.memory_space<vmem>> -> memref<1x80x128xf32, #tpu.memory_space<vmem>>
    %dma_wait3A_159 = tpu.memref_squeeze %dma_wait3A_158 : memref<1x80x128xf32, #tpu.memory_space<vmem>> -> memref<80x128xf32, #tpu.memory_space<vmem>>
    tpu.wait_dma2 semaphore(%arg9 : memref<!tpu.dma_semaphore, #tpu.memory_space<semaphore_mem>>) src(%dma_wait3A_159 : memref<80x128xf32, #tpu.memory_space<vmem>>) dst(%dma_wait3A_155 : memref<80x128xf32, #tpu.memory_space<vmem_shared>>)
    %dma_wait3A_160 = arith.constant 0 : i32
    %dma_wait3A_161 = arith.constant 0 : i32
    %dma_wait3A_162 = arith.constant 0 : i32
    %dma_wait3A_163 = tpu.memref_slice %arg7[%dma_wait3A_160, %dma_wait3A_161, %dma_wait3A_162] : memref<3x80x128xf32, #tpu.memory_space<vmem>> -> memref<1x80x128xf32, #tpu.memory_space<vmem>>
    %dma_wait3A_164 = tpu.memref_squeeze %dma_wait3A_163 : memref<1x80x128xf32, #tpu.memory_space<vmem>> -> memref<80x128xf32, #tpu.memory_space<vmem>>
    %dma_wait3A_165 = arith.constant 0 : i32
    %dma_wait3A_166 = tpu.memref_slice %arg8[%add3A_30, %dma_wait3A_165] : memref<10240x128xf32, #tpu.memory_space<vmem_shared>> -> memref<80x128xf32, #tpu.memory_space<vmem_shared>>
    %dma_wait3A_167 = arith.constant 0 : i32
    %dma_wait3A_168 = tpu.memref_slice %arg8[%add3A_30, %dma_wait3A_167] : memref<10240x128xf32, #tpu.memory_space<vmem_shared>> -> memref<80x128xf32, #tpu.memory_space<vmem_shared>>
    %dma_wait3A_169 = arith.constant 0 : i32
    %dma_wait3A_170 = arith.constant 0 : i32
    %dma_wait3A_171 = tpu.memref_slice %arg7[%dma_wait3A_160, %dma_wait3A_169, %dma_wait3A_170] : memref<3x80x128xf32, #tpu.memory_space<vmem>> -> memref<1x80x128xf32, #tpu.memory_space<vmem>>
    %dma_wait3A_172 = tpu.memref_squeeze %dma_wait3A_171 : memref<1x80x128xf32, #tpu.memory_space<vmem>> -> memref<80x128xf32, #tpu.memory_space<vmem>>
    tpu.wait_dma2 semaphore(%arg9 : memref<!tpu.dma_semaphore, #tpu.memory_space<semaphore_mem>>) src(%dma_wait3A_172 : memref<80x128xf32, #tpu.memory_space<vmem>>) dst(%dma_wait3A_168 : memref<80x128xf32, #tpu.memory_space<vmem_shared>>)
    %dma_wait3A_173 = arith.constant 0 : i32
    %dma_wait3A_174 = arith.constant 0 : i32
    %dma_wait3A_175 = arith.constant 0 : i32
    %dma_wait3A_176 = tpu.memref_slice %arg7[%dma_wait3A_173, %dma_wait3A_174, %dma_wait3A_175] : memref<3x80x128xf32, #tpu.memory_space<vmem>> -> memref<1x80x128xf32, #tpu.memory_space<vmem>>
    %dma_wait3A_177 = tpu.memref_squeeze %dma_wait3A_176 : memref<1x80x128xf32, #tpu.memory_space<vmem>> -> memref<80x128xf32, #tpu.memory_space<vmem>>
    %dma_wait3A_178 = arith.constant 0 : i32
    %dma_wait3A_179 = tpu.memref_slice %arg8[%add3A_47, %dma_wait3A_178] : memref<10240x128xf32, #tpu.memory_space<vmem_shared>> -> memref<80x128xf32, #tpu.memory_space<vmem_shared>>
    %dma_wait3A_180 = arith.constant 0 : i32
    %dma_wait3A_181 = tpu.memref_slice %arg8[%add3A_47, %dma_wait3A_180] : memref<10240x128xf32, #tpu.memory_space<vmem_shared>> -> memref<80x128xf32, #tpu.memory_space<vmem_shared>>
    %dma_wait3A_182 = arith.constant 0 : i32
    %dma_wait3A_183 = arith.constant 0 : i32
    %dma_wait3A_184 = tpu.memref_slice %arg7[%dma_wait3A_173, %dma_wait3A_182, %dma_wait3A_183] : memref<3x80x128xf32, #tpu.memory_space<vmem>> -> memref<1x80x128xf32, #tpu.memory_space<vmem>>
    %dma_wait3A_185 = tpu.memref_squeeze %dma_wait3A_184 : memref<1x80x128xf32, #tpu.memory_space<vmem>> -> memref<80x128xf32, #tpu.memory_space<vmem>>
    tpu.wait_dma2 semaphore(%arg9 : memref<!tpu.dma_semaphore, #tpu.memory_space<semaphore_mem>>) src(%dma_wait3A_185 : memref<80x128xf32, #tpu.memory_space<vmem>>) dst(%dma_wait3A_181 : memref<80x128xf32, #tpu.memory_space<vmem_shared>>)
    %dma_wait3A_186 = arith.constant 0 : i32
    %dma_wait3A_187 = arith.constant 0 : i32
    %dma_wait3A_188 = arith.constant 0 : i32
    %dma_wait3A_189 = tpu.memref_slice %arg7[%dma_wait3A_186, %dma_wait3A_187, %dma_wait3A_188] : memref<3x80x128xf32, #tpu.memory_space<vmem>> -> memref<1x80x128xf32, #tpu.memory_space<vmem>>
    %dma_wait3A_190 = tpu.memref_squeeze %dma_wait3A_189 : memref<1x80x128xf32, #tpu.memory_space<vmem>> -> memref<80x128xf32, #tpu.memory_space<vmem>>
    %dma_wait3A_191 = arith.constant 0 : i32
    %dma_wait3A_192 = tpu.memref_slice %arg8[%add3A_64, %dma_wait3A_191] : memref<10240x128xf32, #tpu.memory_space<vmem_shared>> -> memref<80x128xf32, #tpu.memory_space<vmem_shared>>
    %dma_wait3A_193 = arith.constant 0 : i32
    %dma_wait3A_194 = tpu.memref_slice %arg8[%add3A_64, %dma_wait3A_193] : memref<10240x128xf32, #tpu.memory_space<vmem_shared>> -> memref<80x128xf32, #tpu.memory_space<vmem_shared>>
    %dma_wait3A_195 = arith.constant 0 : i32
    %dma_wait3A_196 = arith.constant 0 : i32
    %dma_wait3A_197 = tpu.memref_slice %arg7[%dma_wait3A_186, %dma_wait3A_195, %dma_wait3A_196] : memref<3x80x128xf32, #tpu.memory_space<vmem>> -> memref<1x80x128xf32, #tpu.memory_space<vmem>>
    %dma_wait3A_198 = tpu.memref_squeeze %dma_wait3A_197 : memref<1x80x128xf32, #tpu.memory_space<vmem>> -> memref<80x128xf32, #tpu.memory_space<vmem>>
    tpu.wait_dma2 semaphore(%arg9 : memref<!tpu.dma_semaphore, #tpu.memory_space<semaphore_mem>>) src(%dma_wait3A_198 : memref<80x128xf32, #tpu.memory_space<vmem>>) dst(%dma_wait3A_194 : memref<80x128xf32, #tpu.memory_space<vmem_shared>>)
    %dma_wait3A_199 = arith.constant 0 : i32
    %dma_wait3A_200 = arith.constant 0 : i32
    %dma_wait3A_201 = arith.constant 0 : i32
    %dma_wait3A_202 = tpu.memref_slice %arg7[%dma_wait3A_199, %dma_wait3A_200, %dma_wait3A_201] : memref<3x80x128xf32, #tpu.memory_space<vmem>> -> memref<1x80x128xf32, #tpu.memory_space<vmem>>
    %dma_wait3A_203 = tpu.memref_squeeze %dma_wait3A_202 : memref<1x80x128xf32, #tpu.memory_space<vmem>> -> memref<80x128xf32, #tpu.memory_space<vmem>>
    %dma_wait3A_204 = arith.constant 0 : i32
    %dma_wait3A_205 = tpu.memref_slice %arg8[%add3A_81, %dma_wait3A_204] : memref<10240x128xf32, #tpu.memory_space<vmem_shared>> -> memref<80x128xf32, #tpu.memory_space<vmem_shared>>
    %dma_wait3A_206 = arith.constant 0 : i32
    %dma_wait3A_207 = tpu.memref_slice %arg8[%add3A_81, %dma_wait3A_206] : memref<10240x128xf32, #tpu.memory_space<vmem_shared>> -> memref<80x128xf32, #tpu.memory_space<vmem_shared>>
    %dma_wait3A_208 = arith.constant 0 : i32
    %dma_wait3A_209 = arith.constant 0 : i32
    %dma_wait3A_210 = tpu.memref_slice %arg7[%dma_wait3A_199, %dma_wait3A_208, %dma_wait3A_209] : memref<3x80x128xf32, #tpu.memory_space<vmem>> -> memref<1x80x128xf32, #tpu.memory_space<vmem>>
    %dma_wait3A_211 = tpu.memref_squeeze %dma_wait3A_210 : memref<1x80x128xf32, #tpu.memory_space<vmem>> -> memref<80x128xf32, #tpu.memory_space<vmem>>
    tpu.wait_dma2 semaphore(%arg9 : memref<!tpu.dma_semaphore, #tpu.memory_space<semaphore_mem>>) src(%dma_wait3A_211 : memref<80x128xf32, #tpu.memory_space<vmem>>) dst(%dma_wait3A_207 : memref<80x128xf32, #tpu.memory_space<vmem_shared>>)
    %dma_wait3A_212 = arith.constant 0 : i32
    %dma_wait3A_213 = arith.constant 0 : i32
    %dma_wait3A_214 = arith.constant 0 : i32
    %dma_wait3A_215 = tpu.memref_slice %arg7[%dma_wait3A_212, %dma_wait3A_213, %dma_wait3A_214] : memref<3x80x128xf32, #tpu.memory_space<vmem>> -> memref<1x80x128xf32, #tpu.memory_space<vmem>>
    %dma_wait3A_216 = tpu.memref_squeeze %dma_wait3A_215 : memref<1x80x128xf32, #tpu.memory_space<vmem>> -> memref<80x128xf32, #tpu.memory_space<vmem>>
    %dma_wait3A_217 = arith.constant 0 : i32
    %dma_wait3A_218 = tpu.memref_slice %arg8[%add3A_98, %dma_wait3A_217] : memref<10240x128xf32, #tpu.memory_space<vmem_shared>> -> memref<80x128xf32, #tpu.memory_space<vmem_shared>>
    %dma_wait3A_219 = arith.constant 0 : i32
    %dma_wait3A_220 = tpu.memref_slice %arg8[%add3A_98, %dma_wait3A_219] : memref<10240x128xf32, #tpu.memory_space<vmem_shared>> -> memref<80x128xf32, #tpu.memory_space<vmem_shared>>
    %dma_wait3A_221 = arith.constant 0 : i32
    %dma_wait3A_222 = arith.constant 0 : i32
    %dma_wait3A_223 = tpu.memref_slice %arg7[%dma_wait3A_212, %dma_wait3A_221, %dma_wait3A_222] : memref<3x80x128xf32, #tpu.memory_space<vmem>> -> memref<1x80x128xf32, #tpu.memory_space<vmem>>
    %dma_wait3A_224 = tpu.memref_squeeze %dma_wait3A_223 : memref<1x80x128xf32, #tpu.memory_space<vmem>> -> memref<80x128xf32, #tpu.memory_space<vmem>>
    tpu.wait_dma2 semaphore(%arg9 : memref<!tpu.dma_semaphore, #tpu.memory_space<semaphore_mem>>) src(%dma_wait3A_224 : memref<80x128xf32, #tpu.memory_space<vmem>>) dst(%dma_wait3A_220 : memref<80x128xf32, #tpu.memory_space<vmem_shared>>)
    %dma_wait3A_225 = arith.constant 0 : i32
    %dma_wait3A_226 = arith.constant 0 : i32
    %dma_wait3A_227 = arith.constant 0 : i32
    %dma_wait3A_228 = tpu.memref_slice %arg7[%dma_wait3A_225, %dma_wait3A_226, %dma_wait3A_227] : memref<3x80x128xf32, #tpu.memory_space<vmem>> -> memref<1x80x128xf32, #tpu.memory_space<vmem>>
    %dma_wait3A_229 = tpu.memref_squeeze %dma_wait3A_228 : memref<1x80x128xf32, #tpu.memory_space<vmem>> -> memref<80x128xf32, #tpu.memory_space<vmem>>
    %dma_wait3A_230 = arith.constant 0 : i32
    %dma_wait3A_231 = tpu.memref_slice %arg8[%add3A_115, %dma_wait3A_230] : memref<10240x128xf32, #tpu.memory_space<vmem_shared>> -> memref<80x128xf32, #tpu.memory_space<vmem_shared>>
    %dma_wait3A_232 = arith.constant 0 : i32
    %dma_wait3A_233 = tpu.memref_slice %arg8[%add3A_115, %dma_wait3A_232] : memref<10240x128xf32, #tpu.memory_space<vmem_shared>> -> memref<80x128xf32, #tpu.memory_space<vmem_shared>>
    %dma_wait3A_234 = arith.constant 0 : i32
    %dma_wait3A_235 = arith.constant 0 : i32
    %dma_wait3A_236 = tpu.memref_slice %arg7[%dma_wait3A_225, %dma_wait3A_234, %dma_wait3A_235] : memref<3x80x128xf32, #tpu.memory_space<vmem>> -> memref<1x80x128xf32, #tpu.memory_space<vmem>>
    %dma_wait3A_237 = tpu.memref_squeeze %dma_wait3A_236 : memref<1x80x128xf32, #tpu.memory_space<vmem>> -> memref<80x128xf32, #tpu.memory_space<vmem>>
    tpu.wait_dma2 semaphore(%arg9 : memref<!tpu.dma_semaphore, #tpu.memory_space<semaphore_mem>>) src(%dma_wait3A_237 : memref<80x128xf32, #tpu.memory_space<vmem>>) dst(%dma_wait3A_233 : memref<80x128xf32, #tpu.memory_space<vmem_shared>>)
    %dma_wait3A_238 = arith.constant 0 : i32
    %dma_wait3A_239 = arith.constant 0 : i32
    %dma_wait3A_240 = arith.constant 0 : i32
    %dma_wait3A_241 = tpu.memref_slice %arg7[%dma_wait3A_238, %dma_wait3A_239, %dma_wait3A_240] : memref<3x80x128xf32, #tpu.memory_space<vmem>> -> memref<1x80x128xf32, #tpu.memory_space<vmem>>
    %dma_wait3A_242 = tpu.memref_squeeze %dma_wait3A_241 : memref<1x80x128xf32, #tpu.memory_space<vmem>> -> memref<80x128xf32, #tpu.memory_space<vmem>>
    %dma_wait3A_243 = arith.constant 0 : i32
    %dma_wait3A_244 = tpu.memref_slice %arg8[%add3A_132, %dma_wait3A_243] : memref<10240x128xf32, #tpu.memory_space<vmem_shared>> -> memref<80x128xf32, #tpu.memory_space<vmem_shared>>
    %dma_wait3A_245 = arith.constant 0 : i32
    %dma_wait3A_246 = tpu.memref_slice %arg8[%add3A_132, %dma_wait3A_245] : memref<10240x128xf32, #tpu.memory_space<vmem_shared>> -> memref<80x128xf32, #tpu.memory_space<vmem_shared>>
    %dma_wait3A_247 = arith.constant 0 : i32
    %dma_wait3A_248 = arith.constant 0 : i32
    %dma_wait3A_249 = tpu.memref_slice %arg7[%dma_wait3A_238, %dma_wait3A_247, %dma_wait3A_248] : memref<3x80x128xf32, #tpu.memory_space<vmem>> -> memref<1x80x128xf32, #tpu.memory_space<vmem>>
    %dma_wait3A_250 = tpu.memref_squeeze %dma_wait3A_249 : memref<1x80x128xf32, #tpu.memory_space<vmem>> -> memref<80x128xf32, #tpu.memory_space<vmem>>
    tpu.wait_dma2 semaphore(%arg9 : memref<!tpu.dma_semaphore, #tpu.memory_space<semaphore_mem>>) src(%dma_wait3A_250 : memref<80x128xf32, #tpu.memory_space<vmem>>) dst(%dma_wait3A_246 : memref<80x128xf32, #tpu.memory_space<vmem_shared>>)
    %barrier3A = arith.constant 0 : index
    tpu.barrier barrier_id(%barrier3A)
    %scan3A_251 = arith.constant 0 : i32
    %scan3A_252 = arith.constant 0 : i32
    %scan3A_253 = arith.constant 5 : i32
    %scan3A_254 = arith.addi %scan3A_252, %scan3A_253 : i32
    %scan3A_255 = arith.constant 1 : i32
    scf.for %scan3A_265 = %scan3A_252 to %scan3A_254 step %scan3A_255  : i32 {
      %mul3A_266 = arith.constant 25 : i32
      %mul3A_267 = arith.muli %scan3A_265, %mul3A_266 : i32
      %add3A_268 = arith.constant 0 : i32
      %add3A_269 = arith.addi %mul3A_267, %add3A_268 : i32
      %add3A_270 = arith.constant 320000 : i32
      %add3A_271 = arith.addi %add3A_270, %mul3A_2 : i32
      %mul3A_272 = arith.constant 80 : i32
      %mul3A_273 = arith.muli %add3A_269, %mul3A_272 : i32
      %add3A_274 = arith.addi %add3A_271, %mul3A_273 : i32
      %dma_start3A_275 = arith.constant 0 : i32
      %dma_start3A_276 = arith.constant 0 : i32
      %dma_start3A_277 = tpu.memref_slice %arg6[%dma_start3A_275, %dma_start3A_276] : memref<4x80xi32, #tpu.memory_space<vmem>> -> memref<1x80xi32, #tpu.memory_space<vmem>>
      %dma_start3A_278 = tpu.memref_squeeze %dma_start3A_277 : memref<1x80xi32, #tpu.memory_space<vmem>> -> memref<80xi32, #tpu.memory_space<vmem>>
      %dma_start3A_279 = tpu.memref_slice %arg2[%add3A_274] : memref<640000xi32, #tpu.memory_space<hbm>> -> memref<80xi32, #tpu.memory_space<hbm>>
      %dma_start3A_280 = arith.constant 0 : i32
      %dma_start3A_281 = tpu.memref_slice %arg6[%dma_start3A_275, %dma_start3A_280] : memref<4x80xi32, #tpu.memory_space<vmem>> -> memref<1x80xi32, #tpu.memory_space<vmem>>
      %dma_start3A_282 = tpu.memref_squeeze %dma_start3A_281 : memref<1x80xi32, #tpu.memory_space<vmem>> -> memref<80xi32, #tpu.memory_space<vmem>>
      %dma_start3A_283 = tpu.memref_slice %arg2[%add3A_274] : memref<640000xi32, #tpu.memory_space<hbm>> -> memref<80xi32, #tpu.memory_space<hbm>>
      tpu.enqueue_dma source(%dma_start3A_283 : memref<80xi32, #tpu.memory_space<hbm>>) target(%dma_start3A_282 : memref<80xi32, #tpu.memory_space<vmem>>) target_semaphore(%arg9 : memref<!tpu.dma_semaphore, #tpu.memory_space<semaphore_mem>>)
      %add3A_284 = arith.constant 1 : i32
      %add3A_285 = arith.addi %mul3A_267, %add3A_284 : i32
      %add3A_286 = arith.constant 320000 : i32
      %add3A_287 = arith.addi %add3A_286, %mul3A_2 : i32
      %mul3A_288 = arith.constant 80 : i32
      %mul3A_289 = arith.muli %add3A_285, %mul3A_288 : i32
      %add3A_290 = arith.addi %add3A_287, %mul3A_289 : i32
      %dma_start3A_291 = arith.constant 1 : i32
      %dma_start3A_292 = arith.constant 0 : i32
      %dma_start3A_293 = tpu.memref_slice %arg6[%dma_start3A_291, %dma_start3A_292] : memref<4x80xi32, #tpu.memory_space<vmem>> -> memref<1x80xi32, #tpu.memory_space<vmem>>
      %dma_start3A_294 = tpu.memref_squeeze %dma_start3A_293 : memref<1x80xi32, #tpu.memory_space<vmem>> -> memref<80xi32, #tpu.memory_space<vmem>>
      %dma_start3A_295 = tpu.memref_slice %arg2[%add3A_290] : memref<640000xi32, #tpu.memory_space<hbm>> -> memref<80xi32, #tpu.memory_space<hbm>>
      %dma_start3A_296 = arith.constant 0 : i32
      %dma_start3A_297 = tpu.memref_slice %arg6[%dma_start3A_291, %dma_start3A_296] : memref<4x80xi32, #tpu.memory_space<vmem>> -> memref<1x80xi32, #tpu.memory_space<vmem>>
      %dma_start3A_298 = tpu.memref_squeeze %dma_start3A_297 : memref<1x80xi32, #tpu.memory_space<vmem>> -> memref<80xi32, #tpu.memory_space<vmem>>
      %dma_start3A_299 = tpu.memref_slice %arg2[%add3A_290] : memref<640000xi32, #tpu.memory_space<hbm>> -> memref<80xi32, #tpu.memory_space<hbm>>
      tpu.enqueue_dma source(%dma_start3A_299 : memref<80xi32, #tpu.memory_space<hbm>>) target(%dma_start3A_298 : memref<80xi32, #tpu.memory_space<vmem>>) target_semaphore(%arg10 : memref<!tpu.dma_semaphore, #tpu.memory_space<semaphore_mem>>)
      %add3A_300 = arith.constant 2 : i32
      %add3A_301 = arith.addi %mul3A_267, %add3A_300 : i32
      %add3A_302 = arith.constant 320000 : i32
      %add3A_303 = arith.addi %add3A_302, %mul3A_2 : i32
      %mul3A_304 = arith.constant 80 : i32
      %mul3A_305 = arith.muli %add3A_301, %mul3A_304 : i32
      %add3A_306 = arith.addi %add3A_303, %mul3A_305 : i32
      %dma_start3A_307 = arith.constant 2 : i32
      %dma_start3A_308 = arith.constant 0 : i32
      %dma_start3A_309 = tpu.memref_slice %arg6[%dma_start3A_307, %dma_start3A_308] : memref<4x80xi32, #tpu.memory_space<vmem>> -> memref<1x80xi32, #tpu.memory_space<vmem>>
      %dma_start3A_310 = tpu.memref_squeeze %dma_start3A_309 : memref<1x80xi32, #tpu.memory_space<vmem>> -> memref<80xi32, #tpu.memory_space<vmem>>
      %dma_start3A_311 = tpu.memref_slice %arg2[%add3A_306] : memref<640000xi32, #tpu.memory_space<hbm>> -> memref<80xi32, #tpu.memory_space<hbm>>
      %dma_start3A_312 = arith.constant 0 : i32
      %dma_start3A_313 = tpu.memref_slice %arg6[%dma_start3A_307, %dma_start3A_312] : memref<4x80xi32, #tpu.memory_space<vmem>> -> memref<1x80xi32, #tpu.memory_space<vmem>>
      %dma_start3A_314 = tpu.memref_squeeze %dma_start3A_313 : memref<1x80xi32, #tpu.memory_space<vmem>> -> memref<80xi32, #tpu.memory_space<vmem>>
      %dma_start3A_315 = tpu.memref_slice %arg2[%add3A_306] : memref<640000xi32, #tpu.memory_space<hbm>> -> memref<80xi32, #tpu.memory_space<hbm>>
      tpu.enqueue_dma source(%dma_start3A_315 : memref<80xi32, #tpu.memory_space<hbm>>) target(%dma_start3A_314 : memref<80xi32, #tpu.memory_space<vmem>>) target_semaphore(%arg11 : memref<!tpu.dma_semaphore, #tpu.memory_space<semaphore_mem>>)
      %add3A_316 = arith.constant 0 : i32
      %add3A_317 = arith.addi %mul3A_267, %add3A_316 : i32
      %mul3A_318 = arith.constant 80 : i32
      %mul3A_319 = arith.muli %add3A_317, %mul3A_318 : i32
      %dma_start3A_320 = arith.constant 0 : i32
      %dma_start3A_321 = arith.constant 0 : i32
      %dma_start3A_322 = arith.constant 0 : i32
      %dma_start3A_323 = tpu.memref_slice %arg7[%dma_start3A_320, %dma_start3A_321, %dma_start3A_322] : memref<3x80x128xf32, #tpu.memory_space<vmem>> -> memref<1x80x128xf32, #tpu.memory_space<vmem>>
      %dma_start3A_324 = tpu.memref_squeeze %dma_start3A_323 : memref<1x80x128xf32, #tpu.memory_space<vmem>> -> memref<80x128xf32, #tpu.memory_space<vmem>>
      %dma_start3A_325 = tpu.memref_slice %arg5[%mul3A_319] : memref<10000xi32, #tpu.memory_space<vmem>> -> memref<80xi32, #tpu.memory_space<vmem>>
      %dma_start3A_326 = arith.constant 0 : i32
      %dma_start3A_327 = arith.constant 0 : i32
      %dma_start3A_328 = tpu.memref_slice %arg3[%dma_start3A_326, %dma_start3A_327] : memref<10000x128xf32, #tpu.memory_space<hbm>> -> memref<10000x128xf32, #tpu.memory_space<hbm>>
      tpu.enqueue_indirect_dma source(%dma_start3A_328 : memref<10000x128xf32, #tpu.memory_space<hbm>>) target(%dma_start3A_324 : memref<80x128xf32, #tpu.memory_space<vmem>>) offsets(%dma_start3A_325 : memref<80xi32, #tpu.memory_space<vmem>>) semaphore(%arg13 : memref<!tpu.dma_semaphore, #tpu.memory_space<semaphore_mem>>)
      %add3A_329 = arith.constant 1 : i32
      %add3A_330 = arith.addi %mul3A_267, %add3A_329 : i32
      %mul3A_331 = arith.constant 80 : i32
      %mul3A_332 = arith.muli %add3A_330, %mul3A_331 : i32
      %dma_start3A_333 = arith.constant 1 : i32
      %dma_start3A_334 = arith.constant 0 : i32
      %dma_start3A_335 = arith.constant 0 : i32
      %dma_start3A_336 = tpu.memref_slice %arg7[%dma_start3A_333, %dma_start3A_334, %dma_start3A_335] : memref<3x80x128xf32, #tpu.memory_space<vmem>> -> memref<1x80x128xf32, #tpu.memory_space<vmem>>
      %dma_start3A_337 = tpu.memref_squeeze %dma_start3A_336 : memref<1x80x128xf32, #tpu.memory_space<vmem>> -> memref<80x128xf32, #tpu.memory_space<vmem>>
      %dma_start3A_338 = tpu.memref_slice %arg5[%mul3A_332] : memref<10000xi32, #tpu.memory_space<vmem>> -> memref<80xi32, #tpu.memory_space<vmem>>
      %dma_start3A_339 = arith.constant 0 : i32
      %dma_start3A_340 = arith.constant 0 : i32
      %dma_start3A_341 = tpu.memref_slice %arg3[%dma_start3A_339, %dma_start3A_340] : memref<10000x128xf32, #tpu.memory_space<hbm>> -> memref<10000x128xf32, #tpu.memory_space<hbm>>
      tpu.enqueue_indirect_dma source(%dma_start3A_341 : memref<10000x128xf32, #tpu.memory_space<hbm>>) target(%dma_start3A_337 : memref<80x128xf32, #tpu.memory_space<vmem>>) offsets(%dma_start3A_338 : memref<80xi32, #tpu.memory_space<vmem>>) semaphore(%arg14 : memref<!tpu.dma_semaphore, #tpu.memory_space<semaphore_mem>>)
      %add3A_342 = arith.constant 0 : i32
      %add3A_343 = arith.addi %mul3A_267, %add3A_342 : i32
      %add3A_344 = arith.constant 2 : i32
      %add3A_345 = arith.addi %add3A_343, %add3A_344 : i32
      %mul3A_346 = arith.constant 80 : i32
      %mul3A_347 = arith.muli %add3A_345, %mul3A_346 : i32
      %dma_start3A_348 = arith.constant 2 : i32
      %dma_start3A_349 = arith.constant 0 : i32
      %dma_start3A_350 = arith.constant 0 : i32
      %dma_start3A_351 = tpu.memref_slice %arg7[%dma_start3A_348, %dma_start3A_349, %dma_start3A_350] : memref<3x80x128xf32, #tpu.memory_space<vmem>> -> memref<1x80x128xf32, #tpu.memory_space<vmem>>
      %dma_start3A_352 = tpu.memref_squeeze %dma_start3A_351 : memref<1x80x128xf32, #tpu.memory_space<vmem>> -> memref<80x128xf32, #tpu.memory_space<vmem>>
      %dma_start3A_353 = tpu.memref_slice %arg5[%mul3A_347] : memref<10000xi32, #tpu.memory_space<vmem>> -> memref<80xi32, #tpu.memory_space<vmem>>
      %dma_start3A_354 = arith.constant 0 : i32
      %dma_start3A_355 = arith.constant 0 : i32
      %dma_start3A_356 = tpu.memref_slice %arg3[%dma_start3A_354, %dma_start3A_355] : memref<10000x128xf32, #tpu.memory_space<hbm>> -> memref<10000x128xf32, #tpu.memory_space<hbm>>
      tpu.enqueue_indirect_dma source(%dma_start3A_356 : memref<10000x128xf32, #tpu.memory_space<hbm>>) target(%dma_start3A_352 : memref<80x128xf32, #tpu.memory_space<vmem>>) offsets(%dma_start3A_353 : memref<80xi32, #tpu.memory_space<vmem>>) semaphore(%arg15 : memref<!tpu.dma_semaphore, #tpu.memory_space<semaphore_mem>>)
      %add3A_357 = arith.constant 0 : i32
      %add3A_358 = arith.addi %mul3A_267, %add3A_357 : i32
      %add3A_359 = arith.constant 3 : i32
      %add3A_360 = arith.addi %add3A_358, %add3A_359 : i32
      %add3A_361 = arith.constant 320000 : i32
      %add3A_362 = arith.addi %add3A_361, %mul3A_2 : i32
      %mul3A_363 = arith.constant 80 : i32
      %mul3A_364 = arith.muli %add3A_360, %mul3A_363 : i32
      %add3A_365 = arith.addi %add3A_362, %mul3A_364 : i32
      %dma_start3A_366 = arith.constant 3 : i32
      %dma_start3A_367 = arith.constant 0 : i32
      %dma_start3A_368 = tpu.memref_slice %arg6[%dma_start3A_366, %dma_start3A_367] : memref<4x80xi32, #tpu.memory_space<vmem>> -> memref<1x80xi32, #tpu.memory_space<vmem>>
      %dma_start3A_369 = tpu.memref_squeeze %dma_start3A_368 : memref<1x80xi32, #tpu.memory_space<vmem>> -> memref<80xi32, #tpu.memory_space<vmem>>
      %dma_start3A_370 = tpu.memref_slice %arg2[%add3A_365] : memref<640000xi32, #tpu.memory_space<hbm>> -> memref<80xi32, #tpu.memory_space<hbm>>
      %dma_start3A_371 = arith.constant 0 : i32
      %dma_start3A_372 = tpu.memref_slice %arg6[%dma_start3A_366, %dma_start3A_371] : memref<4x80xi32, #tpu.memory_space<vmem>> -> memref<1x80xi32, #tpu.memory_space<vmem>>
      %dma_start3A_373 = tpu.memref_squeeze %dma_start3A_372 : memref<1x80xi32, #tpu.memory_space<vmem>> -> memref<80xi32, #tpu.memory_space<vmem>>
      %dma_start3A_374 = tpu.memref_slice %arg2[%add3A_365] : memref<640000xi32, #tpu.memory_space<hbm>> -> memref<80xi32, #tpu.memory_space<hbm>>
      tpu.enqueue_dma source(%dma_start3A_374 : memref<80xi32, #tpu.memory_space<hbm>>) target(%dma_start3A_373 : memref<80xi32, #tpu.memory_space<vmem>>) target_semaphore(%arg12 : memref<!tpu.dma_semaphore, #tpu.memory_space<semaphore_mem>>)
      %dma_wait3A_375 = arith.constant 0 : i32
      %dma_wait3A_376 = arith.constant 0 : i32
      %dma_wait3A_377 = arith.constant 0 : i32
      %dma_wait3A_378 = tpu.memref_slice %arg7[%dma_wait3A_375, %dma_wait3A_376, %dma_wait3A_377] : memref<3x80x128xf32, #tpu.memory_space<vmem>> -> memref<1x80x128xf32, #tpu.memory_space<vmem>>
      %dma_wait3A_379 = tpu.memref_squeeze %dma_wait3A_378 : memref<1x80x128xf32, #tpu.memory_space<vmem>> -> memref<80x128xf32, #tpu.memory_space<vmem>>
      %dma_wait3A_380 = tpu.memref_slice %arg5[%mul3A_319] : memref<10000xi32, #tpu.memory_space<vmem>> -> memref<80xi32, #tpu.memory_space<vmem>>
      %dma_wait3A_381 = arith.constant 0 : i32
      %dma_wait3A_382 = arith.constant 0 : i32
      %dma_wait3A_383 = tpu.memref_slice %arg3[%dma_wait3A_381, %dma_wait3A_382] : memref<10000x128xf32, #tpu.memory_space<hbm>> -> memref<10000x128xf32, #tpu.memory_space<hbm>>
      tpu.wait_indirect_dma semaphore(%arg13 : memref<!tpu.dma_semaphore, #tpu.memory_space<semaphore_mem>>) src(%dma_wait3A_383 : memref<10000x128xf32, #tpu.memory_space<hbm>>) dst(%dma_wait3A_379 : memref<80x128xf32, #tpu.memory_space<vmem>>)
      %dma_wait3A_384 = arith.constant 0 : i32
      %dma_wait3A_385 = arith.constant 0 : i32
      %dma_wait3A_386 = tpu.memref_slice %arg6[%dma_wait3A_384, %dma_wait3A_385] : memref<4x80xi32, #tpu.memory_space<vmem>> -> memref<1x80xi32, #tpu.memory_space<vmem>>
      %dma_wait3A_387 = tpu.memref_squeeze %dma_wait3A_386 : memref<1x80xi32, #tpu.memory_space<vmem>> -> memref<80xi32, #tpu.memory_space<vmem>>
      %dma_wait3A_388 = tpu.memref_slice %arg2[%add3A_274] : memref<640000xi32, #tpu.memory_space<hbm>> -> memref<80xi32, #tpu.memory_space<hbm>>
      %dma_wait3A_389 = arith.constant 0 : i32
      %dma_wait3A_390 = tpu.memref_slice %arg6[%dma_wait3A_384, %dma_wait3A_389] : memref<4x80xi32, #tpu.memory_space<vmem>> -> memref<1x80xi32, #tpu.memory_space<vmem>>
      %dma_wait3A_391 = tpu.memref_squeeze %dma_wait3A_390 : memref<1x80xi32, #tpu.memory_space<vmem>> -> memref<80xi32, #tpu.memory_space<vmem>>
      %dma_wait3A_392 = tpu.memref_slice %arg2[%add3A_274] : memref<640000xi32, #tpu.memory_space<hbm>> -> memref<80xi32, #tpu.memory_space<hbm>>
      tpu.wait_dma2 semaphore(%arg9 : memref<!tpu.dma_semaphore, #tpu.memory_space<semaphore_mem>>) src(%dma_wait3A_392 : memref<80xi32, #tpu.memory_space<hbm>>) dst(%dma_wait3A_391 : memref<80xi32, #tpu.memory_space<vmem>>)
      %dma_start3A_393 = arith.constant 0 : i32
      %dma_start3A_394 = arith.constant 0 : i32
      %dma_start3A_395 = arith.constant 0 : i32
      %dma_start3A_396 = arith.constant 0 : i32
      %dma_start3A_397 = tpu.memref_slice %arg7[%dma_start3A_393, %dma_start3A_395, %dma_start3A_396] : memref<3x80x128xf32, #tpu.memory_space<vmem>> -> memref<1x80x128xf32, #tpu.memory_space<vmem>>
      %dma_start3A_398 = tpu.memref_squeeze %dma_start3A_397 : memref<1x80x128xf32, #tpu.memory_space<vmem>> -> memref<80x128xf32, #tpu.memory_space<vmem>>
      %dma_start3A_399 = arith.constant 0 : i32
      %dma_start3A_400 = tpu.memref_slice %arg6[%dma_start3A_394, %dma_start3A_399] : memref<4x80xi32, #tpu.memory_space<vmem>> -> memref<1x80xi32, #tpu.memory_space<vmem>>
      %dma_start3A_401 = tpu.memref_squeeze %dma_start3A_400 : memref<1x80xi32, #tpu.memory_space<vmem>> -> memref<80xi32, #tpu.memory_space<vmem>>
      %dma_start3A_402 = arith.constant 0 : i32
      %dma_start3A_403 = arith.constant 0 : i32
      %dma_start3A_404 = tpu.memref_slice %arg8[%dma_start3A_402, %dma_start3A_403] : memref<10240x128xf32, #tpu.memory_space<vmem_shared>> -> memref<10240x128xf32, #tpu.memory_space<vmem_shared>>
      tpu.enqueue_indirect_dma source(%dma_start3A_398 : memref<80x128xf32, #tpu.memory_space<vmem>>) target(%dma_start3A_404 : memref<10240x128xf32, #tpu.memory_space<vmem_shared>>) offsets(%dma_start3A_401 : memref<80xi32, #tpu.memory_space<vmem>>) semaphore(%arg16 : memref<!tpu.dma_semaphore, #tpu.memory_space<semaphore_mem>>) {add = true}
      %dma_wait3A_405 = arith.constant 0 : i32
      %dma_wait3A_406 = arith.constant 0 : i32
      %dma_wait3A_407 = arith.constant 0 : i32
      %dma_wait3A_408 = arith.constant 0 : i32
      %dma_wait3A_409 = tpu.memref_slice %arg7[%dma_wait3A_405, %dma_wait3A_407, %dma_wait3A_408] : memref<3x80x128xf32, #tpu.memory_space<vmem>> -> memref<1x80x128xf32, #tpu.memory_space<vmem>>
      %dma_wait3A_410 = tpu.memref_squeeze %dma_wait3A_409 : memref<1x80x128xf32, #tpu.memory_space<vmem>> -> memref<80x128xf32, #tpu.memory_space<vmem>>
      %dma_wait3A_411 = arith.constant 0 : i32
      %dma_wait3A_412 = tpu.memref_slice %arg6[%dma_wait3A_406, %dma_wait3A_411] : memref<4x80xi32, #tpu.memory_space<vmem>> -> memref<1x80xi32, #tpu.memory_space<vmem>>
      %dma_wait3A_413 = tpu.memref_squeeze %dma_wait3A_412 : memref<1x80xi32, #tpu.memory_space<vmem>> -> memref<80xi32, #tpu.memory_space<vmem>>
      %dma_wait3A_414 = arith.constant 0 : i32
      %dma_wait3A_415 = arith.constant 0 : i32
      %dma_wait3A_416 = tpu.memref_slice %arg8[%dma_wait3A_414, %dma_wait3A_415] : memref<10240x128xf32, #tpu.memory_space<vmem_shared>> -> memref<10240x128xf32, #tpu.memory_space<vmem_shared>>
      tpu.wait_indirect_dma semaphore(%arg16 : memref<!tpu.dma_semaphore, #tpu.memory_space<semaphore_mem>>) src(%dma_wait3A_410 : memref<80x128xf32, #tpu.memory_space<vmem>>) dst(%dma_wait3A_416 : memref<10240x128xf32, #tpu.memory_space<vmem_shared>>)
      %add3A_417 = arith.constant 1 : i32
      %add3A_418 = arith.addi %mul3A_267, %add3A_417 : i32
      %add3A_419 = arith.constant 2 : i32
      %add3A_420 = arith.addi %add3A_418, %add3A_419 : i32
      %mul3A_421 = arith.constant 80 : i32
      %mul3A_422 = arith.muli %add3A_420, %mul3A_421 : i32
      %dma_start3A_423 = arith.constant 0 : i32
      %dma_start3A_424 = arith.constant 0 : i32
      %dma_start3A_425 = arith.constant 0 : i32
      %dma_start3A_426 = tpu.memref_slice %arg7[%dma_start3A_423, %dma_start3A_424, %dma_start3A_425] : memref<3x80x128xf32, #tpu.memory_space<vmem>> -> memref<1x80x128xf32, #tpu.memory_space<vmem>>
      %dma_start3A_427 = tpu.memref_squeeze %dma_start3A_426 : memref<1x80x128xf32, #tpu.memory_space<vmem>> -> memref<80x128xf32, #tpu.memory_space<vmem>>
      %dma_start3A_428 = tpu.memref_slice %arg5[%mul3A_422] : memref<10000xi32, #tpu.memory_space<vmem>> -> memref<80xi32, #tpu.memory_space<vmem>>
      %dma_start3A_429 = arith.constant 0 : i32
      %dma_start3A_430 = arith.constant 0 : i32
      %dma_start3A_431 = tpu.memref_slice %arg3[%dma_start3A_429, %dma_start3A_430] : memref<10000x128xf32, #tpu.memory_space<hbm>> -> memref<10000x128xf32, #tpu.memory_space<hbm>>
      tpu.enqueue_indirect_dma source(%dma_start3A_431 : memref<10000x128xf32, #tpu.memory_space<hbm>>) target(%dma_start3A_427 : memref<80x128xf32, #tpu.memory_space<vmem>>) offsets(%dma_start3A_428 : memref<80xi32, #tpu.memory_space<vmem>>) semaphore(%arg13 : memref<!tpu.dma_semaphore, #tpu.memory_space<semaphore_mem>>)
      %add3A_432 = arith.constant 1 : i32
      %add3A_433 = arith.addi %mul3A_267, %add3A_432 : i32
      %add3A_434 = arith.constant 3 : i32
      %add3A_435 = arith.addi %add3A_433, %add3A_434 : i32
      %add3A_436 = arith.constant 320000 : i32
      %add3A_437 = arith.addi %add3A_436, %mul3A_2 : i32
      %mul3A_438 = arith.constant 80 : i32
      %mul3A_439 = arith.muli %add3A_435, %mul3A_438 : i32
      %add3A_440 = arith.addi %add3A_437, %mul3A_439 : i32
      %dma_start3A_441 = arith.constant 0 : i32
      %dma_start3A_442 = arith.constant 0 : i32
      %dma_start3A_443 = tpu.memref_slice %arg6[%dma_start3A_441, %dma_start3A_442] : memref<4x80xi32, #tpu.memory_space<vmem>> -> memref<1x80xi32, #tpu.memory_space<vmem>>
      %dma_start3A_444 = tpu.memref_squeeze %dma_start3A_443 : memref<1x80xi32, #tpu.memory_space<vmem>> -> memref<80xi32, #tpu.memory_space<vmem>>
      %dma_start3A_445 = tpu.memref_slice %arg2[%add3A_440] : memref<640000xi32, #tpu.memory_space<hbm>> -> memref<80xi32, #tpu.memory_space<hbm>>
      %dma_start3A_446 = arith.constant 0 : i32
      %dma_start3A_447 = tpu.memref_slice %arg6[%dma_start3A_441, %dma_start3A_446] : memref<4x80xi32, #tpu.memory_space<vmem>> -> memref<1x80xi32, #tpu.memory_space<vmem>>
      %dma_start3A_448 = tpu.memref_squeeze %dma_start3A_447 : memref<1x80xi32, #tpu.memory_space<vmem>> -> memref<80xi32, #tpu.memory_space<vmem>>
      %dma_start3A_449 = tpu.memref_slice %arg2[%add3A_440] : memref<640000xi32, #tpu.memory_space<hbm>> -> memref<80xi32, #tpu.memory_space<hbm>>
      tpu.enqueue_dma source(%dma_start3A_449 : memref<80xi32, #tpu.memory_space<hbm>>) target(%dma_start3A_448 : memref<80xi32, #tpu.memory_space<vmem>>) target_semaphore(%arg9 : memref<!tpu.dma_semaphore, #tpu.memory_space<semaphore_mem>>)
      %dma_wait3A_450 = arith.constant 1 : i32
      %dma_wait3A_451 = arith.constant 0 : i32
      %dma_wait3A_452 = arith.constant 0 : i32
      %dma_wait3A_453 = tpu.memref_slice %arg7[%dma_wait3A_450, %dma_wait3A_451, %dma_wait3A_452] : memref<3x80x128xf32, #tpu.memory_space<vmem>> -> memref<1x80x128xf32, #tpu.memory_space<vmem>>
      %dma_wait3A_454 = tpu.memref_squeeze %dma_wait3A_453 : memref<1x80x128xf32, #tpu.memory_space<vmem>> -> memref<80x128xf32, #tpu.memory_space<vmem>>
      %dma_wait3A_455 = tpu.memref_slice %arg5[%mul3A_332] : memref<10000xi32, #tpu.memory_space<vmem>> -> memref<80xi32, #tpu.memory_space<vmem>>
      %dma_wait3A_456 = arith.constant 0 : i32
      %dma_wait3A_457 = arith.constant 0 : i32
      %dma_wait3A_458 = tpu.memref_slice %arg3[%dma_wait3A_456, %dma_wait3A_457] : memref<10000x128xf32, #tpu.memory_space<hbm>> -> memref<10000x128xf32, #tpu.memory_space<hbm>>
      tpu.wait_indirect_dma semaphore(%arg14 : memref<!tpu.dma_semaphore, #tpu.memory_space<semaphore_mem>>) src(%dma_wait3A_458 : memref<10000x128xf32, #tpu.memory_space<hbm>>) dst(%dma_wait3A_454 : memref<80x128xf32, #tpu.memory_space<vmem>>)
      %dma_wait3A_459 = arith.constant 1 : i32
      %dma_wait3A_460 = arith.constant 0 : i32
      %dma_wait3A_461 = tpu.memref_slice %arg6[%dma_wait3A_459, %dma_wait3A_460] : memref<4x80xi32, #tpu.memory_space<vmem>> -> memref<1x80xi32, #tpu.memory_space<vmem>>
      %dma_wait3A_462 = tpu.memref_squeeze %dma_wait3A_461 : memref<1x80xi32, #tpu.memory_space<vmem>> -> memref<80xi32, #tpu.memory_space<vmem>>
      %dma_wait3A_463 = tpu.memref_slice %arg2[%add3A_290] : memref<640000xi32, #tpu.memory_space<hbm>> -> memref<80xi32, #tpu.memory_space<hbm>>
      %dma_wait3A_464 = arith.constant 0 : i32
      %dma_wait3A_465 = tpu.memref_slice %arg6[%dma_wait3A_459, %dma_wait3A_464] : memref<4x80xi32, #tpu.memory_space<vmem>> -> memref<1x80xi32, #tpu.memory_space<vmem>>
      %dma_wait3A_466 = tpu.memref_squeeze %dma_wait3A_465 : memref<1x80xi32, #tpu.memory_space<vmem>> -> memref<80xi32, #tpu.memory_space<vmem>>
      %dma_wait3A_467 = tpu.memref_slice %arg2[%add3A_290] : memref<640000xi32, #tpu.memory_space<hbm>> -> memref<80xi32, #tpu.memory_space<hbm>>
      tpu.wait_dma2 semaphore(%arg10 : memref<!tpu.dma_semaphore, #tpu.memory_space<semaphore_mem>>) src(%dma_wait3A_467 : memref<80xi32, #tpu.memory_space<hbm>>) dst(%dma_wait3A_466 : memref<80xi32, #tpu.memory_space<vmem>>)
      %dma_start3A_468 = arith.constant 1 : i32
      %dma_start3A_469 = arith.constant 1 : i32
      %dma_start3A_470 = arith.constant 0 : i32
      %dma_start3A_471 = arith.constant 0 : i32
      %dma_start3A_472 = tpu.memref_slice %arg7[%dma_start3A_468, %dma_start3A_470, %dma_start3A_471] : memref<3x80x128xf32, #tpu.memory_space<vmem>> -> memref<1x80x128xf32, #tpu.memory_space<vmem>>
      %dma_start3A_473 = tpu.memref_squeeze %dma_start3A_472 : memref<1x80x128xf32, #tpu.memory_space<vmem>> -> memref<80x128xf32, #tpu.memory_space<vmem>>
      %dma_start3A_474 = arith.constant 0 : i32
      %dma_start3A_475 = tpu.memref_slice %arg6[%dma_start3A_469, %dma_start3A_474] : memref<4x80xi32, #tpu.memory_space<vmem>> -> memref<1x80xi32, #tpu.memory_space<vmem>>
      %dma_start3A_476 = tpu.memref_squeeze %dma_start3A_475 : memref<1x80xi32, #tpu.memory_space<vmem>> -> memref<80xi32, #tpu.memory_space<vmem>>
      %dma_start3A_477 = arith.constant 0 : i32
      %dma_start3A_478 = arith.constant 0 : i32
      %dma_start3A_479 = tpu.memref_slice %arg8[%dma_start3A_477, %dma_start3A_478] : memref<10240x128xf32, #tpu.memory_space<vmem_shared>> -> memref<10240x128xf32, #tpu.memory_space<vmem_shared>>
      tpu.enqueue_indirect_dma source(%dma_start3A_473 : memref<80x128xf32, #tpu.memory_space<vmem>>) target(%dma_start3A_479 : memref<10240x128xf32, #tpu.memory_space<vmem_shared>>) offsets(%dma_start3A_476 : memref<80xi32, #tpu.memory_space<vmem>>) semaphore(%arg17 : memref<!tpu.dma_semaphore, #tpu.memory_space<semaphore_mem>>) {add = true}
      %dma_wait3A_480 = arith.constant 1 : i32
      %dma_wait3A_481 = arith.constant 1 : i32
      %dma_wait3A_482 = arith.constant 0 : i32
      %dma_wait3A_483 = arith.constant 0 : i32
      %dma_wait3A_484 = tpu.memref_slice %arg7[%dma_wait3A_480, %dma_wait3A_482, %dma_wait3A_483] : memref<3x80x128xf32, #tpu.memory_space<vmem>> -> memref<1x80x128xf32, #tpu.memory_space<vmem>>
      %dma_wait3A_485 = tpu.memref_squeeze %dma_wait3A_484 : memref<1x80x128xf32, #tpu.memory_space<vmem>> -> memref<80x128xf32, #tpu.memory_space<vmem>>
      %dma_wait3A_486 = arith.constant 0 : i32
      %dma_wait3A_487 = tpu.memref_slice %arg6[%dma_wait3A_481, %dma_wait3A_486] : memref<4x80xi32, #tpu.memory_space<vmem>> -> memref<1x80xi32, #tpu.memory_space<vmem>>
      %dma_wait3A_488 = tpu.memref_squeeze %dma_wait3A_487 : memref<1x80xi32, #tpu.memory_space<vmem>> -> memref<80xi32, #tpu.memory_space<vmem>>
      %dma_wait3A_489 = arith.constant 0 : i32
      %dma_wait3A_490 = arith.constant 0 : i32
      %dma_wait3A_491 = tpu.memref_slice %arg8[%dma_wait3A_489, %dma_wait3A_490] : memref<10240x128xf32, #tpu.memory_space<vmem_shared>> -> memref<10240x128xf32, #tpu.memory_space<vmem_shared>>
      tpu.wait_indirect_dma semaphore(%arg17 : memref<!tpu.dma_semaphore, #tpu.memory_space<semaphore_mem>>) src(%dma_wait3A_485 : memref<80x128xf32, #tpu.memory_space<vmem>>) dst(%dma_wait3A_491 : memref<10240x128xf32, #tpu.memory_space<vmem_shared>>)
      %add3A_492 = arith.constant 2 : i32
      %add3A_493 = arith.addi %mul3A_267, %add3A_492 : i32
      %add3A_494 = arith.constant 2 : i32
      %add3A_495 = arith.addi %add3A_493, %add3A_494 : i32
      %mul3A_496 = arith.constant 80 : i32
      %mul3A_497 = arith.muli %add3A_495, %mul3A_496 : i32
      %dma_start3A_498 = arith.constant 1 : i32
      %dma_start3A_499 = arith.constant 0 : i32
      %dma_start3A_500 = arith.constant 0 : i32
      %dma_start3A_501 = tpu.memref_slice %arg7[%dma_start3A_498, %dma_start3A_499, %dma_start3A_500] : memref<3x80x128xf32, #tpu.memory_space<vmem>> -> memref<1x80x128xf32, #tpu.memory_space<vmem>>
      %dma_start3A_502 = tpu.memref_squeeze %dma_start3A_501 : memref<1x80x128xf32, #tpu.memory_space<vmem>> -> memref<80x128xf32, #tpu.memory_space<vmem>>
      %dma_start3A_503 = tpu.memref_slice %arg5[%mul3A_497] : memref<10000xi32, #tpu.memory_space<vmem>> -> memref<80xi32, #tpu.memory_space<vmem>>
      %dma_start3A_504 = arith.constant 0 : i32
      %dma_start3A_505 = arith.constant 0 : i32
      %dma_start3A_506 = tpu.memref_slice %arg3[%dma_start3A_504, %dma_start3A_505] : memref<10000x128xf32, #tpu.memory_space<hbm>> -> memref<10000x128xf32, #tpu.memory_space<hbm>>
      tpu.enqueue_indirect_dma source(%dma_start3A_506 : memref<10000x128xf32, #tpu.memory_space<hbm>>) target(%dma_start3A_502 : memref<80x128xf32, #tpu.memory_space<vmem>>) offsets(%dma_start3A_503 : memref<80xi32, #tpu.memory_space<vmem>>) semaphore(%arg14 : memref<!tpu.dma_semaphore, #tpu.memory_space<semaphore_mem>>)
      %add3A_507 = arith.constant 2 : i32
      %add3A_508 = arith.addi %mul3A_267, %add3A_507 : i32
      %add3A_509 = arith.constant 3 : i32
      %add3A_510 = arith.addi %add3A_508, %add3A_509 : i32
      %add3A_511 = arith.constant 320000 : i32
      %add3A_512 = arith.addi %add3A_511, %mul3A_2 : i32
      %mul3A_513 = arith.constant 80 : i32
      %mul3A_514 = arith.muli %add3A_510, %mul3A_513 : i32
      %add3A_515 = arith.addi %add3A_512, %mul3A_514 : i32
      %dma_start3A_516 = arith.constant 1 : i32
      %dma_start3A_517 = arith.constant 0 : i32
      %dma_start3A_518 = tpu.memref_slice %arg6[%dma_start3A_516, %dma_start3A_517] : memref<4x80xi32, #tpu.memory_space<vmem>> -> memref<1x80xi32, #tpu.memory_space<vmem>>
      %dma_start3A_519 = tpu.memref_squeeze %dma_start3A_518 : memref<1x80xi32, #tpu.memory_space<vmem>> -> memref<80xi32, #tpu.memory_space<vmem>>
      %dma_start3A_520 = tpu.memref_slice %arg2[%add3A_515] : memref<640000xi32, #tpu.memory_space<hbm>> -> memref<80xi32, #tpu.memory_space<hbm>>
      %dma_start3A_521 = arith.constant 0 : i32
      %dma_start3A_522 = tpu.memref_slice %arg6[%dma_start3A_516, %dma_start3A_521] : memref<4x80xi32, #tpu.memory_space<vmem>> -> memref<1x80xi32, #tpu.memory_space<vmem>>
      %dma_start3A_523 = tpu.memref_squeeze %dma_start3A_522 : memref<1x80xi32, #tpu.memory_space<vmem>> -> memref<80xi32, #tpu.memory_space<vmem>>
      %dma_start3A_524 = tpu.memref_slice %arg2[%add3A_515] : memref<640000xi32, #tpu.memory_space<hbm>> -> memref<80xi32, #tpu.memory_space<hbm>>
      tpu.enqueue_dma source(%dma_start3A_524 : memref<80xi32, #tpu.memory_space<hbm>>) target(%dma_start3A_523 : memref<80xi32, #tpu.memory_space<vmem>>) target_semaphore(%arg10 : memref<!tpu.dma_semaphore, #tpu.memory_space<semaphore_mem>>)
      %dma_wait3A_525 = arith.constant 2 : i32
      %dma_wait3A_526 = arith.constant 0 : i32
      %dma_wait3A_527 = arith.constant 0 : i32
      %dma_wait3A_528 = tpu.memref_slice %arg7[%dma_wait3A_525, %dma_wait3A_526, %dma_wait3A_527] : memref<3x80x128xf32, #tpu.memory_space<vmem>> -> memref<1x80x128xf32, #tpu.memory_space<vmem>>
      %dma_wait3A_529 = tpu.memref_squeeze %dma_wait3A_528 : memref<1x80x128xf32, #tpu.memory_space<vmem>> -> memref<80x128xf32, #tpu.memory_space<vmem>>
      %dma_wait3A_530 = tpu.memref_slice %arg5[%mul3A_347] : memref<10000xi32, #tpu.memory_space<vmem>> -> memref<80xi32, #tpu.memory_space<vmem>>
      %dma_wait3A_531 = arith.constant 0 : i32
      %dma_wait3A_532 = arith.constant 0 : i32
      %dma_wait3A_533 = tpu.memref_slice %arg3[%dma_wait3A_531, %dma_wait3A_532] : memref<10000x128xf32, #tpu.memory_space<hbm>> -> memref<10000x128xf32, #tpu.memory_space<hbm>>
      tpu.wait_indirect_dma semaphore(%arg15 : memref<!tpu.dma_semaphore, #tpu.memory_space<semaphore_mem>>) src(%dma_wait3A_533 : memref<10000x128xf32, #tpu.memory_space<hbm>>) dst(%dma_wait3A_529 : memref<80x128xf32, #tpu.memory_space<vmem>>)
      %dma_wait3A_534 = arith.constant 2 : i32
      %dma_wait3A_535 = arith.constant 0 : i32
      %dma_wait3A_536 = tpu.memref_slice %arg6[%dma_wait3A_534, %dma_wait3A_535] : memref<4x80xi32, #tpu.memory_space<vmem>> -> memref<1x80xi32, #tpu.memory_space<vmem>>
      %dma_wait3A_537 = tpu.memref_squeeze %dma_wait3A_536 : memref<1x80xi32, #tpu.memory_space<vmem>> -> memref<80xi32, #tpu.memory_space<vmem>>
      %dma_wait3A_538 = tpu.memref_slice %arg2[%add3A_306] : memref<640000xi32, #tpu.memory_space<hbm>> -> memref<80xi32, #tpu.memory_space<hbm>>
      %dma_wait3A_539 = arith.constant 0 : i32
      %dma_wait3A_540 = tpu.memref_slice %arg6[%dma_wait3A_534, %dma_wait3A_539] : memref<4x80xi32, #tpu.memory_space<vmem>> -> memref<1x80xi32, #tpu.memory_space<vmem>>
      %dma_wait3A_541 = tpu.memref_squeeze %dma_wait3A_540 : memref<1x80xi32, #tpu.memory_space<vmem>> -> memref<80xi32, #tpu.memory_space<vmem>>
      %dma_wait3A_542 = tpu.memref_slice %arg2[%add3A_306] : memref<640000xi32, #tpu.memory_space<hbm>> -> memref<80xi32, #tpu.memory_space<hbm>>
      tpu.wait_dma2 semaphore(%arg11 : memref<!tpu.dma_semaphore, #tpu.memory_space<semaphore_mem>>) src(%dma_wait3A_542 : memref<80xi32, #tpu.memory_space<hbm>>) dst(%dma_wait3A_541 : memref<80xi32, #tpu.memory_space<vmem>>)
      %dma_start3A_543 = arith.constant 2 : i32
      %dma_start3A_544 = arith.constant 2 : i32
      %dma_start3A_545 = arith.constant 0 : i32
      %dma_start3A_546 = arith.constant 0 : i32
      %dma_start3A_547 = tpu.memref_slice %arg7[%dma_start3A_543, %dma_start3A_545, %dma_start3A_546] : memref<3x80x128xf32, #tpu.memory_space<vmem>> -> memref<1x80x128xf32, #tpu.memory_space<vmem>>
      %dma_start3A_548 = tpu.memref_squeeze %dma_start3A_547 : memref<1x80x128xf32, #tpu.memory_space<vmem>> -> memref<80x128xf32, #tpu.memory_space<vmem>>
      %dma_start3A_549 = arith.constant 0 : i32
      %dma_start3A_550 = tpu.memref_slice %arg6[%dma_start3A_544, %dma_start3A_549] : memref<4x80xi32, #tpu.memory_space<vmem>> -> memref<1x80xi32, #tpu.memory_space<vmem>>
      %dma_start3A_551 = tpu.memref_squeeze %dma_start3A_550 : memref<1x80xi32, #tpu.memory_space<vmem>> -> memref<80xi32, #tpu.memory_space<vmem>>
      %dma_start3A_552 = arith.constant 0 : i32
      %dma_start3A_553 = arith.constant 0 : i32
      %dma_start3A_554 = tpu.memref_slice %arg8[%dma_start3A_552, %dma_start3A_553] : memref<10240x128xf32, #tpu.memory_space<vmem_shared>> -> memref<10240x128xf32, #tpu.memory_space<vmem_shared>>
      tpu.enqueue_indirect_dma source(%dma_start3A_548 : memref<80x128xf32, #tpu.memory_space<vmem>>) target(%dma_start3A_554 : memref<10240x128xf32, #tpu.memory_space<vmem_shared>>) offsets(%dma_start3A_551 : memref<80xi32, #tpu.memory_space<vmem>>) semaphore(%arg16 : memref<!tpu.dma_semaphore, #tpu.memory_space<semaphore_mem>>) {add = true}
      %dma_wait3A_555 = arith.constant 2 : i32
      %dma_wait3A_556 = arith.constant 2 : i32
      %dma_wait3A_557 = arith.constant 0 : i32
      %dma_wait3A_558 = arith.constant 0 : i32
      %dma_wait3A_559 = tpu.memref_slice %arg7[%dma_wait3A_555, %dma_wait3A_557, %dma_wait3A_558] : memref<3x80x128xf32, #tpu.memory_space<vmem>> -> memref<1x80x128xf32, #tpu.memory_space<vmem>>
      %dma_wait3A_560 = tpu.memref_squeeze %dma_wait3A_559 : memref<1x80x128xf32, #tpu.memory_space<vmem>> -> memref<80x128xf32, #tpu.memory_space<vmem>>
      %dma_wait3A_561 = arith.constant 0 : i32
      %dma_wait3A_562 = tpu.memref_slice %arg6[%dma_wait3A_556, %dma_wait3A_561] : memref<4x80xi32, #tpu.memory_space<vmem>> -> memref<1x80xi32, #tpu.memory_space<vmem>>
      %dma_wait3A_563 = tpu.memref_squeeze %dma_wait3A_562 : memref<1x80xi32, #tpu.memory_space<vmem>> -> memref<80xi32, #tpu.memory_space<vmem>>
      %dma_wait3A_564 = arith.constant 0 : i32
      %dma_wait3A_565 = arith.constant 0 : i32
      %dma_wait3A_566 = tpu.memref_slice %arg8[%dma_wait3A_564, %dma_wait3A_565] : memref<10240x128xf32, #tpu.memory_space<vmem_shared>> -> memref<10240x128xf32, #tpu.memory_space<vmem_shared>>
      tpu.wait_indirect_dma semaphore(%arg16 : memref<!tpu.dma_semaphore, #tpu.memory_space<semaphore_mem>>) src(%dma_wait3A_560 : memref<80x128xf32, #tpu.memory_space<vmem>>) dst(%dma_wait3A_566 : memref<10240x128xf32, #tpu.memory_space<vmem_shared>>)
      %add3A_567 = arith.constant 3 : i32
      %add3A_568 = arith.addi %mul3A_267, %add3A_567 : i32
      %add3A_569 = arith.constant 2 : i32
      %add3A_570 = arith.addi %add3A_568, %add3A_569 : i32
      %mul3A_571 = arith.constant 80 : i32
      %mul3A_572 = arith.muli %add3A_570, %mul3A_571 : i32
      %dma_start3A_573 = arith.constant 2 : i32
      %dma_start3A_574 = arith.constant 0 : i32
      %dma_start3A_575 = arith.constant 0 : i32
      %dma_start3A_576 = tpu.memref_slice %arg7[%dma_start3A_573, %dma_start3A_574, %dma_start3A_575] : memref<3x80x128xf32, #tpu.memory_space<vmem>> -> memref<1x80x128xf32, #tpu.memory_space<vmem>>
      %dma_start3A_577 = tpu.memref_squeeze %dma_start3A_576 : memref<1x80x128xf32, #tpu.memory_space<vmem>> -> memref<80x128xf32, #tpu.memory_space<vmem>>
      %dma_start3A_578 = tpu.memref_slice %arg5[%mul3A_572] : memref<10000xi32, #tpu.memory_space<vmem>> -> memref<80xi32, #tpu.memory_space<vmem>>
      %dma_start3A_579 = arith.constant 0 : i32
      %dma_start3A_580 = arith.constant 0 : i32
      %dma_start3A_581 = tpu.memref_slice %arg3[%dma_start3A_579, %dma_start3A_580] : memref<10000x128xf32, #tpu.memory_space<hbm>> -> memref<10000x128xf32, #tpu.memory_space<hbm>>
      tpu.enqueue_indirect_dma source(%dma_start3A_581 : memref<10000x128xf32, #tpu.memory_space<hbm>>) target(%dma_start3A_577 : memref<80x128xf32, #tpu.memory_space<vmem>>) offsets(%dma_start3A_578 : memref<80xi32, #tpu.memory_space<vmem>>) semaphore(%arg15 : memref<!tpu.dma_semaphore, #tpu.memory_space<semaphore_mem>>)
      %add3A_582 = arith.constant 3 : i32
      %add3A_583 = arith.addi %mul3A_267, %add3A_582 : i32
      %add3A_584 = arith.constant 3 : i32
      %add3A_585 = arith.addi %add3A_583, %add3A_584 : i32
      %add3A_586 = arith.constant 320000 : i32
      %add3A_587 = arith.addi %add3A_586, %mul3A_2 : i32
      %mul3A_588 = arith.constant 80 : i32
      %mul3A_589 = arith.muli %add3A_585, %mul3A_588 : i32
      %add3A_590 = arith.addi %add3A_587, %mul3A_589 : i32
      %dma_start3A_591 = arith.constant 2 : i32
      %dma_start3A_592 = arith.constant 0 : i32
      %dma_start3A_593 = tpu.memref_slice %arg6[%dma_start3A_591, %dma_start3A_592] : memref<4x80xi32, #tpu.memory_space<vmem>> -> memref<1x80xi32, #tpu.memory_space<vmem>>
      %dma_start3A_594 = tpu.memref_squeeze %dma_start3A_593 : memref<1x80xi32, #tpu.memory_space<vmem>> -> memref<80xi32, #tpu.memory_space<vmem>>
      %dma_start3A_595 = tpu.memref_slice %arg2[%add3A_590] : memref<640000xi32, #tpu.memory_space<hbm>> -> memref<80xi32, #tpu.memory_space<hbm>>
      %dma_start3A_596 = arith.constant 0 : i32
      %dma_start3A_597 = tpu.memref_slice %arg6[%dma_start3A_591, %dma_start3A_596] : memref<4x80xi32, #tpu.memory_space<vmem>> -> memref<1x80xi32, #tpu.memory_space<vmem>>
      %dma_start3A_598 = tpu.memref_squeeze %dma_start3A_597 : memref<1x80xi32, #tpu.memory_space<vmem>> -> memref<80xi32, #tpu.memory_space<vmem>>
      %dma_start3A_599 = tpu.memref_slice %arg2[%add3A_590] : memref<640000xi32, #tpu.memory_space<hbm>> -> memref<80xi32, #tpu.memory_space<hbm>>
      tpu.enqueue_dma source(%dma_start3A_599 : memref<80xi32, #tpu.memory_space<hbm>>) target(%dma_start3A_598 : memref<80xi32, #tpu.memory_space<vmem>>) target_semaphore(%arg11 : memref<!tpu.dma_semaphore, #tpu.memory_space<semaphore_mem>>)
      %dma_wait3A_600 = arith.constant 0 : i32
      %dma_wait3A_601 = arith.constant 0 : i32
      %dma_wait3A_602 = arith.constant 0 : i32
      %dma_wait3A_603 = tpu.memref_slice %arg7[%dma_wait3A_600, %dma_wait3A_601, %dma_wait3A_602] : memref<3x80x128xf32, #tpu.memory_space<vmem>> -> memref<1x80x128xf32, #tpu.memory_space<vmem>>
      %dma_wait3A_604 = tpu.memref_squeeze %dma_wait3A_603 : memref<1x80x128xf32, #tpu.memory_space<vmem>> -> memref<80x128xf32, #tpu.memory_space<vmem>>
      %dma_wait3A_605 = tpu.memref_slice %arg5[%mul3A_422] : memref<10000xi32, #tpu.memory_space<vmem>> -> memref<80xi32, #tpu.memory_space<vmem>>
      %dma_wait3A_606 = arith.constant 0 : i32
      %dma_wait3A_607 = arith.constant 0 : i32
      %dma_wait3A_608 = tpu.memref_slice %arg3[%dma_wait3A_606, %dma_wait3A_607] : memref<10000x128xf32, #tpu.memory_space<hbm>> -> memref<10000x128xf32, #tpu.memory_space<hbm>>
      tpu.wait_indirect_dma semaphore(%arg13 : memref<!tpu.dma_semaphore, #tpu.memory_space<semaphore_mem>>) src(%dma_wait3A_608 : memref<10000x128xf32, #tpu.memory_space<hbm>>) dst(%dma_wait3A_604 : memref<80x128xf32, #tpu.memory_space<vmem>>)
      %dma_wait3A_609 = arith.constant 3 : i32
      %dma_wait3A_610 = arith.constant 0 : i32
      %dma_wait3A_611 = tpu.memref_slice %arg6[%dma_wait3A_609, %dma_wait3A_610] : memref<4x80xi32, #tpu.memory_space<vmem>> -> memref<1x80xi32, #tpu.memory_space<vmem>>
      %dma_wait3A_612 = tpu.memref_squeeze %dma_wait3A_611 : memref<1x80xi32, #tpu.memory_space<vmem>> -> memref<80xi32, #tpu.memory_space<vmem>>
      %dma_wait3A_613 = tpu.memref_slice %arg2[%add3A_365] : memref<640000xi32, #tpu.memory_space<hbm>> -> memref<80xi32, #tpu.memory_space<hbm>>
      %dma_wait3A_614 = arith.constant 0 : i32
      %dma_wait3A_615 = tpu.memref_slice %arg6[%dma_wait3A_609, %dma_wait3A_614] : memref<4x80xi32, #tpu.memory_space<vmem>> -> memref<1x80xi32, #tpu.memory_space<vmem>>
      %dma_wait3A_616 = tpu.memref_squeeze %dma_wait3A_615 : memref<1x80xi32, #tpu.memory_space<vmem>> -> memref<80xi32, #tpu.memory_space<vmem>>
      %dma_wait3A_617 = tpu.memref_slice %arg2[%add3A_365] : memref<640000xi32, #tpu.memory_space<hbm>> -> memref<80xi32, #tpu.memory_space<hbm>>
      tpu.wait_dma2 semaphore(%arg12 : memref<!tpu.dma_semaphore, #tpu.memory_space<semaphore_mem>>) src(%dma_wait3A_617 : memref<80xi32, #tpu.memory_space<hbm>>) dst(%dma_wait3A_616 : memref<80xi32, #tpu.memory_space<vmem>>)
      %dma_start3A_618 = arith.constant 0 : i32
      %dma_start3A_619 = arith.constant 3 : i32
      %dma_start3A_620 = arith.constant 0 : i32
      %dma_start3A_621 = arith.constant 0 : i32
      %dma_start3A_622 = tpu.memref_slice %arg7[%dma_start3A_618, %dma_start3A_620, %dma_start3A_621] : memref<3x80x128xf32, #tpu.memory_space<vmem>> -> memref<1x80x128xf32, #tpu.memory_space<vmem>>
      %dma_start3A_623 = tpu.memref_squeeze %dma_start3A_622 : memref<1x80x128xf32, #tpu.memory_space<vmem>> -> memref<80x128xf32, #tpu.memory_space<vmem>>
      %dma_start3A_624 = arith.constant 0 : i32
      %dma_start3A_625 = tpu.memref_slice %arg6[%dma_start3A_619, %dma_start3A_624] : memref<4x80xi32, #tpu.memory_space<vmem>> -> memref<1x80xi32, #tpu.memory_space<vmem>>
      %dma_start3A_626 = tpu.memref_squeeze %dma_start3A_625 : memref<1x80xi32, #tpu.memory_space<vmem>> -> memref<80xi32, #tpu.memory_space<vmem>>
      %dma_start3A_627 = arith.constant 0 : i32
      %dma_start3A_628 = arith.constant 0 : i32
      %dma_start3A_629 = tpu.memref_slice %arg8[%dma_start3A_627, %dma_start3A_628] : memref<10240x128xf32, #tpu.memory_space<vmem_shared>> -> memref<10240x128xf32, #tpu.memory_space<vmem_shared>>
      tpu.enqueue_indirect_dma source(%dma_start3A_623 : memref<80x128xf32, #tpu.memory_space<vmem>>) target(%dma_start3A_629 : memref<10240x128xf32, #tpu.memory_space<vmem_shared>>) offsets(%dma_start3A_626 : memref<80xi32, #tpu.memory_space<vmem>>) semaphore(%arg17 : memref<!tpu.dma_semaphore, #tpu.memory_space<semaphore_mem>>) {add = true}
      %dma_wait3A_630 = arith.constant 0 : i32
      %dma_wait3A_631 = arith.constant 3 : i32
      %dma_wait3A_632 = arith.constant 0 : i32
      %dma_wait3A_633 = arith.constant 0 : i32
      %dma_wait3A_634 = tpu.memref_slice %arg7[%dma_wait3A_630, %dma_wait3A_632, %dma_wait3A_633] : memref<3x80x128xf32, #tpu.memory_space<vmem>> -> memref<1x80x128xf32, #tpu.memory_space<vmem>>
      %dma_wait3A_635 = tpu.memref_squeeze %dma_wait3A_634 : memref<1x80x128xf32, #tpu.memory_space<vmem>> -> memref<80x128xf32, #tpu.memory_space<vmem>>
      %dma_wait3A_636 = arith.constant 0 : i32
      %dma_wait3A_637 = tpu.memref_slice %arg6[%dma_wait3A_631, %dma_wait3A_636] : memref<4x80xi32, #tpu.memory_space<vmem>> -> memref<1x80xi32, #tpu.memory_space<vmem>>
      %dma_wait3A_638 = tpu.memref_squeeze %dma_wait3A_637 : memref<1x80xi32, #tpu.memory_space<vmem>> -> memref<80xi32, #tpu.memory_space<vmem>>
      %dma_wait3A_639 = arith.constant 0 : i32
      %dma_wait3A_640 = arith.constant 0 : i32
      %dma_wait3A_641 = tpu.memref_slice %arg8[%dma_wait3A_639, %dma_wait3A_640] : memref<10240x128xf32, #tpu.memory_space<vmem_shared>> -> memref<10240x128xf32, #tpu.memory_space<vmem_shared>>
      tpu.wait_indirect_dma semaphore(%arg17 : memref<!tpu.dma_semaphore, #tpu.memory_space<semaphore_mem>>) src(%dma_wait3A_635 : memref<80x128xf32, #tpu.memory_space<vmem>>) dst(%dma_wait3A_641 : memref<10240x128xf32, #tpu.memory_space<vmem_shared>>)
      %add3A_642 = arith.constant 4 : i32
      %add3A_643 = arith.addi %mul3A_267, %add3A_642 : i32
      %add3A_644 = arith.constant 2 : i32
      %add3A_645 = arith.addi %add3A_643, %add3A_644 : i32
      %mul3A_646 = arith.constant 80 : i32
      %mul3A_647 = arith.muli %add3A_645, %mul3A_646 : i32
      %dma_start3A_648 = arith.constant 0 : i32
      %dma_start3A_649 = arith.constant 0 : i32
      %dma_start3A_650 = arith.constant 0 : i32
      %dma_start3A_651 = tpu.memref_slice %arg7[%dma_start3A_648, %dma_start3A_649, %dma_start3A_650] : memref<3x80x128xf32, #tpu.memory_space<vmem>> -> memref<1x80x128xf32, #tpu.memory_space<vmem>>
      %dma_start3A_652 = tpu.memref_squeeze %dma_start3A_651 : memref<1x80x128xf32, #tpu.memory_space<vmem>> -> memref<80x128xf32, #tpu.memory_space<vmem>>
      %dma_start3A_653 = tpu.memref_slice %arg5[%mul3A_647] : memref<10000xi32, #tpu.memory_space<vmem>> -> memref<80xi32, #tpu.memory_space<vmem>>
      %dma_start3A_654 = arith.constant 0 : i32
      %dma_start3A_655 = arith.constant 0 : i32
      %dma_start3A_656 = tpu.memref_slice %arg3[%dma_start3A_654, %dma_start3A_655] : memref<10000x128xf32, #tpu.memory_space<hbm>> -> memref<10000x128xf32, #tpu.memory_space<hbm>>
      tpu.enqueue_indirect_dma source(%dma_start3A_656 : memref<10000x128xf32, #tpu.memory_space<hbm>>) target(%dma_start3A_652 : memref<80x128xf32, #tpu.memory_space<vmem>>) offsets(%dma_start3A_653 : memref<80xi32, #tpu.memory_space<vmem>>) semaphore(%arg13 : memref<!tpu.dma_semaphore, #tpu.memory_space<semaphore_mem>>)
      %add3A_657 = arith.constant 4 : i32
      %add3A_658 = arith.addi %mul3A_267, %add3A_657 : i32
      %add3A_659 = arith.constant 3 : i32
      %add3A_660 = arith.addi %add3A_658, %add3A_659 : i32
      %add3A_661 = arith.constant 320000 : i32
      %add3A_662 = arith.addi %add3A_661, %mul3A_2 : i32
      %mul3A_663 = arith.constant 80 : i32
      %mul3A_664 = arith.muli %add3A_660, %mul3A_663 : i32
      %add3A_665 = arith.addi %add3A_662, %mul3A_664 : i32
      %dma_start3A_666 = arith.constant 3 : i32
      %dma_start3A_667 = arith.constant 0 : i32
      %dma_start3A_668 = tpu.memref_slice %arg6[%dma_start3A_666, %dma_start3A_667] : memref<4x80xi32, #tpu.memory_space<vmem>> -> memref<1x80xi32, #tpu.memory_space<vmem>>
      %dma_start3A_669 = tpu.memref_squeeze %dma_start3A_668 : memref<1x80xi32, #tpu.memory_space<vmem>> -> memref<80xi32, #tpu.memory_space<vmem>>
      %dma_start3A_670 = tpu.memref_slice %arg2[%add3A_665] : memref<640000xi32, #tpu.memory_space<hbm>> -> memref<80xi32, #tpu.memory_space<hbm>>
      %dma_start3A_671 = arith.constant 0 : i32
      %dma_start3A_672 = tpu.memref_slice %arg6[%dma_start3A_666, %dma_start3A_671] : memref<4x80xi32, #tpu.memory_space<vmem>> -> memref<1x80xi32, #tpu.memory_space<vmem>>
      %dma_start3A_673 = tpu.memref_squeeze %dma_start3A_672 : memref<1x80xi32, #tpu.memory_space<vmem>> -> memref<80xi32, #tpu.memory_space<vmem>>
      %dma_start3A_674 = tpu.memref_slice %arg2[%add3A_665] : memref<640000xi32, #tpu.memory_space<hbm>> -> memref<80xi32, #tpu.memory_space<hbm>>
      tpu.enqueue_dma source(%dma_start3A_674 : memref<80xi32, #tpu.memory_space<hbm>>) target(%dma_start3A_673 : memref<80xi32, #tpu.memory_space<vmem>>) target_semaphore(%arg12 : memref<!tpu.dma_semaphore, #tpu.memory_space<semaphore_mem>>)
      %dma_wait3A_675 = arith.constant 1 : i32
      %dma_wait3A_676 = arith.constant 0 : i32
      %dma_wait3A_677 = arith.constant 0 : i32
      %dma_wait3A_678 = tpu.memref_slice %arg7[%dma_wait3A_675, %dma_wait3A_676, %dma_wait3A_677] : memref<3x80x128xf32, #tpu.memory_space<vmem>> -> memref<1x80x128xf32, #tpu.memory_space<vmem>>
      %dma_wait3A_679 = tpu.memref_squeeze %dma_wait3A_678 : memref<1x80x128xf32, #tpu.memory_space<vmem>> -> memref<80x128xf32, #tpu.memory_space<vmem>>
      %dma_wait3A_680 = tpu.memref_slice %arg5[%mul3A_497] : memref<10000xi32, #tpu.memory_space<vmem>> -> memref<80xi32, #tpu.memory_space<vmem>>
      %dma_wait3A_681 = arith.constant 0 : i32
      %dma_wait3A_682 = arith.constant 0 : i32
      %dma_wait3A_683 = tpu.memref_slice %arg3[%dma_wait3A_681, %dma_wait3A_682] : memref<10000x128xf32, #tpu.memory_space<hbm>> -> memref<10000x128xf32, #tpu.memory_space<hbm>>
      tpu.wait_indirect_dma semaphore(%arg14 : memref<!tpu.dma_semaphore, #tpu.memory_space<semaphore_mem>>) src(%dma_wait3A_683 : memref<10000x128xf32, #tpu.memory_space<hbm>>) dst(%dma_wait3A_679 : memref<80x128xf32, #tpu.memory_space<vmem>>)
      %dma_wait3A_684 = arith.constant 0 : i32
      %dma_wait3A_685 = arith.constant 0 : i32
      %dma_wait3A_686 = tpu.memref_slice %arg6[%dma_wait3A_684, %dma_wait3A_685] : memref<4x80xi32, #tpu.memory_space<vmem>> -> memref<1x80xi32, #tpu.memory_space<vmem>>
      %dma_wait3A_687 = tpu.memref_squeeze %dma_wait3A_686 : memref<1x80xi32, #tpu.memory_space<vmem>> -> memref<80xi32, #tpu.memory_space<vmem>>
      %dma_wait3A_688 = tpu.memref_slice %arg2[%add3A_440] : memref<640000xi32, #tpu.memory_space<hbm>> -> memref<80xi32, #tpu.memory_space<hbm>>
      %dma_wait3A_689 = arith.constant 0 : i32
      %dma_wait3A_690 = tpu.memref_slice %arg6[%dma_wait3A_684, %dma_wait3A_689] : memref<4x80xi32, #tpu.memory_space<vmem>> -> memref<1x80xi32, #tpu.memory_space<vmem>>
      %dma_wait3A_691 = tpu.memref_squeeze %dma_wait3A_690 : memref<1x80xi32, #tpu.memory_space<vmem>> -> memref<80xi32, #tpu.memory_space<vmem>>
      %dma_wait3A_692 = tpu.memref_slice %arg2[%add3A_440] : memref<640000xi32, #tpu.memory_space<hbm>> -> memref<80xi32, #tpu.memory_space<hbm>>
      tpu.wait_dma2 semaphore(%arg9 : memref<!tpu.dma_semaphore, #tpu.memory_space<semaphore_mem>>) src(%dma_wait3A_692 : memref<80xi32, #tpu.memory_space<hbm>>) dst(%dma_wait3A_691 : memref<80xi32, #tpu.memory_space<vmem>>)
      %dma_start3A_693 = arith.constant 1 : i32
      %dma_start3A_694 = arith.constant 0 : i32
      %dma_start3A_695 = arith.constant 0 : i32
      %dma_start3A_696 = arith.constant 0 : i32
      %dma_start3A_697 = tpu.memref_slice %arg7[%dma_start3A_693, %dma_start3A_695, %dma_start3A_696] : memref<3x80x128xf32, #tpu.memory_space<vmem>> -> memref<1x80x128xf32, #tpu.memory_space<vmem>>
      %dma_start3A_698 = tpu.memref_squeeze %dma_start3A_697 : memref<1x80x128xf32, #tpu.memory_space<vmem>> -> memref<80x128xf32, #tpu.memory_space<vmem>>
      %dma_start3A_699 = arith.constant 0 : i32
      %dma_start3A_700 = tpu.memref_slice %arg6[%dma_start3A_694, %dma_start3A_699] : memref<4x80xi32, #tpu.memory_space<vmem>> -> memref<1x80xi32, #tpu.memory_space<vmem>>
      %dma_start3A_701 = tpu.memref_squeeze %dma_start3A_700 : memref<1x80xi32, #tpu.memory_space<vmem>> -> memref<80xi32, #tpu.memory_space<vmem>>
      %dma_start3A_702 = arith.constant 0 : i32
      %dma_start3A_703 = arith.constant 0 : i32
      %dma_start3A_704 = tpu.memref_slice %arg8[%dma_start3A_702, %dma_start3A_703] : memref<10240x128xf32, #tpu.memory_space<vmem_shared>> -> memref<10240x128xf32, #tpu.memory_space<vmem_shared>>
      tpu.enqueue_indirect_dma source(%dma_start3A_698 : memref<80x128xf32, #tpu.memory_space<vmem>>) target(%dma_start3A_704 : memref<10240x128xf32, #tpu.memory_space<vmem_shared>>) offsets(%dma_start3A_701 : memref<80xi32, #tpu.memory_space<vmem>>) semaphore(%arg16 : memref<!tpu.dma_semaphore, #tpu.memory_space<semaphore_mem>>) {add = true}
      %dma_wait3A_705 = arith.constant 1 : i32
      %dma_wait3A_706 = arith.constant 0 : i32
      %dma_wait3A_707 = arith.constant 0 : i32
      %dma_wait3A_708 = arith.constant 0 : i32
      %dma_wait3A_709 = tpu.memref_slice %arg7[%dma_wait3A_705, %dma_wait3A_707, %dma_wait3A_708] : memref<3x80x128xf32, #tpu.memory_space<vmem>> -> memref<1x80x128xf32, #tpu.memory_space<vmem>>
      %dma_wait3A_710 = tpu.memref_squeeze %dma_wait3A_709 : memref<1x80x128xf32, #tpu.memory_space<vmem>> -> memref<80x128xf32, #tpu.memory_space<vmem>>
      %dma_wait3A_711 = arith.constant 0 : i32
      %dma_wait3A_712 = tpu.memref_slice %arg6[%dma_wait3A_706, %dma_wait3A_711] : memref<4x80xi32, #tpu.memory_space<vmem>> -> memref<1x80xi32, #tpu.memory_space<vmem>>
      %dma_wait3A_713 = tpu.memref_squeeze %dma_wait3A_712 : memref<1x80xi32, #tpu.memory_space<vmem>> -> memref<80xi32, #tpu.memory_space<vmem>>
      %dma_wait3A_714 = arith.constant 0 : i32
      %dma_wait3A_715 = arith.constant 0 : i32
      %dma_wait3A_716 = tpu.memref_slice %arg8[%dma_wait3A_714, %dma_wait3A_715] : memref<10240x128xf32, #tpu.memory_space<vmem_shared>> -> memref<10240x128xf32, #tpu.memory_space<vmem_shared>>
      tpu.wait_indirect_dma semaphore(%arg16 : memref<!tpu.dma_semaphore, #tpu.memory_space<semaphore_mem>>) src(%dma_wait3A_710 : memref<80x128xf32, #tpu.memory_space<vmem>>) dst(%dma_wait3A_716 : memref<10240x128xf32, #tpu.memory_space<vmem_shared>>)
      %add3A_717 = arith.constant 5 : i32
      %add3A_718 = arith.addi %mul3A_267, %add3A_717 : i32
      %add3A_719 = arith.constant 2 : i32
      %add3A_720 = arith.addi %add3A_718, %add3A_719 : i32
      %mul3A_721 = arith.constant 80 : i32
      %mul3A_722 = arith.muli %add3A_720, %mul3A_721 : i32
      %dma_start3A_723 = arith.constant 1 : i32
      %dma_start3A_724 = arith.constant 0 : i32
      %dma_start3A_725 = arith.constant 0 : i32
      %dma_start3A_726 = tpu.memref_slice %arg7[%dma_start3A_723, %dma_start3A_724, %dma_start3A_725] : memref<3x80x128xf32, #tpu.memory_space<vmem>> -> memref<1x80x128xf32, #tpu.memory_space<vmem>>
      %dma_start3A_727 = tpu.memref_squeeze %dma_start3A_726 : memref<1x80x128xf32, #tpu.memory_space<vmem>> -> memref<80x128xf32, #tpu.memory_space<vmem>>
      %dma_start3A_728 = tpu.memref_slice %arg5[%mul3A_722] : memref<10000xi32, #tpu.memory_space<vmem>> -> memref<80xi32, #tpu.memory_space<vmem>>
      %dma_start3A_729 = arith.constant 0 : i32
      %dma_start3A_730 = arith.constant 0 : i32
      %dma_start3A_731 = tpu.memref_slice %arg3[%dma_start3A_729, %dma_start3A_730] : memref<10000x128xf32, #tpu.memory_space<hbm>> -> memref<10000x128xf32, #tpu.memory_space<hbm>>
      tpu.enqueue_indirect_dma source(%dma_start3A_731 : memref<10000x128xf32, #tpu.memory_space<hbm>>) target(%dma_start3A_727 : memref<80x128xf32, #tpu.memory_space<vmem>>) offsets(%dma_start3A_728 : memref<80xi32, #tpu.memory_space<vmem>>) semaphore(%arg14 : memref<!tpu.dma_semaphore, #tpu.memory_space<semaphore_mem>>)
      %add3A_732 = arith.constant 5 : i32
      %add3A_733 = arith.addi %mul3A_267, %add3A_732 : i32
      %add3A_734 = arith.constant 3 : i32
      %add3A_735 = arith.addi %add3A_733, %add3A_734 : i32
      %add3A_736 = arith.constant 320000 : i32
      %add3A_737 = arith.addi %add3A_736, %mul3A_2 : i32
      %mul3A_738 = arith.constant 80 : i32
      %mul3A_739 = arith.muli %add3A_735, %mul3A_738 : i32
      %add3A_740 = arith.addi %add3A_737, %mul3A_739 : i32
      %dma_start3A_741 = arith.constant 0 : i32
      %dma_start3A_742 = arith.constant 0 : i32
      %dma_start3A_743 = tpu.memref_slice %arg6[%dma_start3A_741, %dma_start3A_742] : memref<4x80xi32, #tpu.memory_space<vmem>> -> memref<1x80xi32, #tpu.memory_space<vmem>>
      %dma_start3A_744 = tpu.memref_squeeze %dma_start3A_743 : memref<1x80xi32, #tpu.memory_space<vmem>> -> memref<80xi32, #tpu.memory_space<vmem>>
      %dma_start3A_745 = tpu.memref_slice %arg2[%add3A_740] : memref<640000xi32, #tpu.memory_space<hbm>> -> memref<80xi32, #tpu.memory_space<hbm>>
      %dma_start3A_746 = arith.constant 0 : i32
      %dma_start3A_747 = tpu.memref_slice %arg6[%dma_start3A_741, %dma_start3A_746] : memref<4x80xi32, #tpu.memory_space<vmem>> -> memref<1x80xi32, #tpu.memory_space<vmem>>
      %dma_start3A_748 = tpu.memref_squeeze %dma_start3A_747 : memref<1x80xi32, #tpu.memory_space<vmem>> -> memref<80xi32, #tpu.memory_space<vmem>>
      %dma_start3A_749 = tpu.memref_slice %arg2[%add3A_740] : memref<640000xi32, #tpu.memory_space<hbm>> -> memref<80xi32, #tpu.memory_space<hbm>>
      tpu.enqueue_dma source(%dma_start3A_749 : memref<80xi32, #tpu.memory_space<hbm>>) target(%dma_start3A_748 : memref<80xi32, #tpu.memory_space<vmem>>) target_semaphore(%arg9 : memref<!tpu.dma_semaphore, #tpu.memory_space<semaphore_mem>>)
      %dma_wait3A_750 = arith.constant 2 : i32
      %dma_wait3A_751 = arith.constant 0 : i32
      %dma_wait3A_752 = arith.constant 0 : i32
      %dma_wait3A_753 = tpu.memref_slice %arg7[%dma_wait3A_750, %dma_wait3A_751, %dma_wait3A_752] : memref<3x80x128xf32, #tpu.memory_space<vmem>> -> memref<1x80x128xf32, #tpu.memory_space<vmem>>
      %dma_wait3A_754 = tpu.memref_squeeze %dma_wait3A_753 : memref<1x80x128xf32, #tpu.memory_space<vmem>> -> memref<80x128xf32, #tpu.memory_space<vmem>>
      %dma_wait3A_755 = tpu.memref_slice %arg5[%mul3A_572] : memref<10000xi32, #tpu.memory_space<vmem>> -> memref<80xi32, #tpu.memory_space<vmem>>
      %dma_wait3A_756 = arith.constant 0 : i32
      %dma_wait3A_757 = arith.constant 0 : i32
      %dma_wait3A_758 = tpu.memref_slice %arg3[%dma_wait3A_756, %dma_wait3A_757] : memref<10000x128xf32, #tpu.memory_space<hbm>> -> memref<10000x128xf32, #tpu.memory_space<hbm>>
      tpu.wait_indirect_dma semaphore(%arg15 : memref<!tpu.dma_semaphore, #tpu.memory_space<semaphore_mem>>) src(%dma_wait3A_758 : memref<10000x128xf32, #tpu.memory_space<hbm>>) dst(%dma_wait3A_754 : memref<80x128xf32, #tpu.memory_space<vmem>>)
      %dma_wait3A_759 = arith.constant 1 : i32
      %dma_wait3A_760 = arith.constant 0 : i32
      %dma_wait3A_761 = tpu.memref_slice %arg6[%dma_wait3A_759, %dma_wait3A_760] : memref<4x80xi32, #tpu.memory_space<vmem>> -> memref<1x80xi32, #tpu.memory_space<vmem>>
      %dma_wait3A_762 = tpu.memref_squeeze %dma_wait3A_761 : memref<1x80xi32, #tpu.memory_space<vmem>> -> memref<80xi32, #tpu.memory_space<vmem>>
      %dma_wait3A_763 = tpu.memref_slice %arg2[%add3A_515] : memref<640000xi32, #tpu.memory_space<hbm>> -> memref<80xi32, #tpu.memory_space<hbm>>
      %dma_wait3A_764 = arith.constant 0 : i32
      %dma_wait3A_765 = tpu.memref_slice %arg6[%dma_wait3A_759, %dma_wait3A_764] : memref<4x80xi32, #tpu.memory_space<vmem>> -> memref<1x80xi32, #tpu.memory_space<vmem>>
      %dma_wait3A_766 = tpu.memref_squeeze %dma_wait3A_765 : memref<1x80xi32, #tpu.memory_space<vmem>> -> memref<80xi32, #tpu.memory_space<vmem>>
      %dma_wait3A_767 = tpu.memref_slice %arg2[%add3A_515] : memref<640000xi32, #tpu.memory_space<hbm>> -> memref<80xi32, #tpu.memory_space<hbm>>
      tpu.wait_dma2 semaphore(%arg10 : memref<!tpu.dma_semaphore, #tpu.memory_space<semaphore_mem>>) src(%dma_wait3A_767 : memref<80xi32, #tpu.memory_space<hbm>>) dst(%dma_wait3A_766 : memref<80xi32, #tpu.memory_space<vmem>>)
      %dma_start3A_768 = arith.constant 2 : i32
      %dma_start3A_769 = arith.constant 1 : i32
      %dma_start3A_770 = arith.constant 0 : i32
      %dma_start3A_771 = arith.constant 0 : i32
      %dma_start3A_772 = tpu.memref_slice %arg7[%dma_start3A_768, %dma_start3A_770, %dma_start3A_771] : memref<3x80x128xf32, #tpu.memory_space<vmem>> -> memref<1x80x128xf32, #tpu.memory_space<vmem>>
      %dma_start3A_773 = tpu.memref_squeeze %dma_start3A_772 : memref<1x80x128xf32, #tpu.memory_space<vmem>> -> memref<80x128xf32, #tpu.memory_space<vmem>>
      %dma_start3A_774 = arith.constant 0 : i32
      %dma_start3A_775 = tpu.memref_slice %arg6[%dma_start3A_769, %dma_start3A_774] : memref<4x80xi32, #tpu.memory_space<vmem>> -> memref<1x80xi32, #tpu.memory_space<vmem>>
      %dma_start3A_776 = tpu.memref_squeeze %dma_start3A_775 : memref<1x80xi32, #tpu.memory_space<vmem>> -> memref<80xi32, #tpu.memory_space<vmem>>
      %dma_start3A_777 = arith.constant 0 : i32
      %dma_start3A_778 = arith.constant 0 : i32
      %dma_start3A_779 = tpu.memref_slice %arg8[%dma_start3A_777, %dma_start3A_778] : memref<10240x128xf32, #tpu.memory_space<vmem_shared>> -> memref<10240x128xf32, #tpu.memory_space<vmem_shared>>
      tpu.enqueue_indirect_dma source(%dma_start3A_773 : memref<80x128xf32, #tpu.memory_space<vmem>>) target(%dma_start3A_779 : memref<10240x128xf32, #tpu.memory_space<vmem_shared>>) offsets(%dma_start3A_776 : memref<80xi32, #tpu.memory_space<vmem>>) semaphore(%arg17 : memref<!tpu.dma_semaphore, #tpu.memory_space<semaphore_mem>>) {add = true}
      %dma_wait3A_780 = arith.constant 2 : i32
      %dma_wait3A_781 = arith.constant 1 : i32
      %dma_wait3A_782 = arith.constant 0 : i32
      %dma_wait3A_783 = arith.constant 0 : i32
      %dma_wait3A_784 = tpu.memref_slice %arg7[%dma_wait3A_780, %dma_wait3A_782, %dma_wait3A_783] : memref<3x80x128xf32, #tpu.memory_space<vmem>> -> memref<1x80x128xf32, #tpu.memory_space<vmem>>
      %dma_wait3A_785 = tpu.memref_squeeze %dma_wait3A_784 : memref<1x80x128xf32, #tpu.memory_space<vmem>> -> memref<80x128xf32, #tpu.memory_space<vmem>>
      %dma_wait3A_786 = arith.constant 0 : i32
      %dma_wait3A_787 = tpu.memref_slice %arg6[%dma_wait3A_781, %dma_wait3A_786] : memref<4x80xi32, #tpu.memory_space<vmem>> -> memref<1x80xi32, #tpu.memory_space<vmem>>
      %dma_wait3A_788 = tpu.memref_squeeze %dma_wait3A_787 : memref<1x80xi32, #tpu.memory_space<vmem>> -> memref<80xi32, #tpu.memory_space<vmem>>
      %dma_wait3A_789 = arith.constant 0 : i32
      %dma_wait3A_790 = arith.constant 0 : i32
      %dma_wait3A_791 = tpu.memref_slice %arg8[%dma_wait3A_789, %dma_wait3A_790] : memref<10240x128xf32, #tpu.memory_space<vmem_shared>> -> memref<10240x128xf32, #tpu.memory_space<vmem_shared>>
      tpu.wait_indirect_dma semaphore(%arg17 : memref<!tpu.dma_semaphore, #tpu.memory_space<semaphore_mem>>) src(%dma_wait3A_785 : memref<80x128xf32, #tpu.memory_space<vmem>>) dst(%dma_wait3A_791 : memref<10240x128xf32, #tpu.memory_space<vmem_shared>>)
      %add3A_792 = arith.constant 6 : i32
      %add3A_793 = arith.addi %mul3A_267, %add3A_792 : i32
      %add3A_794 = arith.constant 2 : i32
      %add3A_795 = arith.addi %add3A_793, %add3A_794 : i32
      %mul3A_796 = arith.constant 80 : i32
      %mul3A_797 = arith.muli %add3A_795, %mul3A_796 : i32
      %dma_start3A_798 = arith.constant 2 : i32
      %dma_start3A_799 = arith.constant 0 : i32
      %dma_start3A_800 = arith.constant 0 : i32
      %dma_start3A_801 = tpu.memref_slice %arg7[%dma_start3A_798, %dma_start3A_799, %dma_start3A_800] : memref<3x80x128xf32, #tpu.memory_space<vmem>> -> memref<1x80x128xf32, #tpu.memory_space<vmem>>
      %dma_start3A_802 = tpu.memref_squeeze %dma_start3A_801 : memref<1x80x128xf32, #tpu.memory_space<vmem>> -> memref<80x128xf32, #tpu.memory_space<vmem>>
      %dma_start3A_803 = tpu.memref_slice %arg5[%mul3A_797] : memref<10000xi32, #tpu.memory_space<vmem>> -> memref<80xi32, #tpu.memory_space<vmem>>
      %dma_start3A_804 = arith.constant 0 : i32
      %dma_start3A_805 = arith.constant 0 : i32
      %dma_start3A_806 = tpu.memref_slice %arg3[%dma_start3A_804, %dma_start3A_805] : memref<10000x128xf32, #tpu.memory_space<hbm>> -> memref<10000x128xf32, #tpu.memory_space<hbm>>
      tpu.enqueue_indirect_dma source(%dma_start3A_806 : memref<10000x128xf32, #tpu.memory_space<hbm>>) target(%dma_start3A_802 : memref<80x128xf32, #tpu.memory_space<vmem>>) offsets(%dma_start3A_803 : memref<80xi32, #tpu.memory_space<vmem>>) semaphore(%arg15 : memref<!tpu.dma_semaphore, #tpu.memory_space<semaphore_mem>>)
      %add3A_807 = arith.constant 6 : i32
      %add3A_808 = arith.addi %mul3A_267, %add3A_807 : i32
      %add3A_809 = arith.constant 3 : i32
      %add3A_810 = arith.addi %add3A_808, %add3A_809 : i32
      %add3A_811 = arith.constant 320000 : i32
      %add3A_812 = arith.addi %add3A_811, %mul3A_2 : i32
      %mul3A_813 = arith.constant 80 : i32
      %mul3A_814 = arith.muli %add3A_810, %mul3A_813 : i32
      %add3A_815 = arith.addi %add3A_812, %mul3A_814 : i32
      %dma_start3A_816 = arith.constant 1 : i32
      %dma_start3A_817 = arith.constant 0 : i32
      %dma_start3A_818 = tpu.memref_slice %arg6[%dma_start3A_816, %dma_start3A_817] : memref<4x80xi32, #tpu.memory_space<vmem>> -> memref<1x80xi32, #tpu.memory_space<vmem>>
      %dma_start3A_819 = tpu.memref_squeeze %dma_start3A_818 : memref<1x80xi32, #tpu.memory_space<vmem>> -> memref<80xi32, #tpu.memory_space<vmem>>
      %dma_start3A_820 = tpu.memref_slice %arg2[%add3A_815] : memref<640000xi32, #tpu.memory_space<hbm>> -> memref<80xi32, #tpu.memory_space<hbm>>
      %dma_start3A_821 = arith.constant 0 : i32
      %dma_start3A_822 = tpu.memref_slice %arg6[%dma_start3A_816, %dma_start3A_821] : memref<4x80xi32, #tpu.memory_space<vmem>> -> memref<1x80xi32, #tpu.memory_space<vmem>>
      %dma_start3A_823 = tpu.memref_squeeze %dma_start3A_822 : memref<1x80xi32, #tpu.memory_space<vmem>> -> memref<80xi32, #tpu.memory_space<vmem>>
      %dma_start3A_824 = tpu.memref_slice %arg2[%add3A_815] : memref<640000xi32, #tpu.memory_space<hbm>> -> memref<80xi32, #tpu.memory_space<hbm>>
      tpu.enqueue_dma source(%dma_start3A_824 : memref<80xi32, #tpu.memory_space<hbm>>) target(%dma_start3A_823 : memref<80xi32, #tpu.memory_space<vmem>>) target_semaphore(%arg10 : memref<!tpu.dma_semaphore, #tpu.memory_space<semaphore_mem>>)
      %dma_wait3A_825 = arith.constant 0 : i32
      %dma_wait3A_826 = arith.constant 0 : i32
      %dma_wait3A_827 = arith.constant 0 : i32
      %dma_wait3A_828 = tpu.memref_slice %arg7[%dma_wait3A_825, %dma_wait3A_826, %dma_wait3A_827] : memref<3x80x128xf32, #tpu.memory_space<vmem>> -> memref<1x80x128xf32, #tpu.memory_space<vmem>>
      %dma_wait3A_829 = tpu.memref_squeeze %dma_wait3A_828 : memref<1x80x128xf32, #tpu.memory_space<vmem>> -> memref<80x128xf32, #tpu.memory_space<vmem>>
      %dma_wait3A_830 = tpu.memref_slice %arg5[%mul3A_647] : memref<10000xi32, #tpu.memory_space<vmem>> -> memref<80xi32, #tpu.memory_space<vmem>>
      %dma_wait3A_831 = arith.constant 0 : i32
      %dma_wait3A_832 = arith.constant 0 : i32
      %dma_wait3A_833 = tpu.memref_slice %arg3[%dma_wait3A_831, %dma_wait3A_832] : memref<10000x128xf32, #tpu.memory_space<hbm>> -> memref<10000x128xf32, #tpu.memory_space<hbm>>
      tpu.wait_indirect_dma semaphore(%arg13 : memref<!tpu.dma_semaphore, #tpu.memory_space<semaphore_mem>>) src(%dma_wait3A_833 : memref<10000x128xf32, #tpu.memory_space<hbm>>) dst(%dma_wait3A_829 : memref<80x128xf32, #tpu.memory_space<vmem>>)
      %dma_wait3A_834 = arith.constant 2 : i32
      %dma_wait3A_835 = arith.constant 0 : i32
      %dma_wait3A_836 = tpu.memref_slice %arg6[%dma_wait3A_834, %dma_wait3A_835] : memref<4x80xi32, #tpu.memory_space<vmem>> -> memref<1x80xi32, #tpu.memory_space<vmem>>
      %dma_wait3A_837 = tpu.memref_squeeze %dma_wait3A_836 : memref<1x80xi32, #tpu.memory_space<vmem>> -> memref<80xi32, #tpu.memory_space<vmem>>
      %dma_wait3A_838 = tpu.memref_slice %arg2[%add3A_590] : memref<640000xi32, #tpu.memory_space<hbm>> -> memref<80xi32, #tpu.memory_space<hbm>>
      %dma_wait3A_839 = arith.constant 0 : i32
      %dma_wait3A_840 = tpu.memref_slice %arg6[%dma_wait3A_834, %dma_wait3A_839] : memref<4x80xi32, #tpu.memory_space<vmem>> -> memref<1x80xi32, #tpu.memory_space<vmem>>
      %dma_wait3A_841 = tpu.memref_squeeze %dma_wait3A_840 : memref<1x80xi32, #tpu.memory_space<vmem>> -> memref<80xi32, #tpu.memory_space<vmem>>
      %dma_wait3A_842 = tpu.memref_slice %arg2[%add3A_590] : memref<640000xi32, #tpu.memory_space<hbm>> -> memref<80xi32, #tpu.memory_space<hbm>>
      tpu.wait_dma2 semaphore(%arg11 : memref<!tpu.dma_semaphore, #tpu.memory_space<semaphore_mem>>) src(%dma_wait3A_842 : memref<80xi32, #tpu.memory_space<hbm>>) dst(%dma_wait3A_841 : memref<80xi32, #tpu.memory_space<vmem>>)
      %dma_start3A_843 = arith.constant 0 : i32
      %dma_start3A_844 = arith.constant 2 : i32
      %dma_start3A_845 = arith.constant 0 : i32
      %dma_start3A_846 = arith.constant 0 : i32
      %dma_start3A_847 = tpu.memref_slice %arg7[%dma_start3A_843, %dma_start3A_845, %dma_start3A_846] : memref<3x80x128xf32, #tpu.memory_space<vmem>> -> memref<1x80x128xf32, #tpu.memory_space<vmem>>
      %dma_start3A_848 = tpu.memref_squeeze %dma_start3A_847 : memref<1x80x128xf32, #tpu.memory_space<vmem>> -> memref<80x128xf32, #tpu.memory_space<vmem>>
      %dma_start3A_849 = arith.constant 0 : i32
      %dma_start3A_850 = tpu.memref_slice %arg6[%dma_start3A_844, %dma_start3A_849] : memref<4x80xi32, #tpu.memory_space<vmem>> -> memref<1x80xi32, #tpu.memory_space<vmem>>
      %dma_start3A_851 = tpu.memref_squeeze %dma_start3A_850 : memref<1x80xi32, #tpu.memory_space<vmem>> -> memref<80xi32, #tpu.memory_space<vmem>>
      %dma_start3A_852 = arith.constant 0 : i32
      %dma_start3A_853 = arith.constant 0 : i32
      %dma_start3A_854 = tpu.memref_slice %arg8[%dma_start3A_852, %dma_start3A_853] : memref<10240x128xf32, #tpu.memory_space<vmem_shared>> -> memref<10240x128xf32, #tpu.memory_space<vmem_shared>>
      tpu.enqueue_indirect_dma source(%dma_start3A_848 : memref<80x128xf32, #tpu.memory_space<vmem>>) target(%dma_start3A_854 : memref<10240x128xf32, #tpu.memory_space<vmem_shared>>) offsets(%dma_start3A_851 : memref<80xi32, #tpu.memory_space<vmem>>) semaphore(%arg16 : memref<!tpu.dma_semaphore, #tpu.memory_space<semaphore_mem>>) {add = true}
      %dma_wait3A_855 = arith.constant 0 : i32
      %dma_wait3A_856 = arith.constant 2 : i32
      %dma_wait3A_857 = arith.constant 0 : i32
      %dma_wait3A_858 = arith.constant 0 : i32
      %dma_wait3A_859 = tpu.memref_slice %arg7[%dma_wait3A_855, %dma_wait3A_857, %dma_wait3A_858] : memref<3x80x128xf32, #tpu.memory_space<vmem>> -> memref<1x80x128xf32, #tpu.memory_space<vmem>>
      %dma_wait3A_860 = tpu.memref_squeeze %dma_wait3A_859 : memref<1x80x128xf32, #tpu.memory_space<vmem>> -> memref<80x128xf32, #tpu.memory_space<vmem>>
      %dma_wait3A_861 = arith.constant 0 : i32
      %dma_wait3A_862 = tpu.memref_slice %arg6[%dma_wait3A_856, %dma_wait3A_861] : memref<4x80xi32, #tpu.memory_space<vmem>> -> memref<1x80xi32, #tpu.memory_space<vmem>>
      %dma_wait3A_863 = tpu.memref_squeeze %dma_wait3A_862 : memref<1x80xi32, #tpu.memory_space<vmem>> -> memref<80xi32, #tpu.memory_space<vmem>>
      %dma_wait3A_864 = arith.constant 0 : i32
      %dma_wait3A_865 = arith.constant 0 : i32
      %dma_wait3A_866 = tpu.memref_slice %arg8[%dma_wait3A_864, %dma_wait3A_865] : memref<10240x128xf32, #tpu.memory_space<vmem_shared>> -> memref<10240x128xf32, #tpu.memory_space<vmem_shared>>
      tpu.wait_indirect_dma semaphore(%arg16 : memref<!tpu.dma_semaphore, #tpu.memory_space<semaphore_mem>>) src(%dma_wait3A_860 : memref<80x128xf32, #tpu.memory_space<vmem>>) dst(%dma_wait3A_866 : memref<10240x128xf32, #tpu.memory_space<vmem_shared>>)
      %add3A_867 = arith.constant 7 : i32
      %add3A_868 = arith.addi %mul3A_267, %add3A_867 : i32
      %add3A_869 = arith.constant 2 : i32
      %add3A_870 = arith.addi %add3A_868, %add3A_869 : i32
      %mul3A_871 = arith.constant 80 : i32
      %mul3A_872 = arith.muli %add3A_870, %mul3A_871 : i32
      %dma_start3A_873 = arith.constant 0 : i32
      %dma_start3A_874 = arith.constant 0 : i32
      %dma_start3A_875 = arith.constant 0 : i32
      %dma_start3A_876 = tpu.memref_slice %arg7[%dma_start3A_873, %dma_start3A_874, %dma_start3A_875] : memref<3x80x128xf32, #tpu.memory_space<vmem>> -> memref<1x80x128xf32, #tpu.memory_space<vmem>>
      %dma_start3A_877 = tpu.memref_squeeze %dma_start3A_876 : memref<1x80x128xf32, #tpu.memory_space<vmem>> -> memref<80x128xf32, #tpu.memory_space<vmem>>
      %dma_start3A_878 = tpu.memref_slice %arg5[%mul3A_872] : memref<10000xi32, #tpu.memory_space<vmem>> -> memref<80xi32, #tpu.memory_space<vmem>>
      %dma_start3A_879 = arith.constant 0 : i32
      %dma_start3A_880 = arith.constant 0 : i32
      %dma_start3A_881 = tpu.memref_slice %arg3[%dma_start3A_879, %dma_start3A_880] : memref<10000x128xf32, #tpu.memory_space<hbm>> -> memref<10000x128xf32, #tpu.memory_space<hbm>>
      tpu.enqueue_indirect_dma source(%dma_start3A_881 : memref<10000x128xf32, #tpu.memory_space<hbm>>) target(%dma_start3A_877 : memref<80x128xf32, #tpu.memory_space<vmem>>) offsets(%dma_start3A_878 : memref<80xi32, #tpu.memory_space<vmem>>) semaphore(%arg13 : memref<!tpu.dma_semaphore, #tpu.memory_space<semaphore_mem>>)
      %add3A_882 = arith.constant 7 : i32
      %add3A_883 = arith.addi %mul3A_267, %add3A_882 : i32
      %add3A_884 = arith.constant 3 : i32
      %add3A_885 = arith.addi %add3A_883, %add3A_884 : i32
      %add3A_886 = arith.constant 320000 : i32
      %add3A_887 = arith.addi %add3A_886, %mul3A_2 : i32
      %mul3A_888 = arith.constant 80 : i32
      %mul3A_889 = arith.muli %add3A_885, %mul3A_888 : i32
      %add3A_890 = arith.addi %add3A_887, %mul3A_889 : i32
      %dma_start3A_891 = arith.constant 2 : i32
      %dma_start3A_892 = arith.constant 0 : i32
      %dma_start3A_893 = tpu.memref_slice %arg6[%dma_start3A_891, %dma_start3A_892] : memref<4x80xi32, #tpu.memory_space<vmem>> -> memref<1x80xi32, #tpu.memory_space<vmem>>
      %dma_start3A_894 = tpu.memref_squeeze %dma_start3A_893 : memref<1x80xi32, #tpu.memory_space<vmem>> -> memref<80xi32, #tpu.memory_space<vmem>>
      %dma_start3A_895 = tpu.memref_slice %arg2[%add3A_890] : memref<640000xi32, #tpu.memory_space<hbm>> -> memref<80xi32, #tpu.memory_space<hbm>>
      %dma_start3A_896 = arith.constant 0 : i32
      %dma_start3A_897 = tpu.memref_slice %arg6[%dma_start3A_891, %dma_start3A_896] : memref<4x80xi32, #tpu.memory_space<vmem>> -> memref<1x80xi32, #tpu.memory_space<vmem>>
      %dma_start3A_898 = tpu.memref_squeeze %dma_start3A_897 : memref<1x80xi32, #tpu.memory_space<vmem>> -> memref<80xi32, #tpu.memory_space<vmem>>
      %dma_start3A_899 = tpu.memref_slice %arg2[%add3A_890] : memref<640000xi32, #tpu.memory_space<hbm>> -> memref<80xi32, #tpu.memory_space<hbm>>
      tpu.enqueue_dma source(%dma_start3A_899 : memref<80xi32, #tpu.memory_space<hbm>>) target(%dma_start3A_898 : memref<80xi32, #tpu.memory_space<vmem>>) target_semaphore(%arg11 : memref<!tpu.dma_semaphore, #tpu.memory_space<semaphore_mem>>)
      %dma_wait3A_900 = arith.constant 1 : i32
      %dma_wait3A_901 = arith.constant 0 : i32
      %dma_wait3A_902 = arith.constant 0 : i32
      %dma_wait3A_903 = tpu.memref_slice %arg7[%dma_wait3A_900, %dma_wait3A_901, %dma_wait3A_902] : memref<3x80x128xf32, #tpu.memory_space<vmem>> -> memref<1x80x128xf32, #tpu.memory_space<vmem>>
      %dma_wait3A_904 = tpu.memref_squeeze %dma_wait3A_903 : memref<1x80x128xf32, #tpu.memory_space<vmem>> -> memref<80x128xf32, #tpu.memory_space<vmem>>
      %dma_wait3A_905 = tpu.memref_slice %arg5[%mul3A_722] : memref<10000xi32, #tpu.memory_space<vmem>> -> memref<80xi32, #tpu.memory_space<vmem>>
      %dma_wait3A_906 = arith.constant 0 : i32
      %dma_wait3A_907 = arith.constant 0 : i32
      %dma_wait3A_908 = tpu.memref_slice %arg3[%dma_wait3A_906, %dma_wait3A_907] : memref<10000x128xf32, #tpu.memory_space<hbm>> -> memref<10000x128xf32, #tpu.memory_space<hbm>>
      tpu.wait_indirect_dma semaphore(%arg14 : memref<!tpu.dma_semaphore, #tpu.memory_space<semaphore_mem>>) src(%dma_wait3A_908 : memref<10000x128xf32, #tpu.memory_space<hbm>>) dst(%dma_wait3A_904 : memref<80x128xf32, #tpu.memory_space<vmem>>)
      %dma_wait3A_909 = arith.constant 3 : i32
      %dma_wait3A_910 = arith.constant 0 : i32
      %dma_wait3A_911 = tpu.memref_slice %arg6[%dma_wait3A_909, %dma_wait3A_910] : memref<4x80xi32, #tpu.memory_space<vmem>> -> memref<1x80xi32, #tpu.memory_space<vmem>>
      %dma_wait3A_912 = tpu.memref_squeeze %dma_wait3A_911 : memref<1x80xi32, #tpu.memory_space<vmem>> -> memref<80xi32, #tpu.memory_space<vmem>>
      %dma_wait3A_913 = tpu.memref_slice %arg2[%add3A_665] : memref<640000xi32, #tpu.memory_space<hbm>> -> memref<80xi32, #tpu.memory_space<hbm>>
      %dma_wait3A_914 = arith.constant 0 : i32
      %dma_wait3A_915 = tpu.memref_slice %arg6[%dma_wait3A_909, %dma_wait3A_914] : memref<4x80xi32, #tpu.memory_space<vmem>> -> memref<1x80xi32, #tpu.memory_space<vmem>>
      %dma_wait3A_916 = tpu.memref_squeeze %dma_wait3A_915 : memref<1x80xi32, #tpu.memory_space<vmem>> -> memref<80xi32, #tpu.memory_space<vmem>>
      %dma_wait3A_917 = tpu.memref_slice %arg2[%add3A_665] : memref<640000xi32, #tpu.memory_space<hbm>> -> memref<80xi32, #tpu.memory_space<hbm>>
      tpu.wait_dma2 semaphore(%arg12 : memref<!tpu.dma_semaphore, #tpu.memory_space<semaphore_mem>>) src(%dma_wait3A_917 : memref<80xi32, #tpu.memory_space<hbm>>) dst(%dma_wait3A_916 : memref<80xi32, #tpu.memory_space<vmem>>)
      %dma_start3A_918 = arith.constant 1 : i32
      %dma_start3A_919 = arith.constant 3 : i32
      %dma_start3A_920 = arith.constant 0 : i32
      %dma_start3A_921 = arith.constant 0 : i32
      %dma_start3A_922 = tpu.memref_slice %arg7[%dma_start3A_918, %dma_start3A_920, %dma_start3A_921] : memref<3x80x128xf32, #tpu.memory_space<vmem>> -> memref<1x80x128xf32, #tpu.memory_space<vmem>>
      %dma_start3A_923 = tpu.memref_squeeze %dma_start3A_922 : memref<1x80x128xf32, #tpu.memory_space<vmem>> -> memref<80x128xf32, #tpu.memory_space<vmem>>
      %dma_start3A_924 = arith.constant 0 : i32
      %dma_start3A_925 = tpu.memref_slice %arg6[%dma_start3A_919, %dma_start3A_924] : memref<4x80xi32, #tpu.memory_space<vmem>> -> memref<1x80xi32, #tpu.memory_space<vmem>>
      %dma_start3A_926 = tpu.memref_squeeze %dma_start3A_925 : memref<1x80xi32, #tpu.memory_space<vmem>> -> memref<80xi32, #tpu.memory_space<vmem>>
      %dma_start3A_927 = arith.constant 0 : i32
      %dma_start3A_928 = arith.constant 0 : i32
      %dma_start3A_929 = tpu.memref_slice %arg8[%dma_start3A_927, %dma_start3A_928] : memref<10240x128xf32, #tpu.memory_space<vmem_shared>> -> memref<10240x128xf32, #tpu.memory_space<vmem_shared>>
      tpu.enqueue_indirect_dma source(%dma_start3A_923 : memref<80x128xf32, #tpu.memory_space<vmem>>) target(%dma_start3A_929 : memref<10240x128xf32, #tpu.memory_space<vmem_shared>>) offsets(%dma_start3A_926 : memref<80xi32, #tpu.memory_space<vmem>>) semaphore(%arg17 : memref<!tpu.dma_semaphore, #tpu.memory_space<semaphore_mem>>) {add = true}
      %dma_wait3A_930 = arith.constant 1 : i32
      %dma_wait3A_931 = arith.constant 3 : i32
      %dma_wait3A_932 = arith.constant 0 : i32
      %dma_wait3A_933 = arith.constant 0 : i32
      %dma_wait3A_934 = tpu.memref_slice %arg7[%dma_wait3A_930, %dma_wait3A_932, %dma_wait3A_933] : memref<3x80x128xf32, #tpu.memory_space<vmem>> -> memref<1x80x128xf32, #tpu.memory_space<vmem>>
      %dma_wait3A_935 = tpu.memref_squeeze %dma_wait3A_934 : memref<1x80x128xf32, #tpu.memory_space<vmem>> -> memref<80x128xf32, #tpu.memory_space<vmem>>
      %dma_wait3A_936 = arith.constant 0 : i32
      %dma_wait3A_937 = tpu.memref_slice %arg6[%dma_wait3A_931, %dma_wait3A_936] : memref<4x80xi32, #tpu.memory_space<vmem>> -> memref<1x80xi32, #tpu.memory_space<vmem>>
      %dma_wait3A_938 = tpu.memref_squeeze %dma_wait3A_937 : memref<1x80xi32, #tpu.memory_space<vmem>> -> memref<80xi32, #tpu.memory_space<vmem>>
      %dma_wait3A_939 = arith.constant 0 : i32
      %dma_wait3A_940 = arith.constant 0 : i32
      %dma_wait3A_941 = tpu.memref_slice %arg8[%dma_wait3A_939, %dma_wait3A_940] : memref<10240x128xf32, #tpu.memory_space<vmem_shared>> -> memref<10240x128xf32, #tpu.memory_space<vmem_shared>>
      tpu.wait_indirect_dma semaphore(%arg17 : memref<!tpu.dma_semaphore, #tpu.memory_space<semaphore_mem>>) src(%dma_wait3A_935 : memref<80x128xf32, #tpu.memory_space<vmem>>) dst(%dma_wait3A_941 : memref<10240x128xf32, #tpu.memory_space<vmem_shared>>)
      %add3A_942 = arith.constant 8 : i32
      %add3A_943 = arith.addi %mul3A_267, %add3A_942 : i32
      %add3A_944 = arith.constant 2 : i32
      %add3A_945 = arith.addi %add3A_943, %add3A_944 : i32
      %mul3A_946 = arith.constant 80 : i32
      %mul3A_947 = arith.muli %add3A_945, %mul3A_946 : i32
      %dma_start3A_948 = arith.constant 1 : i32
      %dma_start3A_949 = arith.constant 0 : i32
      %dma_start3A_950 = arith.constant 0 : i32
      %dma_start3A_951 = tpu.memref_slice %arg7[%dma_start3A_948, %dma_start3A_949, %dma_start3A_950] : memref<3x80x128xf32, #tpu.memory_space<vmem>> -> memref<1x80x128xf32, #tpu.memory_space<vmem>>
      %dma_start3A_952 = tpu.memref_squeeze %dma_start3A_951 : memref<1x80x128xf32, #tpu.memory_space<vmem>> -> memref<80x128xf32, #tpu.memory_space<vmem>>
      %dma_start3A_953 = tpu.memref_slice %arg5[%mul3A_947] : memref<10000xi32, #tpu.memory_space<vmem>> -> memref<80xi32, #tpu.memory_space<vmem>>
      %dma_start3A_954 = arith.constant 0 : i32
      %dma_start3A_955 = arith.constant 0 : i32
      %dma_start3A_956 = tpu.memref_slice %arg3[%dma_start3A_954, %dma_start3A_955] : memref<10000x128xf32, #tpu.memory_space<hbm>> -> memref<10000x128xf32, #tpu.memory_space<hbm>>
      tpu.enqueue_indirect_dma source(%dma_start3A_956 : memref<10000x128xf32, #tpu.memory_space<hbm>>) target(%dma_start3A_952 : memref<80x128xf32, #tpu.memory_space<vmem>>) offsets(%dma_start3A_953 : memref<80xi32, #tpu.memory_space<vmem>>) semaphore(%arg14 : memref<!tpu.dma_semaphore, #tpu.memory_space<semaphore_mem>>)
      %add3A_957 = arith.constant 8 : i32
      %add3A_958 = arith.addi %mul3A_267, %add3A_957 : i32
      %add3A_959 = arith.constant 3 : i32
      %add3A_960 = arith.addi %add3A_958, %add3A_959 : i32
      %add3A_961 = arith.constant 320000 : i32
      %add3A_962 = arith.addi %add3A_961, %mul3A_2 : i32
      %mul3A_963 = arith.constant 80 : i32
      %mul3A_964 = arith.muli %add3A_960, %mul3A_963 : i32
      %add3A_965 = arith.addi %add3A_962, %mul3A_964 : i32
      %dma_start3A_966 = arith.constant 3 : i32
      %dma_start3A_967 = arith.constant 0 : i32
      %dma_start3A_968 = tpu.memref_slice %arg6[%dma_start3A_966, %dma_start3A_967] : memref<4x80xi32, #tpu.memory_space<vmem>> -> memref<1x80xi32, #tpu.memory_space<vmem>>
      %dma_start3A_969 = tpu.memref_squeeze %dma_start3A_968 : memref<1x80xi32, #tpu.memory_space<vmem>> -> memref<80xi32, #tpu.memory_space<vmem>>
      %dma_start3A_970 = tpu.memref_slice %arg2[%add3A_965] : memref<640000xi32, #tpu.memory_space<hbm>> -> memref<80xi32, #tpu.memory_space<hbm>>
      %dma_start3A_971 = arith.constant 0 : i32
      %dma_start3A_972 = tpu.memref_slice %arg6[%dma_start3A_966, %dma_start3A_971] : memref<4x80xi32, #tpu.memory_space<vmem>> -> memref<1x80xi32, #tpu.memory_space<vmem>>
      %dma_start3A_973 = tpu.memref_squeeze %dma_start3A_972 : memref<1x80xi32, #tpu.memory_space<vmem>> -> memref<80xi32, #tpu.memory_space<vmem>>
      %dma_start3A_974 = tpu.memref_slice %arg2[%add3A_965] : memref<640000xi32, #tpu.memory_space<hbm>> -> memref<80xi32, #tpu.memory_space<hbm>>
      tpu.enqueue_dma source(%dma_start3A_974 : memref<80xi32, #tpu.memory_space<hbm>>) target(%dma_start3A_973 : memref<80xi32, #tpu.memory_space<vmem>>) target_semaphore(%arg12 : memref<!tpu.dma_semaphore, #tpu.memory_space<semaphore_mem>>)
      %dma_wait3A_975 = arith.constant 2 : i32
      %dma_wait3A_976 = arith.constant 0 : i32
      %dma_wait3A_977 = arith.constant 0 : i32
      %dma_wait3A_978 = tpu.memref_slice %arg7[%dma_wait3A_975, %dma_wait3A_976, %dma_wait3A_977] : memref<3x80x128xf32, #tpu.memory_space<vmem>> -> memref<1x80x128xf32, #tpu.memory_space<vmem>>
      %dma_wait3A_979 = tpu.memref_squeeze %dma_wait3A_978 : memref<1x80x128xf32, #tpu.memory_space<vmem>> -> memref<80x128xf32, #tpu.memory_space<vmem>>
      %dma_wait3A_980 = tpu.memref_slice %arg5[%mul3A_797] : memref<10000xi32, #tpu.memory_space<vmem>> -> memref<80xi32, #tpu.memory_space<vmem>>
      %dma_wait3A_981 = arith.constant 0 : i32
      %dma_wait3A_982 = arith.constant 0 : i32
      %dma_wait3A_983 = tpu.memref_slice %arg3[%dma_wait3A_981, %dma_wait3A_982] : memref<10000x128xf32, #tpu.memory_space<hbm>> -> memref<10000x128xf32, #tpu.memory_space<hbm>>
      tpu.wait_indirect_dma semaphore(%arg15 : memref<!tpu.dma_semaphore, #tpu.memory_space<semaphore_mem>>) src(%dma_wait3A_983 : memref<10000x128xf32, #tpu.memory_space<hbm>>) dst(%dma_wait3A_979 : memref<80x128xf32, #tpu.memory_space<vmem>>)
      %dma_wait3A_984 = arith.constant 0 : i32
      %dma_wait3A_985 = arith.constant 0 : i32
      %dma_wait3A_986 = tpu.memref_slice %arg6[%dma_wait3A_984, %dma_wait3A_985] : memref<4x80xi32, #tpu.memory_space<vmem>> -> memref<1x80xi32, #tpu.memory_space<vmem>>
      %dma_wait3A_987 = tpu.memref_squeeze %dma_wait3A_986 : memref<1x80xi32, #tpu.memory_space<vmem>> -> memref<80xi32, #tpu.memory_space<vmem>>
      %dma_wait3A_988 = tpu.memref_slice %arg2[%add3A_740] : memref<640000xi32, #tpu.memory_space<hbm>> -> memref<80xi32, #tpu.memory_space<hbm>>
      %dma_wait3A_989 = arith.constant 0 : i32
      %dma_wait3A_990 = tpu.memref_slice %arg6[%dma_wait3A_984, %dma_wait3A_989] : memref<4x80xi32, #tpu.memory_space<vmem>> -> memref<1x80xi32, #tpu.memory_space<vmem>>
      %dma_wait3A_991 = tpu.memref_squeeze %dma_wait3A_990 : memref<1x80xi32, #tpu.memory_space<vmem>> -> memref<80xi32, #tpu.memory_space<vmem>>
      %dma_wait3A_992 = tpu.memref_slice %arg2[%add3A_740] : memref<640000xi32, #tpu.memory_space<hbm>> -> memref<80xi32, #tpu.memory_space<hbm>>
      tpu.wait_dma2 semaphore(%arg9 : memref<!tpu.dma_semaphore, #tpu.memory_space<semaphore_mem>>) src(%dma_wait3A_992 : memref<80xi32, #tpu.memory_space<hbm>>) dst(%dma_wait3A_991 : memref<80xi32, #tpu.memory_space<vmem>>)
      %dma_start3A_993 = arith.constant 2 : i32
      %dma_start3A_994 = arith.constant 0 : i32
      %dma_start3A_995 = arith.constant 0 : i32
      %dma_start3A_996 = arith.constant 0 : i32
      %dma_start3A_997 = tpu.memref_slice %arg7[%dma_start3A_993, %dma_start3A_995, %dma_start3A_996] : memref<3x80x128xf32, #tpu.memory_space<vmem>> -> memref<1x80x128xf32, #tpu.memory_space<vmem>>
      %dma_start3A_998 = tpu.memref_squeeze %dma_start3A_997 : memref<1x80x128xf32, #tpu.memory_space<vmem>> -> memref<80x128xf32, #tpu.memory_space<vmem>>
      %dma_start3A_999 = arith.constant 0 : i32
      %dma_start3A_1000 = tpu.memref_slice %arg6[%dma_start3A_994, %dma_start3A_999] : memref<4x80xi32, #tpu.memory_space<vmem>> -> memref<1x80xi32, #tpu.memory_space<vmem>>
      %dma_start3A_1001 = tpu.memref_squeeze %dma_start3A_1000 : memref<1x80xi32, #tpu.memory_space<vmem>> -> memref<80xi32, #tpu.memory_space<vmem>>
      %dma_start3A_1002 = arith.constant 0 : i32
      %dma_start3A_1003 = arith.constant 0 : i32
      %dma_start3A_1004 = tpu.memref_slice %arg8[%dma_start3A_1002, %dma_start3A_1003] : memref<10240x128xf32, #tpu.memory_space<vmem_shared>> -> memref<10240x128xf32, #tpu.memory_space<vmem_shared>>
      tpu.enqueue_indirect_dma source(%dma_start3A_998 : memref<80x128xf32, #tpu.memory_space<vmem>>) target(%dma_start3A_1004 : memref<10240x128xf32, #tpu.memory_space<vmem_shared>>) offsets(%dma_start3A_1001 : memref<80xi32, #tpu.memory_space<vmem>>) semaphore(%arg16 : memref<!tpu.dma_semaphore, #tpu.memory_space<semaphore_mem>>) {add = true}
      %dma_wait3A_1005 = arith.constant 2 : i32
      %dma_wait3A_1006 = arith.constant 0 : i32
      %dma_wait3A_1007 = arith.constant 0 : i32
      %dma_wait3A_1008 = arith.constant 0 : i32
      %dma_wait3A_1009 = tpu.memref_slice %arg7[%dma_wait3A_1005, %dma_wait3A_1007, %dma_wait3A_1008] : memref<3x80x128xf32, #tpu.memory_space<vmem>> -> memref<1x80x128xf32, #tpu.memory_space<vmem>>
      %dma_wait3A_1010 = tpu.memref_squeeze %dma_wait3A_1009 : memref<1x80x128xf32, #tpu.memory_space<vmem>> -> memref<80x128xf32, #tpu.memory_space<vmem>>
      %dma_wait3A_1011 = arith.constant 0 : i32
      %dma_wait3A_1012 = tpu.memref_slice %arg6[%dma_wait3A_1006, %dma_wait3A_1011] : memref<4x80xi32, #tpu.memory_space<vmem>> -> memref<1x80xi32, #tpu.memory_space<vmem>>
      %dma_wait3A_1013 = tpu.memref_squeeze %dma_wait3A_1012 : memref<1x80xi32, #tpu.memory_space<vmem>> -> memref<80xi32, #tpu.memory_space<vmem>>
      %dma_wait3A_1014 = arith.constant 0 : i32
      %dma_wait3A_1015 = arith.constant 0 : i32
      %dma_wait3A_1016 = tpu.memref_slice %arg8[%dma_wait3A_1014, %dma_wait3A_1015] : memref<10240x128xf32, #tpu.memory_space<vmem_shared>> -> memref<10240x128xf32, #tpu.memory_space<vmem_shared>>
      tpu.wait_indirect_dma semaphore(%arg16 : memref<!tpu.dma_semaphore, #tpu.memory_space<semaphore_mem>>) src(%dma_wait3A_1010 : memref<80x128xf32, #tpu.memory_space<vmem>>) dst(%dma_wait3A_1016 : memref<10240x128xf32, #tpu.memory_space<vmem_shared>>)
      %add3A_1017 = arith.constant 9 : i32
      %add3A_1018 = arith.addi %mul3A_267, %add3A_1017 : i32
      %add3A_1019 = arith.constant 2 : i32
      %add3A_1020 = arith.addi %add3A_1018, %add3A_1019 : i32
      %mul3A_1021 = arith.constant 80 : i32
      %mul3A_1022 = arith.muli %add3A_1020, %mul3A_1021 : i32
      %dma_start3A_1023 = arith.constant 2 : i32
      %dma_start3A_1024 = arith.constant 0 : i32
      %dma_start3A_1025 = arith.constant 0 : i32
      %dma_start3A_1026 = tpu.memref_slice %arg7[%dma_start3A_1023, %dma_start3A_1024, %dma_start3A_1025] : memref<3x80x128xf32, #tpu.memory_space<vmem>> -> memref<1x80x128xf32, #tpu.memory_space<vmem>>
      %dma_start3A_1027 = tpu.memref_squeeze %dma_start3A_1026 : memref<1x80x128xf32, #tpu.memory_space<vmem>> -> memref<80x128xf32, #tpu.memory_space<vmem>>
      %dma_start3A_1028 = tpu.memref_slice %arg5[%mul3A_1022] : memref<10000xi32, #tpu.memory_space<vmem>> -> memref<80xi32, #tpu.memory_space<vmem>>
      %dma_start3A_1029 = arith.constant 0 : i32
      %dma_start3A_1030 = arith.constant 0 : i32
      %dma_start3A_1031 = tpu.memref_slice %arg3[%dma_start3A_1029, %dma_start3A_1030] : memref<10000x128xf32, #tpu.memory_space<hbm>> -> memref<10000x128xf32, #tpu.memory_space<hbm>>
      tpu.enqueue_indirect_dma source(%dma_start3A_1031 : memref<10000x128xf32, #tpu.memory_space<hbm>>) target(%dma_start3A_1027 : memref<80x128xf32, #tpu.memory_space<vmem>>) offsets(%dma_start3A_1028 : memref<80xi32, #tpu.memory_space<vmem>>) semaphore(%arg15 : memref<!tpu.dma_semaphore, #tpu.memory_space<semaphore_mem>>)
      %add3A_1032 = arith.constant 9 : i32
      %add3A_1033 = arith.addi %mul3A_267, %add3A_1032 : i32
      %add3A_1034 = arith.constant 3 : i32
      %add3A_1035 = arith.addi %add3A_1033, %add3A_1034 : i32
      %add3A_1036 = arith.constant 320000 : i32
      %add3A_1037 = arith.addi %add3A_1036, %mul3A_2 : i32
      %mul3A_1038 = arith.constant 80 : i32
      %mul3A_1039 = arith.muli %add3A_1035, %mul3A_1038 : i32
      %add3A_1040 = arith.addi %add3A_1037, %mul3A_1039 : i32
      %dma_start3A_1041 = arith.constant 0 : i32
      %dma_start3A_1042 = arith.constant 0 : i32
      %dma_start3A_1043 = tpu.memref_slice %arg6[%dma_start3A_1041, %dma_start3A_1042] : memref<4x80xi32, #tpu.memory_space<vmem>> -> memref<1x80xi32, #tpu.memory_space<vmem>>
      %dma_start3A_1044 = tpu.memref_squeeze %dma_start3A_1043 : memref<1x80xi32, #tpu.memory_space<vmem>> -> memref<80xi32, #tpu.memory_space<vmem>>
      %dma_start3A_1045 = tpu.memref_slice %arg2[%add3A_1040] : memref<640000xi32, #tpu.memory_space<hbm>> -> memref<80xi32, #tpu.memory_space<hbm>>
      %dma_start3A_1046 = arith.constant 0 : i32
      %dma_start3A_1047 = tpu.memref_slice %arg6[%dma_start3A_1041, %dma_start3A_1046] : memref<4x80xi32, #tpu.memory_space<vmem>> -> memref<1x80xi32, #tpu.memory_space<vmem>>
      %dma_start3A_1048 = tpu.memref_squeeze %dma_start3A_1047 : memref<1x80xi32, #tpu.memory_space<vmem>> -> memref<80xi32, #tpu.memory_space<vmem>>
      %dma_start3A_1049 = tpu.memref_slice %arg2[%add3A_1040] : memref<640000xi32, #tpu.memory_space<hbm>> -> memref<80xi32, #tpu.memory_space<hbm>>
      tpu.enqueue_dma source(%dma_start3A_1049 : memref<80xi32, #tpu.memory_space<hbm>>) target(%dma_start3A_1048 : memref<80xi32, #tpu.memory_space<vmem>>) target_semaphore(%arg9 : memref<!tpu.dma_semaphore, #tpu.memory_space<semaphore_mem>>)
      %dma_wait3A_1050 = arith.constant 0 : i32
      %dma_wait3A_1051 = arith.constant 0 : i32
      %dma_wait3A_1052 = arith.constant 0 : i32
      %dma_wait3A_1053 = tpu.memref_slice %arg7[%dma_wait3A_1050, %dma_wait3A_1051, %dma_wait3A_1052] : memref<3x80x128xf32, #tpu.memory_space<vmem>> -> memref<1x80x128xf32, #tpu.memory_space<vmem>>
      %dma_wait3A_1054 = tpu.memref_squeeze %dma_wait3A_1053 : memref<1x80x128xf32, #tpu.memory_space<vmem>> -> memref<80x128xf32, #tpu.memory_space<vmem>>
      %dma_wait3A_1055 = tpu.memref_slice %arg5[%mul3A_872] : memref<10000xi32, #tpu.memory_space<vmem>> -> memref<80xi32, #tpu.memory_space<vmem>>
      %dma_wait3A_1056 = arith.constant 0 : i32
      %dma_wait3A_1057 = arith.constant 0 : i32
      %dma_wait3A_1058 = tpu.memref_slice %arg3[%dma_wait3A_1056, %dma_wait3A_1057] : memref<10000x128xf32, #tpu.memory_space<hbm>> -> memref<10000x128xf32, #tpu.memory_space<hbm>>
      tpu.wait_indirect_dma semaphore(%arg13 : memref<!tpu.dma_semaphore, #tpu.memory_space<semaphore_mem>>) src(%dma_wait3A_1058 : memref<10000x128xf32, #tpu.memory_space<hbm>>) dst(%dma_wait3A_1054 : memref<80x128xf32, #tpu.memory_space<vmem>>)
      %dma_wait3A_1059 = arith.constant 1 : i32
      %dma_wait3A_1060 = arith.constant 0 : i32
      %dma_wait3A_1061 = tpu.memref_slice %arg6[%dma_wait3A_1059, %dma_wait3A_1060] : memref<4x80xi32, #tpu.memory_space<vmem>> -> memref<1x80xi32, #tpu.memory_space<vmem>>
      %dma_wait3A_1062 = tpu.memref_squeeze %dma_wait3A_1061 : memref<1x80xi32, #tpu.memory_space<vmem>> -> memref<80xi32, #tpu.memory_space<vmem>>
      %dma_wait3A_1063 = tpu.memref_slice %arg2[%add3A_815] : memref<640000xi32, #tpu.memory_space<hbm>> -> memref<80xi32, #tpu.memory_space<hbm>>
      %dma_wait3A_1064 = arith.constant 0 : i32
      %dma_wait3A_1065 = tpu.memref_slice %arg6[%dma_wait3A_1059, %dma_wait3A_1064] : memref<4x80xi32, #tpu.memory_space<vmem>> -> memref<1x80xi32, #tpu.memory_space<vmem>>
      %dma_wait3A_1066 = tpu.memref_squeeze %dma_wait3A_1065 : memref<1x80xi32, #tpu.memory_space<vmem>> -> memref<80xi32, #tpu.memory_space<vmem>>
      %dma_wait3A_1067 = tpu.memref_slice %arg2[%add3A_815] : memref<640000xi32, #tpu.memory_space<hbm>> -> memref<80xi32, #tpu.memory_space<hbm>>
      tpu.wait_dma2 semaphore(%arg10 : memref<!tpu.dma_semaphore, #tpu.memory_space<semaphore_mem>>) src(%dma_wait3A_1067 : memref<80xi32, #tpu.memory_space<hbm>>) dst(%dma_wait3A_1066 : memref<80xi32, #tpu.memory_space<vmem>>)
      %dma_start3A_1068 = arith.constant 0 : i32
      %dma_start3A_1069 = arith.constant 1 : i32
      %dma_start3A_1070 = arith.constant 0 : i32
      %dma_start3A_1071 = arith.constant 0 : i32
      %dma_start3A_1072 = tpu.memref_slice %arg7[%dma_start3A_1068, %dma_start3A_1070, %dma_start3A_1071] : memref<3x80x128xf32, #tpu.memory_space<vmem>> -> memref<1x80x128xf32, #tpu.memory_space<vmem>>
      %dma_start3A_1073 = tpu.memref_squeeze %dma_start3A_1072 : memref<1x80x128xf32, #tpu.memory_space<vmem>> -> memref<80x128xf32, #tpu.memory_space<vmem>>
      %dma_start3A_1074 = arith.constant 0 : i32
      %dma_start3A_1075 = tpu.memref_slice %arg6[%dma_start3A_1069, %dma_start3A_1074] : memref<4x80xi32, #tpu.memory_space<vmem>> -> memref<1x80xi32, #tpu.memory_space<vmem>>
      %dma_start3A_1076 = tpu.memref_squeeze %dma_start3A_1075 : memref<1x80xi32, #tpu.memory_space<vmem>> -> memref<80xi32, #tpu.memory_space<vmem>>
      %dma_start3A_1077 = arith.constant 0 : i32
      %dma_start3A_1078 = arith.constant 0 : i32
      %dma_start3A_1079 = tpu.memref_slice %arg8[%dma_start3A_1077, %dma_start3A_1078] : memref<10240x128xf32, #tpu.memory_space<vmem_shared>> -> memref<10240x128xf32, #tpu.memory_space<vmem_shared>>
      tpu.enqueue_indirect_dma source(%dma_start3A_1073 : memref<80x128xf32, #tpu.memory_space<vmem>>) target(%dma_start3A_1079 : memref<10240x128xf32, #tpu.memory_space<vmem_shared>>) offsets(%dma_start3A_1076 : memref<80xi32, #tpu.memory_space<vmem>>) semaphore(%arg17 : memref<!tpu.dma_semaphore, #tpu.memory_space<semaphore_mem>>) {add = true}
      %dma_wait3A_1080 = arith.constant 0 : i32
      %dma_wait3A_1081 = arith.constant 1 : i32
      %dma_wait3A_1082 = arith.constant 0 : i32
      %dma_wait3A_1083 = arith.constant 0 : i32
      %dma_wait3A_1084 = tpu.memref_slice %arg7[%dma_wait3A_1080, %dma_wait3A_1082, %dma_wait3A_1083] : memref<3x80x128xf32, #tpu.memory_space<vmem>> -> memref<1x80x128xf32, #tpu.memory_space<vmem>>
      %dma_wait3A_1085 = tpu.memref_squeeze %dma_wait3A_1084 : memref<1x80x128xf32, #tpu.memory_space<vmem>> -> memref<80x128xf32, #tpu.memory_space<vmem>>
      %dma_wait3A_1086 = arith.constant 0 : i32
      %dma_wait3A_1087 = tpu.memref_slice %arg6[%dma_wait3A_1081, %dma_wait3A_1086] : memref<4x80xi32, #tpu.memory_space<vmem>> -> memref<1x80xi32, #tpu.memory_space<vmem>>
      %dma_wait3A_1088 = tpu.memref_squeeze %dma_wait3A_1087 : memref<1x80xi32, #tpu.memory_space<vmem>> -> memref<80xi32, #tpu.memory_space<vmem>>
      %dma_wait3A_1089 = arith.constant 0 : i32
      %dma_wait3A_1090 = arith.constant 0 : i32
      %dma_wait3A_1091 = tpu.memref_slice %arg8[%dma_wait3A_1089, %dma_wait3A_1090] : memref<10240x128xf32, #tpu.memory_space<vmem_shared>> -> memref<10240x128xf32, #tpu.memory_space<vmem_shared>>
      tpu.wait_indirect_dma semaphore(%arg17 : memref<!tpu.dma_semaphore, #tpu.memory_space<semaphore_mem>>) src(%dma_wait3A_1085 : memref<80x128xf32, #tpu.memory_space<vmem>>) dst(%dma_wait3A_1091 : memref<10240x128xf32, #tpu.memory_space<vmem_shared>>)
      %add3A_1092 = arith.constant 10 : i32
      %add3A_1093 = arith.addi %mul3A_267, %add3A_1092 : i32
      %add3A_1094 = arith.constant 2 : i32
      %add3A_1095 = arith.addi %add3A_1093, %add3A_1094 : i32
      %mul3A_1096 = arith.constant 80 : i32
      %mul3A_1097 = arith.muli %add3A_1095, %mul3A_1096 : i32
      %dma_start3A_1098 = arith.constant 0 : i32
      %dma_start3A_1099 = arith.constant 0 : i32
      %dma_start3A_1100 = arith.constant 0 : i32
      %dma_start3A_1101 = tpu.memref_slice %arg7[%dma_start3A_1098, %dma_start3A_1099, %dma_start3A_1100] : memref<3x80x128xf32, #tpu.memory_space<vmem>> -> memref<1x80x128xf32, #tpu.memory_space<vmem>>
      %dma_start3A_1102 = tpu.memref_squeeze %dma_start3A_1101 : memref<1x80x128xf32, #tpu.memory_space<vmem>> -> memref<80x128xf32, #tpu.memory_space<vmem>>
      %dma_start3A_1103 = tpu.memref_slice %arg5[%mul3A_1097] : memref<10000xi32, #tpu.memory_space<vmem>> -> memref<80xi32, #tpu.memory_space<vmem>>
      %dma_start3A_1104 = arith.constant 0 : i32
      %dma_start3A_1105 = arith.constant 0 : i32
      %dma_start3A_1106 = tpu.memref_slice %arg3[%dma_start3A_1104, %dma_start3A_1105] : memref<10000x128xf32, #tpu.memory_space<hbm>> -> memref<10000x128xf32, #tpu.memory_space<hbm>>
      tpu.enqueue_indirect_dma source(%dma_start3A_1106 : memref<10000x128xf32, #tpu.memory_space<hbm>>) target(%dma_start3A_1102 : memref<80x128xf32, #tpu.memory_space<vmem>>) offsets(%dma_start3A_1103 : memref<80xi32, #tpu.memory_space<vmem>>) semaphore(%arg13 : memref<!tpu.dma_semaphore, #tpu.memory_space<semaphore_mem>>)
      %add3A_1107 = arith.constant 10 : i32
      %add3A_1108 = arith.addi %mul3A_267, %add3A_1107 : i32
      %add3A_1109 = arith.constant 3 : i32
      %add3A_1110 = arith.addi %add3A_1108, %add3A_1109 : i32
      %add3A_1111 = arith.constant 320000 : i32
      %add3A_1112 = arith.addi %add3A_1111, %mul3A_2 : i32
      %mul3A_1113 = arith.constant 80 : i32
      %mul3A_1114 = arith.muli %add3A_1110, %mul3A_1113 : i32
      %add3A_1115 = arith.addi %add3A_1112, %mul3A_1114 : i32
      %dma_start3A_1116 = arith.constant 1 : i32
      %dma_start3A_1117 = arith.constant 0 : i32
      %dma_start3A_1118 = tpu.memref_slice %arg6[%dma_start3A_1116, %dma_start3A_1117] : memref<4x80xi32, #tpu.memory_space<vmem>> -> memref<1x80xi32, #tpu.memory_space<vmem>>
      %dma_start3A_1119 = tpu.memref_squeeze %dma_start3A_1118 : memref<1x80xi32, #tpu.memory_space<vmem>> -> memref<80xi32, #tpu.memory_space<vmem>>
      %dma_start3A_1120 = tpu.memref_slice %arg2[%add3A_1115] : memref<640000xi32, #tpu.memory_space<hbm>> -> memref<80xi32, #tpu.memory_space<hbm>>
      %dma_start3A_1121 = arith.constant 0 : i32
      %dma_start3A_1122 = tpu.memref_slice %arg6[%dma_start3A_1116, %dma_start3A_1121] : memref<4x80xi32, #tpu.memory_space<vmem>> -> memref<1x80xi32, #tpu.memory_space<vmem>>
      %dma_start3A_1123 = tpu.memref_squeeze %dma_start3A_1122 : memref<1x80xi32, #tpu.memory_space<vmem>> -> memref<80xi32, #tpu.memory_space<vmem>>
      %dma_start3A_1124 = tpu.memref_slice %arg2[%add3A_1115] : memref<640000xi32, #tpu.memory_space<hbm>> -> memref<80xi32, #tpu.memory_space<hbm>>
      tpu.enqueue_dma source(%dma_start3A_1124 : memref<80xi32, #tpu.memory_space<hbm>>) target(%dma_start3A_1123 : memref<80xi32, #tpu.memory_space<vmem>>) target_semaphore(%arg10 : memref<!tpu.dma_semaphore, #tpu.memory_space<semaphore_mem>>)
      %dma_wait3A_1125 = arith.constant 1 : i32
      %dma_wait3A_1126 = arith.constant 0 : i32
      %dma_wait3A_1127 = arith.constant 0 : i32
      %dma_wait3A_1128 = tpu.memref_slice %arg7[%dma_wait3A_1125, %dma_wait3A_1126, %dma_wait3A_1127] : memref<3x80x128xf32, #tpu.memory_space<vmem>> -> memref<1x80x128xf32, #tpu.memory_space<vmem>>
      %dma_wait3A_1129 = tpu.memref_squeeze %dma_wait3A_1128 : memref<1x80x128xf32, #tpu.memory_space<vmem>> -> memref<80x128xf32, #tpu.memory_space<vmem>>
      %dma_wait3A_1130 = tpu.memref_slice %arg5[%mul3A_947] : memref<10000xi32, #tpu.memory_space<vmem>> -> memref<80xi32, #tpu.memory_space<vmem>>
      %dma_wait3A_1131 = arith.constant 0 : i32
      %dma_wait3A_1132 = arith.constant 0 : i32
      %dma_wait3A_1133 = tpu.memref_slice %arg3[%dma_wait3A_1131, %dma_wait3A_1132] : memref<10000x128xf32, #tpu.memory_space<hbm>> -> memref<10000x128xf32, #tpu.memory_space<hbm>>
      tpu.wait_indirect_dma semaphore(%arg14 : memref<!tpu.dma_semaphore, #tpu.memory_space<semaphore_mem>>) src(%dma_wait3A_1133 : memref<10000x128xf32, #tpu.memory_space<hbm>>) dst(%dma_wait3A_1129 : memref<80x128xf32, #tpu.memory_space<vmem>>)
      %dma_wait3A_1134 = arith.constant 2 : i32
      %dma_wait3A_1135 = arith.constant 0 : i32
      %dma_wait3A_1136 = tpu.memref_slice %arg6[%dma_wait3A_1134, %dma_wait3A_1135] : memref<4x80xi32, #tpu.memory_space<vmem>> -> memref<1x80xi32, #tpu.memory_space<vmem>>
      %dma_wait3A_1137 = tpu.memref_squeeze %dma_wait3A_1136 : memref<1x80xi32, #tpu.memory_space<vmem>> -> memref<80xi32, #tpu.memory_space<vmem>>
      %dma_wait3A_1138 = tpu.memref_slice %arg2[%add3A_890] : memref<640000xi32, #tpu.memory_space<hbm>> -> memref<80xi32, #tpu.memory_space<hbm>>
      %dma_wait3A_1139 = arith.constant 0 : i32
      %dma_wait3A_1140 = tpu.memref_slice %arg6[%dma_wait3A_1134, %dma_wait3A_1139] : memref<4x80xi32, #tpu.memory_space<vmem>> -> memref<1x80xi32, #tpu.memory_space<vmem>>
      %dma_wait3A_1141 = tpu.memref_squeeze %dma_wait3A_1140 : memref<1x80xi32, #tpu.memory_space<vmem>> -> memref<80xi32, #tpu.memory_space<vmem>>
      %dma_wait3A_1142 = tpu.memref_slice %arg2[%add3A_890] : memref<640000xi32, #tpu.memory_space<hbm>> -> memref<80xi32, #tpu.memory_space<hbm>>
      tpu.wait_dma2 semaphore(%arg11 : memref<!tpu.dma_semaphore, #tpu.memory_space<semaphore_mem>>) src(%dma_wait3A_1142 : memref<80xi32, #tpu.memory_space<hbm>>) dst(%dma_wait3A_1141 : memref<80xi32, #tpu.memory_space<vmem>>)
      %dma_start3A_1143 = arith.constant 1 : i32
      %dma_start3A_1144 = arith.constant 2 : i32
      %dma_start3A_1145 = arith.constant 0 : i32
      %dma_start3A_1146 = arith.constant 0 : i32
      %dma_start3A_1147 = tpu.memref_slice %arg7[%dma_start3A_1143, %dma_start3A_1145, %dma_start3A_1146] : memref<3x80x128xf32, #tpu.memory_space<vmem>> -> memref<1x80x128xf32, #tpu.memory_space<vmem>>
      %dma_start3A_1148 = tpu.memref_squeeze %dma_start3A_1147 : memref<1x80x128xf32, #tpu.memory_space<vmem>> -> memref<80x128xf32, #tpu.memory_space<vmem>>
      %dma_start3A_1149 = arith.constant 0 : i32
      %dma_start3A_1150 = tpu.memref_slice %arg6[%dma_start3A_1144, %dma_start3A_1149] : memref<4x80xi32, #tpu.memory_space<vmem>> -> memref<1x80xi32, #tpu.memory_space<vmem>>
      %dma_start3A_1151 = tpu.memref_squeeze %dma_start3A_1150 : memref<1x80xi32, #tpu.memory_space<vmem>> -> memref<80xi32, #tpu.memory_space<vmem>>
      %dma_start3A_1152 = arith.constant 0 : i32
      %dma_start3A_1153 = arith.constant 0 : i32
      %dma_start3A_1154 = tpu.memref_slice %arg8[%dma_start3A_1152, %dma_start3A_1153] : memref<10240x128xf32, #tpu.memory_space<vmem_shared>> -> memref<10240x128xf32, #tpu.memory_space<vmem_shared>>
      tpu.enqueue_indirect_dma source(%dma_start3A_1148 : memref<80x128xf32, #tpu.memory_space<vmem>>) target(%dma_start3A_1154 : memref<10240x128xf32, #tpu.memory_space<vmem_shared>>) offsets(%dma_start3A_1151 : memref<80xi32, #tpu.memory_space<vmem>>) semaphore(%arg16 : memref<!tpu.dma_semaphore, #tpu.memory_space<semaphore_mem>>) {add = true}
      %dma_wait3A_1155 = arith.constant 1 : i32
      %dma_wait3A_1156 = arith.constant 2 : i32
      %dma_wait3A_1157 = arith.constant 0 : i32
      %dma_wait3A_1158 = arith.constant 0 : i32
      %dma_wait3A_1159 = tpu.memref_slice %arg7[%dma_wait3A_1155, %dma_wait3A_1157, %dma_wait3A_1158] : memref<3x80x128xf32, #tpu.memory_space<vmem>> -> memref<1x80x128xf32, #tpu.memory_space<vmem>>
      %dma_wait3A_1160 = tpu.memref_squeeze %dma_wait3A_1159 : memref<1x80x128xf32, #tpu.memory_space<vmem>> -> memref<80x128xf32, #tpu.memory_space<vmem>>
      %dma_wait3A_1161 = arith.constant 0 : i32
      %dma_wait3A_1162 = tpu.memref_slice %arg6[%dma_wait3A_1156, %dma_wait3A_1161] : memref<4x80xi32, #tpu.memory_space<vmem>> -> memref<1x80xi32, #tpu.memory_space<vmem>>
      %dma_wait3A_1163 = tpu.memref_squeeze %dma_wait3A_1162 : memref<1x80xi32, #tpu.memory_space<vmem>> -> memref<80xi32, #tpu.memory_space<vmem>>
      %dma_wait3A_1164 = arith.constant 0 : i32
      %dma_wait3A_1165 = arith.constant 0 : i32
      %dma_wait3A_1166 = tpu.memref_slice %arg8[%dma_wait3A_1164, %dma_wait3A_1165] : memref<10240x128xf32, #tpu.memory_space<vmem_shared>> -> memref<10240x128xf32, #tpu.memory_space<vmem_shared>>
      tpu.wait_indirect_dma semaphore(%arg16 : memref<!tpu.dma_semaphore, #tpu.memory_space<semaphore_mem>>) src(%dma_wait3A_1160 : memref<80x128xf32, #tpu.memory_space<vmem>>) dst(%dma_wait3A_1166 : memref<10240x128xf32, #tpu.memory_space<vmem_shared>>)
      %add3A_1167 = arith.constant 11 : i32
      %add3A_1168 = arith.addi %mul3A_267, %add3A_1167 : i32
      %add3A_1169 = arith.constant 2 : i32
      %add3A_1170 = arith.addi %add3A_1168, %add3A_1169 : i32
      %mul3A_1171 = arith.constant 80 : i32
      %mul3A_1172 = arith.muli %add3A_1170, %mul3A_1171 : i32
      %dma_start3A_1173 = arith.constant 1 : i32
      %dma_start3A_1174 = arith.constant 0 : i32
      %dma_start3A_1175 = arith.constant 0 : i32
      %dma_start3A_1176 = tpu.memref_slice %arg7[%dma_start3A_1173, %dma_start3A_1174, %dma_start3A_1175] : memref<3x80x128xf32, #tpu.memory_space<vmem>> -> memref<1x80x128xf32, #tpu.memory_space<vmem>>
      %dma_start3A_1177 = tpu.memref_squeeze %dma_start3A_1176 : memref<1x80x128xf32, #tpu.memory_space<vmem>> -> memref<80x128xf32, #tpu.memory_space<vmem>>
      %dma_start3A_1178 = tpu.memref_slice %arg5[%mul3A_1172] : memref<10000xi32, #tpu.memory_space<vmem>> -> memref<80xi32, #tpu.memory_space<vmem>>
      %dma_start3A_1179 = arith.constant 0 : i32
      %dma_start3A_1180 = arith.constant 0 : i32
      %dma_start3A_1181 = tpu.memref_slice %arg3[%dma_start3A_1179, %dma_start3A_1180] : memref<10000x128xf32, #tpu.memory_space<hbm>> -> memref<10000x128xf32, #tpu.memory_space<hbm>>
      tpu.enqueue_indirect_dma source(%dma_start3A_1181 : memref<10000x128xf32, #tpu.memory_space<hbm>>) target(%dma_start3A_1177 : memref<80x128xf32, #tpu.memory_space<vmem>>) offsets(%dma_start3A_1178 : memref<80xi32, #tpu.memory_space<vmem>>) semaphore(%arg14 : memref<!tpu.dma_semaphore, #tpu.memory_space<semaphore_mem>>)
      %add3A_1182 = arith.constant 11 : i32
      %add3A_1183 = arith.addi %mul3A_267, %add3A_1182 : i32
      %add3A_1184 = arith.constant 3 : i32
      %add3A_1185 = arith.addi %add3A_1183, %add3A_1184 : i32
      %add3A_1186 = arith.constant 320000 : i32
      %add3A_1187 = arith.addi %add3A_1186, %mul3A_2 : i32
      %mul3A_1188 = arith.constant 80 : i32
      %mul3A_1189 = arith.muli %add3A_1185, %mul3A_1188 : i32
      %add3A_1190 = arith.addi %add3A_1187, %mul3A_1189 : i32
      %dma_start3A_1191 = arith.constant 2 : i32
      %dma_start3A_1192 = arith.constant 0 : i32
      %dma_start3A_1193 = tpu.memref_slice %arg6[%dma_start3A_1191, %dma_start3A_1192] : memref<4x80xi32, #tpu.memory_space<vmem>> -> memref<1x80xi32, #tpu.memory_space<vmem>>
      %dma_start3A_1194 = tpu.memref_squeeze %dma_start3A_1193 : memref<1x80xi32, #tpu.memory_space<vmem>> -> memref<80xi32, #tpu.memory_space<vmem>>
      %dma_start3A_1195 = tpu.memref_slice %arg2[%add3A_1190] : memref<640000xi32, #tpu.memory_space<hbm>> -> memref<80xi32, #tpu.memory_space<hbm>>
      %dma_start3A_1196 = arith.constant 0 : i32
      %dma_start3A_1197 = tpu.memref_slice %arg6[%dma_start3A_1191, %dma_start3A_1196] : memref<4x80xi32, #tpu.memory_space<vmem>> -> memref<1x80xi32, #tpu.memory_space<vmem>>
      %dma_start3A_1198 = tpu.memref_squeeze %dma_start3A_1197 : memref<1x80xi32, #tpu.memory_space<vmem>> -> memref<80xi32, #tpu.memory_space<vmem>>
      %dma_start3A_1199 = tpu.memref_slice %arg2[%add3A_1190] : memref<640000xi32, #tpu.memory_space<hbm>> -> memref<80xi32, #tpu.memory_space<hbm>>
      tpu.enqueue_dma source(%dma_start3A_1199 : memref<80xi32, #tpu.memory_space<hbm>>) target(%dma_start3A_1198 : memref<80xi32, #tpu.memory_space<vmem>>) target_semaphore(%arg11 : memref<!tpu.dma_semaphore, #tpu.memory_space<semaphore_mem>>)
      %dma_wait3A_1200 = arith.constant 2 : i32
      %dma_wait3A_1201 = arith.constant 0 : i32
      %dma_wait3A_1202 = arith.constant 0 : i32
      %dma_wait3A_1203 = tpu.memref_slice %arg7[%dma_wait3A_1200, %dma_wait3A_1201, %dma_wait3A_1202] : memref<3x80x128xf32, #tpu.memory_space<vmem>> -> memref<1x80x128xf32, #tpu.memory_space<vmem>>
      %dma_wait3A_1204 = tpu.memref_squeeze %dma_wait3A_1203 : memref<1x80x128xf32, #tpu.memory_space<vmem>> -> memref<80x128xf32, #tpu.memory_space<vmem>>
      %dma_wait3A_1205 = tpu.memref_slice %arg5[%mul3A_1022] : memref<10000xi32, #tpu.memory_space<vmem>> -> memref<80xi32, #tpu.memory_space<vmem>>
      %dma_wait3A_1206 = arith.constant 0 : i32
      %dma_wait3A_1207 = arith.constant 0 : i32
      %dma_wait3A_1208 = tpu.memref_slice %arg3[%dma_wait3A_1206, %dma_wait3A_1207] : memref<10000x128xf32, #tpu.memory_space<hbm>> -> memref<10000x128xf32, #tpu.memory_space<hbm>>
      tpu.wait_indirect_dma semaphore(%arg15 : memref<!tpu.dma_semaphore, #tpu.memory_space<semaphore_mem>>) src(%dma_wait3A_1208 : memref<10000x128xf32, #tpu.memory_space<hbm>>) dst(%dma_wait3A_1204 : memref<80x128xf32, #tpu.memory_space<vmem>>)
      %dma_wait3A_1209 = arith.constant 3 : i32
      %dma_wait3A_1210 = arith.constant 0 : i32
      %dma_wait3A_1211 = tpu.memref_slice %arg6[%dma_wait3A_1209, %dma_wait3A_1210] : memref<4x80xi32, #tpu.memory_space<vmem>> -> memref<1x80xi32, #tpu.memory_space<vmem>>
      %dma_wait3A_1212 = tpu.memref_squeeze %dma_wait3A_1211 : memref<1x80xi32, #tpu.memory_space<vmem>> -> memref<80xi32, #tpu.memory_space<vmem>>
      %dma_wait3A_1213 = tpu.memref_slice %arg2[%add3A_965] : memref<640000xi32, #tpu.memory_space<hbm>> -> memref<80xi32, #tpu.memory_space<hbm>>
      %dma_wait3A_1214 = arith.constant 0 : i32
      %dma_wait3A_1215 = tpu.memref_slice %arg6[%dma_wait3A_1209, %dma_wait3A_1214] : memref<4x80xi32, #tpu.memory_space<vmem>> -> memref<1x80xi32, #tpu.memory_space<vmem>>
      %dma_wait3A_1216 = tpu.memref_squeeze %dma_wait3A_1215 : memref<1x80xi32, #tpu.memory_space<vmem>> -> memref<80xi32, #tpu.memory_space<vmem>>
      %dma_wait3A_1217 = tpu.memref_slice %arg2[%add3A_965] : memref<640000xi32, #tpu.memory_space<hbm>> -> memref<80xi32, #tpu.memory_space<hbm>>
      tpu.wait_dma2 semaphore(%arg12 : memref<!tpu.dma_semaphore, #tpu.memory_space<semaphore_mem>>) src(%dma_wait3A_1217 : memref<80xi32, #tpu.memory_space<hbm>>) dst(%dma_wait3A_1216 : memref<80xi32, #tpu.memory_space<vmem>>)
      %dma_start3A_1218 = arith.constant 2 : i32
      %dma_start3A_1219 = arith.constant 3 : i32
      %dma_start3A_1220 = arith.constant 0 : i32
      %dma_start3A_1221 = arith.constant 0 : i32
      %dma_start3A_1222 = tpu.memref_slice %arg7[%dma_start3A_1218, %dma_start3A_1220, %dma_start3A_1221] : memref<3x80x128xf32, #tpu.memory_space<vmem>> -> memref<1x80x128xf32, #tpu.memory_space<vmem>>
      %dma_start3A_1223 = tpu.memref_squeeze %dma_start3A_1222 : memref<1x80x128xf32, #tpu.memory_space<vmem>> -> memref<80x128xf32, #tpu.memory_space<vmem>>
      %dma_start3A_1224 = arith.constant 0 : i32
      %dma_start3A_1225 = tpu.memref_slice %arg6[%dma_start3A_1219, %dma_start3A_1224] : memref<4x80xi32, #tpu.memory_space<vmem>> -> memref<1x80xi32, #tpu.memory_space<vmem>>
      %dma_start3A_1226 = tpu.memref_squeeze %dma_start3A_1225 : memref<1x80xi32, #tpu.memory_space<vmem>> -> memref<80xi32, #tpu.memory_space<vmem>>
      %dma_start3A_1227 = arith.constant 0 : i32
      %dma_start3A_1228 = arith.constant 0 : i32
      %dma_start3A_1229 = tpu.memref_slice %arg8[%dma_start3A_1227, %dma_start3A_1228] : memref<10240x128xf32, #tpu.memory_space<vmem_shared>> -> memref<10240x128xf32, #tpu.memory_space<vmem_shared>>
      tpu.enqueue_indirect_dma source(%dma_start3A_1223 : memref<80x128xf32, #tpu.memory_space<vmem>>) target(%dma_start3A_1229 : memref<10240x128xf32, #tpu.memory_space<vmem_shared>>) offsets(%dma_start3A_1226 : memref<80xi32, #tpu.memory_space<vmem>>) semaphore(%arg17 : memref<!tpu.dma_semaphore, #tpu.memory_space<semaphore_mem>>) {add = true}
      %dma_wait3A_1230 = arith.constant 2 : i32
      %dma_wait3A_1231 = arith.constant 3 : i32
      %dma_wait3A_1232 = arith.constant 0 : i32
      %dma_wait3A_1233 = arith.constant 0 : i32
      %dma_wait3A_1234 = tpu.memref_slice %arg7[%dma_wait3A_1230, %dma_wait3A_1232, %dma_wait3A_1233] : memref<3x80x128xf32, #tpu.memory_space<vmem>> -> memref<1x80x128xf32, #tpu.memory_space<vmem>>
      %dma_wait3A_1235 = tpu.memref_squeeze %dma_wait3A_1234 : memref<1x80x128xf32, #tpu.memory_space<vmem>> -> memref<80x128xf32, #tpu.memory_space<vmem>>
      %dma_wait3A_1236 = arith.constant 0 : i32
      %dma_wait3A_1237 = tpu.memref_slice %arg6[%dma_wait3A_1231, %dma_wait3A_1236] : memref<4x80xi32, #tpu.memory_space<vmem>> -> memref<1x80xi32, #tpu.memory_space<vmem>>
      %dma_wait3A_1238 = tpu.memref_squeeze %dma_wait3A_1237 : memref<1x80xi32, #tpu.memory_space<vmem>> -> memref<80xi32, #tpu.memory_space<vmem>>
      %dma_wait3A_1239 = arith.constant 0 : i32
      %dma_wait3A_1240 = arith.constant 0 : i32
      %dma_wait3A_1241 = tpu.memref_slice %arg8[%dma_wait3A_1239, %dma_wait3A_1240] : memref<10240x128xf32, #tpu.memory_space<vmem_shared>> -> memref<10240x128xf32, #tpu.memory_space<vmem_shared>>
      tpu.wait_indirect_dma semaphore(%arg17 : memref<!tpu.dma_semaphore, #tpu.memory_space<semaphore_mem>>) src(%dma_wait3A_1235 : memref<80x128xf32, #tpu.memory_space<vmem>>) dst(%dma_wait3A_1241 : memref<10240x128xf32, #tpu.memory_space<vmem_shared>>)
      %add3A_1242 = arith.constant 12 : i32
      %add3A_1243 = arith.addi %mul3A_267, %add3A_1242 : i32
      %add3A_1244 = arith.constant 2 : i32
      %add3A_1245 = arith.addi %add3A_1243, %add3A_1244 : i32
      %mul3A_1246 = arith.constant 80 : i32
      %mul3A_1247 = arith.muli %add3A_1245, %mul3A_1246 : i32
      %dma_start3A_1248 = arith.constant 2 : i32
      %dma_start3A_1249 = arith.constant 0 : i32
      %dma_start3A_1250 = arith.constant 0 : i32
      %dma_start3A_1251 = tpu.memref_slice %arg7[%dma_start3A_1248, %dma_start3A_1249, %dma_start3A_1250] : memref<3x80x128xf32, #tpu.memory_space<vmem>> -> memref<1x80x128xf32, #tpu.memory_space<vmem>>
      %dma_start3A_1252 = tpu.memref_squeeze %dma_start3A_1251 : memref<1x80x128xf32, #tpu.memory_space<vmem>> -> memref<80x128xf32, #tpu.memory_space<vmem>>
      %dma_start3A_1253 = tpu.memref_slice %arg5[%mul3A_1247] : memref<10000xi32, #tpu.memory_space<vmem>> -> memref<80xi32, #tpu.memory_space<vmem>>
      %dma_start3A_1254 = arith.constant 0 : i32
      %dma_start3A_1255 = arith.constant 0 : i32
      %dma_start3A_1256 = tpu.memref_slice %arg3[%dma_start3A_1254, %dma_start3A_1255] : memref<10000x128xf32, #tpu.memory_space<hbm>> -> memref<10000x128xf32, #tpu.memory_space<hbm>>
      tpu.enqueue_indirect_dma source(%dma_start3A_1256 : memref<10000x128xf32, #tpu.memory_space<hbm>>) target(%dma_start3A_1252 : memref<80x128xf32, #tpu.memory_space<vmem>>) offsets(%dma_start3A_1253 : memref<80xi32, #tpu.memory_space<vmem>>) semaphore(%arg15 : memref<!tpu.dma_semaphore, #tpu.memory_space<semaphore_mem>>)
      %add3A_1257 = arith.constant 12 : i32
      %add3A_1258 = arith.addi %mul3A_267, %add3A_1257 : i32
      %add3A_1259 = arith.constant 3 : i32
      %add3A_1260 = arith.addi %add3A_1258, %add3A_1259 : i32
      %add3A_1261 = arith.constant 320000 : i32
      %add3A_1262 = arith.addi %add3A_1261, %mul3A_2 : i32
      %mul3A_1263 = arith.constant 80 : i32
      %mul3A_1264 = arith.muli %add3A_1260, %mul3A_1263 : i32
      %add3A_1265 = arith.addi %add3A_1262, %mul3A_1264 : i32
      %dma_start3A_1266 = arith.constant 3 : i32
      %dma_start3A_1267 = arith.constant 0 : i32
      %dma_start3A_1268 = tpu.memref_slice %arg6[%dma_start3A_1266, %dma_start3A_1267] : memref<4x80xi32, #tpu.memory_space<vmem>> -> memref<1x80xi32, #tpu.memory_space<vmem>>
      %dma_start3A_1269 = tpu.memref_squeeze %dma_start3A_1268 : memref<1x80xi32, #tpu.memory_space<vmem>> -> memref<80xi32, #tpu.memory_space<vmem>>
      %dma_start3A_1270 = tpu.memref_slice %arg2[%add3A_1265] : memref<640000xi32, #tpu.memory_space<hbm>> -> memref<80xi32, #tpu.memory_space<hbm>>
      %dma_start3A_1271 = arith.constant 0 : i32
      %dma_start3A_1272 = tpu.memref_slice %arg6[%dma_start3A_1266, %dma_start3A_1271] : memref<4x80xi32, #tpu.memory_space<vmem>> -> memref<1x80xi32, #tpu.memory_space<vmem>>
      %dma_start3A_1273 = tpu.memref_squeeze %dma_start3A_1272 : memref<1x80xi32, #tpu.memory_space<vmem>> -> memref<80xi32, #tpu.memory_space<vmem>>
      %dma_start3A_1274 = tpu.memref_slice %arg2[%add3A_1265] : memref<640000xi32, #tpu.memory_space<hbm>> -> memref<80xi32, #tpu.memory_space<hbm>>
      tpu.enqueue_dma source(%dma_start3A_1274 : memref<80xi32, #tpu.memory_space<hbm>>) target(%dma_start3A_1273 : memref<80xi32, #tpu.memory_space<vmem>>) target_semaphore(%arg12 : memref<!tpu.dma_semaphore, #tpu.memory_space<semaphore_mem>>)
      %dma_wait3A_1275 = arith.constant 0 : i32
      %dma_wait3A_1276 = arith.constant 0 : i32
      %dma_wait3A_1277 = arith.constant 0 : i32
      %dma_wait3A_1278 = tpu.memref_slice %arg7[%dma_wait3A_1275, %dma_wait3A_1276, %dma_wait3A_1277] : memref<3x80x128xf32, #tpu.memory_space<vmem>> -> memref<1x80x128xf32, #tpu.memory_space<vmem>>
      %dma_wait3A_1279 = tpu.memref_squeeze %dma_wait3A_1278 : memref<1x80x128xf32, #tpu.memory_space<vmem>> -> memref<80x128xf32, #tpu.memory_space<vmem>>
      %dma_wait3A_1280 = tpu.memref_slice %arg5[%mul3A_1097] : memref<10000xi32, #tpu.memory_space<vmem>> -> memref<80xi32, #tpu.memory_space<vmem>>
      %dma_wait3A_1281 = arith.constant 0 : i32
      %dma_wait3A_1282 = arith.constant 0 : i32
      %dma_wait3A_1283 = tpu.memref_slice %arg3[%dma_wait3A_1281, %dma_wait3A_1282] : memref<10000x128xf32, #tpu.memory_space<hbm>> -> memref<10000x128xf32, #tpu.memory_space<hbm>>
      tpu.wait_indirect_dma semaphore(%arg13 : memref<!tpu.dma_semaphore, #tpu.memory_space<semaphore_mem>>) src(%dma_wait3A_1283 : memref<10000x128xf32, #tpu.memory_space<hbm>>) dst(%dma_wait3A_1279 : memref<80x128xf32, #tpu.memory_space<vmem>>)
      %dma_wait3A_1284 = arith.constant 0 : i32
      %dma_wait3A_1285 = arith.constant 0 : i32
      %dma_wait3A_1286 = tpu.memref_slice %arg6[%dma_wait3A_1284, %dma_wait3A_1285] : memref<4x80xi32, #tpu.memory_space<vmem>> -> memref<1x80xi32, #tpu.memory_space<vmem>>
      %dma_wait3A_1287 = tpu.memref_squeeze %dma_wait3A_1286 : memref<1x80xi32, #tpu.memory_space<vmem>> -> memref<80xi32, #tpu.memory_space<vmem>>
      %dma_wait3A_1288 = tpu.memref_slice %arg2[%add3A_1040] : memref<640000xi32, #tpu.memory_space<hbm>> -> memref<80xi32, #tpu.memory_space<hbm>>
      %dma_wait3A_1289 = arith.constant 0 : i32
      %dma_wait3A_1290 = tpu.memref_slice %arg6[%dma_wait3A_1284, %dma_wait3A_1289] : memref<4x80xi32, #tpu.memory_space<vmem>> -> memref<1x80xi32, #tpu.memory_space<vmem>>
      %dma_wait3A_1291 = tpu.memref_squeeze %dma_wait3A_1290 : memref<1x80xi32, #tpu.memory_space<vmem>> -> memref<80xi32, #tpu.memory_space<vmem>>
      %dma_wait3A_1292 = tpu.memref_slice %arg2[%add3A_1040] : memref<640000xi32, #tpu.memory_space<hbm>> -> memref<80xi32, #tpu.memory_space<hbm>>
      tpu.wait_dma2 semaphore(%arg9 : memref<!tpu.dma_semaphore, #tpu.memory_space<semaphore_mem>>) src(%dma_wait3A_1292 : memref<80xi32, #tpu.memory_space<hbm>>) dst(%dma_wait3A_1291 : memref<80xi32, #tpu.memory_space<vmem>>)
      %dma_start3A_1293 = arith.constant 0 : i32
      %dma_start3A_1294 = arith.constant 0 : i32
      %dma_start3A_1295 = arith.constant 0 : i32
      %dma_start3A_1296 = arith.constant 0 : i32
      %dma_start3A_1297 = tpu.memref_slice %arg7[%dma_start3A_1293, %dma_start3A_1295, %dma_start3A_1296] : memref<3x80x128xf32, #tpu.memory_space<vmem>> -> memref<1x80x128xf32, #tpu.memory_space<vmem>>
      %dma_start3A_1298 = tpu.memref_squeeze %dma_start3A_1297 : memref<1x80x128xf32, #tpu.memory_space<vmem>> -> memref<80x128xf32, #tpu.memory_space<vmem>>
      %dma_start3A_1299 = arith.constant 0 : i32
      %dma_start3A_1300 = tpu.memref_slice %arg6[%dma_start3A_1294, %dma_start3A_1299] : memref<4x80xi32, #tpu.memory_space<vmem>> -> memref<1x80xi32, #tpu.memory_space<vmem>>
      %dma_start3A_1301 = tpu.memref_squeeze %dma_start3A_1300 : memref<1x80xi32, #tpu.memory_space<vmem>> -> memref<80xi32, #tpu.memory_space<vmem>>
      %dma_start3A_1302 = arith.constant 0 : i32
      %dma_start3A_1303 = arith.constant 0 : i32
      %dma_start3A_1304 = tpu.memref_slice %arg8[%dma_start3A_1302, %dma_start3A_1303] : memref<10240x128xf32, #tpu.memory_space<vmem_shared>> -> memref<10240x128xf32, #tpu.memory_space<vmem_shared>>
      tpu.enqueue_indirect_dma source(%dma_start3A_1298 : memref<80x128xf32, #tpu.memory_space<vmem>>) target(%dma_start3A_1304 : memref<10240x128xf32, #tpu.memory_space<vmem_shared>>) offsets(%dma_start3A_1301 : memref<80xi32, #tpu.memory_space<vmem>>) semaphore(%arg16 : memref<!tpu.dma_semaphore, #tpu.memory_space<semaphore_mem>>) {add = true}
      %dma_wait3A_1305 = arith.constant 0 : i32
      %dma_wait3A_1306 = arith.constant 0 : i32
      %dma_wait3A_1307 = arith.constant 0 : i32
      %dma_wait3A_1308 = arith.constant 0 : i32
      %dma_wait3A_1309 = tpu.memref_slice %arg7[%dma_wait3A_1305, %dma_wait3A_1307, %dma_wait3A_1308] : memref<3x80x128xf32, #tpu.memory_space<vmem>> -> memref<1x80x128xf32, #tpu.memory_space<vmem>>
      %dma_wait3A_1310 = tpu.memref_squeeze %dma_wait3A_1309 : memref<1x80x128xf32, #tpu.memory_space<vmem>> -> memref<80x128xf32, #tpu.memory_space<vmem>>
      %dma_wait3A_1311 = arith.constant 0 : i32
      %dma_wait3A_1312 = tpu.memref_slice %arg6[%dma_wait3A_1306, %dma_wait3A_1311] : memref<4x80xi32, #tpu.memory_space<vmem>> -> memref<1x80xi32, #tpu.memory_space<vmem>>
      %dma_wait3A_1313 = tpu.memref_squeeze %dma_wait3A_1312 : memref<1x80xi32, #tpu.memory_space<vmem>> -> memref<80xi32, #tpu.memory_space<vmem>>
      %dma_wait3A_1314 = arith.constant 0 : i32
      %dma_wait3A_1315 = arith.constant 0 : i32
      %dma_wait3A_1316 = tpu.memref_slice %arg8[%dma_wait3A_1314, %dma_wait3A_1315] : memref<10240x128xf32, #tpu.memory_space<vmem_shared>> -> memref<10240x128xf32, #tpu.memory_space<vmem_shared>>
      tpu.wait_indirect_dma semaphore(%arg16 : memref<!tpu.dma_semaphore, #tpu.memory_space<semaphore_mem>>) src(%dma_wait3A_1310 : memref<80x128xf32, #tpu.memory_space<vmem>>) dst(%dma_wait3A_1316 : memref<10240x128xf32, #tpu.memory_space<vmem_shared>>)
      %add3A_1317 = arith.constant 13 : i32
      %add3A_1318 = arith.addi %mul3A_267, %add3A_1317 : i32
      %add3A_1319 = arith.constant 2 : i32
      %add3A_1320 = arith.addi %add3A_1318, %add3A_1319 : i32
      %mul3A_1321 = arith.constant 80 : i32
      %mul3A_1322 = arith.muli %add3A_1320, %mul3A_1321 : i32
      %dma_start3A_1323 = arith.constant 0 : i32
      %dma_start3A_1324 = arith.constant 0 : i32
      %dma_start3A_1325 = arith.constant 0 : i32
      %dma_start3A_1326 = tpu.memref_slice %arg7[%dma_start3A_1323, %dma_start3A_1324, %dma_start3A_1325] : memref<3x80x128xf32, #tpu.memory_space<vmem>> -> memref<1x80x128xf32, #tpu.memory_space<vmem>>
      %dma_start3A_1327 = tpu.memref_squeeze %dma_start3A_1326 : memref<1x80x128xf32, #tpu.memory_space<vmem>> -> memref<80x128xf32, #tpu.memory_space<vmem>>
      %dma_start3A_1328 = tpu.memref_slice %arg5[%mul3A_1322] : memref<10000xi32, #tpu.memory_space<vmem>> -> memref<80xi32, #tpu.memory_space<vmem>>
      %dma_start3A_1329 = arith.constant 0 : i32
      %dma_start3A_1330 = arith.constant 0 : i32
      %dma_start3A_1331 = tpu.memref_slice %arg3[%dma_start3A_1329, %dma_start3A_1330] : memref<10000x128xf32, #tpu.memory_space<hbm>> -> memref<10000x128xf32, #tpu.memory_space<hbm>>
      tpu.enqueue_indirect_dma source(%dma_start3A_1331 : memref<10000x128xf32, #tpu.memory_space<hbm>>) target(%dma_start3A_1327 : memref<80x128xf32, #tpu.memory_space<vmem>>) offsets(%dma_start3A_1328 : memref<80xi32, #tpu.memory_space<vmem>>) semaphore(%arg13 : memref<!tpu.dma_semaphore, #tpu.memory_space<semaphore_mem>>)
      %add3A_1332 = arith.constant 13 : i32
      %add3A_1333 = arith.addi %mul3A_267, %add3A_1332 : i32
      %add3A_1334 = arith.constant 3 : i32
      %add3A_1335 = arith.addi %add3A_1333, %add3A_1334 : i32
      %add3A_1336 = arith.constant 320000 : i32
      %add3A_1337 = arith.addi %add3A_1336, %mul3A_2 : i32
      %mul3A_1338 = arith.constant 80 : i32
      %mul3A_1339 = arith.muli %add3A_1335, %mul3A_1338 : i32
      %add3A_1340 = arith.addi %add3A_1337, %mul3A_1339 : i32
      %dma_start3A_1341 = arith.constant 0 : i32
      %dma_start3A_1342 = arith.constant 0 : i32
      %dma_start3A_1343 = tpu.memref_slice %arg6[%dma_start3A_1341, %dma_start3A_1342] : memref<4x80xi32, #tpu.memory_space<vmem>> -> memref<1x80xi32, #tpu.memory_space<vmem>>
      %dma_start3A_1344 = tpu.memref_squeeze %dma_start3A_1343 : memref<1x80xi32, #tpu.memory_space<vmem>> -> memref<80xi32, #tpu.memory_space<vmem>>
      %dma_start3A_1345 = tpu.memref_slice %arg2[%add3A_1340] : memref<640000xi32, #tpu.memory_space<hbm>> -> memref<80xi32, #tpu.memory_space<hbm>>
      %dma_start3A_1346 = arith.constant 0 : i32
      %dma_start3A_1347 = tpu.memref_slice %arg6[%dma_start3A_1341, %dma_start3A_1346] : memref<4x80xi32, #tpu.memory_space<vmem>> -> memref<1x80xi32, #tpu.memory_space<vmem>>
      %dma_start3A_1348 = tpu.memref_squeeze %dma_start3A_1347 : memref<1x80xi32, #tpu.memory_space<vmem>> -> memref<80xi32, #tpu.memory_space<vmem>>
      %dma_start3A_1349 = tpu.memref_slice %arg2[%add3A_1340] : memref<640000xi32, #tpu.memory_space<hbm>> -> memref<80xi32, #tpu.memory_space<hbm>>
      tpu.enqueue_dma source(%dma_start3A_1349 : memref<80xi32, #tpu.memory_space<hbm>>) target(%dma_start3A_1348 : memref<80xi32, #tpu.memory_space<vmem>>) target_semaphore(%arg9 : memref<!tpu.dma_semaphore, #tpu.memory_space<semaphore_mem>>)
      %dma_wait3A_1350 = arith.constant 1 : i32
      %dma_wait3A_1351 = arith.constant 0 : i32
      %dma_wait3A_1352 = arith.constant 0 : i32
      %dma_wait3A_1353 = tpu.memref_slice %arg7[%dma_wait3A_1350, %dma_wait3A_1351, %dma_wait3A_1352] : memref<3x80x128xf32, #tpu.memory_space<vmem>> -> memref<1x80x128xf32, #tpu.memory_space<vmem>>
      %dma_wait3A_1354 = tpu.memref_squeeze %dma_wait3A_1353 : memref<1x80x128xf32, #tpu.memory_space<vmem>> -> memref<80x128xf32, #tpu.memory_space<vmem>>
      %dma_wait3A_1355 = tpu.memref_slice %arg5[%mul3A_1172] : memref<10000xi32, #tpu.memory_space<vmem>> -> memref<80xi32, #tpu.memory_space<vmem>>
      %dma_wait3A_1356 = arith.constant 0 : i32
      %dma_wait3A_1357 = arith.constant 0 : i32
      %dma_wait3A_1358 = tpu.memref_slice %arg3[%dma_wait3A_1356, %dma_wait3A_1357] : memref<10000x128xf32, #tpu.memory_space<hbm>> -> memref<10000x128xf32, #tpu.memory_space<hbm>>
      tpu.wait_indirect_dma semaphore(%arg14 : memref<!tpu.dma_semaphore, #tpu.memory_space<semaphore_mem>>) src(%dma_wait3A_1358 : memref<10000x128xf32, #tpu.memory_space<hbm>>) dst(%dma_wait3A_1354 : memref<80x128xf32, #tpu.memory_space<vmem>>)
      %dma_wait3A_1359 = arith.constant 1 : i32
      %dma_wait3A_1360 = arith.constant 0 : i32
      %dma_wait3A_1361 = tpu.memref_slice %arg6[%dma_wait3A_1359, %dma_wait3A_1360] : memref<4x80xi32, #tpu.memory_space<vmem>> -> memref<1x80xi32, #tpu.memory_space<vmem>>
      %dma_wait3A_1362 = tpu.memref_squeeze %dma_wait3A_1361 : memref<1x80xi32, #tpu.memory_space<vmem>> -> memref<80xi32, #tpu.memory_space<vmem>>
      %dma_wait3A_1363 = tpu.memref_slice %arg2[%add3A_1115] : memref<640000xi32, #tpu.memory_space<hbm>> -> memref<80xi32, #tpu.memory_space<hbm>>
      %dma_wait3A_1364 = arith.constant 0 : i32
      %dma_wait3A_1365 = tpu.memref_slice %arg6[%dma_wait3A_1359, %dma_wait3A_1364] : memref<4x80xi32, #tpu.memory_space<vmem>> -> memref<1x80xi32, #tpu.memory_space<vmem>>
      %dma_wait3A_1366 = tpu.memref_squeeze %dma_wait3A_1365 : memref<1x80xi32, #tpu.memory_space<vmem>> -> memref<80xi32, #tpu.memory_space<vmem>>
      %dma_wait3A_1367 = tpu.memref_slice %arg2[%add3A_1115] : memref<640000xi32, #tpu.memory_space<hbm>> -> memref<80xi32, #tpu.memory_space<hbm>>
      tpu.wait_dma2 semaphore(%arg10 : memref<!tpu.dma_semaphore, #tpu.memory_space<semaphore_mem>>) src(%dma_wait3A_1367 : memref<80xi32, #tpu.memory_space<hbm>>) dst(%dma_wait3A_1366 : memref<80xi32, #tpu.memory_space<vmem>>)
      %dma_start3A_1368 = arith.constant 1 : i32
      %dma_start3A_1369 = arith.constant 1 : i32
      %dma_start3A_1370 = arith.constant 0 : i32
      %dma_start3A_1371 = arith.constant 0 : i32
      %dma_start3A_1372 = tpu.memref_slice %arg7[%dma_start3A_1368, %dma_start3A_1370, %dma_start3A_1371] : memref<3x80x128xf32, #tpu.memory_space<vmem>> -> memref<1x80x128xf32, #tpu.memory_space<vmem>>
      %dma_start3A_1373 = tpu.memref_squeeze %dma_start3A_1372 : memref<1x80x128xf32, #tpu.memory_space<vmem>> -> memref<80x128xf32, #tpu.memory_space<vmem>>
      %dma_start3A_1374 = arith.constant 0 : i32
      %dma_start3A_1375 = tpu.memref_slice %arg6[%dma_start3A_1369, %dma_start3A_1374] : memref<4x80xi32, #tpu.memory_space<vmem>> -> memref<1x80xi32, #tpu.memory_space<vmem>>
      %dma_start3A_1376 = tpu.memref_squeeze %dma_start3A_1375 : memref<1x80xi32, #tpu.memory_space<vmem>> -> memref<80xi32, #tpu.memory_space<vmem>>
      %dma_start3A_1377 = arith.constant 0 : i32
      %dma_start3A_1378 = arith.constant 0 : i32
      %dma_start3A_1379 = tpu.memref_slice %arg8[%dma_start3A_1377, %dma_start3A_1378] : memref<10240x128xf32, #tpu.memory_space<vmem_shared>> -> memref<10240x128xf32, #tpu.memory_space<vmem_shared>>
      tpu.enqueue_indirect_dma source(%dma_start3A_1373 : memref<80x128xf32, #tpu.memory_space<vmem>>) target(%dma_start3A_1379 : memref<10240x128xf32, #tpu.memory_space<vmem_shared>>) offsets(%dma_start3A_1376 : memref<80xi32, #tpu.memory_space<vmem>>) semaphore(%arg17 : memref<!tpu.dma_semaphore, #tpu.memory_space<semaphore_mem>>) {add = true}
      %dma_wait3A_1380 = arith.constant 1 : i32
      %dma_wait3A_1381 = arith.constant 1 : i32
      %dma_wait3A_1382 = arith.constant 0 : i32
      %dma_wait3A_1383 = arith.constant 0 : i32
      %dma_wait3A_1384 = tpu.memref_slice %arg7[%dma_wait3A_1380, %dma_wait3A_1382, %dma_wait3A_1383] : memref<3x80x128xf32, #tpu.memory_space<vmem>> -> memref<1x80x128xf32, #tpu.memory_space<vmem>>
      %dma_wait3A_1385 = tpu.memref_squeeze %dma_wait3A_1384 : memref<1x80x128xf32, #tpu.memory_space<vmem>> -> memref<80x128xf32, #tpu.memory_space<vmem>>
      %dma_wait3A_1386 = arith.constant 0 : i32
      %dma_wait3A_1387 = tpu.memref_slice %arg6[%dma_wait3A_1381, %dma_wait3A_1386] : memref<4x80xi32, #tpu.memory_space<vmem>> -> memref<1x80xi32, #tpu.memory_space<vmem>>
      %dma_wait3A_1388 = tpu.memref_squeeze %dma_wait3A_1387 : memref<1x80xi32, #tpu.memory_space<vmem>> -> memref<80xi32, #tpu.memory_space<vmem>>
      %dma_wait3A_1389 = arith.constant 0 : i32
      %dma_wait3A_1390 = arith.constant 0 : i32
      %dma_wait3A_1391 = tpu.memref_slice %arg8[%dma_wait3A_1389, %dma_wait3A_1390] : memref<10240x128xf32, #tpu.memory_space<vmem_shared>> -> memref<10240x128xf32, #tpu.memory_space<vmem_shared>>
      tpu.wait_indirect_dma semaphore(%arg17 : memref<!tpu.dma_semaphore, #tpu.memory_space<semaphore_mem>>) src(%dma_wait3A_1385 : memref<80x128xf32, #tpu.memory_space<vmem>>) dst(%dma_wait3A_1391 : memref<10240x128xf32, #tpu.memory_space<vmem_shared>>)
      %add3A_1392 = arith.constant 14 : i32
      %add3A_1393 = arith.addi %mul3A_267, %add3A_1392 : i32
      %add3A_1394 = arith.constant 2 : i32
      %add3A_1395 = arith.addi %add3A_1393, %add3A_1394 : i32
      %mul3A_1396 = arith.constant 80 : i32
      %mul3A_1397 = arith.muli %add3A_1395, %mul3A_1396 : i32
      %dma_start3A_1398 = arith.constant 1 : i32
      %dma_start3A_1399 = arith.constant 0 : i32
      %dma_start3A_1400 = arith.constant 0 : i32
      %dma_start3A_1401 = tpu.memref_slice %arg7[%dma_start3A_1398, %dma_start3A_1399, %dma_start3A_1400] : memref<3x80x128xf32, #tpu.memory_space<vmem>> -> memref<1x80x128xf32, #tpu.memory_space<vmem>>
      %dma_start3A_1402 = tpu.memref_squeeze %dma_start3A_1401 : memref<1x80x128xf32, #tpu.memory_space<vmem>> -> memref<80x128xf32, #tpu.memory_space<vmem>>
      %dma_start3A_1403 = tpu.memref_slice %arg5[%mul3A_1397] : memref<10000xi32, #tpu.memory_space<vmem>> -> memref<80xi32, #tpu.memory_space<vmem>>
      %dma_start3A_1404 = arith.constant 0 : i32
      %dma_start3A_1405 = arith.constant 0 : i32
      %dma_start3A_1406 = tpu.memref_slice %arg3[%dma_start3A_1404, %dma_start3A_1405] : memref<10000x128xf32, #tpu.memory_space<hbm>> -> memref<10000x128xf32, #tpu.memory_space<hbm>>
      tpu.enqueue_indirect_dma source(%dma_start3A_1406 : memref<10000x128xf32, #tpu.memory_space<hbm>>) target(%dma_start3A_1402 : memref<80x128xf32, #tpu.memory_space<vmem>>) offsets(%dma_start3A_1403 : memref<80xi32, #tpu.memory_space<vmem>>) semaphore(%arg14 : memref<!tpu.dma_semaphore, #tpu.memory_space<semaphore_mem>>)
      %add3A_1407 = arith.constant 14 : i32
      %add3A_1408 = arith.addi %mul3A_267, %add3A_1407 : i32
      %add3A_1409 = arith.constant 3 : i32
      %add3A_1410 = arith.addi %add3A_1408, %add3A_1409 : i32
      %add3A_1411 = arith.constant 320000 : i32
      %add3A_1412 = arith.addi %add3A_1411, %mul3A_2 : i32
      %mul3A_1413 = arith.constant 80 : i32
      %mul3A_1414 = arith.muli %add3A_1410, %mul3A_1413 : i32
      %add3A_1415 = arith.addi %add3A_1412, %mul3A_1414 : i32
      %dma_start3A_1416 = arith.constant 1 : i32
      %dma_start3A_1417 = arith.constant 0 : i32
      %dma_start3A_1418 = tpu.memref_slice %arg6[%dma_start3A_1416, %dma_start3A_1417] : memref<4x80xi32, #tpu.memory_space<vmem>> -> memref<1x80xi32, #tpu.memory_space<vmem>>
      %dma_start3A_1419 = tpu.memref_squeeze %dma_start3A_1418 : memref<1x80xi32, #tpu.memory_space<vmem>> -> memref<80xi32, #tpu.memory_space<vmem>>
      %dma_start3A_1420 = tpu.memref_slice %arg2[%add3A_1415] : memref<640000xi32, #tpu.memory_space<hbm>> -> memref<80xi32, #tpu.memory_space<hbm>>
      %dma_start3A_1421 = arith.constant 0 : i32
      %dma_start3A_1422 = tpu.memref_slice %arg6[%dma_start3A_1416, %dma_start3A_1421] : memref<4x80xi32, #tpu.memory_space<vmem>> -> memref<1x80xi32, #tpu.memory_space<vmem>>
      %dma_start3A_1423 = tpu.memref_squeeze %dma_start3A_1422 : memref<1x80xi32, #tpu.memory_space<vmem>> -> memref<80xi32, #tpu.memory_space<vmem>>
      %dma_start3A_1424 = tpu.memref_slice %arg2[%add3A_1415] : memref<640000xi32, #tpu.memory_space<hbm>> -> memref<80xi32, #tpu.memory_space<hbm>>
      tpu.enqueue_dma source(%dma_start3A_1424 : memref<80xi32, #tpu.memory_space<hbm>>) target(%dma_start3A_1423 : memref<80xi32, #tpu.memory_space<vmem>>) target_semaphore(%arg10 : memref<!tpu.dma_semaphore, #tpu.memory_space<semaphore_mem>>)
      %dma_wait3A_1425 = arith.constant 2 : i32
      %dma_wait3A_1426 = arith.constant 0 : i32
      %dma_wait3A_1427 = arith.constant 0 : i32
      %dma_wait3A_1428 = tpu.memref_slice %arg7[%dma_wait3A_1425, %dma_wait3A_1426, %dma_wait3A_1427] : memref<3x80x128xf32, #tpu.memory_space<vmem>> -> memref<1x80x128xf32, #tpu.memory_space<vmem>>
      %dma_wait3A_1429 = tpu.memref_squeeze %dma_wait3A_1428 : memref<1x80x128xf32, #tpu.memory_space<vmem>> -> memref<80x128xf32, #tpu.memory_space<vmem>>
      %dma_wait3A_1430 = tpu.memref_slice %arg5[%mul3A_1247] : memref<10000xi32, #tpu.memory_space<vmem>> -> memref<80xi32, #tpu.memory_space<vmem>>
      %dma_wait3A_1431 = arith.constant 0 : i32
      %dma_wait3A_1432 = arith.constant 0 : i32
      %dma_wait3A_1433 = tpu.memref_slice %arg3[%dma_wait3A_1431, %dma_wait3A_1432] : memref<10000x128xf32, #tpu.memory_space<hbm>> -> memref<10000x128xf32, #tpu.memory_space<hbm>>
      tpu.wait_indirect_dma semaphore(%arg15 : memref<!tpu.dma_semaphore, #tpu.memory_space<semaphore_mem>>) src(%dma_wait3A_1433 : memref<10000x128xf32, #tpu.memory_space<hbm>>) dst(%dma_wait3A_1429 : memref<80x128xf32, #tpu.memory_space<vmem>>)
      %dma_wait3A_1434 = arith.constant 2 : i32
      %dma_wait3A_1435 = arith.constant 0 : i32
      %dma_wait3A_1436 = tpu.memref_slice %arg6[%dma_wait3A_1434, %dma_wait3A_1435] : memref<4x80xi32, #tpu.memory_space<vmem>> -> memref<1x80xi32, #tpu.memory_space<vmem>>
      %dma_wait3A_1437 = tpu.memref_squeeze %dma_wait3A_1436 : memref<1x80xi32, #tpu.memory_space<vmem>> -> memref<80xi32, #tpu.memory_space<vmem>>
      %dma_wait3A_1438 = tpu.memref_slice %arg2[%add3A_1190] : memref<640000xi32, #tpu.memory_space<hbm>> -> memref<80xi32, #tpu.memory_space<hbm>>
      %dma_wait3A_1439 = arith.constant 0 : i32
      %dma_wait3A_1440 = tpu.memref_slice %arg6[%dma_wait3A_1434, %dma_wait3A_1439] : memref<4x80xi32, #tpu.memory_space<vmem>> -> memref<1x80xi32, #tpu.memory_space<vmem>>
      %dma_wait3A_1441 = tpu.memref_squeeze %dma_wait3A_1440 : memref<1x80xi32, #tpu.memory_space<vmem>> -> memref<80xi32, #tpu.memory_space<vmem>>
      %dma_wait3A_1442 = tpu.memref_slice %arg2[%add3A_1190] : memref<640000xi32, #tpu.memory_space<hbm>> -> memref<80xi32, #tpu.memory_space<hbm>>
      tpu.wait_dma2 semaphore(%arg11 : memref<!tpu.dma_semaphore, #tpu.memory_space<semaphore_mem>>) src(%dma_wait3A_1442 : memref<80xi32, #tpu.memory_space<hbm>>) dst(%dma_wait3A_1441 : memref<80xi32, #tpu.memory_space<vmem>>)
      %dma_start3A_1443 = arith.constant 2 : i32
      %dma_start3A_1444 = arith.constant 2 : i32
      %dma_start3A_1445 = arith.constant 0 : i32
      %dma_start3A_1446 = arith.constant 0 : i32
      %dma_start3A_1447 = tpu.memref_slice %arg7[%dma_start3A_1443, %dma_start3A_1445, %dma_start3A_1446] : memref<3x80x128xf32, #tpu.memory_space<vmem>> -> memref<1x80x128xf32, #tpu.memory_space<vmem>>
      %dma_start3A_1448 = tpu.memref_squeeze %dma_start3A_1447 : memref<1x80x128xf32, #tpu.memory_space<vmem>> -> memref<80x128xf32, #tpu.memory_space<vmem>>
      %dma_start3A_1449 = arith.constant 0 : i32
      %dma_start3A_1450 = tpu.memref_slice %arg6[%dma_start3A_1444, %dma_start3A_1449] : memref<4x80xi32, #tpu.memory_space<vmem>> -> memref<1x80xi32, #tpu.memory_space<vmem>>
      %dma_start3A_1451 = tpu.memref_squeeze %dma_start3A_1450 : memref<1x80xi32, #tpu.memory_space<vmem>> -> memref<80xi32, #tpu.memory_space<vmem>>
      %dma_start3A_1452 = arith.constant 0 : i32
      %dma_start3A_1453 = arith.constant 0 : i32
      %dma_start3A_1454 = tpu.memref_slice %arg8[%dma_start3A_1452, %dma_start3A_1453] : memref<10240x128xf32, #tpu.memory_space<vmem_shared>> -> memref<10240x128xf32, #tpu.memory_space<vmem_shared>>
      tpu.enqueue_indirect_dma source(%dma_start3A_1448 : memref<80x128xf32, #tpu.memory_space<vmem>>) target(%dma_start3A_1454 : memref<10240x128xf32, #tpu.memory_space<vmem_shared>>) offsets(%dma_start3A_1451 : memref<80xi32, #tpu.memory_space<vmem>>) semaphore(%arg16 : memref<!tpu.dma_semaphore, #tpu.memory_space<semaphore_mem>>) {add = true}
      %dma_wait3A_1455 = arith.constant 2 : i32
      %dma_wait3A_1456 = arith.constant 2 : i32
      %dma_wait3A_1457 = arith.constant 0 : i32
      %dma_wait3A_1458 = arith.constant 0 : i32
      %dma_wait3A_1459 = tpu.memref_slice %arg7[%dma_wait3A_1455, %dma_wait3A_1457, %dma_wait3A_1458] : memref<3x80x128xf32, #tpu.memory_space<vmem>> -> memref<1x80x128xf32, #tpu.memory_space<vmem>>
      %dma_wait3A_1460 = tpu.memref_squeeze %dma_wait3A_1459 : memref<1x80x128xf32, #tpu.memory_space<vmem>> -> memref<80x128xf32, #tpu.memory_space<vmem>>
      %dma_wait3A_1461 = arith.constant 0 : i32
      %dma_wait3A_1462 = tpu.memref_slice %arg6[%dma_wait3A_1456, %dma_wait3A_1461] : memref<4x80xi32, #tpu.memory_space<vmem>> -> memref<1x80xi32, #tpu.memory_space<vmem>>
      %dma_wait3A_1463 = tpu.memref_squeeze %dma_wait3A_1462 : memref<1x80xi32, #tpu.memory_space<vmem>> -> memref<80xi32, #tpu.memory_space<vmem>>
      %dma_wait3A_1464 = arith.constant 0 : i32
      %dma_wait3A_1465 = arith.constant 0 : i32
      %dma_wait3A_1466 = tpu.memref_slice %arg8[%dma_wait3A_1464, %dma_wait3A_1465] : memref<10240x128xf32, #tpu.memory_space<vmem_shared>> -> memref<10240x128xf32, #tpu.memory_space<vmem_shared>>
      tpu.wait_indirect_dma semaphore(%arg16 : memref<!tpu.dma_semaphore, #tpu.memory_space<semaphore_mem>>) src(%dma_wait3A_1460 : memref<80x128xf32, #tpu.memory_space<vmem>>) dst(%dma_wait3A_1466 : memref<10240x128xf32, #tpu.memory_space<vmem_shared>>)
      %add3A_1467 = arith.constant 15 : i32
      %add3A_1468 = arith.addi %mul3A_267, %add3A_1467 : i32
      %add3A_1469 = arith.constant 2 : i32
      %add3A_1470 = arith.addi %add3A_1468, %add3A_1469 : i32
      %mul3A_1471 = arith.constant 80 : i32
      %mul3A_1472 = arith.muli %add3A_1470, %mul3A_1471 : i32
      %dma_start3A_1473 = arith.constant 2 : i32
      %dma_start3A_1474 = arith.constant 0 : i32
      %dma_start3A_1475 = arith.constant 0 : i32
      %dma_start3A_1476 = tpu.memref_slice %arg7[%dma_start3A_1473, %dma_start3A_1474, %dma_start3A_1475] : memref<3x80x128xf32, #tpu.memory_space<vmem>> -> memref<1x80x128xf32, #tpu.memory_space<vmem>>
      %dma_start3A_1477 = tpu.memref_squeeze %dma_start3A_1476 : memref<1x80x128xf32, #tpu.memory_space<vmem>> -> memref<80x128xf32, #tpu.memory_space<vmem>>
      %dma_start3A_1478 = tpu.memref_slice %arg5[%mul3A_1472] : memref<10000xi32, #tpu.memory_space<vmem>> -> memref<80xi32, #tpu.memory_space<vmem>>
      %dma_start3A_1479 = arith.constant 0 : i32
      %dma_start3A_1480 = arith.constant 0 : i32
      %dma_start3A_1481 = tpu.memref_slice %arg3[%dma_start3A_1479, %dma_start3A_1480] : memref<10000x128xf32, #tpu.memory_space<hbm>> -> memref<10000x128xf32, #tpu.memory_space<hbm>>
      tpu.enqueue_indirect_dma source(%dma_start3A_1481 : memref<10000x128xf32, #tpu.memory_space<hbm>>) target(%dma_start3A_1477 : memref<80x128xf32, #tpu.memory_space<vmem>>) offsets(%dma_start3A_1478 : memref<80xi32, #tpu.memory_space<vmem>>) semaphore(%arg15 : memref<!tpu.dma_semaphore, #tpu.memory_space<semaphore_mem>>)
      %add3A_1482 = arith.constant 15 : i32
      %add3A_1483 = arith.addi %mul3A_267, %add3A_1482 : i32
      %add3A_1484 = arith.constant 3 : i32
      %add3A_1485 = arith.addi %add3A_1483, %add3A_1484 : i32
      %add3A_1486 = arith.constant 320000 : i32
      %add3A_1487 = arith.addi %add3A_1486, %mul3A_2 : i32
      %mul3A_1488 = arith.constant 80 : i32
      %mul3A_1489 = arith.muli %add3A_1485, %mul3A_1488 : i32
      %add3A_1490 = arith.addi %add3A_1487, %mul3A_1489 : i32
      %dma_start3A_1491 = arith.constant 2 : i32
      %dma_start3A_1492 = arith.constant 0 : i32
      %dma_start3A_1493 = tpu.memref_slice %arg6[%dma_start3A_1491, %dma_start3A_1492] : memref<4x80xi32, #tpu.memory_space<vmem>> -> memref<1x80xi32, #tpu.memory_space<vmem>>
      %dma_start3A_1494 = tpu.memref_squeeze %dma_start3A_1493 : memref<1x80xi32, #tpu.memory_space<vmem>> -> memref<80xi32, #tpu.memory_space<vmem>>
      %dma_start3A_1495 = tpu.memref_slice %arg2[%add3A_1490] : memref<640000xi32, #tpu.memory_space<hbm>> -> memref<80xi32, #tpu.memory_space<hbm>>
      %dma_start3A_1496 = arith.constant 0 : i32
      %dma_start3A_1497 = tpu.memref_slice %arg6[%dma_start3A_1491, %dma_start3A_1496] : memref<4x80xi32, #tpu.memory_space<vmem>> -> memref<1x80xi32, #tpu.memory_space<vmem>>
      %dma_start3A_1498 = tpu.memref_squeeze %dma_start3A_1497 : memref<1x80xi32, #tpu.memory_space<vmem>> -> memref<80xi32, #tpu.memory_space<vmem>>
      %dma_start3A_1499 = tpu.memref_slice %arg2[%add3A_1490] : memref<640000xi32, #tpu.memory_space<hbm>> -> memref<80xi32, #tpu.memory_space<hbm>>
      tpu.enqueue_dma source(%dma_start3A_1499 : memref<80xi32, #tpu.memory_space<hbm>>) target(%dma_start3A_1498 : memref<80xi32, #tpu.memory_space<vmem>>) target_semaphore(%arg11 : memref<!tpu.dma_semaphore, #tpu.memory_space<semaphore_mem>>)
      %dma_wait3A_1500 = arith.constant 0 : i32
      %dma_wait3A_1501 = arith.constant 0 : i32
      %dma_wait3A_1502 = arith.constant 0 : i32
      %dma_wait3A_1503 = tpu.memref_slice %arg7[%dma_wait3A_1500, %dma_wait3A_1501, %dma_wait3A_1502] : memref<3x80x128xf32, #tpu.memory_space<vmem>> -> memref<1x80x128xf32, #tpu.memory_space<vmem>>
      %dma_wait3A_1504 = tpu.memref_squeeze %dma_wait3A_1503 : memref<1x80x128xf32, #tpu.memory_space<vmem>> -> memref<80x128xf32, #tpu.memory_space<vmem>>
      %dma_wait3A_1505 = tpu.memref_slice %arg5[%mul3A_1322] : memref<10000xi32, #tpu.memory_space<vmem>> -> memref<80xi32, #tpu.memory_space<vmem>>
      %dma_wait3A_1506 = arith.constant 0 : i32
      %dma_wait3A_1507 = arith.constant 0 : i32
      %dma_wait3A_1508 = tpu.memref_slice %arg3[%dma_wait3A_1506, %dma_wait3A_1507] : memref<10000x128xf32, #tpu.memory_space<hbm>> -> memref<10000x128xf32, #tpu.memory_space<hbm>>
      tpu.wait_indirect_dma semaphore(%arg13 : memref<!tpu.dma_semaphore, #tpu.memory_space<semaphore_mem>>) src(%dma_wait3A_1508 : memref<10000x128xf32, #tpu.memory_space<hbm>>) dst(%dma_wait3A_1504 : memref<80x128xf32, #tpu.memory_space<vmem>>)
      %dma_wait3A_1509 = arith.constant 3 : i32
      %dma_wait3A_1510 = arith.constant 0 : i32
      %dma_wait3A_1511 = tpu.memref_slice %arg6[%dma_wait3A_1509, %dma_wait3A_1510] : memref<4x80xi32, #tpu.memory_space<vmem>> -> memref<1x80xi32, #tpu.memory_space<vmem>>
      %dma_wait3A_1512 = tpu.memref_squeeze %dma_wait3A_1511 : memref<1x80xi32, #tpu.memory_space<vmem>> -> memref<80xi32, #tpu.memory_space<vmem>>
      %dma_wait3A_1513 = tpu.memref_slice %arg2[%add3A_1265] : memref<640000xi32, #tpu.memory_space<hbm>> -> memref<80xi32, #tpu.memory_space<hbm>>
      %dma_wait3A_1514 = arith.constant 0 : i32
      %dma_wait3A_1515 = tpu.memref_slice %arg6[%dma_wait3A_1509, %dma_wait3A_1514] : memref<4x80xi32, #tpu.memory_space<vmem>> -> memref<1x80xi32, #tpu.memory_space<vmem>>
      %dma_wait3A_1516 = tpu.memref_squeeze %dma_wait3A_1515 : memref<1x80xi32, #tpu.memory_space<vmem>> -> memref<80xi32, #tpu.memory_space<vmem>>
      %dma_wait3A_1517 = tpu.memref_slice %arg2[%add3A_1265] : memref<640000xi32, #tpu.memory_space<hbm>> -> memref<80xi32, #tpu.memory_space<hbm>>
      tpu.wait_dma2 semaphore(%arg12 : memref<!tpu.dma_semaphore, #tpu.memory_space<semaphore_mem>>) src(%dma_wait3A_1517 : memref<80xi32, #tpu.memory_space<hbm>>) dst(%dma_wait3A_1516 : memref<80xi32, #tpu.memory_space<vmem>>)
      %dma_start3A_1518 = arith.constant 0 : i32
      %dma_start3A_1519 = arith.constant 3 : i32
      %dma_start3A_1520 = arith.constant 0 : i32
      %dma_start3A_1521 = arith.constant 0 : i32
      %dma_start3A_1522 = tpu.memref_slice %arg7[%dma_start3A_1518, %dma_start3A_1520, %dma_start3A_1521] : memref<3x80x128xf32, #tpu.memory_space<vmem>> -> memref<1x80x128xf32, #tpu.memory_space<vmem>>
      %dma_start3A_1523 = tpu.memref_squeeze %dma_start3A_1522 : memref<1x80x128xf32, #tpu.memory_space<vmem>> -> memref<80x128xf32, #tpu.memory_space<vmem>>
      %dma_start3A_1524 = arith.constant 0 : i32
      %dma_start3A_1525 = tpu.memref_slice %arg6[%dma_start3A_1519, %dma_start3A_1524] : memref<4x80xi32, #tpu.memory_space<vmem>> -> memref<1x80xi32, #tpu.memory_space<vmem>>
      %dma_start3A_1526 = tpu.memref_squeeze %dma_start3A_1525 : memref<1x80xi32, #tpu.memory_space<vmem>> -> memref<80xi32, #tpu.memory_space<vmem>>
      %dma_start3A_1527 = arith.constant 0 : i32
      %dma_start3A_1528 = arith.constant 0 : i32
      %dma_start3A_1529 = tpu.memref_slice %arg8[%dma_start3A_1527, %dma_start3A_1528] : memref<10240x128xf32, #tpu.memory_space<vmem_shared>> -> memref<10240x128xf32, #tpu.memory_space<vmem_shared>>
      tpu.enqueue_indirect_dma source(%dma_start3A_1523 : memref<80x128xf32, #tpu.memory_space<vmem>>) target(%dma_start3A_1529 : memref<10240x128xf32, #tpu.memory_space<vmem_shared>>) offsets(%dma_start3A_1526 : memref<80xi32, #tpu.memory_space<vmem>>) semaphore(%arg17 : memref<!tpu.dma_semaphore, #tpu.memory_space<semaphore_mem>>) {add = true}
      %dma_wait3A_1530 = arith.constant 0 : i32
      %dma_wait3A_1531 = arith.constant 3 : i32
      %dma_wait3A_1532 = arith.constant 0 : i32
      %dma_wait3A_1533 = arith.constant 0 : i32
      %dma_wait3A_1534 = tpu.memref_slice %arg7[%dma_wait3A_1530, %dma_wait3A_1532, %dma_wait3A_1533] : memref<3x80x128xf32, #tpu.memory_space<vmem>> -> memref<1x80x128xf32, #tpu.memory_space<vmem>>
      %dma_wait3A_1535 = tpu.memref_squeeze %dma_wait3A_1534 : memref<1x80x128xf32, #tpu.memory_space<vmem>> -> memref<80x128xf32, #tpu.memory_space<vmem>>
      %dma_wait3A_1536 = arith.constant 0 : i32
      %dma_wait3A_1537 = tpu.memref_slice %arg6[%dma_wait3A_1531, %dma_wait3A_1536] : memref<4x80xi32, #tpu.memory_space<vmem>> -> memref<1x80xi32, #tpu.memory_space<vmem>>
      %dma_wait3A_1538 = tpu.memref_squeeze %dma_wait3A_1537 : memref<1x80xi32, #tpu.memory_space<vmem>> -> memref<80xi32, #tpu.memory_space<vmem>>
      %dma_wait3A_1539 = arith.constant 0 : i32
      %dma_wait3A_1540 = arith.constant 0 : i32
      %dma_wait3A_1541 = tpu.memref_slice %arg8[%dma_wait3A_1539, %dma_wait3A_1540] : memref<10240x128xf32, #tpu.memory_space<vmem_shared>> -> memref<10240x128xf32, #tpu.memory_space<vmem_shared>>
      tpu.wait_indirect_dma semaphore(%arg17 : memref<!tpu.dma_semaphore, #tpu.memory_space<semaphore_mem>>) src(%dma_wait3A_1535 : memref<80x128xf32, #tpu.memory_space<vmem>>) dst(%dma_wait3A_1541 : memref<10240x128xf32, #tpu.memory_space<vmem_shared>>)
      %add3A_1542 = arith.constant 16 : i32
      %add3A_1543 = arith.addi %mul3A_267, %add3A_1542 : i32
      %add3A_1544 = arith.constant 2 : i32
      %add3A_1545 = arith.addi %add3A_1543, %add3A_1544 : i32
      %mul3A_1546 = arith.constant 80 : i32
      %mul3A_1547 = arith.muli %add3A_1545, %mul3A_1546 : i32
      %dma_start3A_1548 = arith.constant 0 : i32
      %dma_start3A_1549 = arith.constant 0 : i32
      %dma_start3A_1550 = arith.constant 0 : i32
      %dma_start3A_1551 = tpu.memref_slice %arg7[%dma_start3A_1548, %dma_start3A_1549, %dma_start3A_1550] : memref<3x80x128xf32, #tpu.memory_space<vmem>> -> memref<1x80x128xf32, #tpu.memory_space<vmem>>
      %dma_start3A_1552 = tpu.memref_squeeze %dma_start3A_1551 : memref<1x80x128xf32, #tpu.memory_space<vmem>> -> memref<80x128xf32, #tpu.memory_space<vmem>>
      %dma_start3A_1553 = tpu.memref_slice %arg5[%mul3A_1547] : memref<10000xi32, #tpu.memory_space<vmem>> -> memref<80xi32, #tpu.memory_space<vmem>>
      %dma_start3A_1554 = arith.constant 0 : i32
      %dma_start3A_1555 = arith.constant 0 : i32
      %dma_start3A_1556 = tpu.memref_slice %arg3[%dma_start3A_1554, %dma_start3A_1555] : memref<10000x128xf32, #tpu.memory_space<hbm>> -> memref<10000x128xf32, #tpu.memory_space<hbm>>
      tpu.enqueue_indirect_dma source(%dma_start3A_1556 : memref<10000x128xf32, #tpu.memory_space<hbm>>) target(%dma_start3A_1552 : memref<80x128xf32, #tpu.memory_space<vmem>>) offsets(%dma_start3A_1553 : memref<80xi32, #tpu.memory_space<vmem>>) semaphore(%arg13 : memref<!tpu.dma_semaphore, #tpu.memory_space<semaphore_mem>>)
      %add3A_1557 = arith.constant 16 : i32
      %add3A_1558 = arith.addi %mul3A_267, %add3A_1557 : i32
      %add3A_1559 = arith.constant 3 : i32
      %add3A_1560 = arith.addi %add3A_1558, %add3A_1559 : i32
      %add3A_1561 = arith.constant 320000 : i32
      %add3A_1562 = arith.addi %add3A_1561, %mul3A_2 : i32
      %mul3A_1563 = arith.constant 80 : i32
      %mul3A_1564 = arith.muli %add3A_1560, %mul3A_1563 : i32
      %add3A_1565 = arith.addi %add3A_1562, %mul3A_1564 : i32
      %dma_start3A_1566 = arith.constant 3 : i32
      %dma_start3A_1567 = arith.constant 0 : i32
      %dma_start3A_1568 = tpu.memref_slice %arg6[%dma_start3A_1566, %dma_start3A_1567] : memref<4x80xi32, #tpu.memory_space<vmem>> -> memref<1x80xi32, #tpu.memory_space<vmem>>
      %dma_start3A_1569 = tpu.memref_squeeze %dma_start3A_1568 : memref<1x80xi32, #tpu.memory_space<vmem>> -> memref<80xi32, #tpu.memory_space<vmem>>
      %dma_start3A_1570 = tpu.memref_slice %arg2[%add3A_1565] : memref<640000xi32, #tpu.memory_space<hbm>> -> memref<80xi32, #tpu.memory_space<hbm>>
      %dma_start3A_1571 = arith.constant 0 : i32
      %dma_start3A_1572 = tpu.memref_slice %arg6[%dma_start3A_1566, %dma_start3A_1571] : memref<4x80xi32, #tpu.memory_space<vmem>> -> memref<1x80xi32, #tpu.memory_space<vmem>>
      %dma_start3A_1573 = tpu.memref_squeeze %dma_start3A_1572 : memref<1x80xi32, #tpu.memory_space<vmem>> -> memref<80xi32, #tpu.memory_space<vmem>>
      %dma_start3A_1574 = tpu.memref_slice %arg2[%add3A_1565] : memref<640000xi32, #tpu.memory_space<hbm>> -> memref<80xi32, #tpu.memory_space<hbm>>
      tpu.enqueue_dma source(%dma_start3A_1574 : memref<80xi32, #tpu.memory_space<hbm>>) target(%dma_start3A_1573 : memref<80xi32, #tpu.memory_space<vmem>>) target_semaphore(%arg12 : memref<!tpu.dma_semaphore, #tpu.memory_space<semaphore_mem>>)
      %dma_wait3A_1575 = arith.constant 1 : i32
      %dma_wait3A_1576 = arith.constant 0 : i32
      %dma_wait3A_1577 = arith.constant 0 : i32
      %dma_wait3A_1578 = tpu.memref_slice %arg7[%dma_wait3A_1575, %dma_wait3A_1576, %dma_wait3A_1577] : memref<3x80x128xf32, #tpu.memory_space<vmem>> -> memref<1x80x128xf32, #tpu.memory_space<vmem>>
      %dma_wait3A_1579 = tpu.memref_squeeze %dma_wait3A_1578 : memref<1x80x128xf32, #tpu.memory_space<vmem>> -> memref<80x128xf32, #tpu.memory_space<vmem>>
      %dma_wait3A_1580 = tpu.memref_slice %arg5[%mul3A_1397] : memref<10000xi32, #tpu.memory_space<vmem>> -> memref<80xi32, #tpu.memory_space<vmem>>
      %dma_wait3A_1581 = arith.constant 0 : i32
      %dma_wait3A_1582 = arith.constant 0 : i32
      %dma_wait3A_1583 = tpu.memref_slice %arg3[%dma_wait3A_1581, %dma_wait3A_1582] : memref<10000x128xf32, #tpu.memory_space<hbm>> -> memref<10000x128xf32, #tpu.memory_space<hbm>>
      tpu.wait_indirect_dma semaphore(%arg14 : memref<!tpu.dma_semaphore, #tpu.memory_space<semaphore_mem>>) src(%dma_wait3A_1583 : memref<10000x128xf32, #tpu.memory_space<hbm>>) dst(%dma_wait3A_1579 : memref<80x128xf32, #tpu.memory_space<vmem>>)
      %dma_wait3A_1584 = arith.constant 0 : i32
      %dma_wait3A_1585 = arith.constant 0 : i32
      %dma_wait3A_1586 = tpu.memref_slice %arg6[%dma_wait3A_1584, %dma_wait3A_1585] : memref<4x80xi32, #tpu.memory_space<vmem>> -> memref<1x80xi32, #tpu.memory_space<vmem>>
      %dma_wait3A_1587 = tpu.memref_squeeze %dma_wait3A_1586 : memref<1x80xi32, #tpu.memory_space<vmem>> -> memref<80xi32, #tpu.memory_space<vmem>>
      %dma_wait3A_1588 = tpu.memref_slice %arg2[%add3A_1340] : memref<640000xi32, #tpu.memory_space<hbm>> -> memref<80xi32, #tpu.memory_space<hbm>>
      %dma_wait3A_1589 = arith.constant 0 : i32
      %dma_wait3A_1590 = tpu.memref_slice %arg6[%dma_wait3A_1584, %dma_wait3A_1589] : memref<4x80xi32, #tpu.memory_space<vmem>> -> memref<1x80xi32, #tpu.memory_space<vmem>>
      %dma_wait3A_1591 = tpu.memref_squeeze %dma_wait3A_1590 : memref<1x80xi32, #tpu.memory_space<vmem>> -> memref<80xi32, #tpu.memory_space<vmem>>
      %dma_wait3A_1592 = tpu.memref_slice %arg2[%add3A_1340] : memref<640000xi32, #tpu.memory_space<hbm>> -> memref<80xi32, #tpu.memory_space<hbm>>
      tpu.wait_dma2 semaphore(%arg9 : memref<!tpu.dma_semaphore, #tpu.memory_space<semaphore_mem>>) src(%dma_wait3A_1592 : memref<80xi32, #tpu.memory_space<hbm>>) dst(%dma_wait3A_1591 : memref<80xi32, #tpu.memory_space<vmem>>)
      %dma_start3A_1593 = arith.constant 1 : i32
      %dma_start3A_1594 = arith.constant 0 : i32
      %dma_start3A_1595 = arith.constant 0 : i32
      %dma_start3A_1596 = arith.constant 0 : i32
      %dma_start3A_1597 = tpu.memref_slice %arg7[%dma_start3A_1593, %dma_start3A_1595, %dma_start3A_1596] : memref<3x80x128xf32, #tpu.memory_space<vmem>> -> memref<1x80x128xf32, #tpu.memory_space<vmem>>
      %dma_start3A_1598 = tpu.memref_squeeze %dma_start3A_1597 : memref<1x80x128xf32, #tpu.memory_space<vmem>> -> memref<80x128xf32, #tpu.memory_space<vmem>>
      %dma_start3A_1599 = arith.constant 0 : i32
      %dma_start3A_1600 = tpu.memref_slice %arg6[%dma_start3A_1594, %dma_start3A_1599] : memref<4x80xi32, #tpu.memory_space<vmem>> -> memref<1x80xi32, #tpu.memory_space<vmem>>
      %dma_start3A_1601 = tpu.memref_squeeze %dma_start3A_1600 : memref<1x80xi32, #tpu.memory_space<vmem>> -> memref<80xi32, #tpu.memory_space<vmem>>
      %dma_start3A_1602 = arith.constant 0 : i32
      %dma_start3A_1603 = arith.constant 0 : i32
      %dma_start3A_1604 = tpu.memref_slice %arg8[%dma_start3A_1602, %dma_start3A_1603] : memref<10240x128xf32, #tpu.memory_space<vmem_shared>> -> memref<10240x128xf32, #tpu.memory_space<vmem_shared>>
      tpu.enqueue_indirect_dma source(%dma_start3A_1598 : memref<80x128xf32, #tpu.memory_space<vmem>>) target(%dma_start3A_1604 : memref<10240x128xf32, #tpu.memory_space<vmem_shared>>) offsets(%dma_start3A_1601 : memref<80xi32, #tpu.memory_space<vmem>>) semaphore(%arg16 : memref<!tpu.dma_semaphore, #tpu.memory_space<semaphore_mem>>) {add = true}
      %dma_wait3A_1605 = arith.constant 1 : i32
      %dma_wait3A_1606 = arith.constant 0 : i32
      %dma_wait3A_1607 = arith.constant 0 : i32
      %dma_wait3A_1608 = arith.constant 0 : i32
      %dma_wait3A_1609 = tpu.memref_slice %arg7[%dma_wait3A_1605, %dma_wait3A_1607, %dma_wait3A_1608] : memref<3x80x128xf32, #tpu.memory_space<vmem>> -> memref<1x80x128xf32, #tpu.memory_space<vmem>>
      %dma_wait3A_1610 = tpu.memref_squeeze %dma_wait3A_1609 : memref<1x80x128xf32, #tpu.memory_space<vmem>> -> memref<80x128xf32, #tpu.memory_space<vmem>>
      %dma_wait3A_1611 = arith.constant 0 : i32
      %dma_wait3A_1612 = tpu.memref_slice %arg6[%dma_wait3A_1606, %dma_wait3A_1611] : memref<4x80xi32, #tpu.memory_space<vmem>> -> memref<1x80xi32, #tpu.memory_space<vmem>>
      %dma_wait3A_1613 = tpu.memref_squeeze %dma_wait3A_1612 : memref<1x80xi32, #tpu.memory_space<vmem>> -> memref<80xi32, #tpu.memory_space<vmem>>
      %dma_wait3A_1614 = arith.constant 0 : i32
      %dma_wait3A_1615 = arith.constant 0 : i32
      %dma_wait3A_1616 = tpu.memref_slice %arg8[%dma_wait3A_1614, %dma_wait3A_1615] : memref<10240x128xf32, #tpu.memory_space<vmem_shared>> -> memref<10240x128xf32, #tpu.memory_space<vmem_shared>>
      tpu.wait_indirect_dma semaphore(%arg16 : memref<!tpu.dma_semaphore, #tpu.memory_space<semaphore_mem>>) src(%dma_wait3A_1610 : memref<80x128xf32, #tpu.memory_space<vmem>>) dst(%dma_wait3A_1616 : memref<10240x128xf32, #tpu.memory_space<vmem_shared>>)
      %add3A_1617 = arith.constant 17 : i32
      %add3A_1618 = arith.addi %mul3A_267, %add3A_1617 : i32
      %add3A_1619 = arith.constant 2 : i32
      %add3A_1620 = arith.addi %add3A_1618, %add3A_1619 : i32
      %mul3A_1621 = arith.constant 80 : i32
      %mul3A_1622 = arith.muli %add3A_1620, %mul3A_1621 : i32
      %dma_start3A_1623 = arith.constant 1 : i32
      %dma_start3A_1624 = arith.constant 0 : i32
      %dma_start3A_1625 = arith.constant 0 : i32
      %dma_start3A_1626 = tpu.memref_slice %arg7[%dma_start3A_1623, %dma_start3A_1624, %dma_start3A_1625] : memref<3x80x128xf32, #tpu.memory_space<vmem>> -> memref<1x80x128xf32, #tpu.memory_space<vmem>>
      %dma_start3A_1627 = tpu.memref_squeeze %dma_start3A_1626 : memref<1x80x128xf32, #tpu.memory_space<vmem>> -> memref<80x128xf32, #tpu.memory_space<vmem>>
      %dma_start3A_1628 = tpu.memref_slice %arg5[%mul3A_1622] : memref<10000xi32, #tpu.memory_space<vmem>> -> memref<80xi32, #tpu.memory_space<vmem>>
      %dma_start3A_1629 = arith.constant 0 : i32
      %dma_start3A_1630 = arith.constant 0 : i32
      %dma_start3A_1631 = tpu.memref_slice %arg3[%dma_start3A_1629, %dma_start3A_1630] : memref<10000x128xf32, #tpu.memory_space<hbm>> -> memref<10000x128xf32, #tpu.memory_space<hbm>>
      tpu.enqueue_indirect_dma source(%dma_start3A_1631 : memref<10000x128xf32, #tpu.memory_space<hbm>>) target(%dma_start3A_1627 : memref<80x128xf32, #tpu.memory_space<vmem>>) offsets(%dma_start3A_1628 : memref<80xi32, #tpu.memory_space<vmem>>) semaphore(%arg14 : memref<!tpu.dma_semaphore, #tpu.memory_space<semaphore_mem>>)
      %add3A_1632 = arith.constant 17 : i32
      %add3A_1633 = arith.addi %mul3A_267, %add3A_1632 : i32
      %add3A_1634 = arith.constant 3 : i32
      %add3A_1635 = arith.addi %add3A_1633, %add3A_1634 : i32
      %add3A_1636 = arith.constant 320000 : i32
      %add3A_1637 = arith.addi %add3A_1636, %mul3A_2 : i32
      %mul3A_1638 = arith.constant 80 : i32
      %mul3A_1639 = arith.muli %add3A_1635, %mul3A_1638 : i32
      %add3A_1640 = arith.addi %add3A_1637, %mul3A_1639 : i32
      %dma_start3A_1641 = arith.constant 0 : i32
      %dma_start3A_1642 = arith.constant 0 : i32
      %dma_start3A_1643 = tpu.memref_slice %arg6[%dma_start3A_1641, %dma_start3A_1642] : memref<4x80xi32, #tpu.memory_space<vmem>> -> memref<1x80xi32, #tpu.memory_space<vmem>>
      %dma_start3A_1644 = tpu.memref_squeeze %dma_start3A_1643 : memref<1x80xi32, #tpu.memory_space<vmem>> -> memref<80xi32, #tpu.memory_space<vmem>>
      %dma_start3A_1645 = tpu.memref_slice %arg2[%add3A_1640] : memref<640000xi32, #tpu.memory_space<hbm>> -> memref<80xi32, #tpu.memory_space<hbm>>
      %dma_start3A_1646 = arith.constant 0 : i32
      %dma_start3A_1647 = tpu.memref_slice %arg6[%dma_start3A_1641, %dma_start3A_1646] : memref<4x80xi32, #tpu.memory_space<vmem>> -> memref<1x80xi32, #tpu.memory_space<vmem>>
      %dma_start3A_1648 = tpu.memref_squeeze %dma_start3A_1647 : memref<1x80xi32, #tpu.memory_space<vmem>> -> memref<80xi32, #tpu.memory_space<vmem>>
      %dma_start3A_1649 = tpu.memref_slice %arg2[%add3A_1640] : memref<640000xi32, #tpu.memory_space<hbm>> -> memref<80xi32, #tpu.memory_space<hbm>>
      tpu.enqueue_dma source(%dma_start3A_1649 : memref<80xi32, #tpu.memory_space<hbm>>) target(%dma_start3A_1648 : memref<80xi32, #tpu.memory_space<vmem>>) target_semaphore(%arg9 : memref<!tpu.dma_semaphore, #tpu.memory_space<semaphore_mem>>)
      %dma_wait3A_1650 = arith.constant 2 : i32
      %dma_wait3A_1651 = arith.constant 0 : i32
      %dma_wait3A_1652 = arith.constant 0 : i32
      %dma_wait3A_1653 = tpu.memref_slice %arg7[%dma_wait3A_1650, %dma_wait3A_1651, %dma_wait3A_1652] : memref<3x80x128xf32, #tpu.memory_space<vmem>> -> memref<1x80x128xf32, #tpu.memory_space<vmem>>
      %dma_wait3A_1654 = tpu.memref_squeeze %dma_wait3A_1653 : memref<1x80x128xf32, #tpu.memory_space<vmem>> -> memref<80x128xf32, #tpu.memory_space<vmem>>
      %dma_wait3A_1655 = tpu.memref_slice %arg5[%mul3A_1472] : memref<10000xi32, #tpu.memory_space<vmem>> -> memref<80xi32, #tpu.memory_space<vmem>>
      %dma_wait3A_1656 = arith.constant 0 : i32
      %dma_wait3A_1657 = arith.constant 0 : i32
      %dma_wait3A_1658 = tpu.memref_slice %arg3[%dma_wait3A_1656, %dma_wait3A_1657] : memref<10000x128xf32, #tpu.memory_space<hbm>> -> memref<10000x128xf32, #tpu.memory_space<hbm>>
      tpu.wait_indirect_dma semaphore(%arg15 : memref<!tpu.dma_semaphore, #tpu.memory_space<semaphore_mem>>) src(%dma_wait3A_1658 : memref<10000x128xf32, #tpu.memory_space<hbm>>) dst(%dma_wait3A_1654 : memref<80x128xf32, #tpu.memory_space<vmem>>)
      %dma_wait3A_1659 = arith.constant 1 : i32
      %dma_wait3A_1660 = arith.constant 0 : i32
      %dma_wait3A_1661 = tpu.memref_slice %arg6[%dma_wait3A_1659, %dma_wait3A_1660] : memref<4x80xi32, #tpu.memory_space<vmem>> -> memref<1x80xi32, #tpu.memory_space<vmem>>
      %dma_wait3A_1662 = tpu.memref_squeeze %dma_wait3A_1661 : memref<1x80xi32, #tpu.memory_space<vmem>> -> memref<80xi32, #tpu.memory_space<vmem>>
      %dma_wait3A_1663 = tpu.memref_slice %arg2[%add3A_1415] : memref<640000xi32, #tpu.memory_space<hbm>> -> memref<80xi32, #tpu.memory_space<hbm>>
      %dma_wait3A_1664 = arith.constant 0 : i32
      %dma_wait3A_1665 = tpu.memref_slice %arg6[%dma_wait3A_1659, %dma_wait3A_1664] : memref<4x80xi32, #tpu.memory_space<vmem>> -> memref<1x80xi32, #tpu.memory_space<vmem>>
      %dma_wait3A_1666 = tpu.memref_squeeze %dma_wait3A_1665 : memref<1x80xi32, #tpu.memory_space<vmem>> -> memref<80xi32, #tpu.memory_space<vmem>>
      %dma_wait3A_1667 = tpu.memref_slice %arg2[%add3A_1415] : memref<640000xi32, #tpu.memory_space<hbm>> -> memref<80xi32, #tpu.memory_space<hbm>>
      tpu.wait_dma2 semaphore(%arg10 : memref<!tpu.dma_semaphore, #tpu.memory_space<semaphore_mem>>) src(%dma_wait3A_1667 : memref<80xi32, #tpu.memory_space<hbm>>) dst(%dma_wait3A_1666 : memref<80xi32, #tpu.memory_space<vmem>>)
      %dma_start3A_1668 = arith.constant 2 : i32
      %dma_start3A_1669 = arith.constant 1 : i32
      %dma_start3A_1670 = arith.constant 0 : i32
      %dma_start3A_1671 = arith.constant 0 : i32
      %dma_start3A_1672 = tpu.memref_slice %arg7[%dma_start3A_1668, %dma_start3A_1670, %dma_start3A_1671] : memref<3x80x128xf32, #tpu.memory_space<vmem>> -> memref<1x80x128xf32, #tpu.memory_space<vmem>>
      %dma_start3A_1673 = tpu.memref_squeeze %dma_start3A_1672 : memref<1x80x128xf32, #tpu.memory_space<vmem>> -> memref<80x128xf32, #tpu.memory_space<vmem>>
      %dma_start3A_1674 = arith.constant 0 : i32
      %dma_start3A_1675 = tpu.memref_slice %arg6[%dma_start3A_1669, %dma_start3A_1674] : memref<4x80xi32, #tpu.memory_space<vmem>> -> memref<1x80xi32, #tpu.memory_space<vmem>>
      %dma_start3A_1676 = tpu.memref_squeeze %dma_start3A_1675 : memref<1x80xi32, #tpu.memory_space<vmem>> -> memref<80xi32, #tpu.memory_space<vmem>>
      %dma_start3A_1677 = arith.constant 0 : i32
      %dma_start3A_1678 = arith.constant 0 : i32
      %dma_start3A_1679 = tpu.memref_slice %arg8[%dma_start3A_1677, %dma_start3A_1678] : memref<10240x128xf32, #tpu.memory_space<vmem_shared>> -> memref<10240x128xf32, #tpu.memory_space<vmem_shared>>
      tpu.enqueue_indirect_dma source(%dma_start3A_1673 : memref<80x128xf32, #tpu.memory_space<vmem>>) target(%dma_start3A_1679 : memref<10240x128xf32, #tpu.memory_space<vmem_shared>>) offsets(%dma_start3A_1676 : memref<80xi32, #tpu.memory_space<vmem>>) semaphore(%arg17 : memref<!tpu.dma_semaphore, #tpu.memory_space<semaphore_mem>>) {add = true}
      %dma_wait3A_1680 = arith.constant 2 : i32
      %dma_wait3A_1681 = arith.constant 1 : i32
      %dma_wait3A_1682 = arith.constant 0 : i32
      %dma_wait3A_1683 = arith.constant 0 : i32
      %dma_wait3A_1684 = tpu.memref_slice %arg7[%dma_wait3A_1680, %dma_wait3A_1682, %dma_wait3A_1683] : memref<3x80x128xf32, #tpu.memory_space<vmem>> -> memref<1x80x128xf32, #tpu.memory_space<vmem>>
      %dma_wait3A_1685 = tpu.memref_squeeze %dma_wait3A_1684 : memref<1x80x128xf32, #tpu.memory_space<vmem>> -> memref<80x128xf32, #tpu.memory_space<vmem>>
      %dma_wait3A_1686 = arith.constant 0 : i32
      %dma_wait3A_1687 = tpu.memref_slice %arg6[%dma_wait3A_1681, %dma_wait3A_1686] : memref<4x80xi32, #tpu.memory_space<vmem>> -> memref<1x80xi32, #tpu.memory_space<vmem>>
      %dma_wait3A_1688 = tpu.memref_squeeze %dma_wait3A_1687 : memref<1x80xi32, #tpu.memory_space<vmem>> -> memref<80xi32, #tpu.memory_space<vmem>>
      %dma_wait3A_1689 = arith.constant 0 : i32
      %dma_wait3A_1690 = arith.constant 0 : i32
      %dma_wait3A_1691 = tpu.memref_slice %arg8[%dma_wait3A_1689, %dma_wait3A_1690] : memref<10240x128xf32, #tpu.memory_space<vmem_shared>> -> memref<10240x128xf32, #tpu.memory_space<vmem_shared>>
      tpu.wait_indirect_dma semaphore(%arg17 : memref<!tpu.dma_semaphore, #tpu.memory_space<semaphore_mem>>) src(%dma_wait3A_1685 : memref<80x128xf32, #tpu.memory_space<vmem>>) dst(%dma_wait3A_1691 : memref<10240x128xf32, #tpu.memory_space<vmem_shared>>)
      %add3A_1692 = arith.constant 18 : i32
      %add3A_1693 = arith.addi %mul3A_267, %add3A_1692 : i32
      %add3A_1694 = arith.constant 2 : i32
      %add3A_1695 = arith.addi %add3A_1693, %add3A_1694 : i32
      %mul3A_1696 = arith.constant 80 : i32
      %mul3A_1697 = arith.muli %add3A_1695, %mul3A_1696 : i32
      %dma_start3A_1698 = arith.constant 2 : i32
      %dma_start3A_1699 = arith.constant 0 : i32
      %dma_start3A_1700 = arith.constant 0 : i32
      %dma_start3A_1701 = tpu.memref_slice %arg7[%dma_start3A_1698, %dma_start3A_1699, %dma_start3A_1700] : memref<3x80x128xf32, #tpu.memory_space<vmem>> -> memref<1x80x128xf32, #tpu.memory_space<vmem>>
      %dma_start3A_1702 = tpu.memref_squeeze %dma_start3A_1701 : memref<1x80x128xf32, #tpu.memory_space<vmem>> -> memref<80x128xf32, #tpu.memory_space<vmem>>
      %dma_start3A_1703 = tpu.memref_slice %arg5[%mul3A_1697] : memref<10000xi32, #tpu.memory_space<vmem>> -> memref<80xi32, #tpu.memory_space<vmem>>
      %dma_start3A_1704 = arith.constant 0 : i32
      %dma_start3A_1705 = arith.constant 0 : i32
      %dma_start3A_1706 = tpu.memref_slice %arg3[%dma_start3A_1704, %dma_start3A_1705] : memref<10000x128xf32, #tpu.memory_space<hbm>> -> memref<10000x128xf32, #tpu.memory_space<hbm>>
      tpu.enqueue_indirect_dma source(%dma_start3A_1706 : memref<10000x128xf32, #tpu.memory_space<hbm>>) target(%dma_start3A_1702 : memref<80x128xf32, #tpu.memory_space<vmem>>) offsets(%dma_start3A_1703 : memref<80xi32, #tpu.memory_space<vmem>>) semaphore(%arg15 : memref<!tpu.dma_semaphore, #tpu.memory_space<semaphore_mem>>)
      %add3A_1707 = arith.constant 18 : i32
      %add3A_1708 = arith.addi %mul3A_267, %add3A_1707 : i32
      %add3A_1709 = arith.constant 3 : i32
      %add3A_1710 = arith.addi %add3A_1708, %add3A_1709 : i32
      %add3A_1711 = arith.constant 320000 : i32
      %add3A_1712 = arith.addi %add3A_1711, %mul3A_2 : i32
      %mul3A_1713 = arith.constant 80 : i32
      %mul3A_1714 = arith.muli %add3A_1710, %mul3A_1713 : i32
      %add3A_1715 = arith.addi %add3A_1712, %mul3A_1714 : i32
      %dma_start3A_1716 = arith.constant 1 : i32
      %dma_start3A_1717 = arith.constant 0 : i32
      %dma_start3A_1718 = tpu.memref_slice %arg6[%dma_start3A_1716, %dma_start3A_1717] : memref<4x80xi32, #tpu.memory_space<vmem>> -> memref<1x80xi32, #tpu.memory_space<vmem>>
      %dma_start3A_1719 = tpu.memref_squeeze %dma_start3A_1718 : memref<1x80xi32, #tpu.memory_space<vmem>> -> memref<80xi32, #tpu.memory_space<vmem>>
      %dma_start3A_1720 = tpu.memref_slice %arg2[%add3A_1715] : memref<640000xi32, #tpu.memory_space<hbm>> -> memref<80xi32, #tpu.memory_space<hbm>>
      %dma_start3A_1721 = arith.constant 0 : i32
      %dma_start3A_1722 = tpu.memref_slice %arg6[%dma_start3A_1716, %dma_start3A_1721] : memref<4x80xi32, #tpu.memory_space<vmem>> -> memref<1x80xi32, #tpu.memory_space<vmem>>
      %dma_start3A_1723 = tpu.memref_squeeze %dma_start3A_1722 : memref<1x80xi32, #tpu.memory_space<vmem>> -> memref<80xi32, #tpu.memory_space<vmem>>
      %dma_start3A_1724 = tpu.memref_slice %arg2[%add3A_1715] : memref<640000xi32, #tpu.memory_space<hbm>> -> memref<80xi32, #tpu.memory_space<hbm>>
      tpu.enqueue_dma source(%dma_start3A_1724 : memref<80xi32, #tpu.memory_space<hbm>>) target(%dma_start3A_1723 : memref<80xi32, #tpu.memory_space<vmem>>) target_semaphore(%arg10 : memref<!tpu.dma_semaphore, #tpu.memory_space<semaphore_mem>>)
      %dma_wait3A_1725 = arith.constant 0 : i32
      %dma_wait3A_1726 = arith.constant 0 : i32
      %dma_wait3A_1727 = arith.constant 0 : i32
      %dma_wait3A_1728 = tpu.memref_slice %arg7[%dma_wait3A_1725, %dma_wait3A_1726, %dma_wait3A_1727] : memref<3x80x128xf32, #tpu.memory_space<vmem>> -> memref<1x80x128xf32, #tpu.memory_space<vmem>>
      %dma_wait3A_1729 = tpu.memref_squeeze %dma_wait3A_1728 : memref<1x80x128xf32, #tpu.memory_space<vmem>> -> memref<80x128xf32, #tpu.memory_space<vmem>>
      %dma_wait3A_1730 = tpu.memref_slice %arg5[%mul3A_1547] : memref<10000xi32, #tpu.memory_space<vmem>> -> memref<80xi32, #tpu.memory_space<vmem>>
      %dma_wait3A_1731 = arith.constant 0 : i32
      %dma_wait3A_1732 = arith.constant 0 : i32
      %dma_wait3A_1733 = tpu.memref_slice %arg3[%dma_wait3A_1731, %dma_wait3A_1732] : memref<10000x128xf32, #tpu.memory_space<hbm>> -> memref<10000x128xf32, #tpu.memory_space<hbm>>
      tpu.wait_indirect_dma semaphore(%arg13 : memref<!tpu.dma_semaphore, #tpu.memory_space<semaphore_mem>>) src(%dma_wait3A_1733 : memref<10000x128xf32, #tpu.memory_space<hbm>>) dst(%dma_wait3A_1729 : memref<80x128xf32, #tpu.memory_space<vmem>>)
      %dma_wait3A_1734 = arith.constant 2 : i32
      %dma_wait3A_1735 = arith.constant 0 : i32
      %dma_wait3A_1736 = tpu.memref_slice %arg6[%dma_wait3A_1734, %dma_wait3A_1735] : memref<4x80xi32, #tpu.memory_space<vmem>> -> memref<1x80xi32, #tpu.memory_space<vmem>>
      %dma_wait3A_1737 = tpu.memref_squeeze %dma_wait3A_1736 : memref<1x80xi32, #tpu.memory_space<vmem>> -> memref<80xi32, #tpu.memory_space<vmem>>
      %dma_wait3A_1738 = tpu.memref_slice %arg2[%add3A_1490] : memref<640000xi32, #tpu.memory_space<hbm>> -> memref<80xi32, #tpu.memory_space<hbm>>
      %dma_wait3A_1739 = arith.constant 0 : i32
      %dma_wait3A_1740 = tpu.memref_slice %arg6[%dma_wait3A_1734, %dma_wait3A_1739] : memref<4x80xi32, #tpu.memory_space<vmem>> -> memref<1x80xi32, #tpu.memory_space<vmem>>
      %dma_wait3A_1741 = tpu.memref_squeeze %dma_wait3A_1740 : memref<1x80xi32, #tpu.memory_space<vmem>> -> memref<80xi32, #tpu.memory_space<vmem>>
      %dma_wait3A_1742 = tpu.memref_slice %arg2[%add3A_1490] : memref<640000xi32, #tpu.memory_space<hbm>> -> memref<80xi32, #tpu.memory_space<hbm>>
      tpu.wait_dma2 semaphore(%arg11 : memref<!tpu.dma_semaphore, #tpu.memory_space<semaphore_mem>>) src(%dma_wait3A_1742 : memref<80xi32, #tpu.memory_space<hbm>>) dst(%dma_wait3A_1741 : memref<80xi32, #tpu.memory_space<vmem>>)
      %dma_start3A_1743 = arith.constant 0 : i32
      %dma_start3A_1744 = arith.constant 2 : i32
      %dma_start3A_1745 = arith.constant 0 : i32
      %dma_start3A_1746 = arith.constant 0 : i32
      %dma_start3A_1747 = tpu.memref_slice %arg7[%dma_start3A_1743, %dma_start3A_1745, %dma_start3A_1746] : memref<3x80x128xf32, #tpu.memory_space<vmem>> -> memref<1x80x128xf32, #tpu.memory_space<vmem>>
      %dma_start3A_1748 = tpu.memref_squeeze %dma_start3A_1747 : memref<1x80x128xf32, #tpu.memory_space<vmem>> -> memref<80x128xf32, #tpu.memory_space<vmem>>
      %dma_start3A_1749 = arith.constant 0 : i32
      %dma_start3A_1750 = tpu.memref_slice %arg6[%dma_start3A_1744, %dma_start3A_1749] : memref<4x80xi32, #tpu.memory_space<vmem>> -> memref<1x80xi32, #tpu.memory_space<vmem>>
      %dma_start3A_1751 = tpu.memref_squeeze %dma_start3A_1750 : memref<1x80xi32, #tpu.memory_space<vmem>> -> memref<80xi32, #tpu.memory_space<vmem>>
      %dma_start3A_1752 = arith.constant 0 : i32
      %dma_start3A_1753 = arith.constant 0 : i32
      %dma_start3A_1754 = tpu.memref_slice %arg8[%dma_start3A_1752, %dma_start3A_1753] : memref<10240x128xf32, #tpu.memory_space<vmem_shared>> -> memref<10240x128xf32, #tpu.memory_space<vmem_shared>>
      tpu.enqueue_indirect_dma source(%dma_start3A_1748 : memref<80x128xf32, #tpu.memory_space<vmem>>) target(%dma_start3A_1754 : memref<10240x128xf32, #tpu.memory_space<vmem_shared>>) offsets(%dma_start3A_1751 : memref<80xi32, #tpu.memory_space<vmem>>) semaphore(%arg16 : memref<!tpu.dma_semaphore, #tpu.memory_space<semaphore_mem>>) {add = true}
      %dma_wait3A_1755 = arith.constant 0 : i32
      %dma_wait3A_1756 = arith.constant 2 : i32
      %dma_wait3A_1757 = arith.constant 0 : i32
      %dma_wait3A_1758 = arith.constant 0 : i32
      %dma_wait3A_1759 = tpu.memref_slice %arg7[%dma_wait3A_1755, %dma_wait3A_1757, %dma_wait3A_1758] : memref<3x80x128xf32, #tpu.memory_space<vmem>> -> memref<1x80x128xf32, #tpu.memory_space<vmem>>
      %dma_wait3A_1760 = tpu.memref_squeeze %dma_wait3A_1759 : memref<1x80x128xf32, #tpu.memory_space<vmem>> -> memref<80x128xf32, #tpu.memory_space<vmem>>
      %dma_wait3A_1761 = arith.constant 0 : i32
      %dma_wait3A_1762 = tpu.memref_slice %arg6[%dma_wait3A_1756, %dma_wait3A_1761] : memref<4x80xi32, #tpu.memory_space<vmem>> -> memref<1x80xi32, #tpu.memory_space<vmem>>
      %dma_wait3A_1763 = tpu.memref_squeeze %dma_wait3A_1762 : memref<1x80xi32, #tpu.memory_space<vmem>> -> memref<80xi32, #tpu.memory_space<vmem>>
      %dma_wait3A_1764 = arith.constant 0 : i32
      %dma_wait3A_1765 = arith.constant 0 : i32
      %dma_wait3A_1766 = tpu.memref_slice %arg8[%dma_wait3A_1764, %dma_wait3A_1765] : memref<10240x128xf32, #tpu.memory_space<vmem_shared>> -> memref<10240x128xf32, #tpu.memory_space<vmem_shared>>
      tpu.wait_indirect_dma semaphore(%arg16 : memref<!tpu.dma_semaphore, #tpu.memory_space<semaphore_mem>>) src(%dma_wait3A_1760 : memref<80x128xf32, #tpu.memory_space<vmem>>) dst(%dma_wait3A_1766 : memref<10240x128xf32, #tpu.memory_space<vmem_shared>>)
      %add3A_1767 = arith.constant 19 : i32
      %add3A_1768 = arith.addi %mul3A_267, %add3A_1767 : i32
      %add3A_1769 = arith.constant 2 : i32
      %add3A_1770 = arith.addi %add3A_1768, %add3A_1769 : i32
      %mul3A_1771 = arith.constant 80 : i32
      %mul3A_1772 = arith.muli %add3A_1770, %mul3A_1771 : i32
      %dma_start3A_1773 = arith.constant 0 : i32
      %dma_start3A_1774 = arith.constant 0 : i32
      %dma_start3A_1775 = arith.constant 0 : i32
      %dma_start3A_1776 = tpu.memref_slice %arg7[%dma_start3A_1773, %dma_start3A_1774, %dma_start3A_1775] : memref<3x80x128xf32, #tpu.memory_space<vmem>> -> memref<1x80x128xf32, #tpu.memory_space<vmem>>
      %dma_start3A_1777 = tpu.memref_squeeze %dma_start3A_1776 : memref<1x80x128xf32, #tpu.memory_space<vmem>> -> memref<80x128xf32, #tpu.memory_space<vmem>>
      %dma_start3A_1778 = tpu.memref_slice %arg5[%mul3A_1772] : memref<10000xi32, #tpu.memory_space<vmem>> -> memref<80xi32, #tpu.memory_space<vmem>>
      %dma_start3A_1779 = arith.constant 0 : i32
      %dma_start3A_1780 = arith.constant 0 : i32
      %dma_start3A_1781 = tpu.memref_slice %arg3[%dma_start3A_1779, %dma_start3A_1780] : memref<10000x128xf32, #tpu.memory_space<hbm>> -> memref<10000x128xf32, #tpu.memory_space<hbm>>
      tpu.enqueue_indirect_dma source(%dma_start3A_1781 : memref<10000x128xf32, #tpu.memory_space<hbm>>) target(%dma_start3A_1777 : memref<80x128xf32, #tpu.memory_space<vmem>>) offsets(%dma_start3A_1778 : memref<80xi32, #tpu.memory_space<vmem>>) semaphore(%arg13 : memref<!tpu.dma_semaphore, #tpu.memory_space<semaphore_mem>>)
      %add3A_1782 = arith.constant 19 : i32
      %add3A_1783 = arith.addi %mul3A_267, %add3A_1782 : i32
      %add3A_1784 = arith.constant 3 : i32
      %add3A_1785 = arith.addi %add3A_1783, %add3A_1784 : i32
      %add3A_1786 = arith.constant 320000 : i32
      %add3A_1787 = arith.addi %add3A_1786, %mul3A_2 : i32
      %mul3A_1788 = arith.constant 80 : i32
      %mul3A_1789 = arith.muli %add3A_1785, %mul3A_1788 : i32
      %add3A_1790 = arith.addi %add3A_1787, %mul3A_1789 : i32
      %dma_start3A_1791 = arith.constant 2 : i32
      %dma_start3A_1792 = arith.constant 0 : i32
      %dma_start3A_1793 = tpu.memref_slice %arg6[%dma_start3A_1791, %dma_start3A_1792] : memref<4x80xi32, #tpu.memory_space<vmem>> -> memref<1x80xi32, #tpu.memory_space<vmem>>
      %dma_start3A_1794 = tpu.memref_squeeze %dma_start3A_1793 : memref<1x80xi32, #tpu.memory_space<vmem>> -> memref<80xi32, #tpu.memory_space<vmem>>
      %dma_start3A_1795 = tpu.memref_slice %arg2[%add3A_1790] : memref<640000xi32, #tpu.memory_space<hbm>> -> memref<80xi32, #tpu.memory_space<hbm>>
      %dma_start3A_1796 = arith.constant 0 : i32
      %dma_start3A_1797 = tpu.memref_slice %arg6[%dma_start3A_1791, %dma_start3A_1796] : memref<4x80xi32, #tpu.memory_space<vmem>> -> memref<1x80xi32, #tpu.memory_space<vmem>>
      %dma_start3A_1798 = tpu.memref_squeeze %dma_start3A_1797 : memref<1x80xi32, #tpu.memory_space<vmem>> -> memref<80xi32, #tpu.memory_space<vmem>>
      %dma_start3A_1799 = tpu.memref_slice %arg2[%add3A_1790] : memref<640000xi32, #tpu.memory_space<hbm>> -> memref<80xi32, #tpu.memory_space<hbm>>
      tpu.enqueue_dma source(%dma_start3A_1799 : memref<80xi32, #tpu.memory_space<hbm>>) target(%dma_start3A_1798 : memref<80xi32, #tpu.memory_space<vmem>>) target_semaphore(%arg11 : memref<!tpu.dma_semaphore, #tpu.memory_space<semaphore_mem>>)
      %dma_wait3A_1800 = arith.constant 1 : i32
      %dma_wait3A_1801 = arith.constant 0 : i32
      %dma_wait3A_1802 = arith.constant 0 : i32
      %dma_wait3A_1803 = tpu.memref_slice %arg7[%dma_wait3A_1800, %dma_wait3A_1801, %dma_wait3A_1802] : memref<3x80x128xf32, #tpu.memory_space<vmem>> -> memref<1x80x128xf32, #tpu.memory_space<vmem>>
      %dma_wait3A_1804 = tpu.memref_squeeze %dma_wait3A_1803 : memref<1x80x128xf32, #tpu.memory_space<vmem>> -> memref<80x128xf32, #tpu.memory_space<vmem>>
      %dma_wait3A_1805 = tpu.memref_slice %arg5[%mul3A_1622] : memref<10000xi32, #tpu.memory_space<vmem>> -> memref<80xi32, #tpu.memory_space<vmem>>
      %dma_wait3A_1806 = arith.constant 0 : i32
      %dma_wait3A_1807 = arith.constant 0 : i32
      %dma_wait3A_1808 = tpu.memref_slice %arg3[%dma_wait3A_1806, %dma_wait3A_1807] : memref<10000x128xf32, #tpu.memory_space<hbm>> -> memref<10000x128xf32, #tpu.memory_space<hbm>>
      tpu.wait_indirect_dma semaphore(%arg14 : memref<!tpu.dma_semaphore, #tpu.memory_space<semaphore_mem>>) src(%dma_wait3A_1808 : memref<10000x128xf32, #tpu.memory_space<hbm>>) dst(%dma_wait3A_1804 : memref<80x128xf32, #tpu.memory_space<vmem>>)
      %dma_wait3A_1809 = arith.constant 3 : i32
      %dma_wait3A_1810 = arith.constant 0 : i32
      %dma_wait3A_1811 = tpu.memref_slice %arg6[%dma_wait3A_1809, %dma_wait3A_1810] : memref<4x80xi32, #tpu.memory_space<vmem>> -> memref<1x80xi32, #tpu.memory_space<vmem>>
      %dma_wait3A_1812 = tpu.memref_squeeze %dma_wait3A_1811 : memref<1x80xi32, #tpu.memory_space<vmem>> -> memref<80xi32, #tpu.memory_space<vmem>>
      %dma_wait3A_1813 = tpu.memref_slice %arg2[%add3A_1565] : memref<640000xi32, #tpu.memory_space<hbm>> -> memref<80xi32, #tpu.memory_space<hbm>>
      %dma_wait3A_1814 = arith.constant 0 : i32
      %dma_wait3A_1815 = tpu.memref_slice %arg6[%dma_wait3A_1809, %dma_wait3A_1814] : memref<4x80xi32, #tpu.memory_space<vmem>> -> memref<1x80xi32, #tpu.memory_space<vmem>>
      %dma_wait3A_1816 = tpu.memref_squeeze %dma_wait3A_1815 : memref<1x80xi32, #tpu.memory_space<vmem>> -> memref<80xi32, #tpu.memory_space<vmem>>
      %dma_wait3A_1817 = tpu.memref_slice %arg2[%add3A_1565] : memref<640000xi32, #tpu.memory_space<hbm>> -> memref<80xi32, #tpu.memory_space<hbm>>
      tpu.wait_dma2 semaphore(%arg12 : memref<!tpu.dma_semaphore, #tpu.memory_space<semaphore_mem>>) src(%dma_wait3A_1817 : memref<80xi32, #tpu.memory_space<hbm>>) dst(%dma_wait3A_1816 : memref<80xi32, #tpu.memory_space<vmem>>)
      %dma_start3A_1818 = arith.constant 1 : i32
      %dma_start3A_1819 = arith.constant 3 : i32
      %dma_start3A_1820 = arith.constant 0 : i32
      %dma_start3A_1821 = arith.constant 0 : i32
      %dma_start3A_1822 = tpu.memref_slice %arg7[%dma_start3A_1818, %dma_start3A_1820, %dma_start3A_1821] : memref<3x80x128xf32, #tpu.memory_space<vmem>> -> memref<1x80x128xf32, #tpu.memory_space<vmem>>
      %dma_start3A_1823 = tpu.memref_squeeze %dma_start3A_1822 : memref<1x80x128xf32, #tpu.memory_space<vmem>> -> memref<80x128xf32, #tpu.memory_space<vmem>>
      %dma_start3A_1824 = arith.constant 0 : i32
      %dma_start3A_1825 = tpu.memref_slice %arg6[%dma_start3A_1819, %dma_start3A_1824] : memref<4x80xi32, #tpu.memory_space<vmem>> -> memref<1x80xi32, #tpu.memory_space<vmem>>
      %dma_start3A_1826 = tpu.memref_squeeze %dma_start3A_1825 : memref<1x80xi32, #tpu.memory_space<vmem>> -> memref<80xi32, #tpu.memory_space<vmem>>
      %dma_start3A_1827 = arith.constant 0 : i32
      %dma_start3A_1828 = arith.constant 0 : i32
      %dma_start3A_1829 = tpu.memref_slice %arg8[%dma_start3A_1827, %dma_start3A_1828] : memref<10240x128xf32, #tpu.memory_space<vmem_shared>> -> memref<10240x128xf32, #tpu.memory_space<vmem_shared>>
      tpu.enqueue_indirect_dma source(%dma_start3A_1823 : memref<80x128xf32, #tpu.memory_space<vmem>>) target(%dma_start3A_1829 : memref<10240x128xf32, #tpu.memory_space<vmem_shared>>) offsets(%dma_start3A_1826 : memref<80xi32, #tpu.memory_space<vmem>>) semaphore(%arg17 : memref<!tpu.dma_semaphore, #tpu.memory_space<semaphore_mem>>) {add = true}
      %dma_wait3A_1830 = arith.constant 1 : i32
      %dma_wait3A_1831 = arith.constant 3 : i32
      %dma_wait3A_1832 = arith.constant 0 : i32
      %dma_wait3A_1833 = arith.constant 0 : i32
      %dma_wait3A_1834 = tpu.memref_slice %arg7[%dma_wait3A_1830, %dma_wait3A_1832, %dma_wait3A_1833] : memref<3x80x128xf32, #tpu.memory_space<vmem>> -> memref<1x80x128xf32, #tpu.memory_space<vmem>>
      %dma_wait3A_1835 = tpu.memref_squeeze %dma_wait3A_1834 : memref<1x80x128xf32, #tpu.memory_space<vmem>> -> memref<80x128xf32, #tpu.memory_space<vmem>>
      %dma_wait3A_1836 = arith.constant 0 : i32
      %dma_wait3A_1837 = tpu.memref_slice %arg6[%dma_wait3A_1831, %dma_wait3A_1836] : memref<4x80xi32, #tpu.memory_space<vmem>> -> memref<1x80xi32, #tpu.memory_space<vmem>>
      %dma_wait3A_1838 = tpu.memref_squeeze %dma_wait3A_1837 : memref<1x80xi32, #tpu.memory_space<vmem>> -> memref<80xi32, #tpu.memory_space<vmem>>
      %dma_wait3A_1839 = arith.constant 0 : i32
      %dma_wait3A_1840 = arith.constant 0 : i32
      %dma_wait3A_1841 = tpu.memref_slice %arg8[%dma_wait3A_1839, %dma_wait3A_1840] : memref<10240x128xf32, #tpu.memory_space<vmem_shared>> -> memref<10240x128xf32, #tpu.memory_space<vmem_shared>>
      tpu.wait_indirect_dma semaphore(%arg17 : memref<!tpu.dma_semaphore, #tpu.memory_space<semaphore_mem>>) src(%dma_wait3A_1835 : memref<80x128xf32, #tpu.memory_space<vmem>>) dst(%dma_wait3A_1841 : memref<10240x128xf32, #tpu.memory_space<vmem_shared>>)
      %add3A_1842 = arith.constant 20 : i32
      %add3A_1843 = arith.addi %mul3A_267, %add3A_1842 : i32
      %add3A_1844 = arith.constant 2 : i32
      %add3A_1845 = arith.addi %add3A_1843, %add3A_1844 : i32
      %mul3A_1846 = arith.constant 80 : i32
      %mul3A_1847 = arith.muli %add3A_1845, %mul3A_1846 : i32
      %dma_start3A_1848 = arith.constant 1 : i32
      %dma_start3A_1849 = arith.constant 0 : i32
      %dma_start3A_1850 = arith.constant 0 : i32
      %dma_start3A_1851 = tpu.memref_slice %arg7[%dma_start3A_1848, %dma_start3A_1849, %dma_start3A_1850] : memref<3x80x128xf32, #tpu.memory_space<vmem>> -> memref<1x80x128xf32, #tpu.memory_space<vmem>>
      %dma_start3A_1852 = tpu.memref_squeeze %dma_start3A_1851 : memref<1x80x128xf32, #tpu.memory_space<vmem>> -> memref<80x128xf32, #tpu.memory_space<vmem>>
      %dma_start3A_1853 = tpu.memref_slice %arg5[%mul3A_1847] : memref<10000xi32, #tpu.memory_space<vmem>> -> memref<80xi32, #tpu.memory_space<vmem>>
      %dma_start3A_1854 = arith.constant 0 : i32
      %dma_start3A_1855 = arith.constant 0 : i32
      %dma_start3A_1856 = tpu.memref_slice %arg3[%dma_start3A_1854, %dma_start3A_1855] : memref<10000x128xf32, #tpu.memory_space<hbm>> -> memref<10000x128xf32, #tpu.memory_space<hbm>>
      tpu.enqueue_indirect_dma source(%dma_start3A_1856 : memref<10000x128xf32, #tpu.memory_space<hbm>>) target(%dma_start3A_1852 : memref<80x128xf32, #tpu.memory_space<vmem>>) offsets(%dma_start3A_1853 : memref<80xi32, #tpu.memory_space<vmem>>) semaphore(%arg14 : memref<!tpu.dma_semaphore, #tpu.memory_space<semaphore_mem>>)
      %add3A_1857 = arith.constant 20 : i32
      %add3A_1858 = arith.addi %mul3A_267, %add3A_1857 : i32
      %add3A_1859 = arith.constant 3 : i32
      %add3A_1860 = arith.addi %add3A_1858, %add3A_1859 : i32
      %add3A_1861 = arith.constant 320000 : i32
      %add3A_1862 = arith.addi %add3A_1861, %mul3A_2 : i32
      %mul3A_1863 = arith.constant 80 : i32
      %mul3A_1864 = arith.muli %add3A_1860, %mul3A_1863 : i32
      %add3A_1865 = arith.addi %add3A_1862, %mul3A_1864 : i32
      %dma_start3A_1866 = arith.constant 3 : i32
      %dma_start3A_1867 = arith.constant 0 : i32
      %dma_start3A_1868 = tpu.memref_slice %arg6[%dma_start3A_1866, %dma_start3A_1867] : memref<4x80xi32, #tpu.memory_space<vmem>> -> memref<1x80xi32, #tpu.memory_space<vmem>>
      %dma_start3A_1869 = tpu.memref_squeeze %dma_start3A_1868 : memref<1x80xi32, #tpu.memory_space<vmem>> -> memref<80xi32, #tpu.memory_space<vmem>>
      %dma_start3A_1870 = tpu.memref_slice %arg2[%add3A_1865] : memref<640000xi32, #tpu.memory_space<hbm>> -> memref<80xi32, #tpu.memory_space<hbm>>
      %dma_start3A_1871 = arith.constant 0 : i32
      %dma_start3A_1872 = tpu.memref_slice %arg6[%dma_start3A_1866, %dma_start3A_1871] : memref<4x80xi32, #tpu.memory_space<vmem>> -> memref<1x80xi32, #tpu.memory_space<vmem>>
      %dma_start3A_1873 = tpu.memref_squeeze %dma_start3A_1872 : memref<1x80xi32, #tpu.memory_space<vmem>> -> memref<80xi32, #tpu.memory_space<vmem>>
      %dma_start3A_1874 = tpu.memref_slice %arg2[%add3A_1865] : memref<640000xi32, #tpu.memory_space<hbm>> -> memref<80xi32, #tpu.memory_space<hbm>>
      tpu.enqueue_dma source(%dma_start3A_1874 : memref<80xi32, #tpu.memory_space<hbm>>) target(%dma_start3A_1873 : memref<80xi32, #tpu.memory_space<vmem>>) target_semaphore(%arg12 : memref<!tpu.dma_semaphore, #tpu.memory_space<semaphore_mem>>)
      %dma_wait3A_1875 = arith.constant 2 : i32
      %dma_wait3A_1876 = arith.constant 0 : i32
      %dma_wait3A_1877 = arith.constant 0 : i32
      %dma_wait3A_1878 = tpu.memref_slice %arg7[%dma_wait3A_1875, %dma_wait3A_1876, %dma_wait3A_1877] : memref<3x80x128xf32, #tpu.memory_space<vmem>> -> memref<1x80x128xf32, #tpu.memory_space<vmem>>
      %dma_wait3A_1879 = tpu.memref_squeeze %dma_wait3A_1878 : memref<1x80x128xf32, #tpu.memory_space<vmem>> -> memref<80x128xf32, #tpu.memory_space<vmem>>
      %dma_wait3A_1880 = tpu.memref_slice %arg5[%mul3A_1697] : memref<10000xi32, #tpu.memory_space<vmem>> -> memref<80xi32, #tpu.memory_space<vmem>>
      %dma_wait3A_1881 = arith.constant 0 : i32
      %dma_wait3A_1882 = arith.constant 0 : i32
      %dma_wait3A_1883 = tpu.memref_slice %arg3[%dma_wait3A_1881, %dma_wait3A_1882] : memref<10000x128xf32, #tpu.memory_space<hbm>> -> memref<10000x128xf32, #tpu.memory_space<hbm>>
      tpu.wait_indirect_dma semaphore(%arg15 : memref<!tpu.dma_semaphore, #tpu.memory_space<semaphore_mem>>) src(%dma_wait3A_1883 : memref<10000x128xf32, #tpu.memory_space<hbm>>) dst(%dma_wait3A_1879 : memref<80x128xf32, #tpu.memory_space<vmem>>)
      %dma_wait3A_1884 = arith.constant 0 : i32
      %dma_wait3A_1885 = arith.constant 0 : i32
      %dma_wait3A_1886 = tpu.memref_slice %arg6[%dma_wait3A_1884, %dma_wait3A_1885] : memref<4x80xi32, #tpu.memory_space<vmem>> -> memref<1x80xi32, #tpu.memory_space<vmem>>
      %dma_wait3A_1887 = tpu.memref_squeeze %dma_wait3A_1886 : memref<1x80xi32, #tpu.memory_space<vmem>> -> memref<80xi32, #tpu.memory_space<vmem>>
      %dma_wait3A_1888 = tpu.memref_slice %arg2[%add3A_1640] : memref<640000xi32, #tpu.memory_space<hbm>> -> memref<80xi32, #tpu.memory_space<hbm>>
      %dma_wait3A_1889 = arith.constant 0 : i32
      %dma_wait3A_1890 = tpu.memref_slice %arg6[%dma_wait3A_1884, %dma_wait3A_1889] : memref<4x80xi32, #tpu.memory_space<vmem>> -> memref<1x80xi32, #tpu.memory_space<vmem>>
      %dma_wait3A_1891 = tpu.memref_squeeze %dma_wait3A_1890 : memref<1x80xi32, #tpu.memory_space<vmem>> -> memref<80xi32, #tpu.memory_space<vmem>>
      %dma_wait3A_1892 = tpu.memref_slice %arg2[%add3A_1640] : memref<640000xi32, #tpu.memory_space<hbm>> -> memref<80xi32, #tpu.memory_space<hbm>>
      tpu.wait_dma2 semaphore(%arg9 : memref<!tpu.dma_semaphore, #tpu.memory_space<semaphore_mem>>) src(%dma_wait3A_1892 : memref<80xi32, #tpu.memory_space<hbm>>) dst(%dma_wait3A_1891 : memref<80xi32, #tpu.memory_space<vmem>>)
      %dma_start3A_1893 = arith.constant 2 : i32
      %dma_start3A_1894 = arith.constant 0 : i32
      %dma_start3A_1895 = arith.constant 0 : i32
      %dma_start3A_1896 = arith.constant 0 : i32
      %dma_start3A_1897 = tpu.memref_slice %arg7[%dma_start3A_1893, %dma_start3A_1895, %dma_start3A_1896] : memref<3x80x128xf32, #tpu.memory_space<vmem>> -> memref<1x80x128xf32, #tpu.memory_space<vmem>>
      %dma_start3A_1898 = tpu.memref_squeeze %dma_start3A_1897 : memref<1x80x128xf32, #tpu.memory_space<vmem>> -> memref<80x128xf32, #tpu.memory_space<vmem>>
      %dma_start3A_1899 = arith.constant 0 : i32
      %dma_start3A_1900 = tpu.memref_slice %arg6[%dma_start3A_1894, %dma_start3A_1899] : memref<4x80xi32, #tpu.memory_space<vmem>> -> memref<1x80xi32, #tpu.memory_space<vmem>>
      %dma_start3A_1901 = tpu.memref_squeeze %dma_start3A_1900 : memref<1x80xi32, #tpu.memory_space<vmem>> -> memref<80xi32, #tpu.memory_space<vmem>>
      %dma_start3A_1902 = arith.constant 0 : i32
      %dma_start3A_1903 = arith.constant 0 : i32
      %dma_start3A_1904 = tpu.memref_slice %arg8[%dma_start3A_1902, %dma_start3A_1903] : memref<10240x128xf32, #tpu.memory_space<vmem_shared>> -> memref<10240x128xf32, #tpu.memory_space<vmem_shared>>
      tpu.enqueue_indirect_dma source(%dma_start3A_1898 : memref<80x128xf32, #tpu.memory_space<vmem>>) target(%dma_start3A_1904 : memref<10240x128xf32, #tpu.memory_space<vmem_shared>>) offsets(%dma_start3A_1901 : memref<80xi32, #tpu.memory_space<vmem>>) semaphore(%arg16 : memref<!tpu.dma_semaphore, #tpu.memory_space<semaphore_mem>>) {add = true}
      %dma_wait3A_1905 = arith.constant 2 : i32
      %dma_wait3A_1906 = arith.constant 0 : i32
      %dma_wait3A_1907 = arith.constant 0 : i32
      %dma_wait3A_1908 = arith.constant 0 : i32
      %dma_wait3A_1909 = tpu.memref_slice %arg7[%dma_wait3A_1905, %dma_wait3A_1907, %dma_wait3A_1908] : memref<3x80x128xf32, #tpu.memory_space<vmem>> -> memref<1x80x128xf32, #tpu.memory_space<vmem>>
      %dma_wait3A_1910 = tpu.memref_squeeze %dma_wait3A_1909 : memref<1x80x128xf32, #tpu.memory_space<vmem>> -> memref<80x128xf32, #tpu.memory_space<vmem>>
      %dma_wait3A_1911 = arith.constant 0 : i32
      %dma_wait3A_1912 = tpu.memref_slice %arg6[%dma_wait3A_1906, %dma_wait3A_1911] : memref<4x80xi32, #tpu.memory_space<vmem>> -> memref<1x80xi32, #tpu.memory_space<vmem>>
      %dma_wait3A_1913 = tpu.memref_squeeze %dma_wait3A_1912 : memref<1x80xi32, #tpu.memory_space<vmem>> -> memref<80xi32, #tpu.memory_space<vmem>>
      %dma_wait3A_1914 = arith.constant 0 : i32
      %dma_wait3A_1915 = arith.constant 0 : i32
      %dma_wait3A_1916 = tpu.memref_slice %arg8[%dma_wait3A_1914, %dma_wait3A_1915] : memref<10240x128xf32, #tpu.memory_space<vmem_shared>> -> memref<10240x128xf32, #tpu.memory_space<vmem_shared>>
      tpu.wait_indirect_dma semaphore(%arg16 : memref<!tpu.dma_semaphore, #tpu.memory_space<semaphore_mem>>) src(%dma_wait3A_1910 : memref<80x128xf32, #tpu.memory_space<vmem>>) dst(%dma_wait3A_1916 : memref<10240x128xf32, #tpu.memory_space<vmem_shared>>)
      %add3A_1917 = arith.constant 21 : i32
      %add3A_1918 = arith.addi %mul3A_267, %add3A_1917 : i32
      %add3A_1919 = arith.constant 2 : i32
      %add3A_1920 = arith.addi %add3A_1918, %add3A_1919 : i32
      %mul3A_1921 = arith.constant 80 : i32
      %mul3A_1922 = arith.muli %add3A_1920, %mul3A_1921 : i32
      %dma_start3A_1923 = arith.constant 2 : i32
      %dma_start3A_1924 = arith.constant 0 : i32
      %dma_start3A_1925 = arith.constant 0 : i32
      %dma_start3A_1926 = tpu.memref_slice %arg7[%dma_start3A_1923, %dma_start3A_1924, %dma_start3A_1925] : memref<3x80x128xf32, #tpu.memory_space<vmem>> -> memref<1x80x128xf32, #tpu.memory_space<vmem>>
      %dma_start3A_1927 = tpu.memref_squeeze %dma_start3A_1926 : memref<1x80x128xf32, #tpu.memory_space<vmem>> -> memref<80x128xf32, #tpu.memory_space<vmem>>
      %dma_start3A_1928 = tpu.memref_slice %arg5[%mul3A_1922] : memref<10000xi32, #tpu.memory_space<vmem>> -> memref<80xi32, #tpu.memory_space<vmem>>
      %dma_start3A_1929 = arith.constant 0 : i32
      %dma_start3A_1930 = arith.constant 0 : i32
      %dma_start3A_1931 = tpu.memref_slice %arg3[%dma_start3A_1929, %dma_start3A_1930] : memref<10000x128xf32, #tpu.memory_space<hbm>> -> memref<10000x128xf32, #tpu.memory_space<hbm>>
      tpu.enqueue_indirect_dma source(%dma_start3A_1931 : memref<10000x128xf32, #tpu.memory_space<hbm>>) target(%dma_start3A_1927 : memref<80x128xf32, #tpu.memory_space<vmem>>) offsets(%dma_start3A_1928 : memref<80xi32, #tpu.memory_space<vmem>>) semaphore(%arg15 : memref<!tpu.dma_semaphore, #tpu.memory_space<semaphore_mem>>)
      %add3A_1932 = arith.constant 21 : i32
      %add3A_1933 = arith.addi %mul3A_267, %add3A_1932 : i32
      %add3A_1934 = arith.constant 3 : i32
      %add3A_1935 = arith.addi %add3A_1933, %add3A_1934 : i32
      %add3A_1936 = arith.constant 320000 : i32
      %add3A_1937 = arith.addi %add3A_1936, %mul3A_2 : i32
      %mul3A_1938 = arith.constant 80 : i32
      %mul3A_1939 = arith.muli %add3A_1935, %mul3A_1938 : i32
      %add3A_1940 = arith.addi %add3A_1937, %mul3A_1939 : i32
      %dma_start3A_1941 = arith.constant 0 : i32
      %dma_start3A_1942 = arith.constant 0 : i32
      %dma_start3A_1943 = tpu.memref_slice %arg6[%dma_start3A_1941, %dma_start3A_1942] : memref<4x80xi32, #tpu.memory_space<vmem>> -> memref<1x80xi32, #tpu.memory_space<vmem>>
      %dma_start3A_1944 = tpu.memref_squeeze %dma_start3A_1943 : memref<1x80xi32, #tpu.memory_space<vmem>> -> memref<80xi32, #tpu.memory_space<vmem>>
      %dma_start3A_1945 = tpu.memref_slice %arg2[%add3A_1940] : memref<640000xi32, #tpu.memory_space<hbm>> -> memref<80xi32, #tpu.memory_space<hbm>>
      %dma_start3A_1946 = arith.constant 0 : i32
      %dma_start3A_1947 = tpu.memref_slice %arg6[%dma_start3A_1941, %dma_start3A_1946] : memref<4x80xi32, #tpu.memory_space<vmem>> -> memref<1x80xi32, #tpu.memory_space<vmem>>
      %dma_start3A_1948 = tpu.memref_squeeze %dma_start3A_1947 : memref<1x80xi32, #tpu.memory_space<vmem>> -> memref<80xi32, #tpu.memory_space<vmem>>
      %dma_start3A_1949 = tpu.memref_slice %arg2[%add3A_1940] : memref<640000xi32, #tpu.memory_space<hbm>> -> memref<80xi32, #tpu.memory_space<hbm>>
      tpu.enqueue_dma source(%dma_start3A_1949 : memref<80xi32, #tpu.memory_space<hbm>>) target(%dma_start3A_1948 : memref<80xi32, #tpu.memory_space<vmem>>) target_semaphore(%arg9 : memref<!tpu.dma_semaphore, #tpu.memory_space<semaphore_mem>>)
      %dma_wait3A_1950 = arith.constant 0 : i32
      %dma_wait3A_1951 = arith.constant 0 : i32
      %dma_wait3A_1952 = arith.constant 0 : i32
      %dma_wait3A_1953 = tpu.memref_slice %arg7[%dma_wait3A_1950, %dma_wait3A_1951, %dma_wait3A_1952] : memref<3x80x128xf32, #tpu.memory_space<vmem>> -> memref<1x80x128xf32, #tpu.memory_space<vmem>>
      %dma_wait3A_1954 = tpu.memref_squeeze %dma_wait3A_1953 : memref<1x80x128xf32, #tpu.memory_space<vmem>> -> memref<80x128xf32, #tpu.memory_space<vmem>>
      %dma_wait3A_1955 = tpu.memref_slice %arg5[%mul3A_1772] : memref<10000xi32, #tpu.memory_space<vmem>> -> memref<80xi32, #tpu.memory_space<vmem>>
      %dma_wait3A_1956 = arith.constant 0 : i32
      %dma_wait3A_1957 = arith.constant 0 : i32
      %dma_wait3A_1958 = tpu.memref_slice %arg3[%dma_wait3A_1956, %dma_wait3A_1957] : memref<10000x128xf32, #tpu.memory_space<hbm>> -> memref<10000x128xf32, #tpu.memory_space<hbm>>
      tpu.wait_indirect_dma semaphore(%arg13 : memref<!tpu.dma_semaphore, #tpu.memory_space<semaphore_mem>>) src(%dma_wait3A_1958 : memref<10000x128xf32, #tpu.memory_space<hbm>>) dst(%dma_wait3A_1954 : memref<80x128xf32, #tpu.memory_space<vmem>>)
      %dma_wait3A_1959 = arith.constant 1 : i32
      %dma_wait3A_1960 = arith.constant 0 : i32
      %dma_wait3A_1961 = tpu.memref_slice %arg6[%dma_wait3A_1959, %dma_wait3A_1960] : memref<4x80xi32, #tpu.memory_space<vmem>> -> memref<1x80xi32, #tpu.memory_space<vmem>>
      %dma_wait3A_1962 = tpu.memref_squeeze %dma_wait3A_1961 : memref<1x80xi32, #tpu.memory_space<vmem>> -> memref<80xi32, #tpu.memory_space<vmem>>
      %dma_wait3A_1963 = tpu.memref_slice %arg2[%add3A_1715] : memref<640000xi32, #tpu.memory_space<hbm>> -> memref<80xi32, #tpu.memory_space<hbm>>
      %dma_wait3A_1964 = arith.constant 0 : i32
      %dma_wait3A_1965 = tpu.memref_slice %arg6[%dma_wait3A_1959, %dma_wait3A_1964] : memref<4x80xi32, #tpu.memory_space<vmem>> -> memref<1x80xi32, #tpu.memory_space<vmem>>
      %dma_wait3A_1966 = tpu.memref_squeeze %dma_wait3A_1965 : memref<1x80xi32, #tpu.memory_space<vmem>> -> memref<80xi32, #tpu.memory_space<vmem>>
      %dma_wait3A_1967 = tpu.memref_slice %arg2[%add3A_1715] : memref<640000xi32, #tpu.memory_space<hbm>> -> memref<80xi32, #tpu.memory_space<hbm>>
      tpu.wait_dma2 semaphore(%arg10 : memref<!tpu.dma_semaphore, #tpu.memory_space<semaphore_mem>>) src(%dma_wait3A_1967 : memref<80xi32, #tpu.memory_space<hbm>>) dst(%dma_wait3A_1966 : memref<80xi32, #tpu.memory_space<vmem>>)
      %dma_start3A_1968 = arith.constant 0 : i32
      %dma_start3A_1969 = arith.constant 1 : i32
      %dma_start3A_1970 = arith.constant 0 : i32
      %dma_start3A_1971 = arith.constant 0 : i32
      %dma_start3A_1972 = tpu.memref_slice %arg7[%dma_start3A_1968, %dma_start3A_1970, %dma_start3A_1971] : memref<3x80x128xf32, #tpu.memory_space<vmem>> -> memref<1x80x128xf32, #tpu.memory_space<vmem>>
      %dma_start3A_1973 = tpu.memref_squeeze %dma_start3A_1972 : memref<1x80x128xf32, #tpu.memory_space<vmem>> -> memref<80x128xf32, #tpu.memory_space<vmem>>
      %dma_start3A_1974 = arith.constant 0 : i32
      %dma_start3A_1975 = tpu.memref_slice %arg6[%dma_start3A_1969, %dma_start3A_1974] : memref<4x80xi32, #tpu.memory_space<vmem>> -> memref<1x80xi32, #tpu.memory_space<vmem>>
      %dma_start3A_1976 = tpu.memref_squeeze %dma_start3A_1975 : memref<1x80xi32, #tpu.memory_space<vmem>> -> memref<80xi32, #tpu.memory_space<vmem>>
      %dma_start3A_1977 = arith.constant 0 : i32
      %dma_start3A_1978 = arith.constant 0 : i32
      %dma_start3A_1979 = tpu.memref_slice %arg8[%dma_start3A_1977, %dma_start3A_1978] : memref<10240x128xf32, #tpu.memory_space<vmem_shared>> -> memref<10240x128xf32, #tpu.memory_space<vmem_shared>>
      tpu.enqueue_indirect_dma source(%dma_start3A_1973 : memref<80x128xf32, #tpu.memory_space<vmem>>) target(%dma_start3A_1979 : memref<10240x128xf32, #tpu.memory_space<vmem_shared>>) offsets(%dma_start3A_1976 : memref<80xi32, #tpu.memory_space<vmem>>) semaphore(%arg17 : memref<!tpu.dma_semaphore, #tpu.memory_space<semaphore_mem>>) {add = true}
      %dma_wait3A_1980 = arith.constant 0 : i32
      %dma_wait3A_1981 = arith.constant 1 : i32
      %dma_wait3A_1982 = arith.constant 0 : i32
      %dma_wait3A_1983 = arith.constant 0 : i32
      %dma_wait3A_1984 = tpu.memref_slice %arg7[%dma_wait3A_1980, %dma_wait3A_1982, %dma_wait3A_1983] : memref<3x80x128xf32, #tpu.memory_space<vmem>> -> memref<1x80x128xf32, #tpu.memory_space<vmem>>
      %dma_wait3A_1985 = tpu.memref_squeeze %dma_wait3A_1984 : memref<1x80x128xf32, #tpu.memory_space<vmem>> -> memref<80x128xf32, #tpu.memory_space<vmem>>
      %dma_wait3A_1986 = arith.constant 0 : i32
      %dma_wait3A_1987 = tpu.memref_slice %arg6[%dma_wait3A_1981, %dma_wait3A_1986] : memref<4x80xi32, #tpu.memory_space<vmem>> -> memref<1x80xi32, #tpu.memory_space<vmem>>
      %dma_wait3A_1988 = tpu.memref_squeeze %dma_wait3A_1987 : memref<1x80xi32, #tpu.memory_space<vmem>> -> memref<80xi32, #tpu.memory_space<vmem>>
      %dma_wait3A_1989 = arith.constant 0 : i32
      %dma_wait3A_1990 = arith.constant 0 : i32
      %dma_wait3A_1991 = tpu.memref_slice %arg8[%dma_wait3A_1989, %dma_wait3A_1990] : memref<10240x128xf32, #tpu.memory_space<vmem_shared>> -> memref<10240x128xf32, #tpu.memory_space<vmem_shared>>
      tpu.wait_indirect_dma semaphore(%arg17 : memref<!tpu.dma_semaphore, #tpu.memory_space<semaphore_mem>>) src(%dma_wait3A_1985 : memref<80x128xf32, #tpu.memory_space<vmem>>) dst(%dma_wait3A_1991 : memref<10240x128xf32, #tpu.memory_space<vmem_shared>>)
      %add3A_1992 = arith.constant 22 : i32
      %add3A_1993 = arith.addi %mul3A_267, %add3A_1992 : i32
      %add3A_1994 = arith.constant 2 : i32
      %add3A_1995 = arith.addi %add3A_1993, %add3A_1994 : i32
      %mul3A_1996 = arith.constant 80 : i32
      %mul3A_1997 = arith.muli %add3A_1995, %mul3A_1996 : i32
      %dma_start3A_1998 = arith.constant 0 : i32
      %dma_start3A_1999 = arith.constant 0 : i32
      %dma_start3A_2000 = arith.constant 0 : i32
      %dma_start3A_2001 = tpu.memref_slice %arg7[%dma_start3A_1998, %dma_start3A_1999, %dma_start3A_2000] : memref<3x80x128xf32, #tpu.memory_space<vmem>> -> memref<1x80x128xf32, #tpu.memory_space<vmem>>
      %dma_start3A_2002 = tpu.memref_squeeze %dma_start3A_2001 : memref<1x80x128xf32, #tpu.memory_space<vmem>> -> memref<80x128xf32, #tpu.memory_space<vmem>>
      %dma_start3A_2003 = tpu.memref_slice %arg5[%mul3A_1997] : memref<10000xi32, #tpu.memory_space<vmem>> -> memref<80xi32, #tpu.memory_space<vmem>>
      %dma_start3A_2004 = arith.constant 0 : i32
      %dma_start3A_2005 = arith.constant 0 : i32
      %dma_start3A_2006 = tpu.memref_slice %arg3[%dma_start3A_2004, %dma_start3A_2005] : memref<10000x128xf32, #tpu.memory_space<hbm>> -> memref<10000x128xf32, #tpu.memory_space<hbm>>
      tpu.enqueue_indirect_dma source(%dma_start3A_2006 : memref<10000x128xf32, #tpu.memory_space<hbm>>) target(%dma_start3A_2002 : memref<80x128xf32, #tpu.memory_space<vmem>>) offsets(%dma_start3A_2003 : memref<80xi32, #tpu.memory_space<vmem>>) semaphore(%arg13 : memref<!tpu.dma_semaphore, #tpu.memory_space<semaphore_mem>>)
      %dma_wait3A_2007 = arith.constant 1 : i32
      %dma_wait3A_2008 = arith.constant 0 : i32
      %dma_wait3A_2009 = arith.constant 0 : i32
      %dma_wait3A_2010 = tpu.memref_slice %arg7[%dma_wait3A_2007, %dma_wait3A_2008, %dma_wait3A_2009] : memref<3x80x128xf32, #tpu.memory_space<vmem>> -> memref<1x80x128xf32, #tpu.memory_space<vmem>>
      %dma_wait3A_2011 = tpu.memref_squeeze %dma_wait3A_2010 : memref<1x80x128xf32, #tpu.memory_space<vmem>> -> memref<80x128xf32, #tpu.memory_space<vmem>>
      %dma_wait3A_2012 = tpu.memref_slice %arg5[%mul3A_1847] : memref<10000xi32, #tpu.memory_space<vmem>> -> memref<80xi32, #tpu.memory_space<vmem>>
      %dma_wait3A_2013 = arith.constant 0 : i32
      %dma_wait3A_2014 = arith.constant 0 : i32
      %dma_wait3A_2015 = tpu.memref_slice %arg3[%dma_wait3A_2013, %dma_wait3A_2014] : memref<10000x128xf32, #tpu.memory_space<hbm>> -> memref<10000x128xf32, #tpu.memory_space<hbm>>
      tpu.wait_indirect_dma semaphore(%arg14 : memref<!tpu.dma_semaphore, #tpu.memory_space<semaphore_mem>>) src(%dma_wait3A_2015 : memref<10000x128xf32, #tpu.memory_space<hbm>>) dst(%dma_wait3A_2011 : memref<80x128xf32, #tpu.memory_space<vmem>>)
      %dma_wait3A_2016 = arith.constant 2 : i32
      %dma_wait3A_2017 = arith.constant 0 : i32
      %dma_wait3A_2018 = tpu.memref_slice %arg6[%dma_wait3A_2016, %dma_wait3A_2017] : memref<4x80xi32, #tpu.memory_space<vmem>> -> memref<1x80xi32, #tpu.memory_space<vmem>>
      %dma_wait3A_2019 = tpu.memref_squeeze %dma_wait3A_2018 : memref<1x80xi32, #tpu.memory_space<vmem>> -> memref<80xi32, #tpu.memory_space<vmem>>
      %dma_wait3A_2020 = tpu.memref_slice %arg2[%add3A_1790] : memref<640000xi32, #tpu.memory_space<hbm>> -> memref<80xi32, #tpu.memory_space<hbm>>
      %dma_wait3A_2021 = arith.constant 0 : i32
      %dma_wait3A_2022 = tpu.memref_slice %arg6[%dma_wait3A_2016, %dma_wait3A_2021] : memref<4x80xi32, #tpu.memory_space<vmem>> -> memref<1x80xi32, #tpu.memory_space<vmem>>
      %dma_wait3A_2023 = tpu.memref_squeeze %dma_wait3A_2022 : memref<1x80xi32, #tpu.memory_space<vmem>> -> memref<80xi32, #tpu.memory_space<vmem>>
      %dma_wait3A_2024 = tpu.memref_slice %arg2[%add3A_1790] : memref<640000xi32, #tpu.memory_space<hbm>> -> memref<80xi32, #tpu.memory_space<hbm>>
      tpu.wait_dma2 semaphore(%arg11 : memref<!tpu.dma_semaphore, #tpu.memory_space<semaphore_mem>>) src(%dma_wait3A_2024 : memref<80xi32, #tpu.memory_space<hbm>>) dst(%dma_wait3A_2023 : memref<80xi32, #tpu.memory_space<vmem>>)
      %dma_start3A_2025 = arith.constant 1 : i32
      %dma_start3A_2026 = arith.constant 2 : i32
      %dma_start3A_2027 = arith.constant 0 : i32
      %dma_start3A_2028 = arith.constant 0 : i32
      %dma_start3A_2029 = tpu.memref_slice %arg7[%dma_start3A_2025, %dma_start3A_2027, %dma_start3A_2028] : memref<3x80x128xf32, #tpu.memory_space<vmem>> -> memref<1x80x128xf32, #tpu.memory_space<vmem>>
      %dma_start3A_2030 = tpu.memref_squeeze %dma_start3A_2029 : memref<1x80x128xf32, #tpu.memory_space<vmem>> -> memref<80x128xf32, #tpu.memory_space<vmem>>
      %dma_start3A_2031 = arith.constant 0 : i32
      %dma_start3A_2032 = tpu.memref_slice %arg6[%dma_start3A_2026, %dma_start3A_2031] : memref<4x80xi32, #tpu.memory_space<vmem>> -> memref<1x80xi32, #tpu.memory_space<vmem>>
      %dma_start3A_2033 = tpu.memref_squeeze %dma_start3A_2032 : memref<1x80xi32, #tpu.memory_space<vmem>> -> memref<80xi32, #tpu.memory_space<vmem>>
      %dma_start3A_2034 = arith.constant 0 : i32
      %dma_start3A_2035 = arith.constant 0 : i32
      %dma_start3A_2036 = tpu.memref_slice %arg8[%dma_start3A_2034, %dma_start3A_2035] : memref<10240x128xf32, #tpu.memory_space<vmem_shared>> -> memref<10240x128xf32, #tpu.memory_space<vmem_shared>>
      tpu.enqueue_indirect_dma source(%dma_start3A_2030 : memref<80x128xf32, #tpu.memory_space<vmem>>) target(%dma_start3A_2036 : memref<10240x128xf32, #tpu.memory_space<vmem_shared>>) offsets(%dma_start3A_2033 : memref<80xi32, #tpu.memory_space<vmem>>) semaphore(%arg16 : memref<!tpu.dma_semaphore, #tpu.memory_space<semaphore_mem>>) {add = true}
      %dma_wait3A_2037 = arith.constant 2 : i32
      %dma_wait3A_2038 = arith.constant 0 : i32
      %dma_wait3A_2039 = arith.constant 0 : i32
      %dma_wait3A_2040 = tpu.memref_slice %arg7[%dma_wait3A_2037, %dma_wait3A_2038, %dma_wait3A_2039] : memref<3x80x128xf32, #tpu.memory_space<vmem>> -> memref<1x80x128xf32, #tpu.memory_space<vmem>>
      %dma_wait3A_2041 = tpu.memref_squeeze %dma_wait3A_2040 : memref<1x80x128xf32, #tpu.memory_space<vmem>> -> memref<80x128xf32, #tpu.memory_space<vmem>>
      %dma_wait3A_2042 = tpu.memref_slice %arg5[%mul3A_1922] : memref<10000xi32, #tpu.memory_space<vmem>> -> memref<80xi32, #tpu.memory_space<vmem>>
      %dma_wait3A_2043 = arith.constant 0 : i32
      %dma_wait3A_2044 = arith.constant 0 : i32
      %dma_wait3A_2045 = tpu.memref_slice %arg3[%dma_wait3A_2043, %dma_wait3A_2044] : memref<10000x128xf32, #tpu.memory_space<hbm>> -> memref<10000x128xf32, #tpu.memory_space<hbm>>
      tpu.wait_indirect_dma semaphore(%arg15 : memref<!tpu.dma_semaphore, #tpu.memory_space<semaphore_mem>>) src(%dma_wait3A_2045 : memref<10000x128xf32, #tpu.memory_space<hbm>>) dst(%dma_wait3A_2041 : memref<80x128xf32, #tpu.memory_space<vmem>>)
      %dma_wait3A_2046 = arith.constant 3 : i32
      %dma_wait3A_2047 = arith.constant 0 : i32
      %dma_wait3A_2048 = tpu.memref_slice %arg6[%dma_wait3A_2046, %dma_wait3A_2047] : memref<4x80xi32, #tpu.memory_space<vmem>> -> memref<1x80xi32, #tpu.memory_space<vmem>>
      %dma_wait3A_2049 = tpu.memref_squeeze %dma_wait3A_2048 : memref<1x80xi32, #tpu.memory_space<vmem>> -> memref<80xi32, #tpu.memory_space<vmem>>
      %dma_wait3A_2050 = tpu.memref_slice %arg2[%add3A_1865] : memref<640000xi32, #tpu.memory_space<hbm>> -> memref<80xi32, #tpu.memory_space<hbm>>
      %dma_wait3A_2051 = arith.constant 0 : i32
      %dma_wait3A_2052 = tpu.memref_slice %arg6[%dma_wait3A_2046, %dma_wait3A_2051] : memref<4x80xi32, #tpu.memory_space<vmem>> -> memref<1x80xi32, #tpu.memory_space<vmem>>
      %dma_wait3A_2053 = tpu.memref_squeeze %dma_wait3A_2052 : memref<1x80xi32, #tpu.memory_space<vmem>> -> memref<80xi32, #tpu.memory_space<vmem>>
      %dma_wait3A_2054 = tpu.memref_slice %arg2[%add3A_1865] : memref<640000xi32, #tpu.memory_space<hbm>> -> memref<80xi32, #tpu.memory_space<hbm>>
      tpu.wait_dma2 semaphore(%arg12 : memref<!tpu.dma_semaphore, #tpu.memory_space<semaphore_mem>>) src(%dma_wait3A_2054 : memref<80xi32, #tpu.memory_space<hbm>>) dst(%dma_wait3A_2053 : memref<80xi32, #tpu.memory_space<vmem>>)
      %dma_start3A_2055 = arith.constant 2 : i32
      %dma_start3A_2056 = arith.constant 3 : i32
      %dma_start3A_2057 = arith.constant 0 : i32
      %dma_start3A_2058 = arith.constant 0 : i32
      %dma_start3A_2059 = tpu.memref_slice %arg7[%dma_start3A_2055, %dma_start3A_2057, %dma_start3A_2058] : memref<3x80x128xf32, #tpu.memory_space<vmem>> -> memref<1x80x128xf32, #tpu.memory_space<vmem>>
      %dma_start3A_2060 = tpu.memref_squeeze %dma_start3A_2059 : memref<1x80x128xf32, #tpu.memory_space<vmem>> -> memref<80x128xf32, #tpu.memory_space<vmem>>
      %dma_start3A_2061 = arith.constant 0 : i32
      %dma_start3A_2062 = tpu.memref_slice %arg6[%dma_start3A_2056, %dma_start3A_2061] : memref<4x80xi32, #tpu.memory_space<vmem>> -> memref<1x80xi32, #tpu.memory_space<vmem>>
      %dma_start3A_2063 = tpu.memref_squeeze %dma_start3A_2062 : memref<1x80xi32, #tpu.memory_space<vmem>> -> memref<80xi32, #tpu.memory_space<vmem>>
      %dma_start3A_2064 = arith.constant 0 : i32
      %dma_start3A_2065 = arith.constant 0 : i32
      %dma_start3A_2066 = tpu.memref_slice %arg8[%dma_start3A_2064, %dma_start3A_2065] : memref<10240x128xf32, #tpu.memory_space<vmem_shared>> -> memref<10240x128xf32, #tpu.memory_space<vmem_shared>>
      tpu.enqueue_indirect_dma source(%dma_start3A_2060 : memref<80x128xf32, #tpu.memory_space<vmem>>) target(%dma_start3A_2066 : memref<10240x128xf32, #tpu.memory_space<vmem_shared>>) offsets(%dma_start3A_2063 : memref<80xi32, #tpu.memory_space<vmem>>) semaphore(%arg17 : memref<!tpu.dma_semaphore, #tpu.memory_space<semaphore_mem>>) {add = true}
      %dma_wait3A_2067 = arith.constant 0 : i32
      %dma_wait3A_2068 = arith.constant 0 : i32
      %dma_wait3A_2069 = arith.constant 0 : i32
      %dma_wait3A_2070 = tpu.memref_slice %arg7[%dma_wait3A_2067, %dma_wait3A_2068, %dma_wait3A_2069] : memref<3x80x128xf32, #tpu.memory_space<vmem>> -> memref<1x80x128xf32, #tpu.memory_space<vmem>>
      %dma_wait3A_2071 = tpu.memref_squeeze %dma_wait3A_2070 : memref<1x80x128xf32, #tpu.memory_space<vmem>> -> memref<80x128xf32, #tpu.memory_space<vmem>>
      %dma_wait3A_2072 = tpu.memref_slice %arg5[%mul3A_1997] : memref<10000xi32, #tpu.memory_space<vmem>> -> memref<80xi32, #tpu.memory_space<vmem>>
      %dma_wait3A_2073 = arith.constant 0 : i32
      %dma_wait3A_2074 = arith.constant 0 : i32
      %dma_wait3A_2075 = tpu.memref_slice %arg3[%dma_wait3A_2073, %dma_wait3A_2074] : memref<10000x128xf32, #tpu.memory_space<hbm>> -> memref<10000x128xf32, #tpu.memory_space<hbm>>
      tpu.wait_indirect_dma semaphore(%arg13 : memref<!tpu.dma_semaphore, #tpu.memory_space<semaphore_mem>>) src(%dma_wait3A_2075 : memref<10000x128xf32, #tpu.memory_space<hbm>>) dst(%dma_wait3A_2071 : memref<80x128xf32, #tpu.memory_space<vmem>>)
      %dma_wait3A_2076 = arith.constant 0 : i32
      %dma_wait3A_2077 = arith.constant 0 : i32
      %dma_wait3A_2078 = tpu.memref_slice %arg6[%dma_wait3A_2076, %dma_wait3A_2077] : memref<4x80xi32, #tpu.memory_space<vmem>> -> memref<1x80xi32, #tpu.memory_space<vmem>>
      %dma_wait3A_2079 = tpu.memref_squeeze %dma_wait3A_2078 : memref<1x80xi32, #tpu.memory_space<vmem>> -> memref<80xi32, #tpu.memory_space<vmem>>
      %dma_wait3A_2080 = tpu.memref_slice %arg2[%add3A_1940] : memref<640000xi32, #tpu.memory_space<hbm>> -> memref<80xi32, #tpu.memory_space<hbm>>
      %dma_wait3A_2081 = arith.constant 0 : i32
      %dma_wait3A_2082 = tpu.memref_slice %arg6[%dma_wait3A_2076, %dma_wait3A_2081] : memref<4x80xi32, #tpu.memory_space<vmem>> -> memref<1x80xi32, #tpu.memory_space<vmem>>
      %dma_wait3A_2083 = tpu.memref_squeeze %dma_wait3A_2082 : memref<1x80xi32, #tpu.memory_space<vmem>> -> memref<80xi32, #tpu.memory_space<vmem>>
      %dma_wait3A_2084 = tpu.memref_slice %arg2[%add3A_1940] : memref<640000xi32, #tpu.memory_space<hbm>> -> memref<80xi32, #tpu.memory_space<hbm>>
      tpu.wait_dma2 semaphore(%arg9 : memref<!tpu.dma_semaphore, #tpu.memory_space<semaphore_mem>>) src(%dma_wait3A_2084 : memref<80xi32, #tpu.memory_space<hbm>>) dst(%dma_wait3A_2083 : memref<80xi32, #tpu.memory_space<vmem>>)
      %dma_wait3A_2085 = arith.constant 1 : i32
      %dma_wait3A_2086 = arith.constant 2 : i32
      %dma_wait3A_2087 = arith.constant 0 : i32
      %dma_wait3A_2088 = arith.constant 0 : i32
      %dma_wait3A_2089 = tpu.memref_slice %arg7[%dma_wait3A_2085, %dma_wait3A_2087, %dma_wait3A_2088] : memref<3x80x128xf32, #tpu.memory_space<vmem>> -> memref<1x80x128xf32, #tpu.memory_space<vmem>>
      %dma_wait3A_2090 = tpu.memref_squeeze %dma_wait3A_2089 : memref<1x80x128xf32, #tpu.memory_space<vmem>> -> memref<80x128xf32, #tpu.memory_space<vmem>>
      %dma_wait3A_2091 = arith.constant 0 : i32
      %dma_wait3A_2092 = tpu.memref_slice %arg6[%dma_wait3A_2086, %dma_wait3A_2091] : memref<4x80xi32, #tpu.memory_space<vmem>> -> memref<1x80xi32, #tpu.memory_space<vmem>>
      %dma_wait3A_2093 = tpu.memref_squeeze %dma_wait3A_2092 : memref<1x80xi32, #tpu.memory_space<vmem>> -> memref<80xi32, #tpu.memory_space<vmem>>
      %dma_wait3A_2094 = arith.constant 0 : i32
      %dma_wait3A_2095 = arith.constant 0 : i32
      %dma_wait3A_2096 = tpu.memref_slice %arg8[%dma_wait3A_2094, %dma_wait3A_2095] : memref<10240x128xf32, #tpu.memory_space<vmem_shared>> -> memref<10240x128xf32, #tpu.memory_space<vmem_shared>>
      tpu.wait_indirect_dma semaphore(%arg16 : memref<!tpu.dma_semaphore, #tpu.memory_space<semaphore_mem>>) src(%dma_wait3A_2090 : memref<80x128xf32, #tpu.memory_space<vmem>>) dst(%dma_wait3A_2096 : memref<10240x128xf32, #tpu.memory_space<vmem_shared>>)
      %dma_start3A_2097 = arith.constant 0 : i32
      %dma_start3A_2098 = arith.constant 0 : i32
      %dma_start3A_2099 = arith.constant 0 : i32
      %dma_start3A_2100 = arith.constant 0 : i32
      %dma_start3A_2101 = tpu.memref_slice %arg7[%dma_start3A_2097, %dma_start3A_2099, %dma_start3A_2100] : memref<3x80x128xf32, #tpu.memory_space<vmem>> -> memref<1x80x128xf32, #tpu.memory_space<vmem>>
      %dma_start3A_2102 = tpu.memref_squeeze %dma_start3A_2101 : memref<1x80x128xf32, #tpu.memory_space<vmem>> -> memref<80x128xf32, #tpu.memory_space<vmem>>
      %dma_start3A_2103 = arith.constant 0 : i32
      %dma_start3A_2104 = tpu.memref_slice %arg6[%dma_start3A_2098, %dma_start3A_2103] : memref<4x80xi32, #tpu.memory_space<vmem>> -> memref<1x80xi32, #tpu.memory_space<vmem>>
      %dma_start3A_2105 = tpu.memref_squeeze %dma_start3A_2104 : memref<1x80xi32, #tpu.memory_space<vmem>> -> memref<80xi32, #tpu.memory_space<vmem>>
      %dma_start3A_2106 = arith.constant 0 : i32
      %dma_start3A_2107 = arith.constant 0 : i32
      %dma_start3A_2108 = tpu.memref_slice %arg8[%dma_start3A_2106, %dma_start3A_2107] : memref<10240x128xf32, #tpu.memory_space<vmem_shared>> -> memref<10240x128xf32, #tpu.memory_space<vmem_shared>>
      tpu.enqueue_indirect_dma source(%dma_start3A_2102 : memref<80x128xf32, #tpu.memory_space<vmem>>) target(%dma_start3A_2108 : memref<10240x128xf32, #tpu.memory_space<vmem_shared>>) offsets(%dma_start3A_2105 : memref<80xi32, #tpu.memory_space<vmem>>) semaphore(%arg16 : memref<!tpu.dma_semaphore, #tpu.memory_space<semaphore_mem>>) {add = true}
      %dma_wait3A_2109 = arith.constant 0 : i32
      %dma_wait3A_2110 = arith.constant 0 : i32
      %dma_wait3A_2111 = arith.constant 0 : i32
      %dma_wait3A_2112 = arith.constant 0 : i32
      %dma_wait3A_2113 = tpu.memref_slice %arg7[%dma_wait3A_2109, %dma_wait3A_2111, %dma_wait3A_2112] : memref<3x80x128xf32, #tpu.memory_space<vmem>> -> memref<1x80x128xf32, #tpu.memory_space<vmem>>
      %dma_wait3A_2114 = tpu.memref_squeeze %dma_wait3A_2113 : memref<1x80x128xf32, #tpu.memory_space<vmem>> -> memref<80x128xf32, #tpu.memory_space<vmem>>
      %dma_wait3A_2115 = arith.constant 0 : i32
      %dma_wait3A_2116 = tpu.memref_slice %arg6[%dma_wait3A_2110, %dma_wait3A_2115] : memref<4x80xi32, #tpu.memory_space<vmem>> -> memref<1x80xi32, #tpu.memory_space<vmem>>
      %dma_wait3A_2117 = tpu.memref_squeeze %dma_wait3A_2116 : memref<1x80xi32, #tpu.memory_space<vmem>> -> memref<80xi32, #tpu.memory_space<vmem>>
      %dma_wait3A_2118 = arith.constant 0 : i32
      %dma_wait3A_2119 = arith.constant 0 : i32
      %dma_wait3A_2120 = tpu.memref_slice %arg8[%dma_wait3A_2118, %dma_wait3A_2119] : memref<10240x128xf32, #tpu.memory_space<vmem_shared>> -> memref<10240x128xf32, #tpu.memory_space<vmem_shared>>
      tpu.wait_indirect_dma semaphore(%arg16 : memref<!tpu.dma_semaphore, #tpu.memory_space<semaphore_mem>>) src(%dma_wait3A_2114 : memref<80x128xf32, #tpu.memory_space<vmem>>) dst(%dma_wait3A_2120 : memref<10240x128xf32, #tpu.memory_space<vmem_shared>>)
      %dma_wait3A_2121 = arith.constant 2 : i32
      %dma_wait3A_2122 = arith.constant 3 : i32
      %dma_wait3A_2123 = arith.constant 0 : i32
      %dma_wait3A_2124 = arith.constant 0 : i32
      %dma_wait3A_2125 = tpu.memref_slice %arg7[%dma_wait3A_2121, %dma_wait3A_2123, %dma_wait3A_2124] : memref<3x80x128xf32, #tpu.memory_space<vmem>> -> memref<1x80x128xf32, #tpu.memory_space<vmem>>
      %dma_wait3A_2126 = tpu.memref_squeeze %dma_wait3A_2125 : memref<1x80x128xf32, #tpu.memory_space<vmem>> -> memref<80x128xf32, #tpu.memory_space<vmem>>
      %dma_wait3A_2127 = arith.constant 0 : i32
      %dma_wait3A_2128 = tpu.memref_slice %arg6[%dma_wait3A_2122, %dma_wait3A_2127] : memref<4x80xi32, #tpu.memory_space<vmem>> -> memref<1x80xi32, #tpu.memory_space<vmem>>
      %dma_wait3A_2129 = tpu.memref_squeeze %dma_wait3A_2128 : memref<1x80xi32, #tpu.memory_space<vmem>> -> memref<80xi32, #tpu.memory_space<vmem>>
      %dma_wait3A_2130 = arith.constant 0 : i32
      %dma_wait3A_2131 = arith.constant 0 : i32
      %dma_wait3A_2132 = tpu.memref_slice %arg8[%dma_wait3A_2130, %dma_wait3A_2131] : memref<10240x128xf32, #tpu.memory_space<vmem_shared>> -> memref<10240x128xf32, #tpu.memory_space<vmem_shared>>
      tpu.wait_indirect_dma semaphore(%arg17 : memref<!tpu.dma_semaphore, #tpu.memory_space<semaphore_mem>>) src(%dma_wait3A_2126 : memref<80x128xf32, #tpu.memory_space<vmem>>) dst(%dma_wait3A_2132 : memref<10240x128xf32, #tpu.memory_space<vmem_shared>>)
    }
    %scan3A_256 = arith.constant 5 : i32
    %barrier3A_257 = arith.constant 0 : index
    tpu.barrier barrier_id(%barrier3A_257)
    %mul3A_258 = arith.constant 640 : i32
    %mul3A_259 = arith.muli %arg1, %mul3A_258 : i32
    %mul3A_260 = arith.constant 10240 : i32
    %mul3A_261 = arith.muli %arg0, %mul3A_260 : i32
    %mul3A_262 = arith.constant 640 : i32
    %mul3A_263 = arith.muli %arg1, %mul3A_262 : i32
    %add3A_264 = arith.addi %mul3A_261, %mul3A_263 : i32
    "tpu.region"() ({
      %run_scoped3A = tpu.sem_alloc : memref<!tpu.dma_semaphore, #tpu.memory_space<semaphore_mem>>
      %dma_start3A_265 = arith.constant 0 : i32
      %dma_start3A_266 = tpu.memref_slice %arg4[%add3A_264, %dma_start3A_265] : memref<20480x128xf32, #tpu.memory_space<hbm>> -> memref<640x128xf32, #tpu.memory_space<hbm>>
      %dma_start3A_267 = arith.constant 0 : i32
      %dma_start3A_268 = tpu.memref_slice %arg8[%mul3A_259, %dma_start3A_267] : memref<10240x128xf32, #tpu.memory_space<vmem_shared>> -> memref<640x128xf32, #tpu.memory_space<vmem_shared>>
      tpu.enqueue_dma source(%dma_start3A_268 : memref<640x128xf32, #tpu.memory_space<vmem_shared>>) target(%dma_start3A_266 : memref<640x128xf32, #tpu.memory_space<hbm>>) target_semaphore(%run_scoped3A : memref<!tpu.dma_semaphore, #tpu.memory_space<semaphore_mem>>)
      %dma_wait3A_269 = arith.constant 0 : i32
      %dma_wait3A_270 = tpu.memref_slice %arg4[%add3A_264, %dma_wait3A_269] : memref<20480x128xf32, #tpu.memory_space<hbm>> -> memref<640x128xf32, #tpu.memory_space<hbm>>
      %dma_wait3A_271 = arith.constant 0 : i32
      %dma_wait3A_272 = tpu.memref_slice %arg8[%mul3A_259, %dma_wait3A_271] : memref<10240x128xf32, #tpu.memory_space<vmem_shared>> -> memref<640x128xf32, #tpu.memory_space<vmem_shared>>
      tpu.wait_dma2 semaphore(%run_scoped3A : memref<!tpu.dma_semaphore, #tpu.memory_space<semaphore_mem>>) src(%dma_wait3A_272 : memref<640x128xf32, #tpu.memory_space<vmem_shared>>) dst(%dma_wait3A_270 : memref<640x128xf32, #tpu.memory_space<hbm>>)
      tpu.yield
    }) : () -> ()
    return
  }
}

module attributes {stable_mosaic.version = 14 : i64} {
  func.func @body(%arg0: i32, %arg1: memref<5000x128xf32, #tpu.memory_space<vmem>>, %arg2: memref<128x128xf32, #tpu.memory_space<vmem>>, %arg3: memref<5000x128xf32, #tpu.memory_space<vmem>>) attributes {dimension_semantics = [#tpu.dimension_semantics<arbitrary>], iteration_bounds = array<i64: 2>, scalar_prefetch = 0 : i64, scratch_operands = 0 : i64, tpu.core_type = #tpu.core_type<tc>, window_params = [{transform_indices = @transform_0, window_bounds = array<i64: 5000, 128>}, {pipeline_mode = #tpu.pipeline_mode<synchronous>, transform_indices = @transform_1, window_bounds = array<i64: 128, 128>}, {transform_indices = @transform_2, window_bounds = array<i64: 5000, 128>}]} {
    %get3A = arith.constant 0 : index
    %get3A_0 = arith.constant 0 : index
    %get3A_1 = vector.load %arg1[%get3A, %get3A_0] : memref<5000x128xf32, #tpu.memory_space<vmem>>, vector<5000x128xf32>
    %get3A_2 = arith.constant 0 : index
    %get3A_3 = arith.constant 0 : index
    %get3A_4 = vector.load %arg2[%get3A_2, %get3A_3] : memref<128x128xf32, #tpu.memory_space<vmem>>, vector<128x128xf32>
    %dot_general3A = arith.constant dense<0.000000e+00> : vector<5000x128xf32>
    %dot_general3A_5 = tpu.matmul %get3A_1, %get3A_4, %dot_general3A {dimension_numbers = #tpu.dot_dimension_numbers<[1], [0], [0], [1], [0, 0, 1, 1], [], []>, transpose_lhs_hint = false} : vector<5000x128xf32>, vector<128x128xf32>, vector<5000x128xf32> -> vector<5000x128xf32>
    %max3A = arith.constant 0.000000e+00 : f32
    %max3A_6 = vector.broadcast %max3A : f32 to vector<5000x128xf32>
    %max3A_7 = arith.maximumf %dot_general3A_5, %max3A_6 : vector<5000x128xf32>
    %swap3A = arith.constant 0 : index
    %swap3A_8 = arith.constant 0 : index
    %swap3A_9 = vector.load %arg3[%swap3A, %swap3A_8] : memref<5000x128xf32, #tpu.memory_space<vmem>>, vector<5000x128xf32>
    tpu.vector_store %arg3[%swap3A, %swap3A_8], %max3A_7 {strides = array<i32>} : memref<5000x128xf32, #tpu.memory_space<vmem>>, vector<5000x128xf32>,
    return
  }
  func.func @transform_0(%arg0: i32) -> (i32, i32) {
    %c0_i32 = arith.constant 0 : i32
    %c0_i32_0 = arith.constant 0 : i32
    return %arg0, %c0_i32 : i32, i32
  }
  func.func @transform_1(%arg0: i32) -> (i32, i32) {
    %c0_i32 = arith.constant 0 : i32
    %c0_i32_0 = arith.constant 0 : i32
    %c0_i32_1 = arith.constant 0 : i32
    return %c0_i32, %c0_i32_0 : i32, i32
  }
  func.func @transform_2(%arg0: i32) -> (i32, i32) {
    %c0_i32 = arith.constant 0 : i32
    %c0_i32_0 = arith.constant 0 : i32
    return %arg0, %c0_i32 : i32, i32
  }
}

module attributes {stable_mosaic.version = 14 : i64} {
  func.func @body(%arg0: i32, %arg1: memref<5000x128xf32, #tpu.memory_space<vmem>>, %arg2: memref<2x5000x128xf32, #tpu.memory_space<vmem>>, %arg3: memref<128x128xf32, #tpu.memory_space<vmem>>, %arg4: memref<128x128xf32, #tpu.memory_space<vmem>>, %arg5: memref<128x128xf32, #tpu.memory_space<vmem>>, %arg6: memref<128x128xf32, #tpu.memory_space<vmem>>, %arg7: memref<1x128xf32, #tpu.memory_space<vmem>>, %arg8: memref<1x128xf32, #tpu.memory_space<vmem>>, %arg9: memref<1x128xf32, #tpu.memory_space<vmem>>, %arg10: memref<1x128xf32, #tpu.memory_space<vmem>>, %arg11: memref<5000x128xf32, #tpu.memory_space<vmem>>) attributes {dimension_semantics = [#tpu.dimension_semantics<arbitrary>], iteration_bounds = array<i64: 2>, scalar_prefetch = 0 : i64, scratch_operands = 0 : i64, tpu.core_type = #tpu.core_type<tc>, window_params = [{transform_indices = @transform_0, window_bounds = array<i64: 5000, 128>}, {transform_indices = @transform_1, window_bounds = array<i64: 2, 5000, 128>}, {pipeline_mode = #tpu.pipeline_mode<synchronous>, transform_indices = @transform_2, window_bounds = array<i64: 128, 128>}, {pipeline_mode = #tpu.pipeline_mode<synchronous>, transform_indices = @transform_3, window_bounds = array<i64: 128, 128>}, {pipeline_mode = #tpu.pipeline_mode<synchronous>, transform_indices = @transform_4, window_bounds = array<i64: 128, 128>}, {pipeline_mode = #tpu.pipeline_mode<synchronous>, transform_indices = @transform_5, window_bounds = array<i64: 128, 128>}, {pipeline_mode = #tpu.pipeline_mode<synchronous>, transform_indices = @transform_6, window_bounds = array<i64: 1, 128>}, {pipeline_mode = #tpu.pipeline_mode<synchronous>, transform_indices = @transform_7, window_bounds = array<i64: 1, 128>}, {pipeline_mode = #tpu.pipeline_mode<synchronous>, transform_indices = @transform_8, window_bounds = array<i64: 1, 128>}, {pipeline_mode = #tpu.pipeline_mode<synchronous>, transform_indices = @transform_9, window_bounds = array<i64: 1, 128>}, {transform_indices = @transform_10, window_bounds = array<i64: 5000, 128>}]} {
    %get3A = arith.constant 0 : index
    %get3A_0 = arith.constant 0 : index
    %get3A_1 = vector.load %arg1[%get3A, %get3A_0] : memref<5000x128xf32, #tpu.memory_space<vmem>>, vector<5000x128xf32>
    %get3A_2 = arith.constant 0 : index
    %get3A_3 = arith.constant 0 : index
    %get3A_4 = arith.constant 0 : index
    %get3A_5 = vector.load %arg2[%get3A_2, %get3A_3, %get3A_4] : memref<2x5000x128xf32, #tpu.memory_space<vmem>>, vector<1x5000x128xf32>
    %get3A_6 = vector.shape_cast %get3A_5 : vector<1x5000x128xf32> to vector<5000x128xf32>
    %get3A_7 = arith.constant 1 : index
    %get3A_8 = arith.constant 0 : index
    %get3A_9 = arith.constant 0 : index
    %get3A_10 = vector.load %arg2[%get3A_7, %get3A_8, %get3A_9] : memref<2x5000x128xf32, #tpu.memory_space<vmem>>, vector<1x5000x128xf32>
    %get3A_11 = vector.shape_cast %get3A_10 : vector<1x5000x128xf32> to vector<5000x128xf32>
    %add3A = arith.addf %get3A_6, %get3A_11 : vector<5000x128xf32>
    %get3A_12 = arith.constant 0 : index
    %get3A_13 = arith.constant 0 : index
    %get3A_14 = vector.load %arg3[%get3A_12, %get3A_13] : memref<128x128xf32, #tpu.memory_space<vmem>>, vector<128x128xf32>
    %dot_general3A = arith.constant dense<0.000000e+00> : vector<5000x128xf32>
    %dot_general3A_15 = tpu.matmul %get3A_1, %get3A_14, %dot_general3A {dimension_numbers = #tpu.dot_dimension_numbers<[1], [0], [0], [1], [0, 0, 1, 1], [], []>, transpose_lhs_hint = false} : vector<5000x128xf32>, vector<128x128xf32>, vector<5000x128xf32> -> vector<5000x128xf32>
    %get3A_16 = arith.constant 0 : index
    %get3A_17 = arith.constant 0 : index
    %get3A_18 = vector.load %arg7[%get3A_16, %get3A_17] : memref<1x128xf32, #tpu.memory_space<vmem>>, vector<1x128xf32>
    %add3A_19 = vector.broadcast %get3A_18 : vector<1x128xf32> to vector<5000x128xf32>
    %add3A_20 = arith.addf %dot_general3A_15, %add3A_19 : vector<5000x128xf32>
    %add3A_21 = arith.addf %add3A_20, %add3A : vector<5000x128xf32>
    %get3A_22 = arith.constant 0 : index
    %get3A_23 = arith.constant 0 : index
    %get3A_24 = vector.load %arg4[%get3A_22, %get3A_23] : memref<128x128xf32, #tpu.memory_space<vmem>>, vector<128x128xf32>
    %dot_general3A_25 = arith.constant dense<0.000000e+00> : vector<5000x128xf32>
    %dot_general3A_26 = tpu.matmul %get3A_1, %get3A_24, %dot_general3A_25 {dimension_numbers = #tpu.dot_dimension_numbers<[1], [0], [0], [1], [0, 0, 1, 1], [], []>, transpose_lhs_hint = false} : vector<5000x128xf32>, vector<128x128xf32>, vector<5000x128xf32> -> vector<5000x128xf32>
    %get3A_27 = arith.constant 0 : index
    %get3A_28 = arith.constant 0 : index
    %get3A_29 = vector.load %arg8[%get3A_27, %get3A_28] : memref<1x128xf32, #tpu.memory_space<vmem>>, vector<1x128xf32>
    %add3A_30 = vector.broadcast %get3A_29 : vector<1x128xf32> to vector<5000x128xf32>
    %add3A_31 = arith.addf %dot_general3A_26, %add3A_30 : vector<5000x128xf32>
    %get3A_32 = arith.constant 0 : index
    %get3A_33 = arith.constant 0 : index
    %get3A_34 = vector.load %arg5[%get3A_32, %get3A_33] : memref<128x128xf32, #tpu.memory_space<vmem>>, vector<128x128xf32>
    %dot_general3A_35 = arith.constant dense<0.000000e+00> : vector<5000x128xf32>
    %dot_general3A_36 = tpu.matmul %add3A, %get3A_34, %dot_general3A_35 {dimension_numbers = #tpu.dot_dimension_numbers<[1], [0], [0], [1], [0, 0, 1, 1], [], []>, transpose_lhs_hint = false} : vector<5000x128xf32>, vector<128x128xf32>, vector<5000x128xf32> -> vector<5000x128xf32>
    %add3A_37 = arith.addf %add3A_31, %dot_general3A_36 : vector<5000x128xf32>
    %get3A_38 = arith.constant 0 : index
    %get3A_39 = arith.constant 0 : index
    %get3A_40 = vector.load %arg9[%get3A_38, %get3A_39] : memref<1x128xf32, #tpu.memory_space<vmem>>, vector<1x128xf32>
    %add3A_41 = vector.broadcast %get3A_40 : vector<1x128xf32> to vector<5000x128xf32>
    %add3A_42 = arith.addf %add3A_37, %add3A_41 : vector<5000x128xf32>
    %max3A = arith.constant 0.000000e+00 : f32
    %max3A_43 = vector.broadcast %max3A : f32 to vector<5000x128xf32>
    %max3A_44 = arith.maximumf %add3A_42, %max3A_43 : vector<5000x128xf32>
    %get3A_45 = arith.constant 0 : index
    %get3A_46 = arith.constant 0 : index
    %get3A_47 = vector.load %arg6[%get3A_45, %get3A_46] : memref<128x128xf32, #tpu.memory_space<vmem>>, vector<128x128xf32>
    %dot_general3A_48 = arith.constant dense<0.000000e+00> : vector<5000x128xf32>
    %dot_general3A_49 = tpu.matmul %max3A_44, %get3A_47, %dot_general3A_48 {dimension_numbers = #tpu.dot_dimension_numbers<[1], [0], [0], [1], [0, 0, 1, 1], [], []>, transpose_lhs_hint = false} : vector<5000x128xf32>, vector<128x128xf32>, vector<5000x128xf32> -> vector<5000x128xf32>
    %get3A_50 = arith.constant 0 : index
    %get3A_51 = arith.constant 0 : index
    %get3A_52 = vector.load %arg10[%get3A_50, %get3A_51] : memref<1x128xf32, #tpu.memory_space<vmem>>, vector<1x128xf32>
    %add3A_53 = vector.broadcast %get3A_52 : vector<1x128xf32> to vector<5000x128xf32>
    %add3A_54 = arith.addf %dot_general3A_49, %add3A_53 : vector<5000x128xf32>
    %neg3A = arith.constant 0.000000e+00 : f32
    %neg3A_55 = vector.broadcast %neg3A : f32 to vector<5000x128xf32>
    %neg3A_56 = arith.subf %neg3A_55, %add3A_54 : vector<5000x128xf32>
    %exp3A = math.exp %neg3A_56 : vector<5000x128xf32>
    %add3A_57 = arith.constant 1.000000e+00 : f32
    %add3A_58 = vector.broadcast %add3A_57 : f32 to vector<5000x128xf32>
    %add3A_59 = arith.addf %add3A_58, %exp3A : vector<5000x128xf32>
    %div3A = arith.constant 1.000000e+00 : f32
    %div3A_60 = vector.broadcast %div3A : f32 to vector<5000x128xf32>
    %div3A_61 = arith.divf %div3A_60, %add3A_59 : vector<5000x128xf32>
    %mul3A = arith.mulf %add3A_21, %div3A_61 : vector<5000x128xf32>
    %sub3A = arith.constant 1.000000e+00 : f32
    %sub3A_62 = vector.broadcast %sub3A : f32 to vector<5000x128xf32>
    %sub3A_63 = arith.subf %sub3A_62, %div3A_61 : vector<5000x128xf32>
    %mul3A_64 = arith.mulf %get3A_1, %sub3A_63 : vector<5000x128xf32>
    %add3A_65 = arith.addf %mul3A, %mul3A_64 : vector<5000x128xf32>
    %swap3A = arith.constant 0 : index
    %swap3A_66 = arith.constant 0 : index
    %swap3A_67 = vector.load %arg11[%swap3A, %swap3A_66] : memref<5000x128xf32, #tpu.memory_space<vmem>>, vector<5000x128xf32>
    tpu.vector_store %arg11[%swap3A, %swap3A_66], %add3A_65 {strides = array<i32>} : memref<5000x128xf32, #tpu.memory_space<vmem>>, vector<5000x128xf32>,
    return
  }
  func.func @transform_0(%arg0: i32) -> (i32, i32) {
    %c0_i32 = arith.constant 0 : i32
    %c0_i32_0 = arith.constant 0 : i32
    return %arg0, %c0_i32 : i32, i32
  }
  func.func @transform_1(%arg0: i32) -> (i32, i32, i32) {
    %c0_i32 = arith.constant 0 : i32
    %c0_i32_0 = arith.constant 0 : i32
    %c0_i32_1 = arith.constant 0 : i32
    return %c0_i32, %arg0, %c0_i32_0 : i32, i32, i32
  }
  func.func @transform_2(%arg0: i32) -> (i32, i32) {
    %c0_i32 = arith.constant 0 : i32
    %c0_i32_0 = arith.constant 0 : i32
    %c0_i32_1 = arith.constant 0 : i32
    return %c0_i32, %c0_i32_0 : i32, i32
  }
  func.func @transform_3(%arg0: i32) -> (i32, i32) {
    %c0_i32 = arith.constant 0 : i32
    %c0_i32_0 = arith.constant 0 : i32
    %c0_i32_1 = arith.constant 0 : i32
    return %c0_i32, %c0_i32_0 : i32, i32
  }
  func.func @transform_4(%arg0: i32) -> (i32, i32) {
    %c0_i32 = arith.constant 0 : i32
    %c0_i32_0 = arith.constant 0 : i32
    %c0_i32_1 = arith.constant 0 : i32
    return %c0_i32, %c0_i32_0 : i32, i32
  }
  func.func @transform_5(%arg0: i32) -> (i32, i32) {
    %c0_i32 = arith.constant 0 : i32
    %c0_i32_0 = arith.constant 0 : i32
    %c0_i32_1 = arith.constant 0 : i32
    return %c0_i32, %c0_i32_0 : i32, i32
  }
  func.func @transform_6(%arg0: i32) -> (i32, i32) {
    %c0_i32 = arith.constant 0 : i32
    %c0_i32_0 = arith.constant 0 : i32
    %c0_i32_1 = arith.constant 0 : i32
    return %c0_i32, %c0_i32_0 : i32, i32
  }
  func.func @transform_7(%arg0: i32) -> (i32, i32) {
    %c0_i32 = arith.constant 0 : i32
    %c0_i32_0 = arith.constant 0 : i32
    %c0_i32_1 = arith.constant 0 : i32
    return %c0_i32, %c0_i32_0 : i32, i32
  }
  func.func @transform_8(%arg0: i32) -> (i32, i32) {
    %c0_i32 = arith.constant 0 : i32
    %c0_i32_0 = arith.constant 0 : i32
    %c0_i32_1 = arith.constant 0 : i32
    return %c0_i32, %c0_i32_0 : i32, i32
  }
  func.func @transform_9(%arg0: i32) -> (i32, i32) {
    %c0_i32 = arith.constant 0 : i32
    %c0_i32_0 = arith.constant 0 : i32
    %c0_i32_1 = arith.constant 0 : i32
    return %c0_i32, %c0_i32_0 : i32, i32
  }
  func.func @transform_10(%arg0: i32) -> (i32, i32) {
    %c0_i32 = arith.constant 0 : i32
    %c0_i32_0 = arith.constant 0 : i32
    return %arg0, %c0_i32 : i32, i32
  }
}

</mosaic_0001>

<sc_bundles>
// kernel: kernel.5.cloned.1.call-start
scs
__scs_entry_jumppad:
0x0: {  	(pc) =	sbr.rel $0x88, $3  }
0x1: {  	(tag) =	ssettag $0x0;
	lr =	simm.s32 $0x1  }
0x2: {  	[smem:$0x3F96] =	sst lr;
	_ =	strace $0xD0000000  }
0x3: {  	_ = 	snop  }
0x4: {  	_ = 	snop  }
0x5: {  	_ = 	snop  }
0x6: {  	_ = 	snop  }
0x7: {  	_ = 	snop  }
__scs_overlays_trampoline_lowered:
0x8: {  	[smem:$0x3FA5] =	sst s0  }
0x9: {  	[smem:$0x3FA6] =	sst s1  }
0xa: {  	[smem:$0x3FA7] =	sst s2  }
0xb: {  	[smem:$0x3FA8] =	sst s3  }
0xc: {  	[smem:$0x3FA9] =	sst s4  }
0xd: {  	[smem:$0x3FAA] =	sst s5  }
0xe: {  	[smem:$0x3FAB] =	sst s6  }
0xf: {  	[smem:$0x3FAC] =	sst s7  }
0x10: {  	[smem:$0x3FAD] =	sst s8  }
0x11: {  	[smem:$0x3FAE] =	sst s9;
	s0 =	simm.s32 @!p0 $0x0  }
0x12: {  	s1 =	sld [smem:$0x3F94];
	s0 =	simm.s32 @p0 $0x1  }
0x13: {  	[smem:$0x3FAF] =	sst s0;
	s0 =	simm.s32 @!p1 $0x0  }
0x14: {  	s2 =	sld [smem:$0x3F93];
	s0 =	simm.s32 @p1 $0x1  }
0x15: {  	[smem:$0x3FB0] =	sst s0;
	s0 =	simm.s32 @!p2 $0x0  }
0x16: {  	s3 =	sld [smem:$0x3FDB];
	s0 =	simm.s32 @p2 $0x1  }
0x17: {  	s4 =	simm.s32 $0x1BF5;
	[smem:$0x3FB2] =	sst s0  }
0x18: {  	s0 =	sld [smem:$0x3F95];
	_ =	swait.ge [sflag:s4], $0x0  }
0x19: {  	s7 =	sld [smem:$0x3F96]  }
0x1a: {  	s8 =	sadd.s32 $0xFFFFE003, lr  }
0x1b: {  	s9 =	sadd.s32 $0xFFFFFEF7, lr;
	s5 =	simm.s32 $0xFFFFFFFF;
	p2 =	slt.u32 s8, $0xFFFFF086  }
0x1c: {  	p1 =	slt.u32 s9, $0xF7A;
	s5 =	simm.s32 @!p2 $0x0  }
0x1d: {  	s5 =	simm.s32 @p1 $0x1;
	p0 =	seq.s32 s7, s2  }
0x1e: {  	s7 =	smul.u32 @!p0 $0xF7A, s2;
	p2 =	seq.s32 @!p0 s5, $0x0  }
0x1f: {  	s9 =	smul.u32 $0xF7A, s1;
	s8 =	simm.s32 @!p0 $0x1BF5;
	p2 =	por !p2, p0  }
0x20: {  	[sflag:s8] =	ssyncset.s32 @!p0 $0xFFFFF086;
	s6 =	sadd.s32 @!p0 s3, s7;
	s7 =	simm.s32 @!p0 $0x108  }
0x21: {  	s3 =	sadd.s32 s3, s9;
	s6 =	sadd.s32 @!p0 $0x88, s6;
	s7 =	simm.s32 @p2 $0x1082  }
0x22: {  	[simem:s7], [sflag:s8] =	dma.local @!p0 [hbm:s6], $0xF7A  }
0x23: {  	s9 =	sor.u32 $0xD0000000, s2;
	s6 =	simm.s32 $0x108;
	_ =	swait.ge @!p0 [sflag:s8], $0x0  }
0x24: {  	s3 =	sadd.s32 $0x88, s3;
	s6 =	simm.s32 @!p1 $0x1082;
	[sflag:s4] =	ssyncset.s32 $0xFFFFF086  }
0x25: {  	[simem:s6], [sflag:s4] =	dma.local [hbm:s3], $0xF7A  }
0x26: {  	[smem:$0x3F96] =	sst s1;
	(tag) =	ssettag s2;
	_ =	strace s9  }
0x27: {  	s1 =	sld [smem:$0x3FA6]  }
0x28: {  	s2 =	sld [smem:$0x3FA7]  }
0x29: {  	s4 =	sld [smem:$0x3FA9]  }
0x2a: {  	p0 =	seq.s32 s5, $0x0;
	s5 =	sld [smem:$0x3FAA]  }
0x2b: {  	s6 =	sld [smem:$0x3FAB]  }
0x2c: {  	s7 =	sld [smem:$0x3FAC]  }
0x2d: {  	s3 =	simm.s32 $0x108;
	s8 =	sld [smem:$0x3FAD]  }
0x2e: {  	s3 =	simm.s32 @!p0 $0x1082;
	s9 =	sld [smem:$0x3FAE]  }
0x2f: {  	lr =	sadd.s32 s0, s3;
	s0 =	sld [smem:$0x3FA5]  }
0x30: {  	s3 =	sld [smem:$0x3FA8]  }
0x31: {  	[smem:$0x3FB1] =	sst s10  }
0x32: {  	s10 =	sld [smem:$0x3FAF];
	_ =	sdelay $0x3  }
0x33: {  	p0 =	seq.s32 s10, $0x1;
	s10 =	sld [smem:$0x3FB1];
	_ =	sdelay $0x3  }
0x34: {  	[smem:$0x3FB1] =	sst s10  }
0x35: {  	s10 =	sld [smem:$0x3FB0];
	_ =	sdelay $0x3  }
0x36: {  	p1 =	seq.s32 s10, $0x1;
	s10 =	sld [smem:$0x3FB1];
	_ =	sdelay $0x3  }
0x37: {  	[smem:$0x3FB1] =	sst s10  }
0x38: {  	s10 =	sld [smem:$0x3FB2]  }
0x39: {  	_ = 	snop;
	(pc) =	sbr.ind lr, $3  }
0x3a: {  	_ = 	snop  }
0x3b: {  	_ = 	snop  }
0x3c: {  	p2 =	seq.s32 s10, $0x1;
	s10 =	sld [smem:$0x3FB1]  }
0x3d: {  	_ =	shalt  }
0x3e: {  	_ =	shalt  }
0x3f: {  	_ =	shalt  }
0x40: {  	_ =	shalt  }
0x41: {  	_ =	shalt  }
0x42: {  	_ =	shalt  }
0x43: {  	_ =	shalt  }
0x44: {  	_ =	shalt  }
0x45: {  	_ =	shalt  }
0x46: {  	_ =	shalt  }
0x47: {  	_ =	shalt  }
0x48: {  	_ =	shalt  }
0x49: {  	_ =	shalt  }
0x4a: {  	_ =	shalt  }
0x4b: {  	_ =	shalt  }
0x4c: {  	_ =	shalt  }
0x4d: {  	_ =	shalt  }
0x4e: {  	_ =	shalt  }
0x4f: {  	_ =	shalt  }
0x50: {  	_ =	shalt  }
0x51: {  	_ =	shalt  }
0x52: {  	_ =	shalt  }
0x53: {  	_ =	shalt  }
0x54: {  	_ =	shalt  }
0x55: {  	_ =	shalt  }
0x56: {  	_ =	shalt  }
0x57: {  	_ =	shalt  }
0x58: {  	_ =	shalt  }
0x59: {  	_ =	shalt  }
0x5a: {  	_ =	shalt  }
0x5b: {  	_ =	shalt  }
0x5c: {  	_ =	shalt  }
0x5d: {  	_ =	shalt  }
0x5e: {  	_ =	shalt  }
0x5f: {  	_ =	shalt  }
0x60: {  	_ =	shalt  }
0x61: {  	_ =	shalt  }
0x62: {  	_ =	shalt  }
0x63: {  	_ =	shalt  }
0x64: {  	_ =	shalt  }
0x65: {  	_ =	shalt  }
0x66: {  	_ =	shalt  }
0x67: {  	_ =	shalt  }
0x68: {  	_ =	shalt  }
0x69: {  	_ =	shalt  }
0x6a: {  	_ =	shalt  }
0x6b: {  	_ =	shalt  }
0x6c: {  	_ =	shalt  }
0x6d: {  	_ =	shalt  }
0x6e: {  	_ =	shalt  }
0x6f: {  	_ =	shalt  }
0x70: {  	_ =	shalt  }
0x71: {  	_ =	shalt  }
0x72: {  	_ =	shalt  }
0x73: {  	_ =	shalt  }
0x74: {  	_ =	shalt  }
0x75: {  	_ =	shalt  }
0x76: {  	_ =	shalt  }
0x77: {  	_ =	shalt  }
0x78: {  	_ =	shalt  }
0x79: {  	_ =	shalt  }
0x7a: {  	_ =	shalt  }
0x7b: {  	_ =	shalt  }
0x7c: {  	_ =	shalt  }
0x7d: {  	_ =	shalt  }
0x7e: {  	_ =	shalt  }
0x7f: {  	_ =	shalt  }
0x80: {  	_ =	shalt  }
0x81: {  	_ =	shalt  }
0x82: {  	_ =	shalt  }
0x83: {  	_ =	shalt  }
0x84: {  	_ =	shalt  }
0x85: {  	_ =	shalt  }
0x86: {  	_ =	shalt  }
0x87: {  	_ =	shalt  }
.Lfunc_end0:
.L_simem_size_0:
called_computation_lowered:
.L_overlay_start_0:
0x88: {  	s2 =	sld [smem:$0x3FD9]  }
0x89: {  	s3 =	sld [smem:$0x3FFE];
	_ =	sdelay $0x1  }
0x8a: {  	s1 =	srdreg.scid  }
0x8b: {  	s0 =	sand.u32 $0x1, s1  }
0x8c: {  	s17 =	sshll.u32 s0, $0xA;
	s2 =	sadd.s32 s3, s2  }
0x8d: {  	s2 =	sadd.s32 s2, s17  }
0x8e: {  	[smem:$0x3FBD] =	sst s2  }
0x8f: {  	_ = 	snop  }
0x90: {  	s2 =	sld [smem:$0x3FD0];
	(tm) =	ssettm $0x1  }
0x91: {  	s18 =	sld [smem:$0x3FFB];
	_ =	sdelay $0x3  }
0x92: {  	_ =	strace s18  }
0x93: {  	s3 =	sld [smem:$0x3FFC];
	_ =	sdelay $0x3  }
0x94: {  	_ =	strace s3  }
0x95: {  	s3 =	sld [smem:$0x3FFD];
	_ =	sdelay $0x3  }
0x96: {  	_ =	strace s3  }
0x97: {  	_ =	strace $0x8FFFFFFF  }
0x98: {  	s19 =	sld [smem:$0x3FDB];
	_ =	sdelay $0x1  }
0x99: {  	s4 =	simm.s32 $_scs_section_size  }
0x9a: {  	s5 =	simm.s32 $_size__tile_overlayer_lowered;
	s6 =	simm.s32 $_tile_overlayer_lowered  }
0x9b: {  	s22 =	simm.s32 $0x1BFF;
	s21 =	sshll.u32 s6, $0x1;
	s3 =	sadd.s32 s4, s19  }
0x9c: {  	s7 =	simm.s32 $0x0;
	s20 =	sshll.u32 s5, $0x1;
	s5 =	sadd.s32 s21, s3  }
0x9d: {  	[timem:s7], [sflag:s22] =	dma.local [hbm:s5], s20  }
0x9e: {  	_ =	swait.ge [sflag:s22], s20  }
0x9f: {  	s4 =	ssub.s32 $0x0, s20;
	[sflag:s22] =	ssyncset.done $0x0  }
0xa0: {  	[sflag:s22] =	ssyncadd.s32 s4;
	_ =	sdelay $0x1  }
0xa1: {  	s23 =	simm.s32 $0x1B8B  }
0xa2: {  	_ =	swait.ge [sflag:s23], $0x1  }
0xa3: {  	[sflag:s23] =	ssyncset.done $0x0  }
0xa4: {  	s25 =	simm.s32 $0x1B8E;
	s24 =	sld [smem:$0x3FFE];
	[sflag:s23] =	ssyncadd.s32 $0xFFFFFFFF  }
0xa5: {  	s26 =	simm.s32 $execute0_lowered;
	[smem:$0x3FD2] =	sst s25  }
0xa6: {  	s5 =	sshll.u32 s26, $0x1;
	_ =	strace $0x80000046;
	[dreg:$0x1] =	wrdreg $0xFFFFFFFF  }
0xa7: {  	s28 =	simm.s32 $_size_execute0_lowered;
	s3 =	sadd.s32 s3, s5;
	[dreg:$0x0] =	wrdreg $0x0  }
0xa8: {  	s5 =	sshll.u32 s28, $0x1;
	[dreg:$0x2] =	wrdreg s3  }
0xa9: {  	[dreg:$0x3] =	wrdreg s5  }
0xaa: {  	[dreg:$0x4] =	wrdreg $0xC0  }
0xab: {  	_ =	task [dreg:s7], $0x5FFFF  }
0xac: {  	[dreg:$0x1] =	wrdreg $0xFFFFFFFF  }
0xad: {  	[dreg:$0x0] =	wrdreg $0x60  }
0xae: {  	[dreg:$0x2] =	wrdreg s24  }
0xaf: {  	[dreg:$0x3] =	wrdreg s2  }
0xb0: {  	[dreg:$0x4] =	wrdreg $0xA1800  }
0xb1: {  	[dreg:$0x5] =	wrdreg $0x9  }
0xb2: {  	_ =	task.clear_ibuf [dreg:s7], $0x6FFFF;
	_ =	strace $0x90000046  }
0xb3: {  	s29 =	simm.s32 $0x9;
	_ =	strace $0x80000048  }
0xb4: {  	_ =	swait.ge [sflag:s29], $0x1  }
0xb5: {  	[sflag:s29] =	ssyncadd.s32 $0xFFFFFFFF  }
0xb6: {  	_ =	strace $0x90000048  }
0xb7: {  	_ =	sfence  }
0xb8: {  	s30 =	sld [smem:$0x0];
	_ =	sdelay $0x2  }
0xb9: {  	s31 =	sshll.u32 s1, $0xD;
	s1 =	sshrl.u32 s1, $0x2  }
0xba: {  	s3 =	sand.u32 $0x4000, s31;
	s1 =	sadd.s32 s1, s30  }
0xbb: {  	s0 =	sor.u32 s3, s0;
	s1 =	sshll.u32 s1, $0x11  }
0xbc: {  	s0 =	sor.u32 s1, s0  }
0xbd: {  	s0 =	sadd.s32 $0x8F2B, s0  }
0xbe: {  	[sflag:s0] =	ssyncadd.remote.s32 $0x1  }
0xbf: {  	_ =	sfence.sel $0xFFFF  }
0xc0: {  	[dreg:$0x0] =	wrdreg $0xFFFFFFFF;
	(pc) =	sbr.abs _section_cstart, $3  }
0xc1: {  	[dreg:$0x1] =	wrdreg $0xFFFFFFFF  }
0xc2: {  	_ =	task.clear_ibuf [dreg:s7], $0x2FFFF;
	_ =	strace $0x9FFFFFFF  }
0xc3: {  	(tm) =	ssettm $0x7FFFFFFF  }
tec
execute0_lowered:
.L_overlay_start_1:
0x0: {  	(tag) =	ssettag $0x1  }
0x1: {  	s2 =	rddreg [dreg:$0x0]  }
0x2: {  	s1 =	rddreg [dreg:$0x1]  }
0x3: {  	s3 =	rddreg [dreg:$0x2];
	s4 =	simm.s32 $0x0;
	s10 =	stileid.u32  }
0x4: {  	s0 =	srdreg.scid;
	s28 =	simm.s32 $0x6;
	s6 =	smul.u32 $0x2800, s10  }
0x5: {  	s29 =	simm.s32 $0x2;
	s30 =	simm.s32 $0x9;
	s9 =	smul.u32 $0x50000, s10  }
0x6: {  	s5 =	sand.u32 $0x1, s0;
	s16 =	sshll.u32 s10, $0x1;
	s10 =	smul.u32 $0x4E20, s10  }
0x7: {  	s31 =	simm.s32 $0x7;
	[smem:$0x7FF] =	sst s4;
	s7 =	smul.u32 $0x28000, s5  }
0x8: {  	s0 =	sadd.s32 $0x1C00, s2;
	s8 =	sor.u32 s5, s16;
	s11 =	smul.u32 $0x2710, s5  }
0x9: {  	_ =	strace $0x80000047;
	s17 =	ssub.s32 $0x2, s5;
	s8 =	smul.u32 $0x2710, s8  }
0xa: {  	s18 =	sshrl.u32 s17, $0x1;
	s9 =	sshrl.u32 s9, $0x2;
	s6 =	sadd.s32 s6, s7  }
0xb: {  	s5 =	ssub.s32 s17, s18;
	s7 =	sadd.s32 s11, s10;
	s8 =	sshrl.u32 s8, $0x3  }
0xc: {  	s2 =	sadd.s32 s6, s2;
	s6 =	sadd.s32 s9, s3;
	s19 =	sadd.s32 s0, s8  }
0xd: {  	s24 =	sadd.s32 $0x4E980, s7;
	s20 =	sadd.s32 $0x2800, s6;
	[dreg:$0x1d] =	wrdreg s19  }
0xe: {  	s10 =	sadd.s32 $0x4E930, s7;
	s21 =	sadd.s32 $0x5000, s6;
	[dreg:$0x1e] =	wrdreg s20  }
0xf: {  	s12 =	sadd.s32 $0x4E8E0, s7;
	s22 =	sadd.s32 $0x7800, s6;
	[dreg:$0x1f] =	wrdreg s21  }
0x10: {  	s16 =	sadd.s32 $0x4E840, s7;
	s23 =	sadd.s32 $0xA000, s6;
	[smem:$0x7F9] =	sst s22  }
0x11: {  	s18 =	sadd.s32 $0x4E7F0, s7;
	s9 =	sadd.s32 $0xC800, s6;
	[smem:$0x7FA] =	sst s23  }
0x12: {  	s25 =	sadd.s32 $0xF000, s6;
	s8 =	sshrl.u32 s24, $0x3;
	[smem:$0x7FB] =	sst s9  }
0x13: {  	s26 =	sadd.s32 $0x11800, s6;
	s11 =	sshrl.u32 s10, $0x3;
	[smem:$0x7FC] =	sst s25  }
0x14: {  	s10 =	sadd.s32 $0x4E890, s7;
	s17 =	sshrl.u32 s16, $0x3;
	[smem:$0x7FD] =	sst s26  }
0x15: {  	s8 =	sadd.s32 s8, s0;
	s9 =	sshrl.u32 s12, $0x3;
	s14 =	sshrl.u32 s10, $0x3  }
0x16: {  	s19 =	sadd.s32 $0x4E7A0, s7;
	s23 =	sadd.s32 $0x4E750, s7;
	s25 =	sadd.s32 $0x4E700, s7  }
0x17: {  	s26 =	sadd.s32 $0x4E6B0, s7;
	s12 =	sadd.s32 $0x4E660, s7;
	[dreg:$0x4] =	wrdreg s8  }
0x18: {  	s8 =	sadd.s32 s11, s0;
	s13 =	sadd.s32 s9, s0;
	s15 =	sadd.s32 s14, s0  }
0x19: {  	s9 =	sshrl.u32 s18, $0x3;
	s21 =	sshrl.u32 s19, $0x3;
	s24 =	sshrl.u32 s23, $0x3  }
0x1a: {  	s10 =	sshrl.u32 s26, $0x3;
	s14 =	sadd.s32 $0x4E610, s7;
	[dreg:$0x5] =	wrdreg s8  }
0x1b: {  	s19 =	sadd.s32 $0x4E570, s7;
	s26 =	sadd.s32 $0x4E480, s7;
	[dreg:$0x6] =	wrdreg s13  }
0x1c: {  	[dreg:$0x7] =	wrdreg s15;
	s8 =	sadd.s32 s17, s0;
	s20 =	sadd.s32 s9, s0  }
0x1d: {  	s22 =	sadd.s32 s21, s0;
	s9 =	sshrl.u32 s25, $0x3;
	s11 =	sadd.s32 s10, s0  }
0x1e: {  	s13 =	sshrl.u32 s12, $0x3;
	s15 =	sadd.s32 $0x4E5C0, s7;
	[dreg:$0x8] =	wrdreg s8  }
0x1f: {  	s21 =	sadd.s32 $0x4E520, s7;
	s10 =	sshrl.u32 s26, $0x3;
	[dreg:$0x9] =	wrdreg s20  }
0x20: {  	s12 =	sadd.s32 $0x4E3E0, s7;
	[dreg:$0xa] =	wrdreg s22;
	s8 =	sadd.s32 s24, s0  }
0x21: {  	s9 =	sadd.s32 s9, s0;
	[dreg:$0xd] =	wrdreg s11;
	s17 =	sshrl.u32 s15, $0x3  }
0x22: {  	s20 =	sshrl.u32 s19, $0x3;
	s22 =	sadd.s32 $0x4E4D0, s7;
	[dreg:$0xb] =	wrdreg s8  }
0x23: {  	s11 =	sadd.s32 $0x4E430, s7;
	s19 =	sadd.s32 $0x4E2F0, s7;
	[dreg:$0xc] =	wrdreg s9  }
0x24: {  	s8 =	sadd.s32 s13, s0;
	s9 =	sshrl.u32 s14, $0x3;
	s18 =	sadd.s32 s17, s0  }
0x25: {  	s24 =	sshrl.u32 s22, $0x3;
	s14 =	sshrl.u32 s12, $0x3;
	[dreg:$0xe] =	wrdreg s8  }
0x26: {  	s16 =	sadd.s32 s9, s0;
	[dreg:$0x10] =	wrdreg s18;
	s8 =	sadd.s32 s20, s0  }
0x27: {  	s9 =	sshrl.u32 s21, $0x3;
	s25 =	sadd.s32 s24, s0;
	s15 =	sadd.s32 s14, s0  }
0x28: {  	s18 =	sadd.s32 $0x4E340, s7;
	s21 =	sshrl.u32 s19, $0x3;
	[dreg:$0xf] =	wrdreg s16  }
0x29: {  	s14 =	sadd.s32 $0x15600, s2;
	s19 =	simm.s32 $0x2780;
	[dreg:$0x11] =	wrdreg s8  }
0x2a: {  	s2 =	simm.s32 $0x4;
	s23 =	sadd.s32 s9, s0;
	[dreg:$0x13] =	wrdreg s25  }
0x2b: {  	s8 =	sadd.s32 s10, s0;
	s9 =	sshrl.u32 s11, $0x3;
	s16 =	sadd.s32 $0x4E390, s7  }
0x2c: {  	[dreg:$0x16] =	wrdreg s15;
	s22 =	sadd.s32 s21, s0;
	s25 =	sadd.s32 $0x4E250, s7  }
0x2d: {  	s15 =	smax.u32 s5, $0x1;
	s21 =	simm.s32 $0x2880;
	[dreg:$0x12] =	wrdreg s23  }
0x2e: {  	s5 =	simm.s32 $0xA;
	[dreg:$0x14] =	wrdreg s8;
	s13 =	sadd.s32 s9, s0  }
0x2f: {  	s17 =	sshrl.u32 s16, $0x3;
	s9 =	sshrl.u32 s18, $0x3;
	s23 =	sadd.s32 $0x4E2A0, s7  }
0x30: {  	[dreg:$0x19] =	wrdreg s22;
	s7 =	sadd.s32 $0x4E200, s7;
	s16 =	simm.s32 $0x2980  }
0x31: {  	s18 =	simm.s32 $0x1;
	s22 =	simm.s32 $0x50;
	[dreg:$0x15] =	wrdreg s13  }
0x32: {  	s8 =	sadd.s32 s17, s0;
	s20 =	sadd.s32 s9, s0;
	s24 =	sshrl.u32 s23, $0x3  }
0x33: {  	s9 =	sshrl.u32 s25, $0x3;
	s7 =	sshrl.u32 s7, $0x3;
	s17 =	simm.s32 $0x5  }
0x34: {  	s23 =	simm.s32 $0x5180;
	s25 =	simm.s32 $0x2900;
	[dreg:$0x17] =	wrdreg s8  }
0x35: {  	[dreg:$0x18] =	wrdreg s20;
	s8 =	sadd.s32 s24, s0;
	s26 =	sadd.s32 s9, s0  }
0x36: {  	s0 =	sadd.s32 s7, s0;
	s20 =	simm.s32 $0x2800;
	[dreg:$0x1a] =	wrdreg s8  }
0x37: {  	s24 =	simm.s32 $0x7980;
	s7 =	simm.s32 $0x0;
	[dreg:$0x1b] =	wrdreg s26  }
0x38: {  	v0 =	vimm.f32 $0.0e+00;
	[dreg:$0x1c] =	wrdreg s0;
	s26 =	simm.s32 $0x8;
	s0 =	simm.s32 $0x3  }
.LBB2_1:
0x39: {  	s8 =	rddreg [dreg:$0x1d]  }
0x3a: {  	[tilespmem:s4], [sflag:$0x5] =	stream.linear.gather [hbm4b:s8+s4], $0x2710, $0x38;
	[tilespmem:$0x1E180] =	vst v63  }
0x3b: {  	s9 =	simm.s32 $0x200;
	s8 =	simm.s32 $0x0  }
.LBB2_2:
0x3c: {  	p0 =	sne.s32 s9, $0x9E00;
	[tilespmem:s8+$0x29F0] =	vst v0  }
0x3d: {  	[tilespmem:s8+$0x2980] =	vst v0  }
0x3e: {  	[tilespmem:s8+$0x2990] =	vst v0  }
.Ltmp0:
0x3f: {  	[tilespmem:s8+$0x29A0] =	vst v0;
	(pc) =	sbr.rel @p0 .LBB2_2-.Ltmp0, $4  }
0x40: {  	[tilespmem:s8+$0x29B0] =	vst v0  }
0x41: {  	[tilespmem:s8+$0x29C0] =	vst v0  }
0x42: {  	[tilespmem:s8+$0x29D0] =	vst v0  }
0x43: {  	[tilespmem:s8+$0x29E0] =	vst v0;
	s8 =	sshra.s32 s9, $0x2;
	s9 =	sadd.s32 $0x200, s9  }
0x44: {  	[tilespmem:s8+$0x29F0] =	vst v0  }
0x45: {  	[tilespmem:s8+$0x2980] =	vst v0  }
0x46: {  	[tilespmem:s8+$0x2990] =	vst v0  }
0x47: {  	[tilespmem:s8+$0x29A0] =	vst v0  }
0x48: {  	[tilespmem:s8+$0x29B0] =	vst v0  }
0x49: {  	[tilespmem:s8+$0x29C0] =	vst v0  }
0x4a: {  	[tilespmem:s8+$0x29D0] =	vst v0  }
0x4b: {  	[tilespmem:s8+$0x29E0] =	vst v0;
	s11 =	rddreg [dreg:$0x1e]  }
0x4c: {  	[spmem:s6] =	stream.linear.scatter [tilespmem:s16], [sflag:$0x1], $0x2800, $0x38;
	[tilespmem:$0x1E180] =	vst v63  }
0x4d: {  	s12 =	rddreg [dreg:$0x1f]  }
0x4e: {  	[spmem:s11] =	stream.linear.scatter [tilespmem:s16], [sflag:$0x1], $0x2800, $0x38;
	[tilespmem:$0x1E180] =	vst v63  }
0x4f: {  	s13 =	sld [smem:$0x7F9]  }
0x50: {  	[spmem:s12] =	stream.linear.scatter [tilespmem:s16], [sflag:$0x1], $0x2800, $0x38;
	[tilespmem:$0x1E180] =	vst v63  }
0x51: {  	s9 =	sld [smem:$0x7FA]  }
0x52: {  	[spmem:s13] =	stream.linear.scatter [tilespmem:s16], [sflag:$0x1], $0x2800, $0x38;
	[tilespmem:$0x1E180] =	vst v63  }
0x53: {  	s10 =	sld [smem:$0x7FB]  }
0x54: {  	[spmem:s9] =	stream.linear.scatter [tilespmem:s16], [sflag:$0x1], $0x2800, $0x38;
	[tilespmem:$0x1E180] =	vst v63  }
0x55: {  	s11 =	sld [smem:$0x7FC]  }
0x56: {  	[spmem:s10] =	stream.linear.scatter [tilespmem:s16], [sflag:$0x1], $0x2800, $0x38;
	[tilespmem:$0x1E180] =	vst v63  }
0x57: {  	s12 =	sld [smem:$0x7FD]  }
0x58: {  	[spmem:s11] =	stream.linear.scatter [tilespmem:s16], [sflag:$0x1], $0x2800, $0x38;
	[tilespmem:$0x1E180] =	vst v63  }
0x59: {  	_ = 	snop  }
0x5a: {  	[spmem:s12] =	stream.linear.scatter [tilespmem:s16], [sflag:$0x1], $0x2800, $0x38;
	[tilespmem:$0x1E180] =	vst v63  }
0x5b: {  	_ =	swait.ge [sflag:s17], $0x2710  }
0x5c: {  	[sflag:s17] =	ssyncset.done $0x0  }
0x5d: {  	[sflag:s17] =	ssyncadd.s32 $0xFFFFD8F0  }
0x5e: {  	_ =	swait.ge [sflag:s18], $0x2800  }
0x5f: {  	[sflag:s18] =	ssyncset.done $0x0  }
0x60: {  	[sflag:s18] =	ssyncadd.s32 $0xFFFFD800  }
0x61: {  	_ =	swait.ge [sflag:s18], $0x2800  }
0x62: {  	[sflag:s18] =	ssyncset.done $0x0  }
0x63: {  	[sflag:s18] =	ssyncadd.s32 $0xFFFFD800  }
0x64: {  	_ =	swait.ge [sflag:s18], $0x2800  }
0x65: {  	[sflag:s18] =	ssyncset.done $0x0  }
0x66: {  	[sflag:s18] =	ssyncadd.s32 $0xFFFFD800  }
0x67: {  	_ =	swait.ge [sflag:s18], $0x2800  }
0x68: {  	[sflag:s18] =	ssyncset.done $0x0  }
0x69: {  	[sflag:s18] =	ssyncadd.s32 $0xFFFFD800  }
0x6a: {  	_ =	swait.ge [sflag:s18], $0x2800  }
0x6b: {  	[sflag:s18] =	ssyncset.done $0x0  }
0x6c: {  	[sflag:s18] =	ssyncadd.s32 $0xFFFFD800  }
0x6d: {  	_ =	swait.ge [sflag:s18], $0x2800  }
0x6e: {  	[sflag:s18] =	ssyncset.done $0x0  }
0x6f: {  	[sflag:s18] =	ssyncadd.s32 $0xFFFFD800  }
0x70: {  	_ =	swait.ge [sflag:s18], $0x2800  }
0x71: {  	[sflag:s18] =	ssyncset.done $0x0  }
0x72: {  	[sflag:s18] =	ssyncadd.s32 $0xFFFFD800  }
0x73: {  	_ =	swait.ge [sflag:s18], $0x2800  }
0x74: {  	[sflag:s18] =	ssyncset.done $0x0  }
0x75: {  	[sflag:s18] =	ssyncadd.s32 $0xFFFFD800  }
0x76: {  	[bflag:$0x0] =	sbarrier.arrive $0xFFFF  }
0x77: {  	s13 =	rddreg [dreg:$0x1c]  }
0x78: {  	s9 =	rddreg [dreg:$0x1b];
	s8 =	sadd.s32 $0x0, s13  }
0x79: {  	[tilespmem:s19], [sflag:$0x1] =	stream.linear.gather [hbm4b:s8+s4], $0x50, $0x38;
	[tilespmem:$0x1E180] =	vst v63  }
0x7a: {  	s10 =	rddreg [dreg:$0x1a];
	s9 =	sadd.s32 $0x0, s9  }
0x7b: {  	[tilespmem:s20], [sflag:$0x2] =	stream.linear.gather [hbm4b:s9+s4], $0x50, $0x38;
	[tilespmem:$0x1E180] =	vst v63  }
0x7c: {  	s8 =	sadd.s32 $0x0, s10  }
0x7d: {  	[tilespmem:s21], [sflag:$0x3] =	stream.linear.gather [hbm4b:s8+s4], $0x50, $0x38;
	[tilespmem:$0x1E180] =	vst v63  }
0x7e: {  	s11 =	simm.s32 $0x0  }
0x7f: {  	[tilespmem:s16], [sflag:$0x5] =	stream.indirect.gather [hbm4b:s1+s22], $0x80, s11, s22, $0xb8;
	[tilespmem:$0x1E180] =	vst v63  }
0x80: {  	s12 =	simm.s32 $0x50  }
0x81: {  	[tilespmem:s23], [sflag:$0x6] =	stream.indirect.gather [hbm4b:s1+s22], $0x80, s12, s22, $0xb8;
	[tilespmem:$0x1E180] =	vst v63  }
0x82: {  	s13 =	rddreg [dreg:$0x19];
	s10 =	simm.s32 $0xA0  }
0x83: {  	[tilespmem:s24], [sflag:$0x7] =	stream.indirect.gather [hbm4b:s1+s22], $0x80, s10, s22, $0xb8;
	[tilespmem:$0x1E180] =	vst v63  }
0x84: {  	s11 =	sadd.s32 $0x0, s13  }
0x85: {  	[tilespmem:s25], [sflag:$0x4] =	stream.linear.gather [hbm4b:s11+s4], $0x50, $0x38;
	[tilespmem:$0x1E180] =	vst v63  }
0x86: {  	_ =	swait.ge [sflag:s17], $0x2800  }
0x87: {  	[sflag:s17] =	ssyncset.done $0x0  }
0x88: {  	[sflag:s17] =	ssyncadd.s32 $0xFFFFD800  }
0x89: {  	_ =	swait.ge [sflag:s18], $0x50  }
0x8a: {  	[sflag:s18] =	ssyncset.done $0x0  }
0x8b: {  	[sflag:s18] =	ssyncadd.s32 $0xFFFFFFB0  }
0x8c: {  	[spmem:s3] =	stream.indirect.scatter.add.f32 [tilespmem:s16], [sflag:$0x8], $0x80, s19, s22, $0xb8;
	[tilespmem:$0x1E180] =	vst v63  }
0x8d: {  	_ =	swait.ge [sflag:s26], $0x2800  }
0x8e: {  	[sflag:s26] =	ssyncset.done $0x0  }
0x8f: {  	s13 =	simm.s32 $0xF0;
	s12 =	rddreg [dreg:$0x18];
	[sflag:s26] =	ssyncadd.s32 $0xFFFFD800  }
0x90: {  	[tilespmem:s16], [sflag:$0x5] =	stream.indirect.gather [hbm4b:s1+s22], $0x80, s13, s22, $0xb8;
	[tilespmem:$0x1E180] =	vst v63  }
0x91: {  	s8 =	sadd.s32 $0x0, s12  }
0x92: {  	[tilespmem:s19], [sflag:$0x1] =	stream.linear.gather [hbm4b:s8+s4], $0x50, $0x38;
	[tilespmem:$0x1E180] =	vst v63  }
0x93: {  	_ =	swait.ge [sflag:s28], $0x2800  }
0x94: {  	[sflag:s28] =	ssyncset.done $0x0  }
0x95: {  	[sflag:s28] =	ssyncadd.s32 $0xFFFFD800  }
0x96: {  	_ =	swait.ge [sflag:s29], $0x50  }
0x97: {  	[sflag:s29] =	ssyncset.done $0x0  }
0x98: {  	[sflag:s29] =	ssyncadd.s32 $0xFFFFFFB0  }
0x99: {  	[spmem:s3] =	stream.indirect.scatter.add.f32 [tilespmem:s23], [sflag:$0x9], $0x80, s20, s22, $0xb8;
	[tilespmem:$0x1E180] =	vst v63  }
0x9a: {  	_ =	swait.ge [sflag:s30], $0x2800  }
0x9b: {  	[sflag:s30] =	ssyncset.done $0x0  }
0x9c: {  	s11 =	simm.s32 $0x140;
	s10 =	rddreg [dreg:$0x17];
	[sflag:s30] =	ssyncadd.s32 $0xFFFFD800  }
0x9d: {  	[tilespmem:s23], [sflag:$0x6] =	stream.indirect.gather [hbm4b:s1+s22], $0x80, s11, s22, $0xb8;
	[tilespmem:$0x1E180] =	vst v63  }
0x9e: {  	s8 =	sadd.s32 $0x0, s10  }
0x9f: {  	[tilespmem:s20], [sflag:$0x2] =	stream.linear.gather [hbm4b:s8+s4], $0x50, $0x38;
	[tilespmem:$0x1E180] =	vst v63  }
0xa0: {  	_ =	swait.ge [sflag:s31], $0x2800  }
0xa1: {  	[sflag:s31] =	ssyncset.done $0x0  }
0xa2: {  	[sflag:s31] =	ssyncadd.s32 $0xFFFFD800  }
0xa3: {  	_ =	swait.ge [sflag:s0], $0x50  }
0xa4: {  	[sflag:s0] =	ssyncset.done $0x0  }
0xa5: {  	[sflag:s0] =	ssyncadd.s32 $0xFFFFFFB0  }
0xa6: {  	[spmem:s3] =	stream.indirect.scatter.add.f32 [tilespmem:s24], [sflag:$0x8], $0x80, s21, s22, $0xb8;
	[tilespmem:$0x1E180] =	vst v63  }
0xa7: {  	_ =	swait.ge [sflag:s26], $0x2800  }
0xa8: {  	[sflag:s26] =	ssyncset.done $0x0  }
0xa9: {  	s13 =	simm.s32 $0x190;
	s12 =	rddreg [dreg:$0x16];
	[sflag:s26] =	ssyncadd.s32 $0xFFFFD800  }
0xaa: {  	[tilespmem:s24], [sflag:$0x7] =	stream.indirect.gather [hbm4b:s1+s22], $0x80, s13, s22, $0xb8;
	[tilespmem:$0x1E180] =	vst v63  }
0xab: {  	s8 =	sadd.s32 $0x0, s12  }
0xac: {  	[tilespmem:s21], [sflag:$0x3] =	stream.linear.gather [hbm4b:s8+s4], $0x50, $0x38;
	[tilespmem:$0x1E180] =	vst v63  }
0xad: {  	_ =	swait.ge [sflag:s17], $0x2800  }
0xae: {  	[sflag:s17] =	ssyncset.done $0x0  }
0xaf: {  	[sflag:s17] =	ssyncadd.s32 $0xFFFFD800  }
0xb0: {  	_ =	swait.ge [sflag:s2], $0x50  }
0xb1: {  	[sflag:s2] =	ssyncset.done $0x0  }
0xb2: {  	[sflag:s2] =	ssyncadd.s32 $0xFFFFFFB0  }
0xb3: {  	[spmem:s3] =	stream.indirect.scatter.add.f32 [tilespmem:s16], [sflag:$0x9], $0x80, s25, s22, $0xb8;
	[tilespmem:$0x1E180] =	vst v63  }
0xb4: {  	_ =	swait.ge [sflag:s30], $0x2800  }
0xb5: {  	[sflag:s30] =	ssyncset.done $0x0  }
0xb6: {  	s11 =	simm.s32 $0x1E0;
	s10 =	rddreg [dreg:$0x15];
	[sflag:s30] =	ssyncadd.s32 $0xFFFFD800  }
0xb7: {  	[tilespmem:s16], [sflag:$0x5] =	stream.indirect.gather [hbm4b:s1+s22], $0x80, s11, s22, $0xb8;
	[tilespmem:$0x1E180] =	vst v63  }
0xb8: {  	s8 =	sadd.s32 $0x0, s10  }
0xb9: {  	[tilespmem:s25], [sflag:$0x4] =	stream.linear.gather [hbm4b:s8+s4], $0x50, $0x38;
	[tilespmem:$0x1E180] =	vst v63  }
0xba: {  	_ =	swait.ge [sflag:s28], $0x2800  }
0xbb: {  	[sflag:s28] =	ssyncset.done $0x0  }
0xbc: {  	[sflag:s28] =	ssyncadd.s32 $0xFFFFD800  }
0xbd: {  	_ =	swait.ge [sflag:s18], $0x50  }
0xbe: {  	[sflag:s18] =	ssyncset.done $0x0  }
0xbf: {  	[sflag:s18] =	ssyncadd.s32 $0xFFFFFFB0  }
0xc0: {  	[spmem:s3] =	stream.indirect.scatter.add.f32 [tilespmem:s23], [sflag:$0x8], $0x80, s19, s22, $0xb8;
	[tilespmem:$0x1E180] =	vst v63  }
0xc1: {  	_ =	swait.ge [sflag:s26], $0x2800  }
0xc2: {  	[sflag:s26] =	ssyncset.done $0x0  }
0xc3: {  	s13 =	simm.s32 $0x230;
	s12 =	rddreg [dreg:$0x14];
	[sflag:s26] =	ssyncadd.s32 $0xFFFFD800  }
0xc4: {  	[tilespmem:s23], [sflag:$0x6] =	stream.indirect.gather [hbm4b:s1+s22], $0x80, s13, s22, $0xb8;
	[tilespmem:$0x1E180] =	vst v63  }
0xc5: {  	s8 =	sadd.s32 $0x0, s12  }
0xc6: {  	[tilespmem:s19], [sflag:$0x1] =	stream.linear.gather [hbm4b:s8+s4], $0x50, $0x38;
	[tilespmem:$0x1E180] =	vst v63  }
0xc7: {  	_ =	swait.ge [sflag:s31], $0x2800  }
0xc8: {  	[sflag:s31] =	ssyncset.done $0x0  }
0xc9: {  	[sflag:s31] =	ssyncadd.s32 $0xFFFFD800  }
0xca: {  	_ =	swait.ge [sflag:s29], $0x50  }
0xcb: {  	[sflag:s29] =	ssyncset.done $0x0  }
0xcc: {  	[sflag:s29] =	ssyncadd.s32 $0xFFFFFFB0  }
0xcd: {  	[spmem:s3] =	stream.indirect.scatter.add.f32 [tilespmem:s24], [sflag:$0x9], $0x80, s20, s22, $0xb8;
	[tilespmem:$0x1E180] =	vst v63  }
0xce: {  	_ =	swait.ge [sflag:s30], $0x2800  }
0xcf: {  	[sflag:s30] =	ssyncset.done $0x0  }
0xd0: {  	s11 =	simm.s32 $0x280;
	s10 =	rddreg [dreg:$0x13];
	[sflag:s30] =	ssyncadd.s32 $0xFFFFD800  }
0xd1: {  	[tilespmem:s24], [sflag:$0x7] =	stream.indirect.gather [hbm4b:s1+s22], $0x80, s11, s22, $0xb8;
	[tilespmem:$0x1E180] =	vst v63  }
0xd2: {  	s8 =	sadd.s32 $0x0, s10  }
0xd3: {  	[tilespmem:s20], [sflag:$0x2] =	stream.linear.gather [hbm4b:s8+s4], $0x50, $0x38;
	[tilespmem:$0x1E180] =	vst v63  }
0xd4: {  	_ =	swait.ge [sflag:s17], $0x2800  }
0xd5: {  	[sflag:s17] =	ssyncset.done $0x0  }
0xd6: {  	[sflag:s17] =	ssyncadd.s32 $0xFFFFD800  }
0xd7: {  	_ =	swait.ge [sflag:s0], $0x50  }
0xd8: {  	[sflag:s0] =	ssyncset.done $0x0  }
0xd9: {  	[sflag:s0] =	ssyncadd.s32 $0xFFFFFFB0  }
0xda: {  	[spmem:s3] =	stream.indirect.scatter.add.f32 [tilespmem:s16], [sflag:$0x8], $0x80, s21, s22, $0xb8;
	[tilespmem:$0x1E180] =	vst v63  }
0xdb: {  	_ =	swait.ge [sflag:s26], $0x2800  }
0xdc: {  	[sflag:s26] =	ssyncset.done $0x0  }
0xdd: {  	s13 =	simm.s32 $0x2D0;
	s12 =	rddreg [dreg:$0x12];
	[sflag:s26] =	ssyncadd.s32 $0xFFFFD800  }
0xde: {  	[tilespmem:s16], [sflag:$0x5] =	stream.indirect.gather [hbm4b:s1+s22], $0x80, s13, s22, $0xb8;
	[tilespmem:$0x1E180] =	vst v63  }
0xdf: {  	s8 =	sadd.s32 $0x0, s12  }
0xe0: {  	[tilespmem:s21], [sflag:$0x3] =	stream.linear.gather [hbm4b:s8+s4], $0x50, $0x38;
	[tilespmem:$0x1E180] =	vst v63  }
0xe1: {  	_ =	swait.ge [sflag:s28], $0x2800  }
0xe2: {  	[sflag:s28] =	ssyncset.done $0x0  }
0xe3: {  	[sflag:s28] =	ssyncadd.s32 $0xFFFFD800  }
0xe4: {  	_ =	swait.ge [sflag:s2], $0x50  }
0xe5: {  	[sflag:s2] =	ssyncset.done $0x0  }
0xe6: {  	[sflag:s2] =	ssyncadd.s32 $0xFFFFFFB0  }
0xe7: {  	[spmem:s3] =	stream.indirect.scatter.add.f32 [tilespmem:s23], [sflag:$0x9], $0x80, s25, s22, $0xb8;
	[tilespmem:$0x1E180] =	vst v63  }
0xe8: {  	_ =	swait.ge [sflag:s30], $0x2800  }
0xe9: {  	[sflag:s30] =	ssyncset.done $0x0  }
0xea: {  	s11 =	simm.s32 $0x320;
	s10 =	rddreg [dreg:$0x11];
	[sflag:s30] =	ssyncadd.s32 $0xFFFFD800  }
0xeb: {  	[tilespmem:s23], [sflag:$0x6] =	stream.indirect.gather [hbm4b:s1+s22], $0x80, s11, s22, $0xb8;
	[tilespmem:$0x1E180] =	vst v63  }
0xec: {  	s8 =	sadd.s32 $0x0, s10  }
0xed: {  	[tilespmem:s25], [sflag:$0x4] =	stream.linear.gather [hbm4b:s8+s4], $0x50, $0x38;
	[tilespmem:$0x1E180] =	vst v63  }
0xee: {  	_ =	swait.ge [sflag:s31], $0x2800  }
0xef: {  	[sflag:s31] =	ssyncset.done $0x0  }
0xf0: {  	[sflag:s31] =	ssyncadd.s32 $0xFFFFD800  }
0xf1: {  	_ =	swait.ge [sflag:s18], $0x50  }
0xf2: {  	[sflag:s18] =	ssyncset.done $0x0  }
0xf3: {  	[sflag:s18] =	ssyncadd.s32 $0xFFFFFFB0  }
0xf4: {  	[spmem:s3] =	stream.indirect.scatter.add.f32 [tilespmem:s24], [sflag:$0x8], $0x80, s19, s22, $0xb8;
	[tilespmem:$0x1E180] =	vst v63  }
0xf5: {  	_ =	swait.ge [sflag:s26], $0x2800  }
0xf6: {  	[sflag:s26] =	ssyncset.done $0x0  }
0xf7: {  	s13 =	simm.s32 $0x370;
	s12 =	rddreg [dreg:$0x10];
	[sflag:s26] =	ssyncadd.s32 $0xFFFFD800  }
0xf8: {  	[tilespmem:s24], [sflag:$0x7] =	stream.indirect.gather [hbm4b:s1+s22], $0x80, s13, s22, $0xb8;
	[tilespmem:$0x1E180] =	vst v63  }
0xf9: {  	s8 =	sadd.s32 $0x0, s12  }
0xfa: {  	[tilespmem:s19], [sflag:$0x1] =	stream.linear.gather [hbm4b:s8+s4], $0x50, $0x38;
	[tilespmem:$0x1E180] =	vst v63  }
0xfb: {  	_ =	swait.ge [sflag:s17], $0x2800  }
0xfc: {  	[sflag:s17] =	ssyncset.done $0x0  }
0xfd: {  	[sflag:s17] =	ssyncadd.s32 $0xFFFFD800  }
0xfe: {  	_ =	swait.ge [sflag:s29], $0x50  }
0xff: {  	[sflag:s29] =	ssyncset.done $0x0  }
0x100: {  	[sflag:s29] =	ssyncadd.s32 $0xFFFFFFB0  }
0x101: {  	[spmem:s3] =	stream.indirect.scatter.add.f32 [tilespmem:s16], [sflag:$0x9], $0x80, s20, s22, $0xb8;
	[tilespmem:$0x1E180] =	vst v63  }
0x102: {  	_ =	swait.ge [sflag:s30], $0x2800  }
0x103: {  	[sflag:s30] =	ssyncset.done $0x0  }
0x104: {  	s11 =	simm.s32 $0x3C0;
	s10 =	rddreg [dreg:$0xf];
	[sflag:s30] =	ssyncadd.s32 $0xFFFFD800  }
0x105: {  	[tilespmem:s16], [sflag:$0x5] =	stream.indirect.gather [hbm4b:s1+s22], $0x80, s11, s22, $0xb8;
	[tilespmem:$0x1E180] =	vst v63  }
0x106: {  	s8 =	sadd.s32 $0x0, s10  }
0x107: {  	[tilespmem:s20], [sflag:$0x2] =	stream.linear.gather [hbm4b:s8+s4], $0x50, $0x38;
	[tilespmem:$0x1E180] =	vst v63  }
0x108: {  	_ =	swait.ge [sflag:s28], $0x2800  }
0x109: {  	[sflag:s28] =	ssyncset.done $0x0  }
0x10a: {  	[sflag:s28] =	ssyncadd.s32 $0xFFFFD800  }
0x10b: {  	_ =	swait.ge [sflag:s0], $0x50  }
0x10c: {  	[sflag:s0] =	ssyncset.done $0x0  }
0x10d: {  	[sflag:s0] =	ssyncadd.s32 $0xFFFFFFB0  }
0x10e: {  	[spmem:s3] =	stream.indirect.scatter.add.f32 [tilespmem:s23], [sflag:$0x8], $0x80, s21, s22, $0xb8;
	[tilespmem:$0x1E180] =	vst v63  }
0x10f: {  	_ =	swait.ge [sflag:s26], $0x2800  }
0x110: {  	[sflag:s26] =	ssyncset.done $0x0  }
0x111: {  	s13 =	simm.s32 $0x410;
	s12 =	rddreg [dreg:$0xe];
	[sflag:s26] =	ssyncadd.s32 $0xFFFFD800  }
0x112: {  	[tilespmem:s23], [sflag:$0x6] =	stream.indirect.gather [hbm4b:s1+s22], $0x80, s13, s22, $0xb8;
	[tilespmem:$0x1E180] =	vst v63  }
0x113: {  	s8 =	sadd.s32 $0x0, s12  }
0x114: {  	[tilespmem:s21], [sflag:$0x3] =	stream.linear.gather [hbm4b:s8+s4], $0x50, $0x38;
	[tilespmem:$0x1E180] =	vst v63  }
0x115: {  	_ =	swait.ge [sflag:s31], $0x2800  }
0x116: {  	[sflag:s31] =	ssyncset.done $0x0  }
0x117: {  	[sflag:s31] =	ssyncadd.s32 $0xFFFFD800  }
0x118: {  	_ =	swait.ge [sflag:s2], $0x50  }
0x119: {  	[sflag:s2] =	ssyncset.done $0x0  }
0x11a: {  	[sflag:s2] =	ssyncadd.s32 $0xFFFFFFB0  }
0x11b: {  	[spmem:s3] =	stream.indirect.scatter.add.f32 [tilespmem:s24], [sflag:$0x9], $0x80, s25, s22, $0xb8;
	[tilespmem:$0x1E180] =	vst v63  }
0x11c: {  	_ =	swait.ge [sflag:s30], $0x2800  }
0x11d: {  	[sflag:s30] =	ssyncset.done $0x0  }
0x11e: {  	s11 =	simm.s32 $0x460;
	s10 =	rddreg [dreg:$0xd];
	[sflag:s30] =	ssyncadd.s32 $0xFFFFD800  }
0x11f: {  	[tilespmem:s24], [sflag:$0x7] =	stream.indirect.gather [hbm4b:s1+s22], $0x80, s11, s22, $0xb8;
	[tilespmem:$0x1E180] =	vst v63  }
0x120: {  	s8 =	sadd.s32 $0x0, s10  }
0x121: {  	[tilespmem:s25], [sflag:$0x4] =	stream.linear.gather [hbm4b:s8+s4], $0x50, $0x38;
	[tilespmem:$0x1E180] =	vst v63  }
0x122: {  	_ =	swait.ge [sflag:s17], $0x2800  }
0x123: {  	[sflag:s17] =	ssyncset.done $0x0  }
0x124: {  	[sflag:s17] =	ssyncadd.s32 $0xFFFFD800  }
0x125: {  	_ =	swait.ge [sflag:s18], $0x50  }
0x126: {  	[sflag:s18] =	ssyncset.done $0x0  }
0x127: {  	[sflag:s18] =	ssyncadd.s32 $0xFFFFFFB0  }
0x128: {  	[spmem:s3] =	stream.indirect.scatter.add.f32 [tilespmem:s16], [sflag:$0x8], $0x80, s19, s22, $0xb8;
	[tilespmem:$0x1E180] =	vst v63  }
0x129: {  	_ =	swait.ge [sflag:s26], $0x2800  }
0x12a: {  	[sflag:s26] =	ssyncset.done $0x0  }
0x12b: {  	s13 =	simm.s32 $0x4B0;
	s12 =	rddreg [dreg:$0xc];
	[sflag:s26] =	ssyncadd.s32 $0xFFFFD800  }
0x12c: {  	[tilespmem:s16], [sflag:$0x5] =	stream.indirect.gather [hbm4b:s1+s22], $0x80, s13, s22, $0xb8;
	[tilespmem:$0x1E180] =	vst v63  }
0x12d: {  	s8 =	sadd.s32 $0x0, s12  }
0x12e: {  	[tilespmem:s19], [sflag:$0x1] =	stream.linear.gather [hbm4b:s8+s4], $0x50, $0x38;
	[tilespmem:$0x1E180] =	vst v63  }
0x12f: {  	_ =	swait.ge [sflag:s28], $0x2800  }
0x130: {  	[sflag:s28] =	ssyncset.done $0x0  }
0x131: {  	[sflag:s28] =	ssyncadd.s32 $0xFFFFD800  }
0x132: {  	_ =	swait.ge [sflag:s29], $0x50  }
0x133: {  	[sflag:s29] =	ssyncset.done $0x0  }
0x134: {  	[sflag:s29] =	ssyncadd.s32 $0xFFFFFFB0  }
0x135: {  	[spmem:s3] =	stream.indirect.scatter.add.f32 [tilespmem:s23], [sflag:$0x9], $0x80, s20, s22, $0xb8;
	[tilespmem:$0x1E180] =	vst v63  }
0x136: {  	_ =	swait.ge [sflag:s30], $0x2800  }
0x137: {  	[sflag:s30] =	ssyncset.done $0x0  }
0x138: {  	s11 =	simm.s32 $0x500;
	s10 =	rddreg [dreg:$0xb];
	[sflag:s30] =	ssyncadd.s32 $0xFFFFD800  }
0x139: {  	[tilespmem:s23], [sflag:$0x6] =	stream.indirect.gather [hbm4b:s1+s22], $0x80, s11, s22, $0xb8;
	[tilespmem:$0x1E180] =	vst v63  }
0x13a: {  	s8 =	sadd.s32 $0x0, s10  }
0x13b: {  	[tilespmem:s20], [sflag:$0x2] =	stream.linear.gather [hbm4b:s8+s4], $0x50, $0x38;
	[tilespmem:$0x1E180] =	vst v63  }
0x13c: {  	_ =	swait.ge [sflag:s31], $0x2800  }
0x13d: {  	[sflag:s31] =	ssyncset.done $0x0  }
0x13e: {  	[sflag:s31] =	ssyncadd.s32 $0xFFFFD800  }
0x13f: {  	_ =	swait.ge [sflag:s0], $0x50  }
0x140: {  	[sflag:s0] =	ssyncset.done $0x0  }
0x141: {  	[sflag:s0] =	ssyncadd.s32 $0xFFFFFFB0  }
0x142: {  	[spmem:s3] =	stream.indirect.scatter.add.f32 [tilespmem:s24], [sflag:$0x8], $0x80, s21, s22, $0xb8;
	[tilespmem:$0x1E180] =	vst v63  }
0x143: {  	_ =	swait.ge [sflag:s26], $0x2800  }
0x144: {  	[sflag:s26] =	ssyncset.done $0x0  }
0x145: {  	s13 =	simm.s32 $0x550;
	s12 =	rddreg [dreg:$0xa];
	[sflag:s26] =	ssyncadd.s32 $0xFFFFD800  }
0x146: {  	[tilespmem:s24], [sflag:$0x7] =	stream.indirect.gather [hbm4b:s1+s22], $0x80, s13, s22, $0xb8;
	[tilespmem:$0x1E180] =	vst v63  }
0x147: {  	s8 =	sadd.s32 $0x0, s12  }
0x148: {  	[tilespmem:s21], [sflag:$0x3] =	stream.linear.gather [hbm4b:s8+s4], $0x50, $0x38;
	[tilespmem:$0x1E180] =	vst v63  }
0x149: {  	_ =	swait.ge [sflag:s17], $0x2800  }
0x14a: {  	[sflag:s17] =	ssyncset.done $0x0  }
0x14b: {  	[sflag:s17] =	ssyncadd.s32 $0xFFFFD800  }
0x14c: {  	_ =	swait.ge [sflag:s2], $0x50  }
0x14d: {  	[sflag:s2] =	ssyncset.done $0x0  }
0x14e: {  	[sflag:s2] =	ssyncadd.s32 $0xFFFFFFB0  }
0x14f: {  	[spmem:s3] =	stream.indirect.scatter.add.f32 [tilespmem:s16], [sflag:$0x9], $0x80, s25, s22, $0xb8;
	[tilespmem:$0x1E180] =	vst v63  }
0x150: {  	_ =	swait.ge [sflag:s30], $0x2800  }
0x151: {  	[sflag:s30] =	ssyncset.done $0x0  }
0x152: {  	s11 =	simm.s32 $0x5A0;
	s10 =	rddreg [dreg:$0x9];
	[sflag:s30] =	ssyncadd.s32 $0xFFFFD800  }
0x153: {  	[tilespmem:s16], [sflag:$0x5] =	stream.indirect.gather [hbm4b:s1+s22], $0x80, s11, s22, $0xb8;
	[tilespmem:$0x1E180] =	vst v63  }
0x154: {  	s8 =	sadd.s32 $0x0, s10  }
0x155: {  	[tilespmem:s25], [sflag:$0x4] =	stream.linear.gather [hbm4b:s8+s4], $0x50, $0x38;
	[tilespmem:$0x1E180] =	vst v63  }
0x156: {  	_ =	swait.ge [sflag:s28], $0x2800  }
0x157: {  	[sflag:s28] =	ssyncset.done $0x0  }
0x158: {  	[sflag:s28] =	ssyncadd.s32 $0xFFFFD800  }
0x159: {  	_ =	swait.ge [sflag:s18], $0x50  }
0x15a: {  	[sflag:s18] =	ssyncset.done $0x0  }
0x15b: {  	[sflag:s18] =	ssyncadd.s32 $0xFFFFFFB0  }
0x15c: {  	[spmem:s3] =	stream.indirect.scatter.add.f32 [tilespmem:s23], [sflag:$0x8], $0x80, s19, s22, $0xb8;
	[tilespmem:$0x1E180] =	vst v63  }
0x15d: {  	_ =	swait.ge [sflag:s26], $0x2800  }
0x15e: {  	[sflag:s26] =	ssyncset.done $0x0  }
0x15f: {  	s13 =	simm.s32 $0x5F0;
	s12 =	rddreg [dreg:$0x8];
	[sflag:s26] =	ssyncadd.s32 $0xFFFFD800  }
0x160: {  	[tilespmem:s23], [sflag:$0x6] =	stream.indirect.gather [hbm4b:s1+s22], $0x80, s13, s22, $0xb8;
	[tilespmem:$0x1E180] =	vst v63  }
0x161: {  	s8 =	sadd.s32 $0x0, s12  }
0x162: {  	[tilespmem:s19], [sflag:$0x1] =	stream.linear.gather [hbm4b:s8+s4], $0x50, $0x38;
	[tilespmem:$0x1E180] =	vst v63  }
0x163: {  	_ =	swait.ge [sflag:s31], $0x2800  }
0x164: {  	[sflag:s31] =	ssyncset.done $0x0  }
0x165: {  	[sflag:s31] =	ssyncadd.s32 $0xFFFFD800  }
0x166: {  	_ =	swait.ge [sflag:s29], $0x50  }
0x167: {  	[sflag:s29] =	ssyncset.done $0x0  }
0x168: {  	[sflag:s29] =	ssyncadd.s32 $0xFFFFFFB0  }
0x169: {  	[spmem:s3] =	stream.indirect.scatter.add.f32 [tilespmem:s24], [sflag:$0x9], $0x80, s20, s22, $0xb8;
	[tilespmem:$0x1E180] =	vst v63  }
0x16a: {  	_ =	swait.ge [sflag:s30], $0x2800  }
0x16b: {  	[sflag:s30] =	ssyncset.done $0x0  }
0x16c: {  	s11 =	simm.s32 $0x640;
	s10 =	rddreg [dreg:$0x7];
	[sflag:s30] =	ssyncadd.s32 $0xFFFFD800  }
0x16d: {  	[tilespmem:s24], [sflag:$0x7] =	stream.indirect.gather [hbm4b:s1+s22], $0x80, s11, s22, $0xb8;
	[tilespmem:$0x1E180] =	vst v63  }
0x16e: {  	s8 =	sadd.s32 $0x0, s10  }
0x16f: {  	[tilespmem:s20], [sflag:$0x2] =	stream.linear.gather [hbm4b:s8+s4], $0x50, $0x38;
	[tilespmem:$0x1E180] =	vst v63  }
0x170: {  	_ =	swait.ge [sflag:s17], $0x2800  }
0x171: {  	[sflag:s17] =	ssyncset.done $0x0  }
0x172: {  	[sflag:s17] =	ssyncadd.s32 $0xFFFFD800  }
0x173: {  	_ =	swait.ge [sflag:s0], $0x50  }
0x174: {  	[sflag:s0] =	ssyncset.done $0x0  }
0x175: {  	[sflag:s0] =	ssyncadd.s32 $0xFFFFFFB0  }
0x176: {  	[spmem:s3] =	stream.indirect.scatter.add.f32 [tilespmem:s16], [sflag:$0x8], $0x80, s21, s22, $0xb8;
	[tilespmem:$0x1E180] =	vst v63  }
0x177: {  	_ =	swait.ge [sflag:s26], $0x2800  }
0x178: {  	[sflag:s26] =	ssyncset.done $0x0  }
0x179: {  	s13 =	simm.s32 $0x690;
	s12 =	rddreg [dreg:$0x6];
	[sflag:s26] =	ssyncadd.s32 $0xFFFFD800  }
0x17a: {  	[tilespmem:s16], [sflag:$0x5] =	stream.indirect.gather [hbm4b:s1+s22], $0x80, s13, s22, $0xb8;
	[tilespmem:$0x1E180] =	vst v63  }
0x17b: {  	s8 =	sadd.s32 $0x0, s12  }
0x17c: {  	[tilespmem:s21], [sflag:$0x3] =	stream.linear.gather [hbm4b:s8+s4], $0x50, $0x38;
	[tilespmem:$0x1E180] =	vst v63  }
0x17d: {  	_ =	swait.ge [sflag:s28], $0x2800  }
0x17e: {  	[sflag:s28] =	ssyncset.done $0x0  }
0x17f: {  	[sflag:s28] =	ssyncadd.s32 $0xFFFFD800  }
0x180: {  	_ =	swait.ge [sflag:s2], $0x50  }
0x181: {  	[sflag:s2] =	ssyncset.done $0x0  }
0x182: {  	[sflag:s2] =	ssyncadd.s32 $0xFFFFFFB0  }
0x183: {  	[spmem:s3] =	stream.indirect.scatter.add.f32 [tilespmem:s23], [sflag:$0x9], $0x80, s25, s22, $0xb8;
	[tilespmem:$0x1E180] =	vst v63  }
0x184: {  	_ =	swait.ge [sflag:s30], $0x2800  }
0x185: {  	[sflag:s30] =	ssyncset.done $0x0  }
0x186: {  	s11 =	simm.s32 $0x6E0;
	s10 =	rddreg [dreg:$0x5];
	[sflag:s30] =	ssyncadd.s32 $0xFFFFD800  }
0x187: {  	[tilespmem:s23], [sflag:$0x6] =	stream.indirect.gather [hbm4b:s1+s22], $0x80, s11, s22, $0xb8;
	[tilespmem:$0x1E180] =	vst v63  }
0x188: {  	s8 =	sadd.s32 $0x0, s10  }
0x189: {  	[tilespmem:s25], [sflag:$0x4] =	stream.linear.gather [hbm4b:s8+s4], $0x50, $0x38;
	[tilespmem:$0x1E180] =	vst v63  }
0x18a: {  	_ =	swait.ge [sflag:s31], $0x2800  }
0x18b: {  	[sflag:s31] =	ssyncset.done $0x0  }
0x18c: {  	[sflag:s31] =	ssyncadd.s32 $0xFFFFD800  }
0x18d: {  	_ =	swait.ge [sflag:s18], $0x50  }
0x18e: {  	[sflag:s18] =	ssyncset.done $0x0  }
0x18f: {  	[sflag:s18] =	ssyncadd.s32 $0xFFFFFFB0  }
0x190: {  	[spmem:s3] =	stream.indirect.scatter.add.f32 [tilespmem:s24], [sflag:$0x8], $0x80, s19, s22, $0xb8;
	[tilespmem:$0x1E180] =	vst v63  }
0x191: {  	_ =	swait.ge [sflag:s26], $0x2800  }
0x192: {  	[sflag:s26] =	ssyncset.done $0x0  }
0x193: {  	s13 =	simm.s32 $0x730;
	s12 =	rddreg [dreg:$0x4];
	[sflag:s26] =	ssyncadd.s32 $0xFFFFD800  }
0x194: {  	[tilespmem:s24], [sflag:$0x7] =	stream.indirect.gather [hbm4b:s1+s22], $0x80, s13, s22, $0xb8;
	[tilespmem:$0x1E180] =	vst v63  }
0x195: {  	s8 =	sadd.s32 $0x0, s12  }
0x196: {  	[tilespmem:s19], [sflag:$0x1] =	stream.linear.gather [hbm4b:s8+s4], $0x50, $0x38;
	[tilespmem:$0x1E180] =	vst v63  }
0x197: {  	_ =	swait.ge [sflag:s17], $0x2800  }
0x198: {  	[sflag:s17] =	ssyncset.done $0x0  }
0x199: {  	[sflag:s17] =	ssyncadd.s32 $0xFFFFD800  }
0x19a: {  	_ =	swait.ge [sflag:s29], $0x50  }
0x19b: {  	[sflag:s29] =	ssyncset.done $0x0  }
0x19c: {  	[sflag:s29] =	ssyncadd.s32 $0xFFFFFFB0  }
0x19d: {  	[spmem:s3] =	stream.indirect.scatter.add.f32 [tilespmem:s16], [sflag:$0x9], $0x80, s20, s22, $0xb8;
	[tilespmem:$0x1E180] =	vst v63  }
0x19e: {  	_ =	swait.ge [sflag:s30], $0x2800  }
0x19f: {  	[sflag:s30] =	ssyncset.done $0x0  }
0x1a0: {  	s8 =	simm.s32 $0x780;
	[sflag:s30] =	ssyncadd.s32 $0xFFFFD800  }
0x1a1: {  	[tilespmem:s16], [sflag:$0x5] =	stream.indirect.gather [hbm4b:s1+s22], $0x80, s8, s22, $0xb8;
	[tilespmem:$0x1E180] =	vst v63  }
0x1a2: {  	_ =	swait.ge [sflag:s28], $0x2800  }
0x1a3: {  	[sflag:s28] =	ssyncset.done $0x0  }
0x1a4: {  	[sflag:s28] =	ssyncadd.s32 $0xFFFFD800  }
0x1a5: {  	_ =	swait.ge [sflag:s0], $0x50  }
0x1a6: {  	[sflag:s0] =	ssyncset.done $0x0  }
0x1a7: {  	[sflag:s0] =	ssyncadd.s32 $0xFFFFFFB0  }
0x1a8: {  	[spmem:s3] =	stream.indirect.scatter.add.f32 [tilespmem:s23], [sflag:$0x8], $0x80, s21, s22, $0xb8;
	[tilespmem:$0x1E180] =	vst v63  }
0x1a9: {  	_ =	swait.ge [sflag:s31], $0x2800  }
0x1aa: {  	[sflag:s31] =	ssyncset.done $0x0  }
0x1ab: {  	[sflag:s31] =	ssyncadd.s32 $0xFFFFD800  }
0x1ac: {  	_ =	swait.ge [sflag:s2], $0x50  }
0x1ad: {  	[sflag:s2] =	ssyncset.done $0x0  }
0x1ae: {  	[sflag:s2] =	ssyncadd.s32 $0xFFFFFFB0  }
0x1af: {  	[spmem:s3] =	stream.indirect.scatter.add.f32 [tilespmem:s24], [sflag:$0x9], $0x80, s25, s22, $0xb8;
	[tilespmem:$0x1E180] =	vst v63  }
0x1b0: {  	_ =	swait.ge [sflag:s17], $0x2800  }
0x1b1: {  	[sflag:s17] =	ssyncset.done $0x0  }
0x1b2: {  	[sflag:s17] =	ssyncadd.s32 $0xFFFFD800  }
0x1b3: {  	_ =	swait.ge [sflag:s18], $0x50  }
0x1b4: {  	[sflag:s18] =	ssyncset.done $0x0  }
0x1b5: {  	[sflag:s18] =	ssyncadd.s32 $0xFFFFFFB0  }
0x1b6: {  	_ =	swait.ge [sflag:s26], $0x2800  }
0x1b7: {  	[sflag:s26] =	ssyncset.done $0x0  }
0x1b8: {  	[sflag:s26] =	ssyncadd.s32 $0xFFFFD800  }
0x1b9: {  	[spmem:s3] =	stream.indirect.scatter.add.f32 [tilespmem:s16], [sflag:$0x8], $0x80, s19, s22, $0xb8;
	[tilespmem:$0x1E180] =	vst v63  }
0x1ba: {  	_ =	swait.ge [sflag:s26], $0x2800  }
0x1bb: {  	[sflag:s26] =	ssyncset.done $0x0  }
0x1bc: {  	[sflag:s26] =	ssyncadd.s32 $0xFFFFD800  }
0x1bd: {  	_ =	swait.ge [sflag:s30], $0x2800  }
0x1be: {  	s9 =	simm.s32 $0xFA;
	[sflag:s30] =	ssyncset.done $0x0  }
.LBB2_4:
0x1bf: {  	s11 =	rddreg [dreg:$0x1c];
	s10 =	smov.u32 s9  }
0x1c0: {  	s12 =	rddreg [dreg:$0x1b];
	[sflag:s30] =	ssyncadd.s32 $0xFFFFD800;
	s11 =	sadd.s32 s10, s11  }
0x1c1: {  	[tilespmem:s19], [sflag:$0x1] =	stream.linear.gather [hbm4b:s11+s4], $0x50, $0x38;
	[tilespmem:$0x1E180] =	vst v63  }
0x1c2: {  	s13 =	rddreg [dreg:$0x1a];
	s12 =	sadd.s32 s10, s12  }
0x1c3: {  	[tilespmem:s20], [sflag:$0x2] =	stream.linear.gather [hbm4b:s12+s4], $0x50, $0x38;
	[tilespmem:$0x1E180] =	vst v63  }
0x1c4: {  	s8 =	sadd.s32 $0x7D0, s8;
	s13 =	sadd.s32 s10, s13  }
0x1c5: {  	[tilespmem:s21], [sflag:$0x3] =	stream.linear.gather [hbm4b:s13+s4], $0x50, $0x38;
	[tilespmem:$0x1E180] =	vst v63  }
0x1c6: {  	s12 =	sadd.s32 $0xFFFFF880, s8  }
0x1c7: {  	[tilespmem:s16], [sflag:$0x5] =	stream.indirect.gather [hbm4b:s1+s22], $0x80, s12, s22, $0xb8;
	[tilespmem:$0x1E180] =	vst v63  }
0x1c8: {  	s13 =	sadd.s32 $0xFFFFF8D0, s8  }
0x1c9: {  	[tilespmem:s23], [sflag:$0x6] =	stream.indirect.gather [hbm4b:s1+s22], $0x80, s13, s22, $0xb8;
	[tilespmem:$0x1E180] =	vst v63  }
0x1ca: {  	s12 =	rddreg [dreg:$0x19];
	s13 =	sadd.s32 $0xFFFFF920, s8  }
0x1cb: {  	[tilespmem:s24], [sflag:$0x7] =	stream.indirect.gather [hbm4b:s1+s22], $0x80, s13, s22, $0xb8;
	[tilespmem:$0x1E180] =	vst v63  }
0x1cc: {  	s12 =	sadd.s32 s10, s12  }
0x1cd: {  	[tilespmem:s25], [sflag:$0x4] =	stream.linear.gather [hbm4b:s12+s4], $0x50, $0x38;
	[tilespmem:$0x1E180] =	vst v63  }
0x1ce: {  	_ =	swait.ge [sflag:s17], $0x2800  }
0x1cf: {  	[sflag:s17] =	ssyncset.done $0x0  }
0x1d0: {  	[sflag:s17] =	ssyncadd.s32 $0xFFFFD800  }
0x1d1: {  	_ =	swait.ge [sflag:s18], $0x50  }
0x1d2: {  	[sflag:s18] =	ssyncset.done $0x0  }
0x1d3: {  	[sflag:s18] =	ssyncadd.s32 $0xFFFFFFB0  }
0x1d4: {  	[spmem:s3] =	stream.indirect.scatter.add.f32 [tilespmem:s16], [sflag:$0x8], $0x80, s19, s22, $0xb8;
	[tilespmem:$0x1E180] =	vst v63  }
0x1d5: {  	_ =	swait.ge [sflag:s26], $0x2800  }
0x1d6: {  	[sflag:s26] =	ssyncset.done $0x0  }
0x1d7: {  	s13 =	sadd.s32 $0xFFFFF970, s8;
	s11 =	rddreg [dreg:$0x18];
	[sflag:s26] =	ssyncadd.s32 $0xFFFFD800  }
0x1d8: {  	[tilespmem:s16], [sflag:$0x5] =	stream.indirect.gather [hbm4b:s1+s22], $0x80, s13, s22, $0xb8;
	[tilespmem:$0x1E180] =	vst v63  }
0x1d9: {  	s11 =	sadd.s32 s10, s11  }
0x1da: {  	[tilespmem:s19], [sflag:$0x1] =	stream.linear.gather [hbm4b:s11+s4], $0x50, $0x38;
	[tilespmem:$0x1E180] =	vst v63  }
0x1db: {  	_ =	swait.ge [sflag:s28], $0x2800  }
0x1dc: {  	[sflag:s28] =	ssyncset.done $0x0  }
0x1dd: {  	[sflag:s28] =	ssyncadd.s32 $0xFFFFD800  }
0x1de: {  	_ =	swait.ge [sflag:s29], $0x50  }
0x1df: {  	[sflag:s29] =	ssyncset.done $0x0  }
0x1e0: {  	[sflag:s29] =	ssyncadd.s32 $0xFFFFFFB0  }
0x1e1: {  	[spmem:s3] =	stream.indirect.scatter.add.f32 [tilespmem:s23], [sflag:$0x9], $0x80, s20, s22, $0xb8;
	[tilespmem:$0x1E180] =	vst v63  }
0x1e2: {  	_ =	swait.ge [sflag:s30], $0x2800  }
0x1e3: {  	[sflag:s30] =	ssyncset.done $0x0  }
0x1e4: {  	s13 =	sadd.s32 $0xFFFFF9C0, s8;
	s11 =	rddreg [dreg:$0x17];
	[sflag:s30] =	ssyncadd.s32 $0xFFFFD800  }
0x1e5: {  	[tilespmem:s23], [sflag:$0x6] =	stream.indirect.gather [hbm4b:s1+s22], $0x80, s13, s22, $0xb8;
	[tilespmem:$0x1E180] =	vst v63  }
0x1e6: {  	s11 =	sadd.s32 s10, s11  }
0x1e7: {  	[tilespmem:s20], [sflag:$0x2] =	stream.linear.gather [hbm4b:s11+s4], $0x50, $0x38;
	[tilespmem:$0x1E180] =	vst v63  }
0x1e8: {  	_ =	swait.ge [sflag:s31], $0x2800  }
0x1e9: {  	[sflag:s31] =	ssyncset.done $0x0  }
0x1ea: {  	[sflag:s31] =	ssyncadd.s32 $0xFFFFD800  }
0x1eb: {  	_ =	swait.ge [sflag:s0], $0x50  }
0x1ec: {  	[sflag:s0] =	ssyncset.done $0x0  }
0x1ed: {  	[sflag:s0] =	ssyncadd.s32 $0xFFFFFFB0  }
0x1ee: {  	[spmem:s3] =	stream.indirect.scatter.add.f32 [tilespmem:s24], [sflag:$0x8], $0x80, s21, s22, $0xb8;
	[tilespmem:$0x1E180] =	vst v63  }
0x1ef: {  	_ =	swait.ge [sflag:s26], $0x2800  }
0x1f0: {  	[sflag:s26] =	ssyncset.done $0x0  }
0x1f1: {  	s13 =	sadd.s32 $0xFFFFFA10, s8;
	s11 =	rddreg [dreg:$0x16];
	[sflag:s26] =	ssyncadd.s32 $0xFFFFD800  }
0x1f2: {  	[tilespmem:s24], [sflag:$0x7] =	stream.indirect.gather [hbm4b:s1+s22], $0x80, s13, s22, $0xb8;
	[tilespmem:$0x1E180] =	vst v63  }
0x1f3: {  	s11 =	sadd.s32 s10, s11  }
0x1f4: {  	[tilespmem:s21], [sflag:$0x3] =	stream.linear.gather [hbm4b:s11+s4], $0x50, $0x38;
	[tilespmem:$0x1E180] =	vst v63  }
0x1f5: {  	_ =	swait.ge [sflag:s17], $0x2800  }
0x1f6: {  	[sflag:s17] =	ssyncset.done $0x0  }
0x1f7: {  	[sflag:s17] =	ssyncadd.s32 $0xFFFFD800  }
0x1f8: {  	_ =	swait.ge [sflag:s2], $0x50  }
0x1f9: {  	[sflag:s2] =	ssyncset.done $0x0  }
0x1fa: {  	[sflag:s2] =	ssyncadd.s32 $0xFFFFFFB0  }
0x1fb: {  	[spmem:s3] =	stream.indirect.scatter.add.f32 [tilespmem:s16], [sflag:$0x9], $0x80, s25, s22, $0xb8;
	[tilespmem:$0x1E180] =	vst v63  }
0x1fc: {  	_ =	swait.ge [sflag:s30], $0x2800  }
0x1fd: {  	[sflag:s30] =	ssyncset.done $0x0  }
0x1fe: {  	s13 =	sadd.s32 $0xFFFFFA60, s8;
	s11 =	rddreg [dreg:$0x15];
	[sflag:s30] =	ssyncadd.s32 $0xFFFFD800  }
0x1ff: {  	[tilespmem:s16], [sflag:$0x5] =	stream.indirect.gather [hbm4b:s1+s22], $0x80, s13, s22, $0xb8;
	[tilespmem:$0x1E180] =	vst v63  }
0x200: {  	s11 =	sadd.s32 s10, s11  }
0x201: {  	[tilespmem:s25], [sflag:$0x4] =	stream.linear.gather [hbm4b:s11+s4], $0x50, $0x38;
	[tilespmem:$0x1E180] =	vst v63  }
0x202: {  	_ =	swait.ge [sflag:s28], $0x2800  }
0x203: {  	[sflag:s28] =	ssyncset.done $0x0  }
0x204: {  	[sflag:s28] =	ssyncadd.s32 $0xFFFFD800  }
0x205: {  	_ =	swait.ge [sflag:s18], $0x50  }
0x206: {  	[sflag:s18] =	ssyncset.done $0x0  }
0x207: {  	[sflag:s18] =	ssyncadd.s32 $0xFFFFFFB0  }
0x208: {  	[spmem:s3] =	stream.indirect.scatter.add.f32 [tilespmem:s23], [sflag:$0x8], $0x80, s19, s22, $0xb8;
	[tilespmem:$0x1E180] =	vst v63  }
0x209: {  	_ =	swait.ge [sflag:s26], $0x2800  }
0x20a: {  	[sflag:s26] =	ssyncset.done $0x0  }
0x20b: {  	s13 =	sadd.s32 $0xFFFFFAB0, s8;
	s11 =	rddreg [dreg:$0x14];
	[sflag:s26] =	ssyncadd.s32 $0xFFFFD800  }
0x20c: {  	[tilespmem:s23], [sflag:$0x6] =	stream.indirect.gather [hbm4b:s1+s22], $0x80, s13, s22, $0xb8;
	[tilespmem:$0x1E180] =	vst v63  }
0x20d: {  	s11 =	sadd.s32 s10, s11  }
0x20e: {  	[tilespmem:s19], [sflag:$0x1] =	stream.linear.gather [hbm4b:s11+s4], $0x50, $0x38;
	[tilespmem:$0x1E180] =	vst v63  }
0x20f: {  	_ =	swait.ge [sflag:s31], $0x2800  }
0x210: {  	[sflag:s31] =	ssyncset.done $0x0  }
0x211: {  	[sflag:s31] =	ssyncadd.s32 $0xFFFFD800  }
0x212: {  	_ =	swait.ge [sflag:s29], $0x50  }
0x213: {  	[sflag:s29] =	ssyncset.done $0x0  }
0x214: {  	[sflag:s29] =	ssyncadd.s32 $0xFFFFFFB0  }
0x215: {  	[spmem:s3] =	stream.indirect.scatter.add.f32 [tilespmem:s24], [sflag:$0x9], $0x80, s20, s22, $0xb8;
	[tilespmem:$0x1E180] =	vst v63  }
0x216: {  	_ =	swait.ge [sflag:s30], $0x2800  }
0x217: {  	[sflag:s30] =	ssyncset.done $0x0  }
0x218: {  	s13 =	sadd.s32 $0xFFFFFB00, s8;
	s11 =	rddreg [dreg:$0x13];
	[sflag:s30] =	ssyncadd.s32 $0xFFFFD800  }
0x219: {  	[tilespmem:s24], [sflag:$0x7] =	stream.indirect.gather [hbm4b:s1+s22], $0x80, s13, s22, $0xb8;
	[tilespmem:$0x1E180] =	vst v63  }
0x21a: {  	s11 =	sadd.s32 s10, s11  }
0x21b: {  	[tilespmem:s20], [sflag:$0x2] =	stream.linear.gather [hbm4b:s11+s4], $0x50, $0x38;
	[tilespmem:$0x1E180] =	vst v63  }
0x21c: {  	_ =	swait.ge [sflag:s17], $0x2800  }
0x21d: {  	[sflag:s17] =	ssyncset.done $0x0  }
0x21e: {  	[sflag:s17] =	ssyncadd.s32 $0xFFFFD800  }
0x21f: {  	_ =	swait.ge [sflag:s0], $0x50  }
0x220: {  	[sflag:s0] =	ssyncset.done $0x0  }
0x221: {  	[sflag:s0] =	ssyncadd.s32 $0xFFFFFFB0  }
0x222: {  	[spmem:s3] =	stream.indirect.scatter.add.f32 [tilespmem:s16], [sflag:$0x8], $0x80, s21, s22, $0xb8;
	[tilespmem:$0x1E180] =	vst v63  }
0x223: {  	_ =	swait.ge [sflag:s26], $0x2800  }
0x224: {  	[sflag:s26] =	ssyncset.done $0x0  }
0x225: {  	s13 =	sadd.s32 $0xFFFFFB50, s8;
	s11 =	rddreg [dreg:$0x12];
	[sflag:s26] =	ssyncadd.s32 $0xFFFFD800  }
0x226: {  	[tilespmem:s16], [sflag:$0x5] =	stream.indirect.gather [hbm4b:s1+s22], $0x80, s13, s22, $0xb8;
	[tilespmem:$0x1E180] =	vst v63  }
0x227: {  	s11 =	sadd.s32 s10, s11  }
0x228: {  	[tilespmem:s21], [sflag:$0x3] =	stream.linear.gather [hbm4b:s11+s4], $0x50, $0x38;
	[tilespmem:$0x1E180] =	vst v63  }
0x229: {  	_ =	swait.ge [sflag:s28], $0x2800  }
0x22a: {  	[sflag:s28] =	ssyncset.done $0x0  }
0x22b: {  	[sflag:s28] =	ssyncadd.s32 $0xFFFFD800  }
0x22c: {  	_ =	swait.ge [sflag:s2], $0x50  }
0x22d: {  	[sflag:s2] =	ssyncset.done $0x0  }
0x22e: {  	[sflag:s2] =	ssyncadd.s32 $0xFFFFFFB0  }
0x22f: {  	[spmem:s3] =	stream.indirect.scatter.add.f32 [tilespmem:s23], [sflag:$0x9], $0x80, s25, s22, $0xb8;
	[tilespmem:$0x1E180] =	vst v63  }
0x230: {  	_ =	swait.ge [sflag:s30], $0x2800  }
0x231: {  	[sflag:s30] =	ssyncset.done $0x0  }
0x232: {  	s13 =	sadd.s32 $0xFFFFFBA0, s8;
	s11 =	rddreg [dreg:$0x11];
	[sflag:s30] =	ssyncadd.s32 $0xFFFFD800  }
0x233: {  	[tilespmem:s23], [sflag:$0x6] =	stream.indirect.gather [hbm4b:s1+s22], $0x80, s13, s22, $0xb8;
	[tilespmem:$0x1E180] =	vst v63  }
0x234: {  	s11 =	sadd.s32 s10, s11  }
0x235: {  	[tilespmem:s25], [sflag:$0x4] =	stream.linear.gather [hbm4b:s11+s4], $0x50, $0x38;
	[tilespmem:$0x1E180] =	vst v63  }
0x236: {  	_ =	swait.ge [sflag:s31], $0x2800  }
0x237: {  	[sflag:s31] =	ssyncset.done $0x0  }
0x238: {  	[sflag:s31] =	ssyncadd.s32 $0xFFFFD800  }
0x239: {  	_ =	swait.ge [sflag:s18], $0x50  }
0x23a: {  	[sflag:s18] =	ssyncset.done $0x0  }
0x23b: {  	[sflag:s18] =	ssyncadd.s32 $0xFFFFFFB0  }
0x23c: {  	[spmem:s3] =	stream.indirect.scatter.add.f32 [tilespmem:s24], [sflag:$0x8], $0x80, s19, s22, $0xb8;
	[tilespmem:$0x1E180] =	vst v63  }
0x23d: {  	_ =	swait.ge [sflag:s26], $0x2800  }
0x23e: {  	[sflag:s26] =	ssyncset.done $0x0  }
0x23f: {  	s13 =	sadd.s32 $0xFFFFFBF0, s8;
	s11 =	rddreg [dreg:$0x10];
	[sflag:s26] =	ssyncadd.s32 $0xFFFFD800  }
0x240: {  	[tilespmem:s24], [sflag:$0x7] =	stream.indirect.gather [hbm4b:s1+s22], $0x80, s13, s22, $0xb8;
	[tilespmem:$0x1E180] =	vst v63  }
0x241: {  	s11 =	sadd.s32 s10, s11  }
0x242: {  	[tilespmem:s19], [sflag:$0x1] =	stream.linear.gather [hbm4b:s11+s4], $0x50, $0x38;
	[tilespmem:$0x1E180] =	vst v63  }
0x243: {  	_ =	swait.ge [sflag:s17], $0x2800  }
0x244: {  	[sflag:s17] =	ssyncset.done $0x0  }
0x245: {  	[sflag:s17] =	ssyncadd.s32 $0xFFFFD800  }
0x246: {  	_ =	swait.ge [sflag:s29], $0x50  }
0x247: {  	[sflag:s29] =	ssyncset.done $0x0  }
0x248: {  	[sflag:s29] =	ssyncadd.s32 $0xFFFFFFB0  }
0x249: {  	[spmem:s3] =	stream.indirect.scatter.add.f32 [tilespmem:s16], [sflag:$0x9], $0x80, s20, s22, $0xb8;
	[tilespmem:$0x1E180] =	vst v63  }
0x24a: {  	_ =	swait.ge [sflag:s30], $0x2800  }
0x24b: {  	[sflag:s30] =	ssyncset.done $0x0  }
0x24c: {  	s13 =	sadd.s32 $0xFFFFFC40, s8;
	s11 =	rddreg [dreg:$0xf];
	[sflag:s30] =	ssyncadd.s32 $0xFFFFD800  }
0x24d: {  	[tilespmem:s16], [sflag:$0x5] =	stream.indirect.gather [hbm4b:s1+s22], $0x80, s13, s22, $0xb8;
	[tilespmem:$0x1E180] =	vst v63  }
0x24e: {  	s11 =	sadd.s32 s10, s11  }
0x24f: {  	[tilespmem:s20], [sflag:$0x2] =	stream.linear.gather [hbm4b:s11+s4], $0x50, $0x38;
	[tilespmem:$0x1E180] =	vst v63  }
0x250: {  	_ =	swait.ge [sflag:s28], $0x2800  }
0x251: {  	[sflag:s28] =	ssyncset.done $0x0  }
0x252: {  	[sflag:s28] =	ssyncadd.s32 $0xFFFFD800  }
0x253: {  	_ =	swait.ge [sflag:s0], $0x50  }
0x254: {  	[sflag:s0] =	ssyncset.done $0x0  }
0x255: {  	[sflag:s0] =	ssyncadd.s32 $0xFFFFFFB0  }
0x256: {  	[spmem:s3] =	stream.indirect.scatter.add.f32 [tilespmem:s23], [sflag:$0x8], $0x80, s21, s22, $0xb8;
	[tilespmem:$0x1E180] =	vst v63  }
0x257: {  	_ =	swait.ge [sflag:s26], $0x2800  }
0x258: {  	[sflag:s26] =	ssyncset.done $0x0  }
0x259: {  	s13 =	sadd.s32 $0xFFFFFC90, s8;
	s11 =	rddreg [dreg:$0xe];
	[sflag:s26] =	ssyncadd.s32 $0xFFFFD800  }
0x25a: {  	[tilespmem:s23], [sflag:$0x6] =	stream.indirect.gather [hbm4b:s1+s22], $0x80, s13, s22, $0xb8;
	[tilespmem:$0x1E180] =	vst v63  }
0x25b: {  	s11 =	sadd.s32 s10, s11  }
0x25c: {  	[tilespmem:s21], [sflag:$0x3] =	stream.linear.gather [hbm4b:s11+s4], $0x50, $0x38;
	[tilespmem:$0x1E180] =	vst v63  }
0x25d: {  	_ =	swait.ge [sflag:s31], $0x2800  }
0x25e: {  	[sflag:s31] =	ssyncset.done $0x0  }
0x25f: {  	[sflag:s31] =	ssyncadd.s32 $0xFFFFD800  }
0x260: {  	_ =	swait.ge [sflag:s2], $0x50  }
0x261: {  	[sflag:s2] =	ssyncset.done $0x0  }
0x262: {  	[sflag:s2] =	ssyncadd.s32 $0xFFFFFFB0  }
0x263: {  	[spmem:s3] =	stream.indirect.scatter.add.f32 [tilespmem:s24], [sflag:$0x9], $0x80, s25, s22, $0xb8;
	[tilespmem:$0x1E180] =	vst v63  }
0x264: {  	_ =	swait.ge [sflag:s30], $0x2800  }
0x265: {  	[sflag:s30] =	ssyncset.done $0x0  }
0x266: {  	s13 =	sadd.s32 $0xFFFFFCE0, s8;
	s11 =	rddreg [dreg:$0xd];
	[sflag:s30] =	ssyncadd.s32 $0xFFFFD800  }
0x267: {  	[tilespmem:s24], [sflag:$0x7] =	stream.indirect.gather [hbm4b:s1+s22], $0x80, s13, s22, $0xb8;
	[tilespmem:$0x1E180] =	vst v63  }
0x268: {  	s11 =	sadd.s32 s10, s11  }
0x269: {  	[tilespmem:s25], [sflag:$0x4] =	stream.linear.gather [hbm4b:s11+s4], $0x50, $0x38;
	[tilespmem:$0x1E180] =	vst v63  }
0x26a: {  	_ =	swait.ge [sflag:s17], $0x2800  }
0x26b: {  	[sflag:s17] =	ssyncset.done $0x0  }
0x26c: {  	[sflag:s17] =	ssyncadd.s32 $0xFFFFD800  }
0x26d: {  	_ =	swait.ge [sflag:s18], $0x50  }
0x26e: {  	[sflag:s18] =	ssyncset.done $0x0  }
0x26f: {  	[sflag:s18] =	ssyncadd.s32 $0xFFFFFFB0  }
0x270: {  	[spmem:s3] =	stream.indirect.scatter.add.f32 [tilespmem:s16], [sflag:$0x8], $0x80, s19, s22, $0xb8;
	[tilespmem:$0x1E180] =	vst v63  }
0x271: {  	_ =	swait.ge [sflag:s26], $0x2800  }
0x272: {  	[sflag:s26] =	ssyncset.done $0x0  }
0x273: {  	s13 =	sadd.s32 $0xFFFFFD30, s8;
	s11 =	rddreg [dreg:$0xc];
	[sflag:s26] =	ssyncadd.s32 $0xFFFFD800  }
0x274: {  	[tilespmem:s16], [sflag:$0x5] =	stream.indirect.gather [hbm4b:s1+s22], $0x80, s13, s22, $0xb8;
	[tilespmem:$0x1E180] =	vst v63  }
0x275: {  	s11 =	sadd.s32 s10, s11  }
0x276: {  	[tilespmem:s19], [sflag:$0x1] =	stream.linear.gather [hbm4b:s11+s4], $0x50, $0x38;
	[tilespmem:$0x1E180] =	vst v63  }
0x277: {  	_ =	swait.ge [sflag:s28], $0x2800  }
0x278: {  	[sflag:s28] =	ssyncset.done $0x0  }
0x279: {  	[sflag:s28] =	ssyncadd.s32 $0xFFFFD800  }
0x27a: {  	_ =	swait.ge [sflag:s29], $0x50  }
0x27b: {  	[sflag:s29] =	ssyncset.done $0x0  }
0x27c: {  	[sflag:s29] =	ssyncadd.s32 $0xFFFFFFB0  }
0x27d: {  	[spmem:s3] =	stream.indirect.scatter.add.f32 [tilespmem:s23], [sflag:$0x9], $0x80, s20, s22, $0xb8;
	[tilespmem:$0x1E180] =	vst v63  }
0x27e: {  	_ =	swait.ge [sflag:s30], $0x2800  }
0x27f: {  	[sflag:s30] =	ssyncset.done $0x0  }
0x280: {  	s13 =	sadd.s32 $0xFFFFFD80, s8;
	s11 =	rddreg [dreg:$0xb];
	[sflag:s30] =	ssyncadd.s32 $0xFFFFD800  }
0x281: {  	[tilespmem:s23], [sflag:$0x6] =	stream.indirect.gather [hbm4b:s1+s22], $0x80, s13, s22, $0xb8;
	[tilespmem:$0x1E180] =	vst v63  }
0x282: {  	s11 =	sadd.s32 s10, s11  }
0x283: {  	[tilespmem:s20], [sflag:$0x2] =	stream.linear.gather [hbm4b:s11+s4], $0x50, $0x38;
	[tilespmem:$0x1E180] =	vst v63  }
0x284: {  	_ =	swait.ge [sflag:s31], $0x2800  }
0x285: {  	[sflag:s31] =	ssyncset.done $0x0  }
0x286: {  	[sflag:s31] =	ssyncadd.s32 $0xFFFFD800  }
0x287: {  	_ =	swait.ge [sflag:s0], $0x50  }
0x288: {  	[sflag:s0] =	ssyncset.done $0x0  }
0x289: {  	[sflag:s0] =	ssyncadd.s32 $0xFFFFFFB0  }
0x28a: {  	[spmem:s3] =	stream.indirect.scatter.add.f32 [tilespmem:s24], [sflag:$0x8], $0x80, s21, s22, $0xb8;
	[tilespmem:$0x1E180] =	vst v63  }
0x28b: {  	_ =	swait.ge [sflag:s26], $0x2800  }
0x28c: {  	[sflag:s26] =	ssyncset.done $0x0  }
0x28d: {  	s13 =	sadd.s32 $0xFFFFFDD0, s8;
	s11 =	rddreg [dreg:$0xa];
	[sflag:s26] =	ssyncadd.s32 $0xFFFFD800  }
0x28e: {  	[tilespmem:s24], [sflag:$0x7] =	stream.indirect.gather [hbm4b:s1+s22], $0x80, s13, s22, $0xb8;
	[tilespmem:$0x1E180] =	vst v63  }
0x28f: {  	s11 =	sadd.s32 s10, s11  }
0x290: {  	[tilespmem:s21], [sflag:$0x3] =	stream.linear.gather [hbm4b:s11+s4], $0x50, $0x38;
	[tilespmem:$0x1E180] =	vst v63  }
0x291: {  	_ =	swait.ge [sflag:s17], $0x2800  }
0x292: {  	[sflag:s17] =	ssyncset.done $0x0  }
0x293: {  	[sflag:s17] =	ssyncadd.s32 $0xFFFFD800  }
0x294: {  	_ =	swait.ge [sflag:s2], $0x50  }
0x295: {  	[sflag:s2] =	ssyncset.done $0x0  }
0x296: {  	[sflag:s2] =	ssyncadd.s32 $0xFFFFFFB0  }
0x297: {  	[spmem:s3] =	stream.indirect.scatter.add.f32 [tilespmem:s16], [sflag:$0x9], $0x80, s25, s22, $0xb8;
	[tilespmem:$0x1E180] =	vst v63  }
0x298: {  	_ =	swait.ge [sflag:s30], $0x2800  }
0x299: {  	[sflag:s30] =	ssyncset.done $0x0  }
0x29a: {  	s13 =	sadd.s32 $0xFFFFFE20, s8;
	s11 =	rddreg [dreg:$0x9];
	[sflag:s30] =	ssyncadd.s32 $0xFFFFD800  }
0x29b: {  	[tilespmem:s16], [sflag:$0x5] =	stream.indirect.gather [hbm4b:s1+s22], $0x80, s13, s22, $0xb8;
	[tilespmem:$0x1E180] =	vst v63  }
0x29c: {  	s11 =	sadd.s32 s10, s11  }
0x29d: {  	[tilespmem:s25], [sflag:$0x4] =	stream.linear.gather [hbm4b:s11+s4], $0x50, $0x38;
	[tilespmem:$0x1E180] =	vst v63  }
0x29e: {  	_ =	swait.ge [sflag:s28], $0x2800  }
0x29f: {  	[sflag:s28] =	ssyncset.done $0x0  }
0x2a0: {  	[sflag:s28] =	ssyncadd.s32 $0xFFFFD800  }
0x2a1: {  	_ =	swait.ge [sflag:s18], $0x50  }
0x2a2: {  	[sflag:s18] =	ssyncset.done $0x0  }
0x2a3: {  	[sflag:s18] =	ssyncadd.s32 $0xFFFFFFB0  }
0x2a4: {  	[spmem:s3] =	stream.indirect.scatter.add.f32 [tilespmem:s23], [sflag:$0x8], $0x80, s19, s22, $0xb8;
	[tilespmem:$0x1E180] =	vst v63  }
0x2a5: {  	_ =	swait.ge [sflag:s26], $0x2800  }
0x2a6: {  	[sflag:s26] =	ssyncset.done $0x0  }
0x2a7: {  	s13 =	sadd.s32 $0xFFFFFE70, s8;
	s11 =	rddreg [dreg:$0x8];
	[sflag:s26] =	ssyncadd.s32 $0xFFFFD800  }
0x2a8: {  	[tilespmem:s23], [sflag:$0x6] =	stream.indirect.gather [hbm4b:s1+s22], $0x80, s13, s22, $0xb8;
	[tilespmem:$0x1E180] =	vst v63  }
0x2a9: {  	s11 =	sadd.s32 s10, s11  }
0x2aa: {  	[tilespmem:s19], [sflag:$0x1] =	stream.linear.gather [hbm4b:s11+s4], $0x50, $0x38;
	[tilespmem:$0x1E180] =	vst v63  }
0x2ab: {  	_ =	swait.ge [sflag:s31], $0x2800  }
0x2ac: {  	[sflag:s31] =	ssyncset.done $0x0  }
0x2ad: {  	[sflag:s31] =	ssyncadd.s32 $0xFFFFD800  }
0x2ae: {  	_ =	swait.ge [sflag:s29], $0x50  }
0x2af: {  	[sflag:s29] =	ssyncset.done $0x0  }
0x2b0: {  	[sflag:s29] =	ssyncadd.s32 $0xFFFFFFB0  }
0x2b1: {  	[spmem:s3] =	stream.indirect.scatter.add.f32 [tilespmem:s24], [sflag:$0x9], $0x80, s20, s22, $0xb8;
	[tilespmem:$0x1E180] =	vst v63  }
0x2b2: {  	_ =	swait.ge [sflag:s30], $0x2800  }
0x2b3: {  	[sflag:s30] =	ssyncset.done $0x0  }
0x2b4: {  	s13 =	sadd.s32 $0xFFFFFEC0, s8;
	s11 =	rddreg [dreg:$0x7];
	[sflag:s30] =	ssyncadd.s32 $0xFFFFD800  }
0x2b5: {  	[tilespmem:s24], [sflag:$0x7] =	stream.indirect.gather [hbm4b:s1+s22], $0x80, s13, s22, $0xb8;
	[tilespmem:$0x1E180] =	vst v63  }
0x2b6: {  	s11 =	sadd.s32 s10, s11  }
0x2b7: {  	[tilespmem:s20], [sflag:$0x2] =	stream.linear.gather [hbm4b:s11+s4], $0x50, $0x38;
	[tilespmem:$0x1E180] =	vst v63  }
0x2b8: {  	_ =	swait.ge [sflag:s17], $0x2800  }
0x2b9: {  	[sflag:s17] =	ssyncset.done $0x0  }
0x2ba: {  	[sflag:s17] =	ssyncadd.s32 $0xFFFFD800  }
0x2bb: {  	_ =	swait.ge [sflag:s0], $0x50  }
0x2bc: {  	[sflag:s0] =	ssyncset.done $0x0  }
0x2bd: {  	[sflag:s0] =	ssyncadd.s32 $0xFFFFFFB0  }
0x2be: {  	[spmem:s3] =	stream.indirect.scatter.add.f32 [tilespmem:s16], [sflag:$0x8], $0x80, s21, s22, $0xb8;
	[tilespmem:$0x1E180] =	vst v63  }
0x2bf: {  	_ =	swait.ge [sflag:s26], $0x2800  }
0x2c0: {  	[sflag:s26] =	ssyncset.done $0x0  }
0x2c1: {  	s13 =	sadd.s32 $0xFFFFFF10, s8;
	s11 =	rddreg [dreg:$0x6];
	[sflag:s26] =	ssyncadd.s32 $0xFFFFD800  }
0x2c2: {  	[tilespmem:s16], [sflag:$0x5] =	stream.indirect.gather [hbm4b:s1+s22], $0x80, s13, s22, $0xb8;
	[tilespmem:$0x1E180] =	vst v63  }
0x2c3: {  	s11 =	sadd.s32 s10, s11  }
0x2c4: {  	[tilespmem:s21], [sflag:$0x3] =	stream.linear.gather [hbm4b:s11+s4], $0x50, $0x38;
	[tilespmem:$0x1E180] =	vst v63  }
0x2c5: {  	_ =	swait.ge [sflag:s28], $0x2800  }
0x2c6: {  	[sflag:s28] =	ssyncset.done $0x0  }
0x2c7: {  	[sflag:s28] =	ssyncadd.s32 $0xFFFFD800  }
0x2c8: {  	_ =	swait.ge [sflag:s2], $0x50  }
0x2c9: {  	[sflag:s2] =	ssyncset.done $0x0  }
0x2ca: {  	[sflag:s2] =	ssyncadd.s32 $0xFFFFFFB0  }
0x2cb: {  	[spmem:s3] =	stream.indirect.scatter.add.f32 [tilespmem:s23], [sflag:$0x9], $0x80, s25, s22, $0xb8;
	[tilespmem:$0x1E180] =	vst v63  }
0x2cc: {  	_ =	swait.ge [sflag:s30], $0x2800  }
0x2cd: {  	[sflag:s30] =	ssyncset.done $0x0  }
0x2ce: {  	s13 =	sadd.s32 $0xFFFFFF60, s8;
	s11 =	rddreg [dreg:$0x5];
	[sflag:s30] =	ssyncadd.s32 $0xFFFFD800  }
0x2cf: {  	[tilespmem:s23], [sflag:$0x6] =	stream.indirect.gather [hbm4b:s1+s22], $0x80, s13, s22, $0xb8;
	[tilespmem:$0x1E180] =	vst v63  }
0x2d0: {  	s11 =	sadd.s32 s10, s11  }
0x2d1: {  	[tilespmem:s25], [sflag:$0x4] =	stream.linear.gather [hbm4b:s11+s4], $0x50, $0x38;
	[tilespmem:$0x1E180] =	vst v63  }
0x2d2: {  	_ =	swait.ge [sflag:s31], $0x2800  }
0x2d3: {  	[sflag:s31] =	ssyncset.done $0x0  }
0x2d4: {  	[sflag:s31] =	ssyncadd.s32 $0xFFFFD800  }
0x2d5: {  	_ =	swait.ge [sflag:s18], $0x50  }
0x2d6: {  	[sflag:s18] =	ssyncset.done $0x0  }
0x2d7: {  	[sflag:s18] =	ssyncadd.s32 $0xFFFFFFB0  }
0x2d8: {  	[spmem:s3] =	stream.indirect.scatter.add.f32 [tilespmem:s24], [sflag:$0x8], $0x80, s19, s22, $0xb8;
	[tilespmem:$0x1E180] =	vst v63  }
0x2d9: {  	_ =	swait.ge [sflag:s26], $0x2800  }
0x2da: {  	[sflag:s26] =	ssyncset.done $0x0  }
0x2db: {  	s13 =	sadd.s32 $0xFFFFFFB0, s8;
	s11 =	rddreg [dreg:$0x4];
	[sflag:s26] =	ssyncadd.s32 $0xFFFFD800  }
0x2dc: {  	[tilespmem:s24], [sflag:$0x7] =	stream.indirect.gather [hbm4b:s1+s22], $0x80, s13, s22, $0xb8;
	[tilespmem:$0x1E180] =	vst v63  }
0x2dd: {  	s10 =	sadd.s32 s10, s11  }
0x2de: {  	[tilespmem:s19], [sflag:$0x1] =	stream.linear.gather [hbm4b:s10+s4], $0x50, $0x38;
	[tilespmem:$0x1E180] =	vst v63  }
0x2df: {  	_ =	swait.ge [sflag:s17], $0x2800  }
0x2e0: {  	[sflag:s17] =	ssyncset.done $0x0  }
0x2e1: {  	[sflag:s17] =	ssyncadd.s32 $0xFFFFD800  }
0x2e2: {  	_ =	swait.ge [sflag:s29], $0x50  }
0x2e3: {  	[sflag:s29] =	ssyncset.done $0x0  }
0x2e4: {  	[sflag:s29] =	ssyncadd.s32 $0xFFFFFFB0  }
0x2e5: {  	[spmem:s3] =	stream.indirect.scatter.add.f32 [tilespmem:s16], [sflag:$0x9], $0x80, s20, s22, $0xb8;
	[tilespmem:$0x1E180] =	vst v63  }
0x2e6: {  	_ =	swait.ge [sflag:s30], $0x2800  }
0x2e7: {  	[sflag:s30] =	ssyncset.done $0x0  }
0x2e8: {  	[sflag:s30] =	ssyncadd.s32 $0xFFFFD800  }
0x2e9: {  	[tilespmem:s16], [sflag:$0x5] =	stream.indirect.gather [hbm4b:s1+s22], $0x80, s8, s22, $0xb8;
	[tilespmem:$0x1E180] =	vst v63  }
0x2ea: {  	_ =	swait.ge [sflag:s28], $0x2800  }
0x2eb: {  	[sflag:s28] =	ssyncset.done $0x0  }
0x2ec: {  	[sflag:s28] =	ssyncadd.s32 $0xFFFFD800  }
0x2ed: {  	_ =	swait.ge [sflag:s0], $0x50  }
0x2ee: {  	[sflag:s0] =	ssyncset.done $0x0  }
0x2ef: {  	[sflag:s0] =	ssyncadd.s32 $0xFFFFFFB0  }
0x2f0: {  	[spmem:s3] =	stream.indirect.scatter.add.f32 [tilespmem:s23], [sflag:$0x8], $0x80, s21, s22, $0xb8;
	[tilespmem:$0x1E180] =	vst v63  }
0x2f1: {  	_ =	swait.ge [sflag:s31], $0x2800  }
0x2f2: {  	[sflag:s31] =	ssyncset.done $0x0  }
0x2f3: {  	[sflag:s31] =	ssyncadd.s32 $0xFFFFD800  }
0x2f4: {  	_ =	swait.ge [sflag:s2], $0x50  }
0x2f5: {  	[sflag:s2] =	ssyncset.done $0x0  }
0x2f6: {  	[sflag:s2] =	ssyncadd.s32 $0xFFFFFFB0  }
0x2f7: {  	[spmem:s3] =	stream.indirect.scatter.add.f32 [tilespmem:s24], [sflag:$0x9], $0x80, s25, s22, $0xb8;
	[tilespmem:$0x1E180] =	vst v63  }
0x2f8: {  	_ =	swait.ge [sflag:s17], $0x2800  }
0x2f9: {  	[sflag:s17] =	ssyncset.done $0x0  }
0x2fa: {  	[sflag:s17] =	ssyncadd.s32 $0xFFFFD800  }
0x2fb: {  	_ =	swait.ge [sflag:s18], $0x50  }
0x2fc: {  	[sflag:s18] =	ssyncset.done $0x0  }
0x2fd: {  	[sflag:s18] =	ssyncadd.s32 $0xFFFFFFB0  }
0x2fe: {  	_ =	swait.ge [sflag:s26], $0x2800  }
0x2ff: {  	[sflag:s26] =	ssyncset.done $0x0  }
0x300: {  	p0 =	sne.s32 s9, $0x3E8;
	[sflag:s26] =	ssyncadd.s32 $0xFFFFD800  }
0x301: {  	[spmem:s3] =	stream.indirect.scatter.add.f32 [tilespmem:s16], [sflag:$0x8], $0x80, s19, s22, $0xb8;
	[tilespmem:$0x1E180] =	vst v63  }
.Ltmp1:
0x302: {  	_ =	swait.ge [sflag:s26], $0x2800;
	(pc) =	sbr.rel @p0 .LBB2_4-.Ltmp1, $4  }
0x303: {  	[sflag:s26] =	ssyncset.done $0x0  }
0x304: {  	[sflag:s26] =	ssyncadd.s32 $0xFFFFD800  }
0x305: {  	_ =	swait.ge [sflag:s30], $0x2800  }
0x306: {  	s9 =	sadd.s32 $0xFA, s9;
	[sflag:s30] =	ssyncset.done $0x0  }
0x307: {  	[sflag:s30] =	ssyncadd.s32 $0xFFFFD800;
	s8 =	stileid.u32;
	s7 =	sadd.s32 $0x1, s7  }
0x308: {  	s9 =	sshrl.u32 s6, $0x3;
	s8 =	sshll.u32 s8, $0x6;
	p0 =	sne.s32 s7, s15  }
.Ltmp2:
0x309: {  	[bflag:$0x0] =	sbarrier.arrive $0xFFFF;
	s8 =	sor.u32 $0x1C0A, s8;
	(pc) =	sbr.rel @p0 .LBB2_1-.Ltmp2, $4  }
0x30a: {  	[hbm:s14], [sflag:s8] =	dma.local [spmem:s9], $0x2800  }
0x30b: {  	_ =	swait.ge [sflag:s5], $0x2800  }
0x30c: {  	[sflag:s5] =	ssyncset.done $0x0  }
0x30d: {  	[sflag:s5] =	ssyncadd.s32 $0xFFFFD800  }
0x30e: {  	_ =	sfence.sel $0x180000  }
0x30f: {  	[bflag:$0x0] =	sbarrier.arrive $0xFFFF  }
0x310: {  	_ =	strace $0x90000047  }
0x311: {  	s0 =	stileid.u32;
	[bflag:$0x2] =	sbarrier.arrive $0xFFFF  }
0x312: {  	p0 =	sne.s32 s0, $0x0;
	s0 =	rddreg [dreg:$0x3]  }
0x313: {  	s0 =	sadd.s32 @!p0 $0x100000, s0  }
0x314: {  	[sflag:s0] =	ssyncadd.tile.s32 @!p0 $0x1;
	_ =	shalt  }
.Lfunc_end2:
_tile_overlayer_lowered:
.L_overlay_start_2:
0x315: {  	(tag) =	ssettag $0x2  }
0x316: {  	s0 =	rddreg [dreg:$0x0];
	s2 =	stileid.u32  }
0x317: {  	s1 =	rddreg [dreg:$0x1];
	p0 =	sne.s32 s2, $0x0  }
0x318: {  	s3 =	rddreg [dreg:$0x2];
	[bflag:$0x3] =	sbarrier.arrive $0xFFFF;
	s2 =	simm.s32 @!p0 $0x1C0A  }
0x319: {  	[timem:s3], [sflag:s2] =	dma.local @!p0 [hbm:s0], s1  }
0x31a: {  	s0 =	simm.s32 @!p0 $0xA  }
0x31b: {  	_ =	swait.ge @!p0 [sflag:s0], s1  }
0x31c: {  	s1 =	ssub.s32 @!p0 $0x0, s1;
	[sflag:s0] =	ssyncset.done @!p0 $0x0  }
0x31d: {  	[sflag:s0] =	ssyncadd.s32 @!p0 s1  }
0x31e: {  	[bflag:$0x3] =	sbarrier.arrive $0xFFFF  }
0x31f: {  	_ =	shalt  }

</sc_bundles>
